<compile_context>
chip_gen: v7x
topology: tpu7x:2x2x1
jax: 0.10.2.dev20260603
libtpu: 0.0.44.dev20260713+nightly
codegen_flags: <defaults>
</compile_context>

<pallas_src>
import functools

import jax
import jax.numpy as jnp
import numpy as np
from jax import lax
from jax.experimental import pallas as pl
from jax.experimental.pallas import tpu as pltpu
from jax.experimental.pallas import tpu_sc as plsc

B = 8
S = 512
D = 50
H = 128
DEG = 64
N = B * S
E = N * DEG
ETA = 1.0
T = 0.2
EPS_STD = 1e-06

_NC = 2
_NS = 16
_GPC = B // _NC
_WPG = _NS // _GPC
_EPG = S * DEG
_EPW = _EPG // _WPG
_CH = 128
_NCHUNK = _EPW // _CH
_SPG = S * S
_ZSL = _GPC * _SPG // _NS
_ZBUF = 8192

_ENC_SHAPES = ((D, H), (H,), (H, H), (H,), (H, H), (H,), (H, H), (H,), (H, D), (D,))


def _np_threefry2x32(k0, k1, x0, x1):
    x0 = x0.astype(np.uint32).copy()
    x1 = x1.astype(np.uint32).copy()
    ks0, ks1 = np.uint32(k0), np.uint32(k1)
    ks2 = np.uint32(ks0 ^ ks1 ^ np.uint32(0x1BD11BDA))
    ks = (ks0, ks1, ks2)
    x0 = (x0 + ks0).astype(np.uint32)
    x1 = (x1 + ks1).astype(np.uint32)
    for i, g in enumerate(((13, 15, 26, 6), (17, 29, 16, 24), (13, 15, 26, 6),
                           (17, 29, 16, 24), (13, 15, 26, 6))):
        for r in g:
            x0 = (x0 + x1).astype(np.uint32)
            x1 = ((x1 << np.uint32(r)) | (x1 >> np.uint32(32 - r))).astype(np.uint32)
            x1 = (x1 ^ x0).astype(np.uint32)
        x0 = (x0 + ks[(i + 1) % 3]).astype(np.uint32)
        x1 = (x1 + ks[(i + 2) % 3] + np.uint32(i + 1)).astype(np.uint32)
    return x0, x1


def _np_erfinv(u):
    import math
    x = np.asarray(u, np.float64)
    w = -np.log((1.0 - x) * (1.0 + x))
    wc = w - 2.5
    p1 = 2.81022636e-08
    for coef in (3.43273939e-07, -3.5233877e-06, -4.39150654e-06, 0.00021858087,
                 -0.00125372503, -0.00417768164, 0.246640727, 1.50140941):
        p1 = coef + p1 * wc
    ws = np.sqrt(np.maximum(w, 5.0)) - 3.0
    p2 = -0.000200214257
    for coef in (0.000100950558, 0.00134934322, -0.00367342844, 0.00573950773,
                 -0.0076224613, 0.00943887047, 1.00167406, 2.83297682):
        p2 = coef + p2 * ws
    y = np.where(w < 5.0, p1, p2) * x
    erf_v = np.frompyfunc(math.erf, 1, 1)
    c = np.sqrt(np.pi) / 2.0
    for _ in range(3):
        y = y - (erf_v(y).astype(np.float64) - x) * c * np.exp(y * y)
    return y


def _np_normal(kd, shape):
    n = int(np.prod(shape))
    j = np.arange(n, dtype=np.uint64)
    o0, o1 = _np_threefry2x32(kd[0], kd[1],
                              (j >> np.uint64(32)).astype(np.uint32),
                              (j & np.uint64(0xFFFFFFFF)).astype(np.uint32))
    bits = o0 ^ o1
    f = ((bits >> np.uint32(9)) | np.uint32(0x3F800000)).view(np.float32) - np.float32(1.0)
    lo = np.float32(np.nextafter(np.float32(-1.0), np.float32(0.0)))
    u = np.maximum(lo, (f * (np.float32(1.0) - lo) + lo).astype(np.float32))
    return (np.float64(np.sqrt(2.0)) * _np_erfinv(u.astype(np.float64))).astype(np.float32).reshape(shape)


def _make_noises():
    base = (np.uint32(0), np.uint32(42))
    out = []
    for i, shp in enumerate(_ENC_SHAPES):
        f0, f1 = _np_threefry2x32(base[0], base[1],
                                  np.zeros(1, np.uint32),
                                  np.full(1, i, np.uint32))
        out.append(ETA * _np_normal((f0[0], f1[0]), shp))
    return tuple(out)


_NOISES = _make_noises()


def _build_adj(edge_index):
    mesh = plsc.VectorSubcoreMesh(core_axis_name="c", subcore_axis_name="s")

    @functools.partial(
        pl.kernel,
        mesh=mesh,
        out_type=jax.ShapeDtypeStruct((N * S,), jnp.float32),
        scratch_types=[
            pltpu.VMEM((_EPW,), jnp.int32),
            pltpu.VMEM((_EPW,), jnp.int32),
            pltpu.VMEM((_NCHUNK, _CH), jnp.int32),
            pltpu.VMEM((_NCHUNK, _CH), jnp.float32),
            pltpu.VMEM((_ZBUF,), jnp.float32),
            pltpu.VMEM_SHARED((_GPC * _SPG,), jnp.float32),
            pltpu.SemaphoreType.DMA,
            pltpu.SemaphoreType.DMA,
            pltpu.SemaphoreType.DMA,
        ],
    )
    def adj_kernel(edge_hbm, a_hbm, dst_v, src_v, idx_v, ones_v, zero_v,
                   shared, sem_ld, sem_z, sem_sc):
        c = lax.axis_index("c")
        sid = lax.axis_index("s")
        g_local = sid // _WPG
        quarter = sid % _WPG
        g = c * _GPC + g_local
        e0 = g * _EPG + quarter * _EPW
        zbase = sid * _ZSL

        ld_d = pltpu.async_copy(edge_hbm.at[1, pl.ds(e0, _EPW)], dst_v, sem_ld)
        ld_s = pltpu.async_copy(edge_hbm.at[0, pl.ds(e0, _EPW)], src_v, sem_ld)

        def onesfill(r, _):
            for j in range(_CH // 16):
                ones_v[r, pl.ds(j * 16, 16)] = jnp.full((16,), 1.0, jnp.float32)
            return 0
        lax.fori_loop(0, _NCHUNK, onesfill, 0)

        def zfill(i, _):
            zero_v[pl.ds(i * 16, 16)] = jnp.zeros((16,), jnp.float32)
            return 0
        lax.fori_loop(0, _ZBUF // 16, zfill, 0)

        zcps = [pltpu.async_copy(zero_v, shared.at[pl.ds(zbase + k * _ZBUF, _ZBUF)],
                                 sem_z)
                for k in range(_ZSL // _ZBUF)]

        ld_d.wait()
        ld_s.wait()

        gbase = g_local * _SPG

        def ixbody(r, _):
            for j in range(_CH // 16):
                off = r * _CH + j * 16
                dloc = dst_v[pl.ds(off, 16)] & (S - 1)
                sloc = src_v[pl.ds(off, 16)] & (S - 1)
                idx_v[r, pl.ds(j * 16, 16)] = gbase + (dloc << 9) + sloc
            return 0
        lax.fori_loop(0, _NCHUNK, ixbody, 0)

        for z in zcps:
            z.wait()
        plsc.subcore_barrier()

        hs = [pltpu.async_copy(ones_v.at[k], shared.at[idx_v.at[k]],
                               sem_sc, add=True)
              for k in range(_NCHUNK)]
        for hcp in hs:
            hcp.wait()
        plsc.subcore_barrier()

        pltpu.async_copy(
            shared.at[pl.ds(zbase, _ZSL)],
            a_hbm.at[pl.ds(c * _GPC * _SPG + zbase, _ZSL)],
            sem_ld,
        ).wait()

    return adj_kernel(edge_index)


def _vice_w(w, nz):
    m = jnp.mean(w)
    sd = jnp.maximum(jnp.sqrt(jnp.mean((w - m) * (w - m))), EPS_STD)
    return w + nz * sd


def _bf(v):
    return v.astype(jnp.bfloat16)


def _fused_body(a_ref, f_ref,
                w00, b00, w01, b01, w10, b10, w11, b11, wout, bout,
                n00, m00, n01, m01, n10, m10, n11, m11, nout, mout,
                p0, pb0, p1, pb1,
                out_ref,
                v00, c00, v01, c01, v10, c10, v11, c11, vout, cout,
                xs, xas, acc):
    b = pl.program_id(0)
    w_refs = (w00, b00, w01, b01, w10, b10, w11, b11, wout, bout)
    n_refs = (n00, m00, n01, m01, n10, m10, n11, m11, nout, mout)
    v_refs = (v00, c00, v01, c01, v10, c10, v11, c11, vout, cout)

    @pl.when(b == 0)
    def _():
        for wr, nr, vr in zip(w_refs, n_refs, v_refs):
            vr[...] = _vice_w(wr[...], nr[...])

    @pl.when(b < B)
    def _():
        a = _bf(a_ref[...]).reshape(S, S)
        h = f_ref[0]

        def mm(x, w):
            return jnp.dot(_bf(x), _bf(w), preferred_element_type=jnp.float32)

        def enc(W0, B0, W1, B1, W2, B2, W3, B3, Wo, Bo):
            agg = jnp.dot(a, _bf(h), preferred_element_type=jnp.float32)
            t = jnp.maximum(mm(h + agg, W0) + B0, 0.0)
            h1 = jnp.maximum(mm(t, W1) + B1, 0.0)
            agg1 = jnp.dot(a, _bf(h1), preferred_element_type=jnp.float32)
            t2 = jnp.maximum(mm(h1 + agg1, W2) + B2, 0.0)
            h2 = jnp.maximum(mm(t2, W3) + B3, 0.0)
            return mm(h2, Wo) + Bo

        def proj(z):
            t = jnp.maximum(mm(z, p0[...]) + pb0[...], 0.0)
            return mm(t, p1[...]) + pb1[...]

        x = proj(enc(*[r[...] for r in w_refs]))
        xa = proj(enc(*[r[...] for r in v_refs]))
        rnx = (1.0 / T) / jnp.maximum(jnp.sqrt(jnp.sum(x * x, axis=1, keepdims=True)), 1e-8)
        rna = 1.0 / jnp.maximum(jnp.sqrt(jnp.sum(xa * xa, axis=1, keepdims=True)), 1e-8)
        xs[pl.ds(b * S, S), :] = _bf(x * rnx)
        xas[pl.ds(b * S, S), :] = _bf(xa * rna)

    @pl.when(b >= B)
    def _():
        j = b - B
        xb = xs[pl.ds(j * S, S), :]
        xa = xas[...]
        xab = xas[pl.ds(j * S, S), :]
        cn = lax.dot_general(xb, xa, (((1,), (1,)), ((), ())),
                             preferred_element_type=jnp.float32)
        e = jnp.exp(cn)
        rowsum = jnp.sum(e, axis=1)
        cdiag = jnp.sum(xb.astype(jnp.float32) * xab.astype(jnp.float32), axis=1)
        pos = jnp.exp(cdiag)
        part = jnp.sum(cdiag - jnp.log(rowsum - pos))
        prev = jnp.where(j == 0, 0.0, acc[0])
        acc[0] = prev + part

        @pl.when(b == 2 * B - 1)
        def _():
            out_ref[...] = jnp.full((1, 1), -acc[0] / N, jnp.float32)


def kernel(feature, edge_index, W00, b00, W01, b01, W10, b10, W11, b11,
           Wout, bout, P0, pb0, P1, pb1):
    enc = (W00, b00, W01, b01, W10, b10, W11, b11, Wout, bout)
    noises = tuple(jnp.asarray(nz) for nz in _NOISES)

    a_flat = _build_adj(edge_index)

    full = lambda shp: pl.BlockSpec(shp, lambda b: tuple(0 for _ in shp))
    w_specs = [full(p.shape) for p in enc] + [full(p.shape) for p in noises] \
        + [full(P0.shape), full(pb0.shape), full(P1.shape), full(pb1.shape)]
    clamped = lambda b: jnp.where(b < B, b, B - 1)

    loss = pl.pallas_call(
        _fused_body,
        grid=(2 * B,),
        in_specs=[pl.BlockSpec((S * S,), lambda b: (clamped(b),)),
                  pl.BlockSpec((1, S, D), lambda b: (clamped(b), 0, 0))] + w_specs,
        out_specs=pl.BlockSpec((1, 1), lambda b: (0, 0)),
        out_shape=jax.ShapeDtypeStruct((1, 1), jnp.float32),
        scratch_shapes=[pltpu.VMEM(p.shape, jnp.float32) for p in enc]
        + [pltpu.VMEM((N, D), jnp.bfloat16),
           pltpu.VMEM((N, D), jnp.bfloat16),
           pltpu.SMEM((1,), jnp.float32)],
    )(a_flat, feature, *enc, *noises, P0, pb0, P1, pb1)

    return loss.reshape(())

# --- scband reference (transcript-rebuilt; emitter-appended) ---
"""Pipeline reference for scband-gcl-model-49074296324575 (READ-ONLY COPY).

The authoritative reference and input builder live on the scoring server;
editing this copy changes nothing except your own understanding.
"""

import jax, jax.numpy as jnp
import numpy as np

B = 8          # number of graphs in a batch
S = 512        # max_content_length == nodes per graph (all graphs full, so no zero-row padding)
D = 50         # config.dim_word (hard-coded 50 in projection)
H = 128        # GIN hidden_dim
DEG = 64       # average degree
N = B * S      # 4096 total nodes in batched graph
E = N * DEG    # 262144 edges
ETA = 1.0      # config.gcl_eta
T = 0.2        # contrastive temperature
EPS_STD = 1e-06


def _init_linear(key, fan_in, fan_out):
    k1, k2 = jax.random.split(key)
    bound = 1.0 / np.sqrt(fan_in)
    W = jax.random.uniform(k1, (fan_in, fan_out), minval=-bound, maxval=bound, dtype=jnp.float32)
    b = jax.random.uniform(k2, (fan_out,), minval=-bound, maxval=bound, dtype=jnp.float32)
    return W, b


def setup_inputs(seed: int = 0) -> dict:
    key = jax.random.key(seed)
    ks = jax.random.split(key, 20)
    feature = jax.random.normal(ks[0], (B, S, D), dtype=jnp.float32)
    # per-graph random edges, then offset into the batched node index space
    src = jax.random.randint(ks[1], (B, S * DEG), 0, S)
    dst = jax.random.randint(ks[2], (B, S * DEG), 0, S)
    offs = (jnp.arange(B) * S)[:, None]
    edge_index = jnp.stack([(src + offs).reshape(-1), (dst + offs).reshape(-1)]).astype(jnp.int32)
    # GIN encoder: 2 GINConv layers (num_layers=3 convention), each MLP has 2 linear layers, + output linear H->D
    W00, b00 = _init_linear(ks[3], D, H)
    W01, b01 = _init_linear(ks[4], H, H)
    W10, b10 = _init_linear(ks[5], H, H)
    W11, b11 = _init_linear(ks[6], H, H)
    Wout, bout = _init_linear(ks[7], H, D)
    # proj_head: Linear(50,50) -> ReLU -> Linear(50,50)
    P0, pb0 = _init_linear(ks[8], D, D)
    P1, pb1 = _init_linear(ks[9], D, D)
    return {"feature": feature, "edge_index": edge_index,
            "W00": W00, "b00": b00, "W01": W01, "b01": b01,
            "W10": W10, "b10": b10, "W11": W11, "b11": b11,
            "Wout": Wout, "bout": bout,
            "P0": P0, "pb0": pb0, "P1": P1, "pb1": pb1}


def _perturb(p, i):
    # perturb_encoder: adv_param = param + eta * Normal(0, std(param)); .data ops -> no grad flow
    k = jax.random.fold_in(jax.random.key(42), i)
    std = jnp.clip(jnp.std(p), EPS_STD, None)
    noise = jax.random.normal(k, p.shape, dtype=p.dtype) * std
    return jax.lax.stop_gradient(p + ETA * noise)


def _gin_encode(h, edge_index, params):
    W00, b00, W01, b01, W10, b10, W11, b11, Wout, bout = params
    src, dst = edge_index[0], edge_index[1]
    # GINConv with sum neighbor pooling, eps=0 (learn_eps=False)
    agg = jnp.zeros_like(h).at[dst].add(h[src])
    h1 = jax.nn.relu(jax.nn.relu((h + agg) @ W00 + b00) @ W01 + b01)
    agg1 = jnp.zeros_like(h1).at[dst].add(h1[src])
    h2 = jax.nn.relu(jax.nn.relu((h1 + agg1) @ W10 + b10) @ W11 + b11)
    return h2 @ Wout + bout  # node embeddings [N, D]


def reference(feature, edge_index, W00, b00, W01, b01, W10, b10, W11, b11, Wout, bout, P0, pb0, P1, pb1):
    enc = (W00, b00, W01, b01, W10, b10, W11, b11, Wout, bout)
    vice = tuple(_perturb(p, i) for i, p in enumerate(enc))
    h = feature.reshape(N, D)  # gin_learning over batched graph (all graphs have S nodes)
    z = _gin_encode(h, edge_index, enc)        # original encoder
    z_aug = _gin_encode(h, edge_index, vice)   # perturbed vice encoder

    def proj(x):
        return jax.nn.relu(x @ P0 + pb0) @ P1 + pb1

    # all graphs are full (S real nodes) so remove_zero_row is a no-op here
    x = proj(z)
    x_aug = proj(z_aug)
    # compute_gcl_loss
    x_abs = jnp.clip(jnp.linalg.norm(x, axis=1), 1e-08, None)
    xa_abs = jnp.clip(jnp.linalg.norm(x_aug, axis=1), 1e-08, None)
    den = jnp.clip(x_abs[:, None] * xa_abs[None, :], 1e-08, None)
    sim = jnp.exp((x @ x_aug.T) / den / T)
    pos = jnp.diag(sim)
    loss = -jnp.log(pos / (sim.sum(axis=1) - pos)).mean()
    return loss

if __name__ == "__main__":
    import jax
    _d = setup_inputs()
    print(jax.jit(kernel)(*tuple(_d.values())))

</pallas_src>

<mosaic_0001>
#map = affine_map<(d0, d1) -> (0, 0)>
#map1 = affine_map<(d0, d1) -> (0)>
module attributes {stable_mosaic.version = 14 : i64} {
  func.func @adj_kernel(%arg0: i32, %arg1: i32, %arg2: memref<2x262144xi32, #tpu.memory_space<hbm>>, %arg3: memref<2097152xf32, #tpu.memory_space<hbm>>, %arg4: memref<8192xi32, #tpu.memory_space<vmem>>, %arg5: memref<8192xi32, #tpu.memory_space<vmem>>, %arg6: memref<64x128xi32, #tpu.memory_space<vmem>>, %arg7: memref<64x128xf32, #tpu.memory_space<vmem>>, %arg8: memref<8192xf32, #tpu.memory_space<vmem>>, %arg9: memref<1048576xf32, #tpu.memory_space<vmem_shared>>, %arg10: memref<!tpu.dma_semaphore, #tpu.memory_space<semaphore_mem>>, %arg11: memref<!tpu.dma_semaphore, #tpu.memory_space<semaphore_mem>>, %arg12: memref<!tpu.dma_semaphore, #tpu.memory_space<semaphore_mem>>) attributes {dimension_semantics = [#tpu.dimension_semantics<core_parallel>, #tpu.dimension_semantics<subcore_parallel>], iteration_bounds = array<i64: 2, 16>, scalar_prefetch = 0 : i64, scratch_operands = 9 : i64, tpu.core_type = #tpu.core_type<sc_vector_subcore>, window_params = [{transform_indices = #map}, {transform_indices = #map1}]} {
    %jit3A = arith.constant 4 : i32
    %div3A = arith.divsi %arg1, %jit3A : i32
    %sign3A = arith.constant 0 : i32
    %sign3A_0 = arith.cmpi sgt, %arg1, %sign3A : i32
    %sign3A_1 = arith.extui %sign3A_0 : i1 to i32
    %sign3A_2 = arith.constant 0 : i32
    %sign3A_3 = arith.cmpi slt, %arg1, %sign3A_2 : i32
    %sign3A_4 = arith.extui %sign3A_3 : i1 to i32
    %sign3A_5 = arith.subi %sign3A_1, %sign3A_4 : i32
    %sign3A_6 = arith.constant 0 : i32
    %sign3A_7 = arith.cmpi sgt, %jit3A, %sign3A_6 : i32
    %sign3A_8 = arith.extui %sign3A_7 : i1 to i32
    %sign3A_9 = arith.constant 0 : i32
    %sign3A_10 = arith.cmpi slt, %jit3A, %sign3A_9 : i32
    %sign3A_11 = arith.extui %sign3A_10 : i1 to i32
    %sign3A_12 = arith.subi %sign3A_8, %sign3A_11 : i32
    %ne3A = arith.cmpi ne, %sign3A_5, %sign3A_12 : i32
    %rem3A = arith.remsi %arg1, %jit3A : i32
    %ne3A_13 = arith.constant 0 : i32
    %ne3A_14 = arith.cmpi ne, %rem3A, %ne3A_13 : i32
    %and3A = arith.andi %ne3A, %ne3A_14 : i1
    %sub3A = arith.constant 1 : i32
    %sub3A_15 = arith.subi %div3A, %sub3A : i32
    %select_n3A = arith.select %and3A, %sub3A_15, %div3A : i32
    %jit3A_16 = arith.constant 4 : i32
    %eq3A = arith.constant 0 : i32
    %eq3A_17 = arith.cmpi eq, %jit3A_16, %eq3A : i32
    %jit3A_18 = arith.constant 1 : i32
    %select_n3A_19 = arith.select %eq3A_17, %jit3A_18, %jit3A_16 : i32
    %rem3A_20 = arith.remsi %arg1, %select_n3A_19 : i32
    %ne3A_21 = arith.constant 0 : i32
    %ne3A_22 = arith.cmpi ne, %rem3A_20, %ne3A_21 : i32
    %lt3A = arith.constant 0 : i32
    %lt3A_23 = arith.cmpi slt, %rem3A_20, %lt3A : i32
    %lt3A_24 = arith.constant 0 : i32
    %lt3A_25 = arith.cmpi slt, %select_n3A_19, %lt3A_24 : i32
    %ne3A_26 = arith.xori %lt3A_23, %lt3A_25 : i1
    %and3A_27 = arith.andi %ne3A_26, %ne3A_22 : i1
    %add3A = arith.addi %rem3A_20, %select_n3A_19 : i32
    %select_n3A_28 = arith.select %and3A_27, %add3A, %rem3A_20 : i32
    %mul3A = arith.constant 4 : i32
    %mul3A_29 = arith.muli %arg0, %mul3A : i32
    %add3A_30 = arith.addi %mul3A_29, %select_n3A : i32
    %mul3A_31 = arith.constant 32768 : i32
    %mul3A_32 = arith.muli %add3A_30, %mul3A_31 : i32
    %mul3A_33 = arith.constant 8192 : i32
    %mul3A_34 = arith.muli %select_n3A_28, %mul3A_33 : i32
    %add3A_35 = arith.addi %mul3A_32, %mul3A_34 : i32
    %mul3A_36 = arith.constant 65536 : i32
    %mul3A_37 = arith.muli %arg1, %mul3A_36 : i32
    %dma_start3A = arith.constant 1 : i32
    %dma_start3A_38 = tpu.memref_slice %arg2[%dma_start3A, %add3A_35] : memref<2x262144xi32, #tpu.memory_space<hbm>> -> memref<1x8192xi32, #tpu.memory_space<hbm>>
    %dma_start3A_39 = tpu.memref_squeeze %dma_start3A_38 : memref<1x8192xi32, #tpu.memory_space<hbm>> -> memref<8192xi32, #tpu.memory_space<hbm>>
    %dma_start3A_40 = tpu.memref_slice %arg2[%dma_start3A, %add3A_35] : memref<2x262144xi32, #tpu.memory_space<hbm>> -> memref<1x8192xi32, #tpu.memory_space<hbm>>
    %dma_start3A_41 = tpu.memref_squeeze %dma_start3A_40 : memref<1x8192xi32, #tpu.memory_space<hbm>> -> memref<8192xi32, #tpu.memory_space<hbm>>
    tpu.enqueue_dma source(%dma_start3A_41 : memref<8192xi32, #tpu.memory_space<hbm>>) target(%arg4 : memref<8192xi32, #tpu.memory_space<vmem>>) target_semaphore(%arg10 : memref<!tpu.dma_semaphore, #tpu.memory_space<semaphore_mem>>)
    %dma_start3A_42 = arith.constant 0 : i32
    %dma_start3A_43 = tpu.memref_slice %arg2[%dma_start3A_42, %add3A_35] : memref<2x262144xi32, #tpu.memory_space<hbm>> -> memref<1x8192xi32, #tpu.memory_space<hbm>>
    %dma_start3A_44 = tpu.memref_squeeze %dma_start3A_43 : memref<1x8192xi32, #tpu.memory_space<hbm>> -> memref<8192xi32, #tpu.memory_space<hbm>>
    %dma_start3A_45 = tpu.memref_slice %arg2[%dma_start3A_42, %add3A_35] : memref<2x262144xi32, #tpu.memory_space<hbm>> -> memref<1x8192xi32, #tpu.memory_space<hbm>>
    %dma_start3A_46 = tpu.memref_squeeze %dma_start3A_45 : memref<1x8192xi32, #tpu.memory_space<hbm>> -> memref<8192xi32, #tpu.memory_space<hbm>>
    tpu.enqueue_dma source(%dma_start3A_46 : memref<8192xi32, #tpu.memory_space<hbm>>) target(%arg5 : memref<8192xi32, #tpu.memory_space<vmem>>) target_semaphore(%arg10 : memref<!tpu.dma_semaphore, #tpu.memory_space<semaphore_mem>>)
    %scan3A = arith.constant 0 : i32
    %scan3A_47 = arith.constant 0 : i32
    %scan3A_48 = arith.constant 64 : i32
    %scan3A_49 = arith.addi %scan3A_47, %scan3A_48 : i32
    %scan3A_50 = arith.constant 1 : i32
    %scan3A_51 = scf.for %scan3A_1416 = %scan3A_47 to %scan3A_49 step %scan3A_50 iter_args(%scan3A_1417 = %scan3A) -> (i32)  : i32 {
      %broadcast_in_dim3A = arith.constant 1.000000e+00 : f32
      %broadcast_in_dim3A_1418 = vector.broadcast %broadcast_in_dim3A : f32 to vector<16xf32>
      %swap3A = arith.index_cast %scan3A_1416 : i32 to index
      %swap3A_1419 = arith.constant 0 : index
      %swap3A_1420 = tpu.vector_load %arg7[%swap3A, %swap3A_1419] {strides = array<i32>} : memref<64x128xf32, #tpu.memory_space<vmem>>, vector<1x16xf32>,
      %swap3A_1421 = vector.shape_cast %swap3A_1420 : vector<1x16xf32> to vector<16xf32>
      %swap3A_1422 = vector.shape_cast %broadcast_in_dim3A_1418 : vector<16xf32> to vector<1x16xf32>
      tpu.vector_store %arg7[%swap3A, %swap3A_1419], %swap3A_1422 {strides = array<i32>} : memref<64x128xf32, #tpu.memory_space<vmem>>, vector<1x16xf32>,
      %broadcast_in_dim3A_1423 = arith.constant 1.000000e+00 : f32
      %broadcast_in_dim3A_1424 = vector.broadcast %broadcast_in_dim3A_1423 : f32 to vector<16xf32>
      %swap3A_1425 = arith.index_cast %scan3A_1416 : i32 to index
      %swap3A_1426 = arith.constant 16 : index
      %swap3A_1427 = tpu.vector_load %arg7[%swap3A_1425, %swap3A_1426] {strides = array<i32>} : memref<64x128xf32, #tpu.memory_space<vmem>>, vector<1x16xf32>,
      %swap3A_1428 = vector.shape_cast %swap3A_1427 : vector<1x16xf32> to vector<16xf32>
      %swap3A_1429 = vector.shape_cast %broadcast_in_dim3A_1424 : vector<16xf32> to vector<1x16xf32>
      tpu.vector_store %arg7[%swap3A_1425, %swap3A_1426], %swap3A_1429 {strides = array<i32>} : memref<64x128xf32, #tpu.memory_space<vmem>>, vector<1x16xf32>,
      %broadcast_in_dim3A_1430 = arith.constant 1.000000e+00 : f32
      %broadcast_in_dim3A_1431 = vector.broadcast %broadcast_in_dim3A_1430 : f32 to vector<16xf32>
      %swap3A_1432 = arith.index_cast %scan3A_1416 : i32 to index
      %swap3A_1433 = arith.constant 32 : index
      %swap3A_1434 = tpu.vector_load %arg7[%swap3A_1432, %swap3A_1433] {strides = array<i32>} : memref<64x128xf32, #tpu.memory_space<vmem>>, vector<1x16xf32>,
      %swap3A_1435 = vector.shape_cast %swap3A_1434 : vector<1x16xf32> to vector<16xf32>
      %swap3A_1436 = vector.shape_cast %broadcast_in_dim3A_1431 : vector<16xf32> to vector<1x16xf32>
      tpu.vector_store %arg7[%swap3A_1432, %swap3A_1433], %swap3A_1436 {strides = array<i32>} : memref<64x128xf32, #tpu.memory_space<vmem>>, vector<1x16xf32>,
      %broadcast_in_dim3A_1437 = arith.constant 1.000000e+00 : f32
      %broadcast_in_dim3A_1438 = vector.broadcast %broadcast_in_dim3A_1437 : f32 to vector<16xf32>
      %swap3A_1439 = arith.index_cast %scan3A_1416 : i32 to index
      %swap3A_1440 = arith.constant 48 : index
      %swap3A_1441 = tpu.vector_load %arg7[%swap3A_1439, %swap3A_1440] {strides = array<i32>} : memref<64x128xf32, #tpu.memory_space<vmem>>, vector<1x16xf32>,
      %swap3A_1442 = vector.shape_cast %swap3A_1441 : vector<1x16xf32> to vector<16xf32>
      %swap3A_1443 = vector.shape_cast %broadcast_in_dim3A_1438 : vector<16xf32> to vector<1x16xf32>
      tpu.vector_store %arg7[%swap3A_1439, %swap3A_1440], %swap3A_1443 {strides = array<i32>} : memref<64x128xf32, #tpu.memory_space<vmem>>, vector<1x16xf32>,
      %broadcast_in_dim3A_1444 = arith.constant 1.000000e+00 : f32
      %broadcast_in_dim3A_1445 = vector.broadcast %broadcast_in_dim3A_1444 : f32 to vector<16xf32>
      %swap3A_1446 = arith.index_cast %scan3A_1416 : i32 to index
      %swap3A_1447 = arith.constant 64 : index
      %swap3A_1448 = tpu.vector_load %arg7[%swap3A_1446, %swap3A_1447] {strides = array<i32>} : memref<64x128xf32, #tpu.memory_space<vmem>>, vector<1x16xf32>,
      %swap3A_1449 = vector.shape_cast %swap3A_1448 : vector<1x16xf32> to vector<16xf32>
      %swap3A_1450 = vector.shape_cast %broadcast_in_dim3A_1445 : vector<16xf32> to vector<1x16xf32>
      tpu.vector_store %arg7[%swap3A_1446, %swap3A_1447], %swap3A_1450 {strides = array<i32>} : memref<64x128xf32, #tpu.memory_space<vmem>>, vector<1x16xf32>,
      %broadcast_in_dim3A_1451 = arith.constant 1.000000e+00 : f32
      %broadcast_in_dim3A_1452 = vector.broadcast %broadcast_in_dim3A_1451 : f32 to vector<16xf32>
      %swap3A_1453 = arith.index_cast %scan3A_1416 : i32 to index
      %swap3A_1454 = arith.constant 80 : index
      %swap3A_1455 = tpu.vector_load %arg7[%swap3A_1453, %swap3A_1454] {strides = array<i32>} : memref<64x128xf32, #tpu.memory_space<vmem>>, vector<1x16xf32>,
      %swap3A_1456 = vector.shape_cast %swap3A_1455 : vector<1x16xf32> to vector<16xf32>
      %swap3A_1457 = vector.shape_cast %broadcast_in_dim3A_1452 : vector<16xf32> to vector<1x16xf32>
      tpu.vector_store %arg7[%swap3A_1453, %swap3A_1454], %swap3A_1457 {strides = array<i32>} : memref<64x128xf32, #tpu.memory_space<vmem>>, vector<1x16xf32>,
      %broadcast_in_dim3A_1458 = arith.constant 1.000000e+00 : f32
      %broadcast_in_dim3A_1459 = vector.broadcast %broadcast_in_dim3A_1458 : f32 to vector<16xf32>
      %swap3A_1460 = arith.index_cast %scan3A_1416 : i32 to index
      %swap3A_1461 = arith.constant 96 : index
      %swap3A_1462 = tpu.vector_load %arg7[%swap3A_1460, %swap3A_1461] {strides = array<i32>} : memref<64x128xf32, #tpu.memory_space<vmem>>, vector<1x16xf32>,
      %swap3A_1463 = vector.shape_cast %swap3A_1462 : vector<1x16xf32> to vector<16xf32>
      %swap3A_1464 = vector.shape_cast %broadcast_in_dim3A_1459 : vector<16xf32> to vector<1x16xf32>
      tpu.vector_store %arg7[%swap3A_1460, %swap3A_1461], %swap3A_1464 {strides = array<i32>} : memref<64x128xf32, #tpu.memory_space<vmem>>, vector<1x16xf32>,
      %broadcast_in_dim3A_1465 = arith.constant 1.000000e+00 : f32
      %broadcast_in_dim3A_1466 = vector.broadcast %broadcast_in_dim3A_1465 : f32 to vector<16xf32>
      %swap3A_1467 = arith.index_cast %scan3A_1416 : i32 to index
      %swap3A_1468 = arith.constant 112 : index
      %swap3A_1469 = tpu.vector_load %arg7[%swap3A_1467, %swap3A_1468] {strides = array<i32>} : memref<64x128xf32, #tpu.memory_space<vmem>>, vector<1x16xf32>,
      %swap3A_1470 = vector.shape_cast %swap3A_1469 : vector<1x16xf32> to vector<16xf32>
      %swap3A_1471 = vector.shape_cast %broadcast_in_dim3A_1466 : vector<16xf32> to vector<1x16xf32>
      tpu.vector_store %arg7[%swap3A_1467, %swap3A_1468], %swap3A_1471 {strides = array<i32>} : memref<64x128xf32, #tpu.memory_space<vmem>>, vector<1x16xf32>,
      %scan3A_1472 = arith.constant 0 : i32
      scf.yield %scan3A_1472 : i32
    }
    %scan3A_52 = arith.constant 64 : i32
    %scan3A_53 = arith.constant 0 : i32
    %scan3A_54 = arith.constant 0 : i32
    %scan3A_55 = arith.constant 512 : i32
    %scan3A_56 = arith.addi %scan3A_54, %scan3A_55 : i32
    %scan3A_57 = arith.constant 1 : i32
    %scan3A_58 = scf.for %scan3A_1416 = %scan3A_54 to %scan3A_56 step %scan3A_57 iter_args(%scan3A_1417 = %scan3A_53) -> (i32)  : i32 {
      %broadcast_in_dim3A = arith.constant 0.000000e+00 : f32
      %broadcast_in_dim3A_1418 = vector.broadcast %broadcast_in_dim3A : f32 to vector<16xf32>
      %mul3A_1419 = arith.constant 16 : i32
      %mul3A_1420 = arith.muli %scan3A_1416, %mul3A_1419 : i32
      %swap3A = arith.index_cast %mul3A_1420 : i32 to index
      %swap3A_1421 = tpu.vector_load %arg8[%swap3A] {strides = array<i32>} : memref<8192xf32, #tpu.memory_space<vmem>>, vector<16xf32>,
      %swap3A_1422 = vector.shape_cast %swap3A_1421 : vector<16xf32> to vector<16xf32>
      %swap3A_1423 = vector.shape_cast %broadcast_in_dim3A_1418 : vector<16xf32> to vector<16xf32>
      tpu.vector_store %arg8[%swap3A], %swap3A_1423 {strides = array<i32>} : memref<8192xf32, #tpu.memory_space<vmem>>, vector<16xf32>,
      %scan3A_1424 = arith.constant 0 : i32
      scf.yield %scan3A_1424 : i32
    }
    %scan3A_59 = arith.constant 512 : i32
    %add3A_60 = arith.constant 0 : i32
    %add3A_61 = arith.addi %mul3A_37, %add3A_60 : i32
    %dma_start3A_62 = tpu.memref_slice %arg9[%add3A_61] : memref<1048576xf32, #tpu.memory_space<vmem_shared>> -> memref<8192xf32, #tpu.memory_space<vmem_shared>>
    %dma_start3A_63 = tpu.memref_slice %arg9[%add3A_61] : memref<1048576xf32, #tpu.memory_space<vmem_shared>> -> memref<8192xf32, #tpu.memory_space<vmem_shared>>
    tpu.enqueue_dma source(%arg8 : memref<8192xf32, #tpu.memory_space<vmem>>) target(%dma_start3A_63 : memref<8192xf32, #tpu.memory_space<vmem_shared>>) target_semaphore(%arg11 : memref<!tpu.dma_semaphore, #tpu.memory_space<semaphore_mem>>)
    %add3A_64 = arith.constant 8192 : i32
    %add3A_65 = arith.addi %mul3A_37, %add3A_64 : i32
    %dma_start3A_66 = tpu.memref_slice %arg9[%add3A_65] : memref<1048576xf32, #tpu.memory_space<vmem_shared>> -> memref<8192xf32, #tpu.memory_space<vmem_shared>>
    %dma_start3A_67 = tpu.memref_slice %arg9[%add3A_65] : memref<1048576xf32, #tpu.memory_space<vmem_shared>> -> memref<8192xf32, #tpu.memory_space<vmem_shared>>
    tpu.enqueue_dma source(%arg8 : memref<8192xf32, #tpu.memory_space<vmem>>) target(%dma_start3A_67 : memref<8192xf32, #tpu.memory_space<vmem_shared>>) target_semaphore(%arg11 : memref<!tpu.dma_semaphore, #tpu.memory_space<semaphore_mem>>)
    %add3A_68 = arith.constant 16384 : i32
    %add3A_69 = arith.addi %mul3A_37, %add3A_68 : i32
    %dma_start3A_70 = tpu.memref_slice %arg9[%add3A_69] : memref<1048576xf32, #tpu.memory_space<vmem_shared>> -> memref<8192xf32, #tpu.memory_space<vmem_shared>>
    %dma_start3A_71 = tpu.memref_slice %arg9[%add3A_69] : memref<1048576xf32, #tpu.memory_space<vmem_shared>> -> memref<8192xf32, #tpu.memory_space<vmem_shared>>
    tpu.enqueue_dma source(%arg8 : memref<8192xf32, #tpu.memory_space<vmem>>) target(%dma_start3A_71 : memref<8192xf32, #tpu.memory_space<vmem_shared>>) target_semaphore(%arg11 : memref<!tpu.dma_semaphore, #tpu.memory_space<semaphore_mem>>)
    %add3A_72 = arith.constant 24576 : i32
    %add3A_73 = arith.addi %mul3A_37, %add3A_72 : i32
    %dma_start3A_74 = tpu.memref_slice %arg9[%add3A_73] : memref<1048576xf32, #tpu.memory_space<vmem_shared>> -> memref<8192xf32, #tpu.memory_space<vmem_shared>>
    %dma_start3A_75 = tpu.memref_slice %arg9[%add3A_73] : memref<1048576xf32, #tpu.memory_space<vmem_shared>> -> memref<8192xf32, #tpu.memory_space<vmem_shared>>
    tpu.enqueue_dma source(%arg8 : memref<8192xf32, #tpu.memory_space<vmem>>) target(%dma_start3A_75 : memref<8192xf32, #tpu.memory_space<vmem_shared>>) target_semaphore(%arg11 : memref<!tpu.dma_semaphore, #tpu.memory_space<semaphore_mem>>)
    %add3A_76 = arith.constant 32768 : i32
    %add3A_77 = arith.addi %mul3A_37, %add3A_76 : i32
    %dma_start3A_78 = tpu.memref_slice %arg9[%add3A_77] : memref<1048576xf32, #tpu.memory_space<vmem_shared>> -> memref<8192xf32, #tpu.memory_space<vmem_shared>>
    %dma_start3A_79 = tpu.memref_slice %arg9[%add3A_77] : memref<1048576xf32, #tpu.memory_space<vmem_shared>> -> memref<8192xf32, #tpu.memory_space<vmem_shared>>
    tpu.enqueue_dma source(%arg8 : memref<8192xf32, #tpu.memory_space<vmem>>) target(%dma_start3A_79 : memref<8192xf32, #tpu.memory_space<vmem_shared>>) target_semaphore(%arg11 : memref<!tpu.dma_semaphore, #tpu.memory_space<semaphore_mem>>)
    %add3A_80 = arith.constant 40960 : i32
    %add3A_81 = arith.addi %mul3A_37, %add3A_80 : i32
    %dma_start3A_82 = tpu.memref_slice %arg9[%add3A_81] : memref<1048576xf32, #tpu.memory_space<vmem_shared>> -> memref<8192xf32, #tpu.memory_space<vmem_shared>>
    %dma_start3A_83 = tpu.memref_slice %arg9[%add3A_81] : memref<1048576xf32, #tpu.memory_space<vmem_shared>> -> memref<8192xf32, #tpu.memory_space<vmem_shared>>
    tpu.enqueue_dma source(%arg8 : memref<8192xf32, #tpu.memory_space<vmem>>) target(%dma_start3A_83 : memref<8192xf32, #tpu.memory_space<vmem_shared>>) target_semaphore(%arg11 : memref<!tpu.dma_semaphore, #tpu.memory_space<semaphore_mem>>)
    %add3A_84 = arith.constant 49152 : i32
    %add3A_85 = arith.addi %mul3A_37, %add3A_84 : i32
    %dma_start3A_86 = tpu.memref_slice %arg9[%add3A_85] : memref<1048576xf32, #tpu.memory_space<vmem_shared>> -> memref<8192xf32, #tpu.memory_space<vmem_shared>>
    %dma_start3A_87 = tpu.memref_slice %arg9[%add3A_85] : memref<1048576xf32, #tpu.memory_space<vmem_shared>> -> memref<8192xf32, #tpu.memory_space<vmem_shared>>
    tpu.enqueue_dma source(%arg8 : memref<8192xf32, #tpu.memory_space<vmem>>) target(%dma_start3A_87 : memref<8192xf32, #tpu.memory_space<vmem_shared>>) target_semaphore(%arg11 : memref<!tpu.dma_semaphore, #tpu.memory_space<semaphore_mem>>)
    %add3A_88 = arith.constant 57344 : i32
    %add3A_89 = arith.addi %mul3A_37, %add3A_88 : i32
    %dma_start3A_90 = tpu.memref_slice %arg9[%add3A_89] : memref<1048576xf32, #tpu.memory_space<vmem_shared>> -> memref<8192xf32, #tpu.memory_space<vmem_shared>>
    %dma_start3A_91 = tpu.memref_slice %arg9[%add3A_89] : memref<1048576xf32, #tpu.memory_space<vmem_shared>> -> memref<8192xf32, #tpu.memory_space<vmem_shared>>
    tpu.enqueue_dma source(%arg8 : memref<8192xf32, #tpu.memory_space<vmem>>) target(%dma_start3A_91 : memref<8192xf32, #tpu.memory_space<vmem_shared>>) target_semaphore(%arg11 : memref<!tpu.dma_semaphore, #tpu.memory_space<semaphore_mem>>)
    %dma_wait3A = arith.constant 1 : i32
    %dma_wait3A_92 = tpu.memref_slice %arg2[%dma_wait3A, %add3A_35] : memref<2x262144xi32, #tpu.memory_space<hbm>> -> memref<1x8192xi32, #tpu.memory_space<hbm>>
    %dma_wait3A_93 = tpu.memref_squeeze %dma_wait3A_92 : memref<1x8192xi32, #tpu.memory_space<hbm>> -> memref<8192xi32, #tpu.memory_space<hbm>>
    %dma_wait3A_94 = tpu.memref_slice %arg2[%dma_wait3A, %add3A_35] : memref<2x262144xi32, #tpu.memory_space<hbm>> -> memref<1x8192xi32, #tpu.memory_space<hbm>>
    %dma_wait3A_95 = tpu.memref_squeeze %dma_wait3A_94 : memref<1x8192xi32, #tpu.memory_space<hbm>> -> memref<8192xi32, #tpu.memory_space<hbm>>
    tpu.wait_dma2 semaphore(%arg10 : memref<!tpu.dma_semaphore, #tpu.memory_space<semaphore_mem>>) src(%dma_wait3A_95 : memref<8192xi32, #tpu.memory_space<hbm>>) dst(%arg4 : memref<8192xi32, #tpu.memory_space<vmem>>)
    %dma_wait3A_96 = arith.constant 0 : i32
    %dma_wait3A_97 = tpu.memref_slice %arg2[%dma_wait3A_96, %add3A_35] : memref<2x262144xi32, #tpu.memory_space<hbm>> -> memref<1x8192xi32, #tpu.memory_space<hbm>>
    %dma_wait3A_98 = tpu.memref_squeeze %dma_wait3A_97 : memref<1x8192xi32, #tpu.memory_space<hbm>> -> memref<8192xi32, #tpu.memory_space<hbm>>
    %dma_wait3A_99 = tpu.memref_slice %arg2[%dma_wait3A_96, %add3A_35] : memref<2x262144xi32, #tpu.memory_space<hbm>> -> memref<1x8192xi32, #tpu.memory_space<hbm>>
    %dma_wait3A_100 = tpu.memref_squeeze %dma_wait3A_99 : memref<1x8192xi32, #tpu.memory_space<hbm>> -> memref<8192xi32, #tpu.memory_space<hbm>>
    tpu.wait_dma2 semaphore(%arg10 : memref<!tpu.dma_semaphore, #tpu.memory_space<semaphore_mem>>) src(%dma_wait3A_100 : memref<8192xi32, #tpu.memory_space<hbm>>) dst(%arg5 : memref<8192xi32, #tpu.memory_space<vmem>>)
    %mul3A_101 = arith.constant 262144 : i32
    %mul3A_102 = arith.muli %select_n3A, %mul3A_101 : i32
    %scan3A_103 = arith.constant 0 : i32
    %scan3A_104 = arith.constant 0 : i32
    %scan3A_105 = arith.constant 64 : i32
    %scan3A_106 = arith.addi %scan3A_104, %scan3A_105 : i32
    %scan3A_107 = arith.constant 1 : i32
    %scan3A_108 = scf.for %scan3A_1416 = %scan3A_104 to %scan3A_106 step %scan3A_107 iter_args(%scan3A_1417 = %scan3A_103) -> (i32)  : i32 {
      %mul3A_1418 = arith.constant 128 : i32
      %mul3A_1419 = arith.muli %scan3A_1416, %mul3A_1418 : i32
      %add3A_1420 = arith.constant 0 : i32
      %add3A_1421 = arith.addi %mul3A_1419, %add3A_1420 : i32
      %get3A = arith.index_cast %add3A_1421 : i32 to index
      %get3A_1422 = tpu.vector_load %arg4[%get3A] {strides = array<i32>} : memref<8192xi32, #tpu.memory_space<vmem>>, vector<16xi32>,
      %get3A_1423 = vector.shape_cast %get3A_1422 : vector<16xi32> to vector<16xi32>
      %and3A_1424 = arith.constant 511 : i32
      %and3A_1425 = vector.broadcast %and3A_1424 : i32 to vector<16xi32>
      %and3A_1426 = arith.andi %get3A_1423, %and3A_1425 : vector<16xi32>
      %get3A_1427 = arith.index_cast %add3A_1421 : i32 to index
      %get3A_1428 = tpu.vector_load %arg5[%get3A_1427] {strides = array<i32>} : memref<8192xi32, #tpu.memory_space<vmem>>, vector<16xi32>,
      %get3A_1429 = vector.shape_cast %get3A_1428 : vector<16xi32> to vector<16xi32>
      %and3A_1430 = arith.constant 511 : i32
      %and3A_1431 = vector.broadcast %and3A_1430 : i32 to vector<16xi32>
      %and3A_1432 = arith.andi %get3A_1429, %and3A_1431 : vector<16xi32>
      %shift_left3A = arith.constant 9 : i32
      %shift_left3A_1433 = vector.broadcast %shift_left3A : i32 to vector<16xi32>
      %shift_left3A_1434 = arith.shli %and3A_1426, %shift_left3A_1433 : vector<16xi32>
      %add3A_1435 = vector.broadcast %mul3A_102 : i32 to vector<16xi32>
      %add3A_1436 = arith.addi %add3A_1435, %shift_left3A_1434 : vector<16xi32>
      %add3A_1437 = arith.addi %add3A_1436, %and3A_1432 : vector<16xi32>
      %swap3A = arith.index_cast %scan3A_1416 : i32 to index
      %swap3A_1438 = arith.constant 0 : index
      %swap3A_1439 = tpu.vector_load %arg6[%swap3A, %swap3A_1438] {strides = array<i32>} : memref<64x128xi32, #tpu.memory_space<vmem>>, vector<1x16xi32>,
      %swap3A_1440 = vector.shape_cast %swap3A_1439 : vector<1x16xi32> to vector<16xi32>
      %swap3A_1441 = vector.shape_cast %add3A_1437 : vector<16xi32> to vector<1x16xi32>
      tpu.vector_store %arg6[%swap3A, %swap3A_1438], %swap3A_1441 {strides = array<i32>} : memref<64x128xi32, #tpu.memory_space<vmem>>, vector<1x16xi32>,
      %mul3A_1442 = arith.constant 128 : i32
      %mul3A_1443 = arith.muli %scan3A_1416, %mul3A_1442 : i32
      %add3A_1444 = arith.constant 16 : i32
      %add3A_1445 = arith.addi %mul3A_1443, %add3A_1444 : i32
      %get3A_1446 = arith.index_cast %add3A_1445 : i32 to index
      %get3A_1447 = tpu.vector_load %arg4[%get3A_1446] {strides = array<i32>} : memref<8192xi32, #tpu.memory_space<vmem>>, vector<16xi32>,
      %get3A_1448 = vector.shape_cast %get3A_1447 : vector<16xi32> to vector<16xi32>
      %and3A_1449 = arith.constant 511 : i32
      %and3A_1450 = vector.broadcast %and3A_1449 : i32 to vector<16xi32>
      %and3A_1451 = arith.andi %get3A_1448, %and3A_1450 : vector<16xi32>
      %get3A_1452 = arith.index_cast %add3A_1445 : i32 to index
      %get3A_1453 = tpu.vector_load %arg5[%get3A_1452] {strides = array<i32>} : memref<8192xi32, #tpu.memory_space<vmem>>, vector<16xi32>,
      %get3A_1454 = vector.shape_cast %get3A_1453 : vector<16xi32> to vector<16xi32>
      %and3A_1455 = arith.constant 511 : i32
      %and3A_1456 = vector.broadcast %and3A_1455 : i32 to vector<16xi32>
      %and3A_1457 = arith.andi %get3A_1454, %and3A_1456 : vector<16xi32>
      %shift_left3A_1458 = arith.constant 9 : i32
      %shift_left3A_1459 = vector.broadcast %shift_left3A_1458 : i32 to vector<16xi32>
      %shift_left3A_1460 = arith.shli %and3A_1451, %shift_left3A_1459 : vector<16xi32>
      %add3A_1461 = vector.broadcast %mul3A_102 : i32 to vector<16xi32>
      %add3A_1462 = arith.addi %add3A_1461, %shift_left3A_1460 : vector<16xi32>
      %add3A_1463 = arith.addi %add3A_1462, %and3A_1457 : vector<16xi32>
      %swap3A_1464 = arith.index_cast %scan3A_1416 : i32 to index
      %swap3A_1465 = arith.constant 16 : index
      %swap3A_1466 = tpu.vector_load %arg6[%swap3A_1464, %swap3A_1465] {strides = array<i32>} : memref<64x128xi32, #tpu.memory_space<vmem>>, vector<1x16xi32>,
      %swap3A_1467 = vector.shape_cast %swap3A_1466 : vector<1x16xi32> to vector<16xi32>
      %swap3A_1468 = vector.shape_cast %add3A_1463 : vector<16xi32> to vector<1x16xi32>
      tpu.vector_store %arg6[%swap3A_1464, %swap3A_1465], %swap3A_1468 {strides = array<i32>} : memref<64x128xi32, #tpu.memory_space<vmem>>, vector<1x16xi32>,
      %mul3A_1469 = arith.constant 128 : i32
      %mul3A_1470 = arith.muli %scan3A_1416, %mul3A_1469 : i32
      %add3A_1471 = arith.constant 32 : i32
      %add3A_1472 = arith.addi %mul3A_1470, %add3A_1471 : i32
      %get3A_1473 = arith.index_cast %add3A_1472 : i32 to index
      %get3A_1474 = tpu.vector_load %arg4[%get3A_1473] {strides = array<i32>} : memref<8192xi32, #tpu.memory_space<vmem>>, vector<16xi32>,
      %get3A_1475 = vector.shape_cast %get3A_1474 : vector<16xi32> to vector<16xi32>
      %and3A_1476 = arith.constant 511 : i32
      %and3A_1477 = vector.broadcast %and3A_1476 : i32 to vector<16xi32>
      %and3A_1478 = arith.andi %get3A_1475, %and3A_1477 : vector<16xi32>
      %get3A_1479 = arith.index_cast %add3A_1472 : i32 to index
      %get3A_1480 = tpu.vector_load %arg5[%get3A_1479] {strides = array<i32>} : memref<8192xi32, #tpu.memory_space<vmem>>, vector<16xi32>,
      %get3A_1481 = vector.shape_cast %get3A_1480 : vector<16xi32> to vector<16xi32>
      %and3A_1482 = arith.constant 511 : i32
      %and3A_1483 = vector.broadcast %and3A_1482 : i32 to vector<16xi32>
      %and3A_1484 = arith.andi %get3A_1481, %and3A_1483 : vector<16xi32>
      %shift_left3A_1485 = arith.constant 9 : i32
      %shift_left3A_1486 = vector.broadcast %shift_left3A_1485 : i32 to vector<16xi32>
      %shift_left3A_1487 = arith.shli %and3A_1478, %shift_left3A_1486 : vector<16xi32>
      %add3A_1488 = vector.broadcast %mul3A_102 : i32 to vector<16xi32>
      %add3A_1489 = arith.addi %add3A_1488, %shift_left3A_1487 : vector<16xi32>
      %add3A_1490 = arith.addi %add3A_1489, %and3A_1484 : vector<16xi32>
      %swap3A_1491 = arith.index_cast %scan3A_1416 : i32 to index
      %swap3A_1492 = arith.constant 32 : index
      %swap3A_1493 = tpu.vector_load %arg6[%swap3A_1491, %swap3A_1492] {strides = array<i32>} : memref<64x128xi32, #tpu.memory_space<vmem>>, vector<1x16xi32>,
      %swap3A_1494 = vector.shape_cast %swap3A_1493 : vector<1x16xi32> to vector<16xi32>
      %swap3A_1495 = vector.shape_cast %add3A_1490 : vector<16xi32> to vector<1x16xi32>
      tpu.vector_store %arg6[%swap3A_1491, %swap3A_1492], %swap3A_1495 {strides = array<i32>} : memref<64x128xi32, #tpu.memory_space<vmem>>, vector<1x16xi32>,
      %mul3A_1496 = arith.constant 128 : i32
      %mul3A_1497 = arith.muli %scan3A_1416, %mul3A_1496 : i32
      %add3A_1498 = arith.constant 48 : i32
      %add3A_1499 = arith.addi %mul3A_1497, %add3A_1498 : i32
      %get3A_1500 = arith.index_cast %add3A_1499 : i32 to index
      %get3A_1501 = tpu.vector_load %arg4[%get3A_1500] {strides = array<i32>} : memref<8192xi32, #tpu.memory_space<vmem>>, vector<16xi32>,
      %get3A_1502 = vector.shape_cast %get3A_1501 : vector<16xi32> to vector<16xi32>
      %and3A_1503 = arith.constant 511 : i32
      %and3A_1504 = vector.broadcast %and3A_1503 : i32 to vector<16xi32>
      %and3A_1505 = arith.andi %get3A_1502, %and3A_1504 : vector<16xi32>
      %get3A_1506 = arith.index_cast %add3A_1499 : i32 to index
      %get3A_1507 = tpu.vector_load %arg5[%get3A_1506] {strides = array<i32>} : memref<8192xi32, #tpu.memory_space<vmem>>, vector<16xi32>,
      %get3A_1508 = vector.shape_cast %get3A_1507 : vector<16xi32> to vector<16xi32>
      %and3A_1509 = arith.constant 511 : i32
      %and3A_1510 = vector.broadcast %and3A_1509 : i32 to vector<16xi32>
      %and3A_1511 = arith.andi %get3A_1508, %and3A_1510 : vector<16xi32>
      %shift_left3A_1512 = arith.constant 9 : i32
      %shift_left3A_1513 = vector.broadcast %shift_left3A_1512 : i32 to vector<16xi32>
      %shift_left3A_1514 = arith.shli %and3A_1505, %shift_left3A_1513 : vector<16xi32>
      %add3A_1515 = vector.broadcast %mul3A_102 : i32 to vector<16xi32>
      %add3A_1516 = arith.addi %add3A_1515, %shift_left3A_1514 : vector<16xi32>
      %add3A_1517 = arith.addi %add3A_1516, %and3A_1511 : vector<16xi32>
      %swap3A_1518 = arith.index_cast %scan3A_1416 : i32 to index
      %swap3A_1519 = arith.constant 48 : index
      %swap3A_1520 = tpu.vector_load %arg6[%swap3A_1518, %swap3A_1519] {strides = array<i32>} : memref<64x128xi32, #tpu.memory_space<vmem>>, vector<1x16xi32>,
      %swap3A_1521 = vector.shape_cast %swap3A_1520 : vector<1x16xi32> to vector<16xi32>
      %swap3A_1522 = vector.shape_cast %add3A_1517 : vector<16xi32> to vector<1x16xi32>
      tpu.vector_store %arg6[%swap3A_1518, %swap3A_1519], %swap3A_1522 {strides = array<i32>} : memref<64x128xi32, #tpu.memory_space<vmem>>, vector<1x16xi32>,
      %mul3A_1523 = arith.constant 128 : i32
      %mul3A_1524 = arith.muli %scan3A_1416, %mul3A_1523 : i32
      %add3A_1525 = arith.constant 64 : i32
      %add3A_1526 = arith.addi %mul3A_1524, %add3A_1525 : i32
      %get3A_1527 = arith.index_cast %add3A_1526 : i32 to index
      %get3A_1528 = tpu.vector_load %arg4[%get3A_1527] {strides = array<i32>} : memref<8192xi32, #tpu.memory_space<vmem>>, vector<16xi32>,
      %get3A_1529 = vector.shape_cast %get3A_1528 : vector<16xi32> to vector<16xi32>
      %and3A_1530 = arith.constant 511 : i32
      %and3A_1531 = vector.broadcast %and3A_1530 : i32 to vector<16xi32>
      %and3A_1532 = arith.andi %get3A_1529, %and3A_1531 : vector<16xi32>
      %get3A_1533 = arith.index_cast %add3A_1526 : i32 to index
      %get3A_1534 = tpu.vector_load %arg5[%get3A_1533] {strides = array<i32>} : memref<8192xi32, #tpu.memory_space<vmem>>, vector<16xi32>,
      %get3A_1535 = vector.shape_cast %get3A_1534 : vector<16xi32> to vector<16xi32>
      %and3A_1536 = arith.constant 511 : i32
      %and3A_1537 = vector.broadcast %and3A_1536 : i32 to vector<16xi32>
      %and3A_1538 = arith.andi %get3A_1535, %and3A_1537 : vector<16xi32>
      %shift_left3A_1539 = arith.constant 9 : i32
      %shift_left3A_1540 = vector.broadcast %shift_left3A_1539 : i32 to vector<16xi32>
      %shift_left3A_1541 = arith.shli %and3A_1532, %shift_left3A_1540 : vector<16xi32>
      %add3A_1542 = vector.broadcast %mul3A_102 : i32 to vector<16xi32>
      %add3A_1543 = arith.addi %add3A_1542, %shift_left3A_1541 : vector<16xi32>
      %add3A_1544 = arith.addi %add3A_1543, %and3A_1538 : vector<16xi32>
      %swap3A_1545 = arith.index_cast %scan3A_1416 : i32 to index
      %swap3A_1546 = arith.constant 64 : index
      %swap3A_1547 = tpu.vector_load %arg6[%swap3A_1545, %swap3A_1546] {strides = array<i32>} : memref<64x128xi32, #tpu.memory_space<vmem>>, vector<1x16xi32>,
      %swap3A_1548 = vector.shape_cast %swap3A_1547 : vector<1x16xi32> to vector<16xi32>
      %swap3A_1549 = vector.shape_cast %add3A_1544 : vector<16xi32> to vector<1x16xi32>
      tpu.vector_store %arg6[%swap3A_1545, %swap3A_1546], %swap3A_1549 {strides = array<i32>} : memref<64x128xi32, #tpu.memory_space<vmem>>, vector<1x16xi32>,
      %mul3A_1550 = arith.constant 128 : i32
      %mul3A_1551 = arith.muli %scan3A_1416, %mul3A_1550 : i32
      %add3A_1552 = arith.constant 80 : i32
      %add3A_1553 = arith.addi %mul3A_1551, %add3A_1552 : i32
      %get3A_1554 = arith.index_cast %add3A_1553 : i32 to index
      %get3A_1555 = tpu.vector_load %arg4[%get3A_1554] {strides = array<i32>} : memref<8192xi32, #tpu.memory_space<vmem>>, vector<16xi32>,
      %get3A_1556 = vector.shape_cast %get3A_1555 : vector<16xi32> to vector<16xi32>
      %and3A_1557 = arith.constant 511 : i32
      %and3A_1558 = vector.broadcast %and3A_1557 : i32 to vector<16xi32>
      %and3A_1559 = arith.andi %get3A_1556, %and3A_1558 : vector<16xi32>
      %get3A_1560 = arith.index_cast %add3A_1553 : i32 to index
      %get3A_1561 = tpu.vector_load %arg5[%get3A_1560] {strides = array<i32>} : memref<8192xi32, #tpu.memory_space<vmem>>, vector<16xi32>,
      %get3A_1562 = vector.shape_cast %get3A_1561 : vector<16xi32> to vector<16xi32>
      %and3A_1563 = arith.constant 511 : i32
      %and3A_1564 = vector.broadcast %and3A_1563 : i32 to vector<16xi32>
      %and3A_1565 = arith.andi %get3A_1562, %and3A_1564 : vector<16xi32>
      %shift_left3A_1566 = arith.constant 9 : i32
      %shift_left3A_1567 = vector.broadcast %shift_left3A_1566 : i32 to vector<16xi32>
      %shift_left3A_1568 = arith.shli %and3A_1559, %shift_left3A_1567 : vector<16xi32>
      %add3A_1569 = vector.broadcast %mul3A_102 : i32 to vector<16xi32>
      %add3A_1570 = arith.addi %add3A_1569, %shift_left3A_1568 : vector<16xi32>
      %add3A_1571 = arith.addi %add3A_1570, %and3A_1565 : vector<16xi32>
      %swap3A_1572 = arith.index_cast %scan3A_1416 : i32 to index
      %swap3A_1573 = arith.constant 80 : index
      %swap3A_1574 = tpu.vector_load %arg6[%swap3A_1572, %swap3A_1573] {strides = array<i32>} : memref<64x128xi32, #tpu.memory_space<vmem>>, vector<1x16xi32>,
      %swap3A_1575 = vector.shape_cast %swap3A_1574 : vector<1x16xi32> to vector<16xi32>
      %swap3A_1576 = vector.shape_cast %add3A_1571 : vector<16xi32> to vector<1x16xi32>
      tpu.vector_store %arg6[%swap3A_1572, %swap3A_1573], %swap3A_1576 {strides = array<i32>} : memref<64x128xi32, #tpu.memory_space<vmem>>, vector<1x16xi32>,
      %mul3A_1577 = arith.constant 128 : i32
      %mul3A_1578 = arith.muli %scan3A_1416, %mul3A_1577 : i32
      %add3A_1579 = arith.constant 96 : i32
      %add3A_1580 = arith.addi %mul3A_1578, %add3A_1579 : i32
      %get3A_1581 = arith.index_cast %add3A_1580 : i32 to index
      %get3A_1582 = tpu.vector_load %arg4[%get3A_1581] {strides = array<i32>} : memref<8192xi32, #tpu.memory_space<vmem>>, vector<16xi32>,
      %get3A_1583 = vector.shape_cast %get3A_1582 : vector<16xi32> to vector<16xi32>
      %and3A_1584 = arith.constant 511 : i32
      %and3A_1585 = vector.broadcast %and3A_1584 : i32 to vector<16xi32>
      %and3A_1586 = arith.andi %get3A_1583, %and3A_1585 : vector<16xi32>
      %get3A_1587 = arith.index_cast %add3A_1580 : i32 to index
      %get3A_1588 = tpu.vector_load %arg5[%get3A_1587] {strides = array<i32>} : memref<8192xi32, #tpu.memory_space<vmem>>, vector<16xi32>,
      %get3A_1589 = vector.shape_cast %get3A_1588 : vector<16xi32> to vector<16xi32>
      %and3A_1590 = arith.constant 511 : i32
      %and3A_1591 = vector.broadcast %and3A_1590 : i32 to vector<16xi32>
      %and3A_1592 = arith.andi %get3A_1589, %and3A_1591 : vector<16xi32>
      %shift_left3A_1593 = arith.constant 9 : i32
      %shift_left3A_1594 = vector.broadcast %shift_left3A_1593 : i32 to vector<16xi32>
      %shift_left3A_1595 = arith.shli %and3A_1586, %shift_left3A_1594 : vector<16xi32>
      %add3A_1596 = vector.broadcast %mul3A_102 : i32 to vector<16xi32>
      %add3A_1597 = arith.addi %add3A_1596, %shift_left3A_1595 : vector<16xi32>
      %add3A_1598 = arith.addi %add3A_1597, %and3A_1592 : vector<16xi32>
      %swap3A_1599 = arith.index_cast %scan3A_1416 : i32 to index
      %swap3A_1600 = arith.constant 96 : index
      %swap3A_1601 = tpu.vector_load %arg6[%swap3A_1599, %swap3A_1600] {strides = array<i32>} : memref<64x128xi32, #tpu.memory_space<vmem>>, vector<1x16xi32>,
      %swap3A_1602 = vector.shape_cast %swap3A_1601 : vector<1x16xi32> to vector<16xi32>
      %swap3A_1603 = vector.shape_cast %add3A_1598 : vector<16xi32> to vector<1x16xi32>
      tpu.vector_store %arg6[%swap3A_1599, %swap3A_1600], %swap3A_1603 {strides = array<i32>} : memref<64x128xi32, #tpu.memory_space<vmem>>, vector<1x16xi32>,
      %mul3A_1604 = arith.constant 128 : i32
      %mul3A_1605 = arith.muli %scan3A_1416, %mul3A_1604 : i32
      %add3A_1606 = arith.constant 112 : i32
      %add3A_1607 = arith.addi %mul3A_1605, %add3A_1606 : i32
      %get3A_1608 = arith.index_cast %add3A_1607 : i32 to index
      %get3A_1609 = tpu.vector_load %arg4[%get3A_1608] {strides = array<i32>} : memref<8192xi32, #tpu.memory_space<vmem>>, vector<16xi32>,
      %get3A_1610 = vector.shape_cast %get3A_1609 : vector<16xi32> to vector<16xi32>
      %and3A_1611 = arith.constant 511 : i32
      %and3A_1612 = vector.broadcast %and3A_1611 : i32 to vector<16xi32>
      %and3A_1613 = arith.andi %get3A_1610, %and3A_1612 : vector<16xi32>
      %get3A_1614 = arith.index_cast %add3A_1607 : i32 to index
      %get3A_1615 = tpu.vector_load %arg5[%get3A_1614] {strides = array<i32>} : memref<8192xi32, #tpu.memory_space<vmem>>, vector<16xi32>,
      %get3A_1616 = vector.shape_cast %get3A_1615 : vector<16xi32> to vector<16xi32>
      %and3A_1617 = arith.constant 511 : i32
      %and3A_1618 = vector.broadcast %and3A_1617 : i32 to vector<16xi32>
      %and3A_1619 = arith.andi %get3A_1616, %and3A_1618 : vector<16xi32>
      %shift_left3A_1620 = arith.constant 9 : i32
      %shift_left3A_1621 = vector.broadcast %shift_left3A_1620 : i32 to vector<16xi32>
      %shift_left3A_1622 = arith.shli %and3A_1613, %shift_left3A_1621 : vector<16xi32>
      %add3A_1623 = vector.broadcast %mul3A_102 : i32 to vector<16xi32>
      %add3A_1624 = arith.addi %add3A_1623, %shift_left3A_1622 : vector<16xi32>
      %add3A_1625 = arith.addi %add3A_1624, %and3A_1619 : vector<16xi32>
      %swap3A_1626 = arith.index_cast %scan3A_1416 : i32 to index
      %swap3A_1627 = arith.constant 112 : index
      %swap3A_1628 = tpu.vector_load %arg6[%swap3A_1626, %swap3A_1627] {strides = array<i32>} : memref<64x128xi32, #tpu.memory_space<vmem>>, vector<1x16xi32>,
      %swap3A_1629 = vector.shape_cast %swap3A_1628 : vector<1x16xi32> to vector<16xi32>
      %swap3A_1630 = vector.shape_cast %add3A_1625 : vector<16xi32> to vector<1x16xi32>
      tpu.vector_store %arg6[%swap3A_1626, %swap3A_1627], %swap3A_1630 {strides = array<i32>} : memref<64x128xi32, #tpu.memory_space<vmem>>, vector<1x16xi32>,
      %scan3A_1631 = arith.constant 0 : i32
      scf.yield %scan3A_1631 : i32
    }
    %scan3A_109 = arith.constant 64 : i32
    %dma_wait3A_110 = tpu.memref_slice %arg9[%add3A_61] : memref<1048576xf32, #tpu.memory_space<vmem_shared>> -> memref<8192xf32, #tpu.memory_space<vmem_shared>>
    %dma_wait3A_111 = tpu.memref_slice %arg9[%add3A_61] : memref<1048576xf32, #tpu.memory_space<vmem_shared>> -> memref<8192xf32, #tpu.memory_space<vmem_shared>>
    tpu.wait_dma2 semaphore(%arg11 : memref<!tpu.dma_semaphore, #tpu.memory_space<semaphore_mem>>) src(%arg8 : memref<8192xf32, #tpu.memory_space<vmem>>) dst(%dma_wait3A_111 : memref<8192xf32, #tpu.memory_space<vmem_shared>>)
    %dma_wait3A_112 = tpu.memref_slice %arg9[%add3A_65] : memref<1048576xf32, #tpu.memory_space<vmem_shared>> -> memref<8192xf32, #tpu.memory_space<vmem_shared>>
    %dma_wait3A_113 = tpu.memref_slice %arg9[%add3A_65] : memref<1048576xf32, #tpu.memory_space<vmem_shared>> -> memref<8192xf32, #tpu.memory_space<vmem_shared>>
    tpu.wait_dma2 semaphore(%arg11 : memref<!tpu.dma_semaphore, #tpu.memory_space<semaphore_mem>>) src(%arg8 : memref<8192xf32, #tpu.memory_space<vmem>>) dst(%dma_wait3A_113 : memref<8192xf32, #tpu.memory_space<vmem_shared>>)
    %dma_wait3A_114 = tpu.memref_slice %arg9[%add3A_69] : memref<1048576xf32, #tpu.memory_space<vmem_shared>> -> memref<8192xf32, #tpu.memory_space<vmem_shared>>
    %dma_wait3A_115 = tpu.memref_slice %arg9[%add3A_69] : memref<1048576xf32, #tpu.memory_space<vmem_shared>> -> memref<8192xf32, #tpu.memory_space<vmem_shared>>
    tpu.wait_dma2 semaphore(%arg11 : memref<!tpu.dma_semaphore, #tpu.memory_space<semaphore_mem>>) src(%arg8 : memref<8192xf32, #tpu.memory_space<vmem>>) dst(%dma_wait3A_115 : memref<8192xf32, #tpu.memory_space<vmem_shared>>)
    %dma_wait3A_116 = tpu.memref_slice %arg9[%add3A_73] : memref<1048576xf32, #tpu.memory_space<vmem_shared>> -> memref<8192xf32, #tpu.memory_space<vmem_shared>>
    %dma_wait3A_117 = tpu.memref_slice %arg9[%add3A_73] : memref<1048576xf32, #tpu.memory_space<vmem_shared>> -> memref<8192xf32, #tpu.memory_space<vmem_shared>>
    tpu.wait_dma2 semaphore(%arg11 : memref<!tpu.dma_semaphore, #tpu.memory_space<semaphore_mem>>) src(%arg8 : memref<8192xf32, #tpu.memory_space<vmem>>) dst(%dma_wait3A_117 : memref<8192xf32, #tpu.memory_space<vmem_shared>>)
    %dma_wait3A_118 = tpu.memref_slice %arg9[%add3A_77] : memref<1048576xf32, #tpu.memory_space<vmem_shared>> -> memref<8192xf32, #tpu.memory_space<vmem_shared>>
    %dma_wait3A_119 = tpu.memref_slice %arg9[%add3A_77] : memref<1048576xf32, #tpu.memory_space<vmem_shared>> -> memref<8192xf32, #tpu.memory_space<vmem_shared>>
    tpu.wait_dma2 semaphore(%arg11 : memref<!tpu.dma_semaphore, #tpu.memory_space<semaphore_mem>>) src(%arg8 : memref<8192xf32, #tpu.memory_space<vmem>>) dst(%dma_wait3A_119 : memref<8192xf32, #tpu.memory_space<vmem_shared>>)
    %dma_wait3A_120 = tpu.memref_slice %arg9[%add3A_81] : memref<1048576xf32, #tpu.memory_space<vmem_shared>> -> memref<8192xf32, #tpu.memory_space<vmem_shared>>
    %dma_wait3A_121 = tpu.memref_slice %arg9[%add3A_81] : memref<1048576xf32, #tpu.memory_space<vmem_shared>> -> memref<8192xf32, #tpu.memory_space<vmem_shared>>
    tpu.wait_dma2 semaphore(%arg11 : memref<!tpu.dma_semaphore, #tpu.memory_space<semaphore_mem>>) src(%arg8 : memref<8192xf32, #tpu.memory_space<vmem>>) dst(%dma_wait3A_121 : memref<8192xf32, #tpu.memory_space<vmem_shared>>)
    %dma_wait3A_122 = tpu.memref_slice %arg9[%add3A_85] : memref<1048576xf32, #tpu.memory_space<vmem_shared>> -> memref<8192xf32, #tpu.memory_space<vmem_shared>>
    %dma_wait3A_123 = tpu.memref_slice %arg9[%add3A_85] : memref<1048576xf32, #tpu.memory_space<vmem_shared>> -> memref<8192xf32, #tpu.memory_space<vmem_shared>>
    tpu.wait_dma2 semaphore(%arg11 : memref<!tpu.dma_semaphore, #tpu.memory_space<semaphore_mem>>) src(%arg8 : memref<8192xf32, #tpu.memory_space<vmem>>) dst(%dma_wait3A_123 : memref<8192xf32, #tpu.memory_space<vmem_shared>>)
    %dma_wait3A_124 = tpu.memref_slice %arg9[%add3A_89] : memref<1048576xf32, #tpu.memory_space<vmem_shared>> -> memref<8192xf32, #tpu.memory_space<vmem_shared>>
    %dma_wait3A_125 = tpu.memref_slice %arg9[%add3A_89] : memref<1048576xf32, #tpu.memory_space<vmem_shared>> -> memref<8192xf32, #tpu.memory_space<vmem_shared>>
    tpu.wait_dma2 semaphore(%arg11 : memref<!tpu.dma_semaphore, #tpu.memory_space<semaphore_mem>>) src(%arg8 : memref<8192xf32, #tpu.memory_space<vmem>>) dst(%dma_wait3A_125 : memref<8192xf32, #tpu.memory_space<vmem_shared>>)
    %barrier3A = arith.constant 0 : index
    tpu.barrier barrier_id(%barrier3A)
    %dma_start3A_126 = arith.constant 0 : i32
    %dma_start3A_127 = arith.constant 0 : i32
    %dma_start3A_128 = arith.constant 0 : i32
    %dma_start3A_129 = tpu.memref_slice %arg7[%dma_start3A_126, %dma_start3A_128] : memref<64x128xf32, #tpu.memory_space<vmem>> -> memref<1x128xf32, #tpu.memory_space<vmem>>
    %dma_start3A_130 = tpu.memref_squeeze %dma_start3A_129 : memref<1x128xf32, #tpu.memory_space<vmem>> -> memref<128xf32, #tpu.memory_space<vmem>>
    %dma_start3A_131 = arith.constant 0 : i32
    %dma_start3A_132 = tpu.memref_slice %arg6[%dma_start3A_127, %dma_start3A_131] : memref<64x128xi32, #tpu.memory_space<vmem>> -> memref<1x128xi32, #tpu.memory_space<vmem>>
    %dma_start3A_133 = tpu.memref_squeeze %dma_start3A_132 : memref<1x128xi32, #tpu.memory_space<vmem>> -> memref<128xi32, #tpu.memory_space<vmem>>
    %dma_start3A_134 = arith.constant 0 : i32
    %dma_start3A_135 = tpu.memref_slice %arg9[%dma_start3A_134] : memref<1048576xf32, #tpu.memory_space<vmem_shared>> -> memref<1048576xf32, #tpu.memory_space<vmem_shared>>
    tpu.enqueue_indirect_dma source(%dma_start3A_130 : memref<128xf32, #tpu.memory_space<vmem>>) target(%dma_start3A_135 : memref<1048576xf32, #tpu.memory_space<vmem_shared>>) offsets(%dma_start3A_133 : memref<128xi32, #tpu.memory_space<vmem>>) semaphore(%arg12 : memref<!tpu.dma_semaphore, #tpu.memory_space<semaphore_mem>>) {add = true}
    %dma_start3A_136 = arith.constant 1 : i32
    %dma_start3A_137 = arith.constant 1 : i32
    %dma_start3A_138 = arith.constant 0 : i32
    %dma_start3A_139 = tpu.memref_slice %arg7[%dma_start3A_136, %dma_start3A_138] : memref<64x128xf32, #tpu.memory_space<vmem>> -> memref<1x128xf32, #tpu.memory_space<vmem>>
    %dma_start3A_140 = tpu.memref_squeeze %dma_start3A_139 : memref<1x128xf32, #tpu.memory_space<vmem>> -> memref<128xf32, #tpu.memory_space<vmem>>
    %dma_start3A_141 = arith.constant 0 : i32
    %dma_start3A_142 = tpu.memref_slice %arg6[%dma_start3A_137, %dma_start3A_141] : memref<64x128xi32, #tpu.memory_space<vmem>> -> memref<1x128xi32, #tpu.memory_space<vmem>>
    %dma_start3A_143 = tpu.memref_squeeze %dma_start3A_142 : memref<1x128xi32, #tpu.memory_space<vmem>> -> memref<128xi32, #tpu.memory_space<vmem>>
    %dma_start3A_144 = arith.constant 0 : i32
    %dma_start3A_145 = tpu.memref_slice %arg9[%dma_start3A_144] : memref<1048576xf32, #tpu.memory_space<vmem_shared>> -> memref<1048576xf32, #tpu.memory_space<vmem_shared>>
    tpu.enqueue_indirect_dma source(%dma_start3A_140 : memref<128xf32, #tpu.memory_space<vmem>>) target(%dma_start3A_145 : memref<1048576xf32, #tpu.memory_space<vmem_shared>>) offsets(%dma_start3A_143 : memref<128xi32, #tpu.memory_space<vmem>>) semaphore(%arg12 : memref<!tpu.dma_semaphore, #tpu.memory_space<semaphore_mem>>) {add = true}
    %dma_start3A_146 = arith.constant 2 : i32
    %dma_start3A_147 = arith.constant 2 : i32
    %dma_start3A_148 = arith.constant 0 : i32
    %dma_start3A_149 = tpu.memref_slice %arg7[%dma_start3A_146, %dma_start3A_148] : memref<64x128xf32, #tpu.memory_space<vmem>> -> memref<1x128xf32, #tpu.memory_space<vmem>>
    %dma_start3A_150 = tpu.memref_squeeze %dma_start3A_149 : memref<1x128xf32, #tpu.memory_space<vmem>> -> memref<128xf32, #tpu.memory_space<vmem>>
    %dma_start3A_151 = arith.constant 0 : i32
    %dma_start3A_152 = tpu.memref_slice %arg6[%dma_start3A_147, %dma_start3A_151] : memref<64x128xi32, #tpu.memory_space<vmem>> -> memref<1x128xi32, #tpu.memory_space<vmem>>
    %dma_start3A_153 = tpu.memref_squeeze %dma_start3A_152 : memref<1x128xi32, #tpu.memory_space<vmem>> -> memref<128xi32, #tpu.memory_space<vmem>>
    %dma_start3A_154 = arith.constant 0 : i32
    %dma_start3A_155 = tpu.memref_slice %arg9[%dma_start3A_154] : memref<1048576xf32, #tpu.memory_space<vmem_shared>> -> memref<1048576xf32, #tpu.memory_space<vmem_shared>>
    tpu.enqueue_indirect_dma source(%dma_start3A_150 : memref<128xf32, #tpu.memory_space<vmem>>) target(%dma_start3A_155 : memref<1048576xf32, #tpu.memory_space<vmem_shared>>) offsets(%dma_start3A_153 : memref<128xi32, #tpu.memory_space<vmem>>) semaphore(%arg12 : memref<!tpu.dma_semaphore, #tpu.memory_space<semaphore_mem>>) {add = true}
    %dma_start3A_156 = arith.constant 3 : i32
    %dma_start3A_157 = arith.constant 3 : i32
    %dma_start3A_158 = arith.constant 0 : i32
    %dma_start3A_159 = tpu.memref_slice %arg7[%dma_start3A_156, %dma_start3A_158] : memref<64x128xf32, #tpu.memory_space<vmem>> -> memref<1x128xf32, #tpu.memory_space<vmem>>
    %dma_start3A_160 = tpu.memref_squeeze %dma_start3A_159 : memref<1x128xf32, #tpu.memory_space<vmem>> -> memref<128xf32, #tpu.memory_space<vmem>>
    %dma_start3A_161 = arith.constant 0 : i32
    %dma_start3A_162 = tpu.memref_slice %arg6[%dma_start3A_157, %dma_start3A_161] : memref<64x128xi32, #tpu.memory_space<vmem>> -> memref<1x128xi32, #tpu.memory_space<vmem>>
    %dma_start3A_163 = tpu.memref_squeeze %dma_start3A_162 : memref<1x128xi32, #tpu.memory_space<vmem>> -> memref<128xi32, #tpu.memory_space<vmem>>
    %dma_start3A_164 = arith.constant 0 : i32
    %dma_start3A_165 = tpu.memref_slice %arg9[%dma_start3A_164] : memref<1048576xf32, #tpu.memory_space<vmem_shared>> -> memref<1048576xf32, #tpu.memory_space<vmem_shared>>
    tpu.enqueue_indirect_dma source(%dma_start3A_160 : memref<128xf32, #tpu.memory_space<vmem>>) target(%dma_start3A_165 : memref<1048576xf32, #tpu.memory_space<vmem_shared>>) offsets(%dma_start3A_163 : memref<128xi32, #tpu.memory_space<vmem>>) semaphore(%arg12 : memref<!tpu.dma_semaphore, #tpu.memory_space<semaphore_mem>>) {add = true}
    %dma_start3A_166 = arith.constant 4 : i32
    %dma_start3A_167 = arith.constant 4 : i32
    %dma_start3A_168 = arith.constant 0 : i32
    %dma_start3A_169 = tpu.memref_slice %arg7[%dma_start3A_166, %dma_start3A_168] : memref<64x128xf32, #tpu.memory_space<vmem>> -> memref<1x128xf32, #tpu.memory_space<vmem>>
    %dma_start3A_170 = tpu.memref_squeeze %dma_start3A_169 : memref<1x128xf32, #tpu.memory_space<vmem>> -> memref<128xf32, #tpu.memory_space<vmem>>
    %dma_start3A_171 = arith.constant 0 : i32
    %dma_start3A_172 = tpu.memref_slice %arg6[%dma_start3A_167, %dma_start3A_171] : memref<64x128xi32, #tpu.memory_space<vmem>> -> memref<1x128xi32, #tpu.memory_space<vmem>>
    %dma_start3A_173 = tpu.memref_squeeze %dma_start3A_172 : memref<1x128xi32, #tpu.memory_space<vmem>> -> memref<128xi32, #tpu.memory_space<vmem>>
    %dma_start3A_174 = arith.constant 0 : i32
    %dma_start3A_175 = tpu.memref_slice %arg9[%dma_start3A_174] : memref<1048576xf32, #tpu.memory_space<vmem_shared>> -> memref<1048576xf32, #tpu.memory_space<vmem_shared>>
    tpu.enqueue_indirect_dma source(%dma_start3A_170 : memref<128xf32, #tpu.memory_space<vmem>>) target(%dma_start3A_175 : memref<1048576xf32, #tpu.memory_space<vmem_shared>>) offsets(%dma_start3A_173 : memref<128xi32, #tpu.memory_space<vmem>>) semaphore(%arg12 : memref<!tpu.dma_semaphore, #tpu.memory_space<semaphore_mem>>) {add = true}
    %dma_start3A_176 = arith.constant 5 : i32
    %dma_start3A_177 = arith.constant 5 : i32
    %dma_start3A_178 = arith.constant 0 : i32
    %dma_start3A_179 = tpu.memref_slice %arg7[%dma_start3A_176, %dma_start3A_178] : memref<64x128xf32, #tpu.memory_space<vmem>> -> memref<1x128xf32, #tpu.memory_space<vmem>>
    %dma_start3A_180 = tpu.memref_squeeze %dma_start3A_179 : memref<1x128xf32, #tpu.memory_space<vmem>> -> memref<128xf32, #tpu.memory_space<vmem>>
    %dma_start3A_181 = arith.constant 0 : i32
    %dma_start3A_182 = tpu.memref_slice %arg6[%dma_start3A_177, %dma_start3A_181] : memref<64x128xi32, #tpu.memory_space<vmem>> -> memref<1x128xi32, #tpu.memory_space<vmem>>
    %dma_start3A_183 = tpu.memref_squeeze %dma_start3A_182 : memref<1x128xi32, #tpu.memory_space<vmem>> -> memref<128xi32, #tpu.memory_space<vmem>>
    %dma_start3A_184 = arith.constant 0 : i32
    %dma_start3A_185 = tpu.memref_slice %arg9[%dma_start3A_184] : memref<1048576xf32, #tpu.memory_space<vmem_shared>> -> memref<1048576xf32, #tpu.memory_space<vmem_shared>>
    tpu.enqueue_indirect_dma source(%dma_start3A_180 : memref<128xf32, #tpu.memory_space<vmem>>) target(%dma_start3A_185 : memref<1048576xf32, #tpu.memory_space<vmem_shared>>) offsets(%dma_start3A_183 : memref<128xi32, #tpu.memory_space<vmem>>) semaphore(%arg12 : memref<!tpu.dma_semaphore, #tpu.memory_space<semaphore_mem>>) {add = true}
    %dma_start3A_186 = arith.constant 6 : i32
    %dma_start3A_187 = arith.constant 6 : i32
    %dma_start3A_188 = arith.constant 0 : i32
    %dma_start3A_189 = tpu.memref_slice %arg7[%dma_start3A_186, %dma_start3A_188] : memref<64x128xf32, #tpu.memory_space<vmem>> -> memref<1x128xf32, #tpu.memory_space<vmem>>
    %dma_start3A_190 = tpu.memref_squeeze %dma_start3A_189 : memref<1x128xf32, #tpu.memory_space<vmem>> -> memref<128xf32, #tpu.memory_space<vmem>>
    %dma_start3A_191 = arith.constant 0 : i32
    %dma_start3A_192 = tpu.memref_slice %arg6[%dma_start3A_187, %dma_start3A_191] : memref<64x128xi32, #tpu.memory_space<vmem>> -> memref<1x128xi32, #tpu.memory_space<vmem>>
    %dma_start3A_193 = tpu.memref_squeeze %dma_start3A_192 : memref<1x128xi32, #tpu.memory_space<vmem>> -> memref<128xi32, #tpu.memory_space<vmem>>
    %dma_start3A_194 = arith.constant 0 : i32
    %dma_start3A_195 = tpu.memref_slice %arg9[%dma_start3A_194] : memref<1048576xf32, #tpu.memory_space<vmem_shared>> -> memref<1048576xf32, #tpu.memory_space<vmem_shared>>
    tpu.enqueue_indirect_dma source(%dma_start3A_190 : memref<128xf32, #tpu.memory_space<vmem>>) target(%dma_start3A_195 : memref<1048576xf32, #tpu.memory_space<vmem_shared>>) offsets(%dma_start3A_193 : memref<128xi32, #tpu.memory_space<vmem>>) semaphore(%arg12 : memref<!tpu.dma_semaphore, #tpu.memory_space<semaphore_mem>>) {add = true}
    %dma_start3A_196 = arith.constant 7 : i32
    %dma_start3A_197 = arith.constant 7 : i32
    %dma_start3A_198 = arith.constant 0 : i32
    %dma_start3A_199 = tpu.memref_slice %arg7[%dma_start3A_196, %dma_start3A_198] : memref<64x128xf32, #tpu.memory_space<vmem>> -> memref<1x128xf32, #tpu.memory_space<vmem>>
    %dma_start3A_200 = tpu.memref_squeeze %dma_start3A_199 : memref<1x128xf32, #tpu.memory_space<vmem>> -> memref<128xf32, #tpu.memory_space<vmem>>
    %dma_start3A_201 = arith.constant 0 : i32
    %dma_start3A_202 = tpu.memref_slice %arg6[%dma_start3A_197, %dma_start3A_201] : memref<64x128xi32, #tpu.memory_space<vmem>> -> memref<1x128xi32, #tpu.memory_space<vmem>>
    %dma_start3A_203 = tpu.memref_squeeze %dma_start3A_202 : memref<1x128xi32, #tpu.memory_space<vmem>> -> memref<128xi32, #tpu.memory_space<vmem>>
    %dma_start3A_204 = arith.constant 0 : i32
    %dma_start3A_205 = tpu.memref_slice %arg9[%dma_start3A_204] : memref<1048576xf32, #tpu.memory_space<vmem_shared>> -> memref<1048576xf32, #tpu.memory_space<vmem_shared>>
    tpu.enqueue_indirect_dma source(%dma_start3A_200 : memref<128xf32, #tpu.memory_space<vmem>>) target(%dma_start3A_205 : memref<1048576xf32, #tpu.memory_space<vmem_shared>>) offsets(%dma_start3A_203 : memref<128xi32, #tpu.memory_space<vmem>>) semaphore(%arg12 : memref<!tpu.dma_semaphore, #tpu.memory_space<semaphore_mem>>) {add = true}
    %dma_start3A_206 = arith.constant 8 : i32
    %dma_start3A_207 = arith.constant 8 : i32
    %dma_start3A_208 = arith.constant 0 : i32
    %dma_start3A_209 = tpu.memref_slice %arg7[%dma_start3A_206, %dma_start3A_208] : memref<64x128xf32, #tpu.memory_space<vmem>> -> memref<1x128xf32, #tpu.memory_space<vmem>>
    %dma_start3A_210 = tpu.memref_squeeze %dma_start3A_209 : memref<1x128xf32, #tpu.memory_space<vmem>> -> memref<128xf32, #tpu.memory_space<vmem>>
    %dma_start3A_211 = arith.constant 0 : i32
    %dma_start3A_212 = tpu.memref_slice %arg6[%dma_start3A_207, %dma_start3A_211] : memref<64x128xi32, #tpu.memory_space<vmem>> -> memref<1x128xi32, #tpu.memory_space<vmem>>
    %dma_start3A_213 = tpu.memref_squeeze %dma_start3A_212 : memref<1x128xi32, #tpu.memory_space<vmem>> -> memref<128xi32, #tpu.memory_space<vmem>>
    %dma_start3A_214 = arith.constant 0 : i32
    %dma_start3A_215 = tpu.memref_slice %arg9[%dma_start3A_214] : memref<1048576xf32, #tpu.memory_space<vmem_shared>> -> memref<1048576xf32, #tpu.memory_space<vmem_shared>>
    tpu.enqueue_indirect_dma source(%dma_start3A_210 : memref<128xf32, #tpu.memory_space<vmem>>) target(%dma_start3A_215 : memref<1048576xf32, #tpu.memory_space<vmem_shared>>) offsets(%dma_start3A_213 : memref<128xi32, #tpu.memory_space<vmem>>) semaphore(%arg12 : memref<!tpu.dma_semaphore, #tpu.memory_space<semaphore_mem>>) {add = true}
    %dma_start3A_216 = arith.constant 9 : i32
    %dma_start3A_217 = arith.constant 9 : i32
    %dma_start3A_218 = arith.constant 0 : i32
    %dma_start3A_219 = tpu.memref_slice %arg7[%dma_start3A_216, %dma_start3A_218] : memref<64x128xf32, #tpu.memory_space<vmem>> -> memref<1x128xf32, #tpu.memory_space<vmem>>
    %dma_start3A_220 = tpu.memref_squeeze %dma_start3A_219 : memref<1x128xf32, #tpu.memory_space<vmem>> -> memref<128xf32, #tpu.memory_space<vmem>>
    %dma_start3A_221 = arith.constant 0 : i32
    %dma_start3A_222 = tpu.memref_slice %arg6[%dma_start3A_217, %dma_start3A_221] : memref<64x128xi32, #tpu.memory_space<vmem>> -> memref<1x128xi32, #tpu.memory_space<vmem>>
    %dma_start3A_223 = tpu.memref_squeeze %dma_start3A_222 : memref<1x128xi32, #tpu.memory_space<vmem>> -> memref<128xi32, #tpu.memory_space<vmem>>
    %dma_start3A_224 = arith.constant 0 : i32
    %dma_start3A_225 = tpu.memref_slice %arg9[%dma_start3A_224] : memref<1048576xf32, #tpu.memory_space<vmem_shared>> -> memref<1048576xf32, #tpu.memory_space<vmem_shared>>
    tpu.enqueue_indirect_dma source(%dma_start3A_220 : memref<128xf32, #tpu.memory_space<vmem>>) target(%dma_start3A_225 : memref<1048576xf32, #tpu.memory_space<vmem_shared>>) offsets(%dma_start3A_223 : memref<128xi32, #tpu.memory_space<vmem>>) semaphore(%arg12 : memref<!tpu.dma_semaphore, #tpu.memory_space<semaphore_mem>>) {add = true}
    %dma_start3A_226 = arith.constant 10 : i32
    %dma_start3A_227 = arith.constant 10 : i32
    %dma_start3A_228 = arith.constant 0 : i32
    %dma_start3A_229 = tpu.memref_slice %arg7[%dma_start3A_226, %dma_start3A_228] : memref<64x128xf32, #tpu.memory_space<vmem>> -> memref<1x128xf32, #tpu.memory_space<vmem>>
    %dma_start3A_230 = tpu.memref_squeeze %dma_start3A_229 : memref<1x128xf32, #tpu.memory_space<vmem>> -> memref<128xf32, #tpu.memory_space<vmem>>
    %dma_start3A_231 = arith.constant 0 : i32
    %dma_start3A_232 = tpu.memref_slice %arg6[%dma_start3A_227, %dma_start3A_231] : memref<64x128xi32, #tpu.memory_space<vmem>> -> memref<1x128xi32, #tpu.memory_space<vmem>>
    %dma_start3A_233 = tpu.memref_squeeze %dma_start3A_232 : memref<1x128xi32, #tpu.memory_space<vmem>> -> memref<128xi32, #tpu.memory_space<vmem>>
    %dma_start3A_234 = arith.constant 0 : i32
    %dma_start3A_235 = tpu.memref_slice %arg9[%dma_start3A_234] : memref<1048576xf32, #tpu.memory_space<vmem_shared>> -> memref<1048576xf32, #tpu.memory_space<vmem_shared>>
    tpu.enqueue_indirect_dma source(%dma_start3A_230 : memref<128xf32, #tpu.memory_space<vmem>>) target(%dma_start3A_235 : memref<1048576xf32, #tpu.memory_space<vmem_shared>>) offsets(%dma_start3A_233 : memref<128xi32, #tpu.memory_space<vmem>>) semaphore(%arg12 : memref<!tpu.dma_semaphore, #tpu.memory_space<semaphore_mem>>) {add = true}
    %dma_start3A_236 = arith.constant 11 : i32
    %dma_start3A_237 = arith.constant 11 : i32
    %dma_start3A_238 = arith.constant 0 : i32
    %dma_start3A_239 = tpu.memref_slice %arg7[%dma_start3A_236, %dma_start3A_238] : memref<64x128xf32, #tpu.memory_space<vmem>> -> memref<1x128xf32, #tpu.memory_space<vmem>>
    %dma_start3A_240 = tpu.memref_squeeze %dma_start3A_239 : memref<1x128xf32, #tpu.memory_space<vmem>> -> memref<128xf32, #tpu.memory_space<vmem>>
    %dma_start3A_241 = arith.constant 0 : i32
    %dma_start3A_242 = tpu.memref_slice %arg6[%dma_start3A_237, %dma_start3A_241] : memref<64x128xi32, #tpu.memory_space<vmem>> -> memref<1x128xi32, #tpu.memory_space<vmem>>
    %dma_start3A_243 = tpu.memref_squeeze %dma_start3A_242 : memref<1x128xi32, #tpu.memory_space<vmem>> -> memref<128xi32, #tpu.memory_space<vmem>>
    %dma_start3A_244 = arith.constant 0 : i32
    %dma_start3A_245 = tpu.memref_slice %arg9[%dma_start3A_244] : memref<1048576xf32, #tpu.memory_space<vmem_shared>> -> memref<1048576xf32, #tpu.memory_space<vmem_shared>>
    tpu.enqueue_indirect_dma source(%dma_start3A_240 : memref<128xf32, #tpu.memory_space<vmem>>) target(%dma_start3A_245 : memref<1048576xf32, #tpu.memory_space<vmem_shared>>) offsets(%dma_start3A_243 : memref<128xi32, #tpu.memory_space<vmem>>) semaphore(%arg12 : memref<!tpu.dma_semaphore, #tpu.memory_space<semaphore_mem>>) {add = true}
    %dma_start3A_246 = arith.constant 12 : i32
    %dma_start3A_247 = arith.constant 12 : i32
    %dma_start3A_248 = arith.constant 0 : i32
    %dma_start3A_249 = tpu.memref_slice %arg7[%dma_start3A_246, %dma_start3A_248] : memref<64x128xf32, #tpu.memory_space<vmem>> -> memref<1x128xf32, #tpu.memory_space<vmem>>
    %dma_start3A_250 = tpu.memref_squeeze %dma_start3A_249 : memref<1x128xf32, #tpu.memory_space<vmem>> -> memref<128xf32, #tpu.memory_space<vmem>>
    %dma_start3A_251 = arith.constant 0 : i32
    %dma_start3A_252 = tpu.memref_slice %arg6[%dma_start3A_247, %dma_start3A_251] : memref<64x128xi32, #tpu.memory_space<vmem>> -> memref<1x128xi32, #tpu.memory_space<vmem>>
    %dma_start3A_253 = tpu.memref_squeeze %dma_start3A_252 : memref<1x128xi32, #tpu.memory_space<vmem>> -> memref<128xi32, #tpu.memory_space<vmem>>
    %dma_start3A_254 = arith.constant 0 : i32
    %dma_start3A_255 = tpu.memref_slice %arg9[%dma_start3A_254] : memref<1048576xf32, #tpu.memory_space<vmem_shared>> -> memref<1048576xf32, #tpu.memory_space<vmem_shared>>
    tpu.enqueue_indirect_dma source(%dma_start3A_250 : memref<128xf32, #tpu.memory_space<vmem>>) target(%dma_start3A_255 : memref<1048576xf32, #tpu.memory_space<vmem_shared>>) offsets(%dma_start3A_253 : memref<128xi32, #tpu.memory_space<vmem>>) semaphore(%arg12 : memref<!tpu.dma_semaphore, #tpu.memory_space<semaphore_mem>>) {add = true}
    %dma_start3A_256 = arith.constant 13 : i32
    %dma_start3A_257 = arith.constant 13 : i32
    %dma_start3A_258 = arith.constant 0 : i32
    %dma_start3A_259 = tpu.memref_slice %arg7[%dma_start3A_256, %dma_start3A_258] : memref<64x128xf32, #tpu.memory_space<vmem>> -> memref<1x128xf32, #tpu.memory_space<vmem>>
    %dma_start3A_260 = tpu.memref_squeeze %dma_start3A_259 : memref<1x128xf32, #tpu.memory_space<vmem>> -> memref<128xf32, #tpu.memory_space<vmem>>
    %dma_start3A_261 = arith.constant 0 : i32
    %dma_start3A_262 = tpu.memref_slice %arg6[%dma_start3A_257, %dma_start3A_261] : memref<64x128xi32, #tpu.memory_space<vmem>> -> memref<1x128xi32, #tpu.memory_space<vmem>>
    %dma_start3A_263 = tpu.memref_squeeze %dma_start3A_262 : memref<1x128xi32, #tpu.memory_space<vmem>> -> memref<128xi32, #tpu.memory_space<vmem>>
    %dma_start3A_264 = arith.constant 0 : i32
    %dma_start3A_265 = tpu.memref_slice %arg9[%dma_start3A_264] : memref<1048576xf32, #tpu.memory_space<vmem_shared>> -> memref<1048576xf32, #tpu.memory_space<vmem_shared>>
    tpu.enqueue_indirect_dma source(%dma_start3A_260 : memref<128xf32, #tpu.memory_space<vmem>>) target(%dma_start3A_265 : memref<1048576xf32, #tpu.memory_space<vmem_shared>>) offsets(%dma_start3A_263 : memref<128xi32, #tpu.memory_space<vmem>>) semaphore(%arg12 : memref<!tpu.dma_semaphore, #tpu.memory_space<semaphore_mem>>) {add = true}
    %dma_start3A_266 = arith.constant 14 : i32
    %dma_start3A_267 = arith.constant 14 : i32
    %dma_start3A_268 = arith.constant 0 : i32
    %dma_start3A_269 = tpu.memref_slice %arg7[%dma_start3A_266, %dma_start3A_268] : memref<64x128xf32, #tpu.memory_space<vmem>> -> memref<1x128xf32, #tpu.memory_space<vmem>>
    %dma_start3A_270 = tpu.memref_squeeze %dma_start3A_269 : memref<1x128xf32, #tpu.memory_space<vmem>> -> memref<128xf32, #tpu.memory_space<vmem>>
    %dma_start3A_271 = arith.constant 0 : i32
    %dma_start3A_272 = tpu.memref_slice %arg6[%dma_start3A_267, %dma_start3A_271] : memref<64x128xi32, #tpu.memory_space<vmem>> -> memref<1x128xi32, #tpu.memory_space<vmem>>
    %dma_start3A_273 = tpu.memref_squeeze %dma_start3A_272 : memref<1x128xi32, #tpu.memory_space<vmem>> -> memref<128xi32, #tpu.memory_space<vmem>>
    %dma_start3A_274 = arith.constant 0 : i32
    %dma_start3A_275 = tpu.memref_slice %arg9[%dma_start3A_274] : memref<1048576xf32, #tpu.memory_space<vmem_shared>> -> memref<1048576xf32, #tpu.memory_space<vmem_shared>>
    tpu.enqueue_indirect_dma source(%dma_start3A_270 : memref<128xf32, #tpu.memory_space<vmem>>) target(%dma_start3A_275 : memref<1048576xf32, #tpu.memory_space<vmem_shared>>) offsets(%dma_start3A_273 : memref<128xi32, #tpu.memory_space<vmem>>) semaphore(%arg12 : memref<!tpu.dma_semaphore, #tpu.memory_space<semaphore_mem>>) {add = true}
    %dma_start3A_276 = arith.constant 15 : i32
    %dma_start3A_277 = arith.constant 15 : i32
    %dma_start3A_278 = arith.constant 0 : i32
    %dma_start3A_279 = tpu.memref_slice %arg7[%dma_start3A_276, %dma_start3A_278] : memref<64x128xf32, #tpu.memory_space<vmem>> -> memref<1x128xf32, #tpu.memory_space<vmem>>
    %dma_start3A_280 = tpu.memref_squeeze %dma_start3A_279 : memref<1x128xf32, #tpu.memory_space<vmem>> -> memref<128xf32, #tpu.memory_space<vmem>>
    %dma_start3A_281 = arith.constant 0 : i32
    %dma_start3A_282 = tpu.memref_slice %arg6[%dma_start3A_277, %dma_start3A_281] : memref<64x128xi32, #tpu.memory_space<vmem>> -> memref<1x128xi32, #tpu.memory_space<vmem>>
    %dma_start3A_283 = tpu.memref_squeeze %dma_start3A_282 : memref<1x128xi32, #tpu.memory_space<vmem>> -> memref<128xi32, #tpu.memory_space<vmem>>
    %dma_start3A_284 = arith.constant 0 : i32
    %dma_start3A_285 = tpu.memref_slice %arg9[%dma_start3A_284] : memref<1048576xf32, #tpu.memory_space<vmem_shared>> -> memref<1048576xf32, #tpu.memory_space<vmem_shared>>
    tpu.enqueue_indirect_dma source(%dma_start3A_280 : memref<128xf32, #tpu.memory_space<vmem>>) target(%dma_start3A_285 : memref<1048576xf32, #tpu.memory_space<vmem_shared>>) offsets(%dma_start3A_283 : memref<128xi32, #tpu.memory_space<vmem>>) semaphore(%arg12 : memref<!tpu.dma_semaphore, #tpu.memory_space<semaphore_mem>>) {add = true}
    %dma_start3A_286 = arith.constant 16 : i32
    %dma_start3A_287 = arith.constant 16 : i32
    %dma_start3A_288 = arith.constant 0 : i32
    %dma_start3A_289 = tpu.memref_slice %arg7[%dma_start3A_286, %dma_start3A_288] : memref<64x128xf32, #tpu.memory_space<vmem>> -> memref<1x128xf32, #tpu.memory_space<vmem>>
    %dma_start3A_290 = tpu.memref_squeeze %dma_start3A_289 : memref<1x128xf32, #tpu.memory_space<vmem>> -> memref<128xf32, #tpu.memory_space<vmem>>
    %dma_start3A_291 = arith.constant 0 : i32
    %dma_start3A_292 = tpu.memref_slice %arg6[%dma_start3A_287, %dma_start3A_291] : memref<64x128xi32, #tpu.memory_space<vmem>> -> memref<1x128xi32, #tpu.memory_space<vmem>>
    %dma_start3A_293 = tpu.memref_squeeze %dma_start3A_292 : memref<1x128xi32, #tpu.memory_space<vmem>> -> memref<128xi32, #tpu.memory_space<vmem>>
    %dma_start3A_294 = arith.constant 0 : i32
    %dma_start3A_295 = tpu.memref_slice %arg9[%dma_start3A_294] : memref<1048576xf32, #tpu.memory_space<vmem_shared>> -> memref<1048576xf32, #tpu.memory_space<vmem_shared>>
    tpu.enqueue_indirect_dma source(%dma_start3A_290 : memref<128xf32, #tpu.memory_space<vmem>>) target(%dma_start3A_295 : memref<1048576xf32, #tpu.memory_space<vmem_shared>>) offsets(%dma_start3A_293 : memref<128xi32, #tpu.memory_space<vmem>>) semaphore(%arg12 : memref<!tpu.dma_semaphore, #tpu.memory_space<semaphore_mem>>) {add = true}
    %dma_start3A_296 = arith.constant 17 : i32
    %dma_start3A_297 = arith.constant 17 : i32
    %dma_start3A_298 = arith.constant 0 : i32
    %dma_start3A_299 = tpu.memref_slice %arg7[%dma_start3A_296, %dma_start3A_298] : memref<64x128xf32, #tpu.memory_space<vmem>> -> memref<1x128xf32, #tpu.memory_space<vmem>>
    %dma_start3A_300 = tpu.memref_squeeze %dma_start3A_299 : memref<1x128xf32, #tpu.memory_space<vmem>> -> memref<128xf32, #tpu.memory_space<vmem>>
    %dma_start3A_301 = arith.constant 0 : i32
    %dma_start3A_302 = tpu.memref_slice %arg6[%dma_start3A_297, %dma_start3A_301] : memref<64x128xi32, #tpu.memory_space<vmem>> -> memref<1x128xi32, #tpu.memory_space<vmem>>
    %dma_start3A_303 = tpu.memref_squeeze %dma_start3A_302 : memref<1x128xi32, #tpu.memory_space<vmem>> -> memref<128xi32, #tpu.memory_space<vmem>>
    %dma_start3A_304 = arith.constant 0 : i32
    %dma_start3A_305 = tpu.memref_slice %arg9[%dma_start3A_304] : memref<1048576xf32, #tpu.memory_space<vmem_shared>> -> memref<1048576xf32, #tpu.memory_space<vmem_shared>>
    tpu.enqueue_indirect_dma source(%dma_start3A_300 : memref<128xf32, #tpu.memory_space<vmem>>) target(%dma_start3A_305 : memref<1048576xf32, #tpu.memory_space<vmem_shared>>) offsets(%dma_start3A_303 : memref<128xi32, #tpu.memory_space<vmem>>) semaphore(%arg12 : memref<!tpu.dma_semaphore, #tpu.memory_space<semaphore_mem>>) {add = true}
    %dma_start3A_306 = arith.constant 18 : i32
    %dma_start3A_307 = arith.constant 18 : i32
    %dma_start3A_308 = arith.constant 0 : i32
    %dma_start3A_309 = tpu.memref_slice %arg7[%dma_start3A_306, %dma_start3A_308] : memref<64x128xf32, #tpu.memory_space<vmem>> -> memref<1x128xf32, #tpu.memory_space<vmem>>
    %dma_start3A_310 = tpu.memref_squeeze %dma_start3A_309 : memref<1x128xf32, #tpu.memory_space<vmem>> -> memref<128xf32, #tpu.memory_space<vmem>>
    %dma_start3A_311 = arith.constant 0 : i32
    %dma_start3A_312 = tpu.memref_slice %arg6[%dma_start3A_307, %dma_start3A_311] : memref<64x128xi32, #tpu.memory_space<vmem>> -> memref<1x128xi32, #tpu.memory_space<vmem>>
    %dma_start3A_313 = tpu.memref_squeeze %dma_start3A_312 : memref<1x128xi32, #tpu.memory_space<vmem>> -> memref<128xi32, #tpu.memory_space<vmem>>
    %dma_start3A_314 = arith.constant 0 : i32
    %dma_start3A_315 = tpu.memref_slice %arg9[%dma_start3A_314] : memref<1048576xf32, #tpu.memory_space<vmem_shared>> -> memref<1048576xf32, #tpu.memory_space<vmem_shared>>
    tpu.enqueue_indirect_dma source(%dma_start3A_310 : memref<128xf32, #tpu.memory_space<vmem>>) target(%dma_start3A_315 : memref<1048576xf32, #tpu.memory_space<vmem_shared>>) offsets(%dma_start3A_313 : memref<128xi32, #tpu.memory_space<vmem>>) semaphore(%arg12 : memref<!tpu.dma_semaphore, #tpu.memory_space<semaphore_mem>>) {add = true}
    %dma_start3A_316 = arith.constant 19 : i32
    %dma_start3A_317 = arith.constant 19 : i32
    %dma_start3A_318 = arith.constant 0 : i32
    %dma_start3A_319 = tpu.memref_slice %arg7[%dma_start3A_316, %dma_start3A_318] : memref<64x128xf32, #tpu.memory_space<vmem>> -> memref<1x128xf32, #tpu.memory_space<vmem>>
    %dma_start3A_320 = tpu.memref_squeeze %dma_start3A_319 : memref<1x128xf32, #tpu.memory_space<vmem>> -> memref<128xf32, #tpu.memory_space<vmem>>
    %dma_start3A_321 = arith.constant 0 : i32
    %dma_start3A_322 = tpu.memref_slice %arg6[%dma_start3A_317, %dma_start3A_321] : memref<64x128xi32, #tpu.memory_space<vmem>> -> memref<1x128xi32, #tpu.memory_space<vmem>>
    %dma_start3A_323 = tpu.memref_squeeze %dma_start3A_322 : memref<1x128xi32, #tpu.memory_space<vmem>> -> memref<128xi32, #tpu.memory_space<vmem>>
    %dma_start3A_324 = arith.constant 0 : i32
    %dma_start3A_325 = tpu.memref_slice %arg9[%dma_start3A_324] : memref<1048576xf32, #tpu.memory_space<vmem_shared>> -> memref<1048576xf32, #tpu.memory_space<vmem_shared>>
    tpu.enqueue_indirect_dma source(%dma_start3A_320 : memref<128xf32, #tpu.memory_space<vmem>>) target(%dma_start3A_325 : memref<1048576xf32, #tpu.memory_space<vmem_shared>>) offsets(%dma_start3A_323 : memref<128xi32, #tpu.memory_space<vmem>>) semaphore(%arg12 : memref<!tpu.dma_semaphore, #tpu.memory_space<semaphore_mem>>) {add = true}
    %dma_start3A_326 = arith.constant 20 : i32
    %dma_start3A_327 = arith.constant 20 : i32
    %dma_start3A_328 = arith.constant 0 : i32
    %dma_start3A_329 = tpu.memref_slice %arg7[%dma_start3A_326, %dma_start3A_328] : memref<64x128xf32, #tpu.memory_space<vmem>> -> memref<1x128xf32, #tpu.memory_space<vmem>>
    %dma_start3A_330 = tpu.memref_squeeze %dma_start3A_329 : memref<1x128xf32, #tpu.memory_space<vmem>> -> memref<128xf32, #tpu.memory_space<vmem>>
    %dma_start3A_331 = arith.constant 0 : i32
    %dma_start3A_332 = tpu.memref_slice %arg6[%dma_start3A_327, %dma_start3A_331] : memref<64x128xi32, #tpu.memory_space<vmem>> -> memref<1x128xi32, #tpu.memory_space<vmem>>
    %dma_start3A_333 = tpu.memref_squeeze %dma_start3A_332 : memref<1x128xi32, #tpu.memory_space<vmem>> -> memref<128xi32, #tpu.memory_space<vmem>>
    %dma_start3A_334 = arith.constant 0 : i32
    %dma_start3A_335 = tpu.memref_slice %arg9[%dma_start3A_334] : memref<1048576xf32, #tpu.memory_space<vmem_shared>> -> memref<1048576xf32, #tpu.memory_space<vmem_shared>>
    tpu.enqueue_indirect_dma source(%dma_start3A_330 : memref<128xf32, #tpu.memory_space<vmem>>) target(%dma_start3A_335 : memref<1048576xf32, #tpu.memory_space<vmem_shared>>) offsets(%dma_start3A_333 : memref<128xi32, #tpu.memory_space<vmem>>) semaphore(%arg12 : memref<!tpu.dma_semaphore, #tpu.memory_space<semaphore_mem>>) {add = true}
    %dma_start3A_336 = arith.constant 21 : i32
    %dma_start3A_337 = arith.constant 21 : i32
    %dma_start3A_338 = arith.constant 0 : i32
    %dma_start3A_339 = tpu.memref_slice %arg7[%dma_start3A_336, %dma_start3A_338] : memref<64x128xf32, #tpu.memory_space<vmem>> -> memref<1x128xf32, #tpu.memory_space<vmem>>
    %dma_start3A_340 = tpu.memref_squeeze %dma_start3A_339 : memref<1x128xf32, #tpu.memory_space<vmem>> -> memref<128xf32, #tpu.memory_space<vmem>>
    %dma_start3A_341 = arith.constant 0 : i32
    %dma_start3A_342 = tpu.memref_slice %arg6[%dma_start3A_337, %dma_start3A_341] : memref<64x128xi32, #tpu.memory_space<vmem>> -> memref<1x128xi32, #tpu.memory_space<vmem>>
    %dma_start3A_343 = tpu.memref_squeeze %dma_start3A_342 : memref<1x128xi32, #tpu.memory_space<vmem>> -> memref<128xi32, #tpu.memory_space<vmem>>
    %dma_start3A_344 = arith.constant 0 : i32
    %dma_start3A_345 = tpu.memref_slice %arg9[%dma_start3A_344] : memref<1048576xf32, #tpu.memory_space<vmem_shared>> -> memref<1048576xf32, #tpu.memory_space<vmem_shared>>
    tpu.enqueue_indirect_dma source(%dma_start3A_340 : memref<128xf32, #tpu.memory_space<vmem>>) target(%dma_start3A_345 : memref<1048576xf32, #tpu.memory_space<vmem_shared>>) offsets(%dma_start3A_343 : memref<128xi32, #tpu.memory_space<vmem>>) semaphore(%arg12 : memref<!tpu.dma_semaphore, #tpu.memory_space<semaphore_mem>>) {add = true}
    %dma_start3A_346 = arith.constant 22 : i32
    %dma_start3A_347 = arith.constant 22 : i32
    %dma_start3A_348 = arith.constant 0 : i32
    %dma_start3A_349 = tpu.memref_slice %arg7[%dma_start3A_346, %dma_start3A_348] : memref<64x128xf32, #tpu.memory_space<vmem>> -> memref<1x128xf32, #tpu.memory_space<vmem>>
    %dma_start3A_350 = tpu.memref_squeeze %dma_start3A_349 : memref<1x128xf32, #tpu.memory_space<vmem>> -> memref<128xf32, #tpu.memory_space<vmem>>
    %dma_start3A_351 = arith.constant 0 : i32
    %dma_start3A_352 = tpu.memref_slice %arg6[%dma_start3A_347, %dma_start3A_351] : memref<64x128xi32, #tpu.memory_space<vmem>> -> memref<1x128xi32, #tpu.memory_space<vmem>>
    %dma_start3A_353 = tpu.memref_squeeze %dma_start3A_352 : memref<1x128xi32, #tpu.memory_space<vmem>> -> memref<128xi32, #tpu.memory_space<vmem>>
    %dma_start3A_354 = arith.constant 0 : i32
    %dma_start3A_355 = tpu.memref_slice %arg9[%dma_start3A_354] : memref<1048576xf32, #tpu.memory_space<vmem_shared>> -> memref<1048576xf32, #tpu.memory_space<vmem_shared>>
    tpu.enqueue_indirect_dma source(%dma_start3A_350 : memref<128xf32, #tpu.memory_space<vmem>>) target(%dma_start3A_355 : memref<1048576xf32, #tpu.memory_space<vmem_shared>>) offsets(%dma_start3A_353 : memref<128xi32, #tpu.memory_space<vmem>>) semaphore(%arg12 : memref<!tpu.dma_semaphore, #tpu.memory_space<semaphore_mem>>) {add = true}
    %dma_start3A_356 = arith.constant 23 : i32
    %dma_start3A_357 = arith.constant 23 : i32
    %dma_start3A_358 = arith.constant 0 : i32
    %dma_start3A_359 = tpu.memref_slice %arg7[%dma_start3A_356, %dma_start3A_358] : memref<64x128xf32, #tpu.memory_space<vmem>> -> memref<1x128xf32, #tpu.memory_space<vmem>>
    %dma_start3A_360 = tpu.memref_squeeze %dma_start3A_359 : memref<1x128xf32, #tpu.memory_space<vmem>> -> memref<128xf32, #tpu.memory_space<vmem>>
    %dma_start3A_361 = arith.constant 0 : i32
    %dma_start3A_362 = tpu.memref_slice %arg6[%dma_start3A_357, %dma_start3A_361] : memref<64x128xi32, #tpu.memory_space<vmem>> -> memref<1x128xi32, #tpu.memory_space<vmem>>
    %dma_start3A_363 = tpu.memref_squeeze %dma_start3A_362 : memref<1x128xi32, #tpu.memory_space<vmem>> -> memref<128xi32, #tpu.memory_space<vmem>>
    %dma_start3A_364 = arith.constant 0 : i32
    %dma_start3A_365 = tpu.memref_slice %arg9[%dma_start3A_364] : memref<1048576xf32, #tpu.memory_space<vmem_shared>> -> memref<1048576xf32, #tpu.memory_space<vmem_shared>>
    tpu.enqueue_indirect_dma source(%dma_start3A_360 : memref<128xf32, #tpu.memory_space<vmem>>) target(%dma_start3A_365 : memref<1048576xf32, #tpu.memory_space<vmem_shared>>) offsets(%dma_start3A_363 : memref<128xi32, #tpu.memory_space<vmem>>) semaphore(%arg12 : memref<!tpu.dma_semaphore, #tpu.memory_space<semaphore_mem>>) {add = true}
    %dma_start3A_366 = arith.constant 24 : i32
    %dma_start3A_367 = arith.constant 24 : i32
    %dma_start3A_368 = arith.constant 0 : i32
    %dma_start3A_369 = tpu.memref_slice %arg7[%dma_start3A_366, %dma_start3A_368] : memref<64x128xf32, #tpu.memory_space<vmem>> -> memref<1x128xf32, #tpu.memory_space<vmem>>
    %dma_start3A_370 = tpu.memref_squeeze %dma_start3A_369 : memref<1x128xf32, #tpu.memory_space<vmem>> -> memref<128xf32, #tpu.memory_space<vmem>>
    %dma_start3A_371 = arith.constant 0 : i32
    %dma_start3A_372 = tpu.memref_slice %arg6[%dma_start3A_367, %dma_start3A_371] : memref<64x128xi32, #tpu.memory_space<vmem>> -> memref<1x128xi32, #tpu.memory_space<vmem>>
    %dma_start3A_373 = tpu.memref_squeeze %dma_start3A_372 : memref<1x128xi32, #tpu.memory_space<vmem>> -> memref<128xi32, #tpu.memory_space<vmem>>
    %dma_start3A_374 = arith.constant 0 : i32
    %dma_start3A_375 = tpu.memref_slice %arg9[%dma_start3A_374] : memref<1048576xf32, #tpu.memory_space<vmem_shared>> -> memref<1048576xf32, #tpu.memory_space<vmem_shared>>
    tpu.enqueue_indirect_dma source(%dma_start3A_370 : memref<128xf32, #tpu.memory_space<vmem>>) target(%dma_start3A_375 : memref<1048576xf32, #tpu.memory_space<vmem_shared>>) offsets(%dma_start3A_373 : memref<128xi32, #tpu.memory_space<vmem>>) semaphore(%arg12 : memref<!tpu.dma_semaphore, #tpu.memory_space<semaphore_mem>>) {add = true}
    %dma_start3A_376 = arith.constant 25 : i32
    %dma_start3A_377 = arith.constant 25 : i32
    %dma_start3A_378 = arith.constant 0 : i32
    %dma_start3A_379 = tpu.memref_slice %arg7[%dma_start3A_376, %dma_start3A_378] : memref<64x128xf32, #tpu.memory_space<vmem>> -> memref<1x128xf32, #tpu.memory_space<vmem>>
    %dma_start3A_380 = tpu.memref_squeeze %dma_start3A_379 : memref<1x128xf32, #tpu.memory_space<vmem>> -> memref<128xf32, #tpu.memory_space<vmem>>
    %dma_start3A_381 = arith.constant 0 : i32
    %dma_start3A_382 = tpu.memref_slice %arg6[%dma_start3A_377, %dma_start3A_381] : memref<64x128xi32, #tpu.memory_space<vmem>> -> memref<1x128xi32, #tpu.memory_space<vmem>>
    %dma_start3A_383 = tpu.memref_squeeze %dma_start3A_382 : memref<1x128xi32, #tpu.memory_space<vmem>> -> memref<128xi32, #tpu.memory_space<vmem>>
    %dma_start3A_384 = arith.constant 0 : i32
    %dma_start3A_385 = tpu.memref_slice %arg9[%dma_start3A_384] : memref<1048576xf32, #tpu.memory_space<vmem_shared>> -> memref<1048576xf32, #tpu.memory_space<vmem_shared>>
    tpu.enqueue_indirect_dma source(%dma_start3A_380 : memref<128xf32, #tpu.memory_space<vmem>>) target(%dma_start3A_385 : memref<1048576xf32, #tpu.memory_space<vmem_shared>>) offsets(%dma_start3A_383 : memref<128xi32, #tpu.memory_space<vmem>>) semaphore(%arg12 : memref<!tpu.dma_semaphore, #tpu.memory_space<semaphore_mem>>) {add = true}
    %dma_start3A_386 = arith.constant 26 : i32
    %dma_start3A_387 = arith.constant 26 : i32
    %dma_start3A_388 = arith.constant 0 : i32
    %dma_start3A_389 = tpu.memref_slice %arg7[%dma_start3A_386, %dma_start3A_388] : memref<64x128xf32, #tpu.memory_space<vmem>> -> memref<1x128xf32, #tpu.memory_space<vmem>>
    %dma_start3A_390 = tpu.memref_squeeze %dma_start3A_389 : memref<1x128xf32, #tpu.memory_space<vmem>> -> memref<128xf32, #tpu.memory_space<vmem>>
    %dma_start3A_391 = arith.constant 0 : i32
    %dma_start3A_392 = tpu.memref_slice %arg6[%dma_start3A_387, %dma_start3A_391] : memref<64x128xi32, #tpu.memory_space<vmem>> -> memref<1x128xi32, #tpu.memory_space<vmem>>
    %dma_start3A_393 = tpu.memref_squeeze %dma_start3A_392 : memref<1x128xi32, #tpu.memory_space<vmem>> -> memref<128xi32, #tpu.memory_space<vmem>>
    %dma_start3A_394 = arith.constant 0 : i32
    %dma_start3A_395 = tpu.memref_slice %arg9[%dma_start3A_394] : memref<1048576xf32, #tpu.memory_space<vmem_shared>> -> memref<1048576xf32, #tpu.memory_space<vmem_shared>>
    tpu.enqueue_indirect_dma source(%dma_start3A_390 : memref<128xf32, #tpu.memory_space<vmem>>) target(%dma_start3A_395 : memref<1048576xf32, #tpu.memory_space<vmem_shared>>) offsets(%dma_start3A_393 : memref<128xi32, #tpu.memory_space<vmem>>) semaphore(%arg12 : memref<!tpu.dma_semaphore, #tpu.memory_space<semaphore_mem>>) {add = true}
    %dma_start3A_396 = arith.constant 27 : i32
    %dma_start3A_397 = arith.constant 27 : i32
    %dma_start3A_398 = arith.constant 0 : i32
    %dma_start3A_399 = tpu.memref_slice %arg7[%dma_start3A_396, %dma_start3A_398] : memref<64x128xf32, #tpu.memory_space<vmem>> -> memref<1x128xf32, #tpu.memory_space<vmem>>
    %dma_start3A_400 = tpu.memref_squeeze %dma_start3A_399 : memref<1x128xf32, #tpu.memory_space<vmem>> -> memref<128xf32, #tpu.memory_space<vmem>>
    %dma_start3A_401 = arith.constant 0 : i32
    %dma_start3A_402 = tpu.memref_slice %arg6[%dma_start3A_397, %dma_start3A_401] : memref<64x128xi32, #tpu.memory_space<vmem>> -> memref<1x128xi32, #tpu.memory_space<vmem>>
    %dma_start3A_403 = tpu.memref_squeeze %dma_start3A_402 : memref<1x128xi32, #tpu.memory_space<vmem>> -> memref<128xi32, #tpu.memory_space<vmem>>
    %dma_start3A_404 = arith.constant 0 : i32
    %dma_start3A_405 = tpu.memref_slice %arg9[%dma_start3A_404] : memref<1048576xf32, #tpu.memory_space<vmem_shared>> -> memref<1048576xf32, #tpu.memory_space<vmem_shared>>
    tpu.enqueue_indirect_dma source(%dma_start3A_400 : memref<128xf32, #tpu.memory_space<vmem>>) target(%dma_start3A_405 : memref<1048576xf32, #tpu.memory_space<vmem_shared>>) offsets(%dma_start3A_403 : memref<128xi32, #tpu.memory_space<vmem>>) semaphore(%arg12 : memref<!tpu.dma_semaphore, #tpu.memory_space<semaphore_mem>>) {add = true}
    %dma_start3A_406 = arith.constant 28 : i32
    %dma_start3A_407 = arith.constant 28 : i32
    %dma_start3A_408 = arith.constant 0 : i32
    %dma_start3A_409 = tpu.memref_slice %arg7[%dma_start3A_406, %dma_start3A_408] : memref<64x128xf32, #tpu.memory_space<vmem>> -> memref<1x128xf32, #tpu.memory_space<vmem>>
    %dma_start3A_410 = tpu.memref_squeeze %dma_start3A_409 : memref<1x128xf32, #tpu.memory_space<vmem>> -> memref<128xf32, #tpu.memory_space<vmem>>
    %dma_start3A_411 = arith.constant 0 : i32
    %dma_start3A_412 = tpu.memref_slice %arg6[%dma_start3A_407, %dma_start3A_411] : memref<64x128xi32, #tpu.memory_space<vmem>> -> memref<1x128xi32, #tpu.memory_space<vmem>>
    %dma_start3A_413 = tpu.memref_squeeze %dma_start3A_412 : memref<1x128xi32, #tpu.memory_space<vmem>> -> memref<128xi32, #tpu.memory_space<vmem>>
    %dma_start3A_414 = arith.constant 0 : i32
    %dma_start3A_415 = tpu.memref_slice %arg9[%dma_start3A_414] : memref<1048576xf32, #tpu.memory_space<vmem_shared>> -> memref<1048576xf32, #tpu.memory_space<vmem_shared>>
    tpu.enqueue_indirect_dma source(%dma_start3A_410 : memref<128xf32, #tpu.memory_space<vmem>>) target(%dma_start3A_415 : memref<1048576xf32, #tpu.memory_space<vmem_shared>>) offsets(%dma_start3A_413 : memref<128xi32, #tpu.memory_space<vmem>>) semaphore(%arg12 : memref<!tpu.dma_semaphore, #tpu.memory_space<semaphore_mem>>) {add = true}
    %dma_start3A_416 = arith.constant 29 : i32
    %dma_start3A_417 = arith.constant 29 : i32
    %dma_start3A_418 = arith.constant 0 : i32
    %dma_start3A_419 = tpu.memref_slice %arg7[%dma_start3A_416, %dma_start3A_418] : memref<64x128xf32, #tpu.memory_space<vmem>> -> memref<1x128xf32, #tpu.memory_space<vmem>>
    %dma_start3A_420 = tpu.memref_squeeze %dma_start3A_419 : memref<1x128xf32, #tpu.memory_space<vmem>> -> memref<128xf32, #tpu.memory_space<vmem>>
    %dma_start3A_421 = arith.constant 0 : i32
    %dma_start3A_422 = tpu.memref_slice %arg6[%dma_start3A_417, %dma_start3A_421] : memref<64x128xi32, #tpu.memory_space<vmem>> -> memref<1x128xi32, #tpu.memory_space<vmem>>
    %dma_start3A_423 = tpu.memref_squeeze %dma_start3A_422 : memref<1x128xi32, #tpu.memory_space<vmem>> -> memref<128xi32, #tpu.memory_space<vmem>>
    %dma_start3A_424 = arith.constant 0 : i32
    %dma_start3A_425 = tpu.memref_slice %arg9[%dma_start3A_424] : memref<1048576xf32, #tpu.memory_space<vmem_shared>> -> memref<1048576xf32, #tpu.memory_space<vmem_shared>>
    tpu.enqueue_indirect_dma source(%dma_start3A_420 : memref<128xf32, #tpu.memory_space<vmem>>) target(%dma_start3A_425 : memref<1048576xf32, #tpu.memory_space<vmem_shared>>) offsets(%dma_start3A_423 : memref<128xi32, #tpu.memory_space<vmem>>) semaphore(%arg12 : memref<!tpu.dma_semaphore, #tpu.memory_space<semaphore_mem>>) {add = true}
    %dma_start3A_426 = arith.constant 30 : i32
    %dma_start3A_427 = arith.constant 30 : i32
    %dma_start3A_428 = arith.constant 0 : i32
    %dma_start3A_429 = tpu.memref_slice %arg7[%dma_start3A_426, %dma_start3A_428] : memref<64x128xf32, #tpu.memory_space<vmem>> -> memref<1x128xf32, #tpu.memory_space<vmem>>
    %dma_start3A_430 = tpu.memref_squeeze %dma_start3A_429 : memref<1x128xf32, #tpu.memory_space<vmem>> -> memref<128xf32, #tpu.memory_space<vmem>>
    %dma_start3A_431 = arith.constant 0 : i32
    %dma_start3A_432 = tpu.memref_slice %arg6[%dma_start3A_427, %dma_start3A_431] : memref<64x128xi32, #tpu.memory_space<vmem>> -> memref<1x128xi32, #tpu.memory_space<vmem>>
    %dma_start3A_433 = tpu.memref_squeeze %dma_start3A_432 : memref<1x128xi32, #tpu.memory_space<vmem>> -> memref<128xi32, #tpu.memory_space<vmem>>
    %dma_start3A_434 = arith.constant 0 : i32
    %dma_start3A_435 = tpu.memref_slice %arg9[%dma_start3A_434] : memref<1048576xf32, #tpu.memory_space<vmem_shared>> -> memref<1048576xf32, #tpu.memory_space<vmem_shared>>
    tpu.enqueue_indirect_dma source(%dma_start3A_430 : memref<128xf32, #tpu.memory_space<vmem>>) target(%dma_start3A_435 : memref<1048576xf32, #tpu.memory_space<vmem_shared>>) offsets(%dma_start3A_433 : memref<128xi32, #tpu.memory_space<vmem>>) semaphore(%arg12 : memref<!tpu.dma_semaphore, #tpu.memory_space<semaphore_mem>>) {add = true}
    %dma_start3A_436 = arith.constant 31 : i32
    %dma_start3A_437 = arith.constant 31 : i32
    %dma_start3A_438 = arith.constant 0 : i32
    %dma_start3A_439 = tpu.memref_slice %arg7[%dma_start3A_436, %dma_start3A_438] : memref<64x128xf32, #tpu.memory_space<vmem>> -> memref<1x128xf32, #tpu.memory_space<vmem>>
    %dma_start3A_440 = tpu.memref_squeeze %dma_start3A_439 : memref<1x128xf32, #tpu.memory_space<vmem>> -> memref<128xf32, #tpu.memory_space<vmem>>
    %dma_start3A_441 = arith.constant 0 : i32
    %dma_start3A_442 = tpu.memref_slice %arg6[%dma_start3A_437, %dma_start3A_441] : memref<64x128xi32, #tpu.memory_space<vmem>> -> memref<1x128xi32, #tpu.memory_space<vmem>>
    %dma_start3A_443 = tpu.memref_squeeze %dma_start3A_442 : memref<1x128xi32, #tpu.memory_space<vmem>> -> memref<128xi32, #tpu.memory_space<vmem>>
    %dma_start3A_444 = arith.constant 0 : i32
    %dma_start3A_445 = tpu.memref_slice %arg9[%dma_start3A_444] : memref<1048576xf32, #tpu.memory_space<vmem_shared>> -> memref<1048576xf32, #tpu.memory_space<vmem_shared>>
    tpu.enqueue_indirect_dma source(%dma_start3A_440 : memref<128xf32, #tpu.memory_space<vmem>>) target(%dma_start3A_445 : memref<1048576xf32, #tpu.memory_space<vmem_shared>>) offsets(%dma_start3A_443 : memref<128xi32, #tpu.memory_space<vmem>>) semaphore(%arg12 : memref<!tpu.dma_semaphore, #tpu.memory_space<semaphore_mem>>) {add = true}
    %dma_start3A_446 = arith.constant 32 : i32
    %dma_start3A_447 = arith.constant 32 : i32
    %dma_start3A_448 = arith.constant 0 : i32
    %dma_start3A_449 = tpu.memref_slice %arg7[%dma_start3A_446, %dma_start3A_448] : memref<64x128xf32, #tpu.memory_space<vmem>> -> memref<1x128xf32, #tpu.memory_space<vmem>>
    %dma_start3A_450 = tpu.memref_squeeze %dma_start3A_449 : memref<1x128xf32, #tpu.memory_space<vmem>> -> memref<128xf32, #tpu.memory_space<vmem>>
    %dma_start3A_451 = arith.constant 0 : i32
    %dma_start3A_452 = tpu.memref_slice %arg6[%dma_start3A_447, %dma_start3A_451] : memref<64x128xi32, #tpu.memory_space<vmem>> -> memref<1x128xi32, #tpu.memory_space<vmem>>
    %dma_start3A_453 = tpu.memref_squeeze %dma_start3A_452 : memref<1x128xi32, #tpu.memory_space<vmem>> -> memref<128xi32, #tpu.memory_space<vmem>>
    %dma_start3A_454 = arith.constant 0 : i32
    %dma_start3A_455 = tpu.memref_slice %arg9[%dma_start3A_454] : memref<1048576xf32, #tpu.memory_space<vmem_shared>> -> memref<1048576xf32, #tpu.memory_space<vmem_shared>>
    tpu.enqueue_indirect_dma source(%dma_start3A_450 : memref<128xf32, #tpu.memory_space<vmem>>) target(%dma_start3A_455 : memref<1048576xf32, #tpu.memory_space<vmem_shared>>) offsets(%dma_start3A_453 : memref<128xi32, #tpu.memory_space<vmem>>) semaphore(%arg12 : memref<!tpu.dma_semaphore, #tpu.memory_space<semaphore_mem>>) {add = true}
    %dma_start3A_456 = arith.constant 33 : i32
    %dma_start3A_457 = arith.constant 33 : i32
    %dma_start3A_458 = arith.constant 0 : i32
    %dma_start3A_459 = tpu.memref_slice %arg7[%dma_start3A_456, %dma_start3A_458] : memref<64x128xf32, #tpu.memory_space<vmem>> -> memref<1x128xf32, #tpu.memory_space<vmem>>
    %dma_start3A_460 = tpu.memref_squeeze %dma_start3A_459 : memref<1x128xf32, #tpu.memory_space<vmem>> -> memref<128xf32, #tpu.memory_space<vmem>>
    %dma_start3A_461 = arith.constant 0 : i32
    %dma_start3A_462 = tpu.memref_slice %arg6[%dma_start3A_457, %dma_start3A_461] : memref<64x128xi32, #tpu.memory_space<vmem>> -> memref<1x128xi32, #tpu.memory_space<vmem>>
    %dma_start3A_463 = tpu.memref_squeeze %dma_start3A_462 : memref<1x128xi32, #tpu.memory_space<vmem>> -> memref<128xi32, #tpu.memory_space<vmem>>
    %dma_start3A_464 = arith.constant 0 : i32
    %dma_start3A_465 = tpu.memref_slice %arg9[%dma_start3A_464] : memref<1048576xf32, #tpu.memory_space<vmem_shared>> -> memref<1048576xf32, #tpu.memory_space<vmem_shared>>
    tpu.enqueue_indirect_dma source(%dma_start3A_460 : memref<128xf32, #tpu.memory_space<vmem>>) target(%dma_start3A_465 : memref<1048576xf32, #tpu.memory_space<vmem_shared>>) offsets(%dma_start3A_463 : memref<128xi32, #tpu.memory_space<vmem>>) semaphore(%arg12 : memref<!tpu.dma_semaphore, #tpu.memory_space<semaphore_mem>>) {add = true}
    %dma_start3A_466 = arith.constant 34 : i32
    %dma_start3A_467 = arith.constant 34 : i32
    %dma_start3A_468 = arith.constant 0 : i32
    %dma_start3A_469 = tpu.memref_slice %arg7[%dma_start3A_466, %dma_start3A_468] : memref<64x128xf32, #tpu.memory_space<vmem>> -> memref<1x128xf32, #tpu.memory_space<vmem>>
    %dma_start3A_470 = tpu.memref_squeeze %dma_start3A_469 : memref<1x128xf32, #tpu.memory_space<vmem>> -> memref<128xf32, #tpu.memory_space<vmem>>
    %dma_start3A_471 = arith.constant 0 : i32
    %dma_start3A_472 = tpu.memref_slice %arg6[%dma_start3A_467, %dma_start3A_471] : memref<64x128xi32, #tpu.memory_space<vmem>> -> memref<1x128xi32, #tpu.memory_space<vmem>>
    %dma_start3A_473 = tpu.memref_squeeze %dma_start3A_472 : memref<1x128xi32, #tpu.memory_space<vmem>> -> memref<128xi32, #tpu.memory_space<vmem>>
    %dma_start3A_474 = arith.constant 0 : i32
    %dma_start3A_475 = tpu.memref_slice %arg9[%dma_start3A_474] : memref<1048576xf32, #tpu.memory_space<vmem_shared>> -> memref<1048576xf32, #tpu.memory_space<vmem_shared>>
    tpu.enqueue_indirect_dma source(%dma_start3A_470 : memref<128xf32, #tpu.memory_space<vmem>>) target(%dma_start3A_475 : memref<1048576xf32, #tpu.memory_space<vmem_shared>>) offsets(%dma_start3A_473 : memref<128xi32, #tpu.memory_space<vmem>>) semaphore(%arg12 : memref<!tpu.dma_semaphore, #tpu.memory_space<semaphore_mem>>) {add = true}
    %dma_start3A_476 = arith.constant 35 : i32
    %dma_start3A_477 = arith.constant 35 : i32
    %dma_start3A_478 = arith.constant 0 : i32
    %dma_start3A_479 = tpu.memref_slice %arg7[%dma_start3A_476, %dma_start3A_478] : memref<64x128xf32, #tpu.memory_space<vmem>> -> memref<1x128xf32, #tpu.memory_space<vmem>>
    %dma_start3A_480 = tpu.memref_squeeze %dma_start3A_479 : memref<1x128xf32, #tpu.memory_space<vmem>> -> memref<128xf32, #tpu.memory_space<vmem>>
    %dma_start3A_481 = arith.constant 0 : i32
    %dma_start3A_482 = tpu.memref_slice %arg6[%dma_start3A_477, %dma_start3A_481] : memref<64x128xi32, #tpu.memory_space<vmem>> -> memref<1x128xi32, #tpu.memory_space<vmem>>
    %dma_start3A_483 = tpu.memref_squeeze %dma_start3A_482 : memref<1x128xi32, #tpu.memory_space<vmem>> -> memref<128xi32, #tpu.memory_space<vmem>>
    %dma_start3A_484 = arith.constant 0 : i32
    %dma_start3A_485 = tpu.memref_slice %arg9[%dma_start3A_484] : memref<1048576xf32, #tpu.memory_space<vmem_shared>> -> memref<1048576xf32, #tpu.memory_space<vmem_shared>>
    tpu.enqueue_indirect_dma source(%dma_start3A_480 : memref<128xf32, #tpu.memory_space<vmem>>) target(%dma_start3A_485 : memref<1048576xf32, #tpu.memory_space<vmem_shared>>) offsets(%dma_start3A_483 : memref<128xi32, #tpu.memory_space<vmem>>) semaphore(%arg12 : memref<!tpu.dma_semaphore, #tpu.memory_space<semaphore_mem>>) {add = true}
    %dma_start3A_486 = arith.constant 36 : i32
    %dma_start3A_487 = arith.constant 36 : i32
    %dma_start3A_488 = arith.constant 0 : i32
    %dma_start3A_489 = tpu.memref_slice %arg7[%dma_start3A_486, %dma_start3A_488] : memref<64x128xf32, #tpu.memory_space<vmem>> -> memref<1x128xf32, #tpu.memory_space<vmem>>
    %dma_start3A_490 = tpu.memref_squeeze %dma_start3A_489 : memref<1x128xf32, #tpu.memory_space<vmem>> -> memref<128xf32, #tpu.memory_space<vmem>>
    %dma_start3A_491 = arith.constant 0 : i32
    %dma_start3A_492 = tpu.memref_slice %arg6[%dma_start3A_487, %dma_start3A_491] : memref<64x128xi32, #tpu.memory_space<vmem>> -> memref<1x128xi32, #tpu.memory_space<vmem>>
    %dma_start3A_493 = tpu.memref_squeeze %dma_start3A_492 : memref<1x128xi32, #tpu.memory_space<vmem>> -> memref<128xi32, #tpu.memory_space<vmem>>
    %dma_start3A_494 = arith.constant 0 : i32
    %dma_start3A_495 = tpu.memref_slice %arg9[%dma_start3A_494] : memref<1048576xf32, #tpu.memory_space<vmem_shared>> -> memref<1048576xf32, #tpu.memory_space<vmem_shared>>
    tpu.enqueue_indirect_dma source(%dma_start3A_490 : memref<128xf32, #tpu.memory_space<vmem>>) target(%dma_start3A_495 : memref<1048576xf32, #tpu.memory_space<vmem_shared>>) offsets(%dma_start3A_493 : memref<128xi32, #tpu.memory_space<vmem>>) semaphore(%arg12 : memref<!tpu.dma_semaphore, #tpu.memory_space<semaphore_mem>>) {add = true}
    %dma_start3A_496 = arith.constant 37 : i32
    %dma_start3A_497 = arith.constant 37 : i32
    %dma_start3A_498 = arith.constant 0 : i32
    %dma_start3A_499 = tpu.memref_slice %arg7[%dma_start3A_496, %dma_start3A_498] : memref<64x128xf32, #tpu.memory_space<vmem>> -> memref<1x128xf32, #tpu.memory_space<vmem>>
    %dma_start3A_500 = tpu.memref_squeeze %dma_start3A_499 : memref<1x128xf32, #tpu.memory_space<vmem>> -> memref<128xf32, #tpu.memory_space<vmem>>
    %dma_start3A_501 = arith.constant 0 : i32
    %dma_start3A_502 = tpu.memref_slice %arg6[%dma_start3A_497, %dma_start3A_501] : memref<64x128xi32, #tpu.memory_space<vmem>> -> memref<1x128xi32, #tpu.memory_space<vmem>>
    %dma_start3A_503 = tpu.memref_squeeze %dma_start3A_502 : memref<1x128xi32, #tpu.memory_space<vmem>> -> memref<128xi32, #tpu.memory_space<vmem>>
    %dma_start3A_504 = arith.constant 0 : i32
    %dma_start3A_505 = tpu.memref_slice %arg9[%dma_start3A_504] : memref<1048576xf32, #tpu.memory_space<vmem_shared>> -> memref<1048576xf32, #tpu.memory_space<vmem_shared>>
    tpu.enqueue_indirect_dma source(%dma_start3A_500 : memref<128xf32, #tpu.memory_space<vmem>>) target(%dma_start3A_505 : memref<1048576xf32, #tpu.memory_space<vmem_shared>>) offsets(%dma_start3A_503 : memref<128xi32, #tpu.memory_space<vmem>>) semaphore(%arg12 : memref<!tpu.dma_semaphore, #tpu.memory_space<semaphore_mem>>) {add = true}
    %dma_start3A_506 = arith.constant 38 : i32
    %dma_start3A_507 = arith.constant 38 : i32
    %dma_start3A_508 = arith.constant 0 : i32
    %dma_start3A_509 = tpu.memref_slice %arg7[%dma_start3A_506, %dma_start3A_508] : memref<64x128xf32, #tpu.memory_space<vmem>> -> memref<1x128xf32, #tpu.memory_space<vmem>>
    %dma_start3A_510 = tpu.memref_squeeze %dma_start3A_509 : memref<1x128xf32, #tpu.memory_space<vmem>> -> memref<128xf32, #tpu.memory_space<vmem>>
    %dma_start3A_511 = arith.constant 0 : i32
    %dma_start3A_512 = tpu.memref_slice %arg6[%dma_start3A_507, %dma_start3A_511] : memref<64x128xi32, #tpu.memory_space<vmem>> -> memref<1x128xi32, #tpu.memory_space<vmem>>
    %dma_start3A_513 = tpu.memref_squeeze %dma_start3A_512 : memref<1x128xi32, #tpu.memory_space<vmem>> -> memref<128xi32, #tpu.memory_space<vmem>>
    %dma_start3A_514 = arith.constant 0 : i32
    %dma_start3A_515 = tpu.memref_slice %arg9[%dma_start3A_514] : memref<1048576xf32, #tpu.memory_space<vmem_shared>> -> memref<1048576xf32, #tpu.memory_space<vmem_shared>>
    tpu.enqueue_indirect_dma source(%dma_start3A_510 : memref<128xf32, #tpu.memory_space<vmem>>) target(%dma_start3A_515 : memref<1048576xf32, #tpu.memory_space<vmem_shared>>) offsets(%dma_start3A_513 : memref<128xi32, #tpu.memory_space<vmem>>) semaphore(%arg12 : memref<!tpu.dma_semaphore, #tpu.memory_space<semaphore_mem>>) {add = true}
    %dma_start3A_516 = arith.constant 39 : i32
    %dma_start3A_517 = arith.constant 39 : i32
    %dma_start3A_518 = arith.constant 0 : i32
    %dma_start3A_519 = tpu.memref_slice %arg7[%dma_start3A_516, %dma_start3A_518] : memref<64x128xf32, #tpu.memory_space<vmem>> -> memref<1x128xf32, #tpu.memory_space<vmem>>
    %dma_start3A_520 = tpu.memref_squeeze %dma_start3A_519 : memref<1x128xf32, #tpu.memory_space<vmem>> -> memref<128xf32, #tpu.memory_space<vmem>>
    %dma_start3A_521 = arith.constant 0 : i32
    %dma_start3A_522 = tpu.memref_slice %arg6[%dma_start3A_517, %dma_start3A_521] : memref<64x128xi32, #tpu.memory_space<vmem>> -> memref<1x128xi32, #tpu.memory_space<vmem>>
    %dma_start3A_523 = tpu.memref_squeeze %dma_start3A_522 : memref<1x128xi32, #tpu.memory_space<vmem>> -> memref<128xi32, #tpu.memory_space<vmem>>
    %dma_start3A_524 = arith.constant 0 : i32
    %dma_start3A_525 = tpu.memref_slice %arg9[%dma_start3A_524] : memref<1048576xf32, #tpu.memory_space<vmem_shared>> -> memref<1048576xf32, #tpu.memory_space<vmem_shared>>
    tpu.enqueue_indirect_dma source(%dma_start3A_520 : memref<128xf32, #tpu.memory_space<vmem>>) target(%dma_start3A_525 : memref<1048576xf32, #tpu.memory_space<vmem_shared>>) offsets(%dma_start3A_523 : memref<128xi32, #tpu.memory_space<vmem>>) semaphore(%arg12 : memref<!tpu.dma_semaphore, #tpu.memory_space<semaphore_mem>>) {add = true}
    %dma_start3A_526 = arith.constant 40 : i32
    %dma_start3A_527 = arith.constant 40 : i32
    %dma_start3A_528 = arith.constant 0 : i32
    %dma_start3A_529 = tpu.memref_slice %arg7[%dma_start3A_526, %dma_start3A_528] : memref<64x128xf32, #tpu.memory_space<vmem>> -> memref<1x128xf32, #tpu.memory_space<vmem>>
    %dma_start3A_530 = tpu.memref_squeeze %dma_start3A_529 : memref<1x128xf32, #tpu.memory_space<vmem>> -> memref<128xf32, #tpu.memory_space<vmem>>
    %dma_start3A_531 = arith.constant 0 : i32
    %dma_start3A_532 = tpu.memref_slice %arg6[%dma_start3A_527, %dma_start3A_531] : memref<64x128xi32, #tpu.memory_space<vmem>> -> memref<1x128xi32, #tpu.memory_space<vmem>>
    %dma_start3A_533 = tpu.memref_squeeze %dma_start3A_532 : memref<1x128xi32, #tpu.memory_space<vmem>> -> memref<128xi32, #tpu.memory_space<vmem>>
    %dma_start3A_534 = arith.constant 0 : i32
    %dma_start3A_535 = tpu.memref_slice %arg9[%dma_start3A_534] : memref<1048576xf32, #tpu.memory_space<vmem_shared>> -> memref<1048576xf32, #tpu.memory_space<vmem_shared>>
    tpu.enqueue_indirect_dma source(%dma_start3A_530 : memref<128xf32, #tpu.memory_space<vmem>>) target(%dma_start3A_535 : memref<1048576xf32, #tpu.memory_space<vmem_shared>>) offsets(%dma_start3A_533 : memref<128xi32, #tpu.memory_space<vmem>>) semaphore(%arg12 : memref<!tpu.dma_semaphore, #tpu.memory_space<semaphore_mem>>) {add = true}
    %dma_start3A_536 = arith.constant 41 : i32
    %dma_start3A_537 = arith.constant 41 : i32
    %dma_start3A_538 = arith.constant 0 : i32
    %dma_start3A_539 = tpu.memref_slice %arg7[%dma_start3A_536, %dma_start3A_538] : memref<64x128xf32, #tpu.memory_space<vmem>> -> memref<1x128xf32, #tpu.memory_space<vmem>>
    %dma_start3A_540 = tpu.memref_squeeze %dma_start3A_539 : memref<1x128xf32, #tpu.memory_space<vmem>> -> memref<128xf32, #tpu.memory_space<vmem>>
    %dma_start3A_541 = arith.constant 0 : i32
    %dma_start3A_542 = tpu.memref_slice %arg6[%dma_start3A_537, %dma_start3A_541] : memref<64x128xi32, #tpu.memory_space<vmem>> -> memref<1x128xi32, #tpu.memory_space<vmem>>
    %dma_start3A_543 = tpu.memref_squeeze %dma_start3A_542 : memref<1x128xi32, #tpu.memory_space<vmem>> -> memref<128xi32, #tpu.memory_space<vmem>>
    %dma_start3A_544 = arith.constant 0 : i32
    %dma_start3A_545 = tpu.memref_slice %arg9[%dma_start3A_544] : memref<1048576xf32, #tpu.memory_space<vmem_shared>> -> memref<1048576xf32, #tpu.memory_space<vmem_shared>>
    tpu.enqueue_indirect_dma source(%dma_start3A_540 : memref<128xf32, #tpu.memory_space<vmem>>) target(%dma_start3A_545 : memref<1048576xf32, #tpu.memory_space<vmem_shared>>) offsets(%dma_start3A_543 : memref<128xi32, #tpu.memory_space<vmem>>) semaphore(%arg12 : memref<!tpu.dma_semaphore, #tpu.memory_space<semaphore_mem>>) {add = true}
    %dma_start3A_546 = arith.constant 42 : i32
    %dma_start3A_547 = arith.constant 42 : i32
    %dma_start3A_548 = arith.constant 0 : i32
    %dma_start3A_549 = tpu.memref_slice %arg7[%dma_start3A_546, %dma_start3A_548] : memref<64x128xf32, #tpu.memory_space<vmem>> -> memref<1x128xf32, #tpu.memory_space<vmem>>
    %dma_start3A_550 = tpu.memref_squeeze %dma_start3A_549 : memref<1x128xf32, #tpu.memory_space<vmem>> -> memref<128xf32, #tpu.memory_space<vmem>>
    %dma_start3A_551 = arith.constant 0 : i32
    %dma_start3A_552 = tpu.memref_slice %arg6[%dma_start3A_547, %dma_start3A_551] : memref<64x128xi32, #tpu.memory_space<vmem>> -> memref<1x128xi32, #tpu.memory_space<vmem>>
    %dma_start3A_553 = tpu.memref_squeeze %dma_start3A_552 : memref<1x128xi32, #tpu.memory_space<vmem>> -> memref<128xi32, #tpu.memory_space<vmem>>
    %dma_start3A_554 = arith.constant 0 : i32
    %dma_start3A_555 = tpu.memref_slice %arg9[%dma_start3A_554] : memref<1048576xf32, #tpu.memory_space<vmem_shared>> -> memref<1048576xf32, #tpu.memory_space<vmem_shared>>
    tpu.enqueue_indirect_dma source(%dma_start3A_550 : memref<128xf32, #tpu.memory_space<vmem>>) target(%dma_start3A_555 : memref<1048576xf32, #tpu.memory_space<vmem_shared>>) offsets(%dma_start3A_553 : memref<128xi32, #tpu.memory_space<vmem>>) semaphore(%arg12 : memref<!tpu.dma_semaphore, #tpu.memory_space<semaphore_mem>>) {add = true}
    %dma_start3A_556 = arith.constant 43 : i32
    %dma_start3A_557 = arith.constant 43 : i32
    %dma_start3A_558 = arith.constant 0 : i32
    %dma_start3A_559 = tpu.memref_slice %arg7[%dma_start3A_556, %dma_start3A_558] : memref<64x128xf32, #tpu.memory_space<vmem>> -> memref<1x128xf32, #tpu.memory_space<vmem>>
    %dma_start3A_560 = tpu.memref_squeeze %dma_start3A_559 : memref<1x128xf32, #tpu.memory_space<vmem>> -> memref<128xf32, #tpu.memory_space<vmem>>
    %dma_start3A_561 = arith.constant 0 : i32
    %dma_start3A_562 = tpu.memref_slice %arg6[%dma_start3A_557, %dma_start3A_561] : memref<64x128xi32, #tpu.memory_space<vmem>> -> memref<1x128xi32, #tpu.memory_space<vmem>>
    %dma_start3A_563 = tpu.memref_squeeze %dma_start3A_562 : memref<1x128xi32, #tpu.memory_space<vmem>> -> memref<128xi32, #tpu.memory_space<vmem>>
    %dma_start3A_564 = arith.constant 0 : i32
    %dma_start3A_565 = tpu.memref_slice %arg9[%dma_start3A_564] : memref<1048576xf32, #tpu.memory_space<vmem_shared>> -> memref<1048576xf32, #tpu.memory_space<vmem_shared>>
    tpu.enqueue_indirect_dma source(%dma_start3A_560 : memref<128xf32, #tpu.memory_space<vmem>>) target(%dma_start3A_565 : memref<1048576xf32, #tpu.memory_space<vmem_shared>>) offsets(%dma_start3A_563 : memref<128xi32, #tpu.memory_space<vmem>>) semaphore(%arg12 : memref<!tpu.dma_semaphore, #tpu.memory_space<semaphore_mem>>) {add = true}
    %dma_start3A_566 = arith.constant 44 : i32
    %dma_start3A_567 = arith.constant 44 : i32
    %dma_start3A_568 = arith.constant 0 : i32
    %dma_start3A_569 = tpu.memref_slice %arg7[%dma_start3A_566, %dma_start3A_568] : memref<64x128xf32, #tpu.memory_space<vmem>> -> memref<1x128xf32, #tpu.memory_space<vmem>>
    %dma_start3A_570 = tpu.memref_squeeze %dma_start3A_569 : memref<1x128xf32, #tpu.memory_space<vmem>> -> memref<128xf32, #tpu.memory_space<vmem>>
    %dma_start3A_571 = arith.constant 0 : i32
    %dma_start3A_572 = tpu.memref_slice %arg6[%dma_start3A_567, %dma_start3A_571] : memref<64x128xi32, #tpu.memory_space<vmem>> -> memref<1x128xi32, #tpu.memory_space<vmem>>
    %dma_start3A_573 = tpu.memref_squeeze %dma_start3A_572 : memref<1x128xi32, #tpu.memory_space<vmem>> -> memref<128xi32, #tpu.memory_space<vmem>>
    %dma_start3A_574 = arith.constant 0 : i32
    %dma_start3A_575 = tpu.memref_slice %arg9[%dma_start3A_574] : memref<1048576xf32, #tpu.memory_space<vmem_shared>> -> memref<1048576xf32, #tpu.memory_space<vmem_shared>>
    tpu.enqueue_indirect_dma source(%dma_start3A_570 : memref<128xf32, #tpu.memory_space<vmem>>) target(%dma_start3A_575 : memref<1048576xf32, #tpu.memory_space<vmem_shared>>) offsets(%dma_start3A_573 : memref<128xi32, #tpu.memory_space<vmem>>) semaphore(%arg12 : memref<!tpu.dma_semaphore, #tpu.memory_space<semaphore_mem>>) {add = true}
    %dma_start3A_576 = arith.constant 45 : i32
    %dma_start3A_577 = arith.constant 45 : i32
    %dma_start3A_578 = arith.constant 0 : i32
    %dma_start3A_579 = tpu.memref_slice %arg7[%dma_start3A_576, %dma_start3A_578] : memref<64x128xf32, #tpu.memory_space<vmem>> -> memref<1x128xf32, #tpu.memory_space<vmem>>
    %dma_start3A_580 = tpu.memref_squeeze %dma_start3A_579 : memref<1x128xf32, #tpu.memory_space<vmem>> -> memref<128xf32, #tpu.memory_space<vmem>>
    %dma_start3A_581 = arith.constant 0 : i32
    %dma_start3A_582 = tpu.memref_slice %arg6[%dma_start3A_577, %dma_start3A_581] : memref<64x128xi32, #tpu.memory_space<vmem>> -> memref<1x128xi32, #tpu.memory_space<vmem>>
    %dma_start3A_583 = tpu.memref_squeeze %dma_start3A_582 : memref<1x128xi32, #tpu.memory_space<vmem>> -> memref<128xi32, #tpu.memory_space<vmem>>
    %dma_start3A_584 = arith.constant 0 : i32
    %dma_start3A_585 = tpu.memref_slice %arg9[%dma_start3A_584] : memref<1048576xf32, #tpu.memory_space<vmem_shared>> -> memref<1048576xf32, #tpu.memory_space<vmem_shared>>
    tpu.enqueue_indirect_dma source(%dma_start3A_580 : memref<128xf32, #tpu.memory_space<vmem>>) target(%dma_start3A_585 : memref<1048576xf32, #tpu.memory_space<vmem_shared>>) offsets(%dma_start3A_583 : memref<128xi32, #tpu.memory_space<vmem>>) semaphore(%arg12 : memref<!tpu.dma_semaphore, #tpu.memory_space<semaphore_mem>>) {add = true}
    %dma_start3A_586 = arith.constant 46 : i32
    %dma_start3A_587 = arith.constant 46 : i32
    %dma_start3A_588 = arith.constant 0 : i32
    %dma_start3A_589 = tpu.memref_slice %arg7[%dma_start3A_586, %dma_start3A_588] : memref<64x128xf32, #tpu.memory_space<vmem>> -> memref<1x128xf32, #tpu.memory_space<vmem>>
    %dma_start3A_590 = tpu.memref_squeeze %dma_start3A_589 : memref<1x128xf32, #tpu.memory_space<vmem>> -> memref<128xf32, #tpu.memory_space<vmem>>
    %dma_start3A_591 = arith.constant 0 : i32
    %dma_start3A_592 = tpu.memref_slice %arg6[%dma_start3A_587, %dma_start3A_591] : memref<64x128xi32, #tpu.memory_space<vmem>> -> memref<1x128xi32, #tpu.memory_space<vmem>>
    %dma_start3A_593 = tpu.memref_squeeze %dma_start3A_592 : memref<1x128xi32, #tpu.memory_space<vmem>> -> memref<128xi32, #tpu.memory_space<vmem>>
    %dma_start3A_594 = arith.constant 0 : i32
    %dma_start3A_595 = tpu.memref_slice %arg9[%dma_start3A_594] : memref<1048576xf32, #tpu.memory_space<vmem_shared>> -> memref<1048576xf32, #tpu.memory_space<vmem_shared>>
    tpu.enqueue_indirect_dma source(%dma_start3A_590 : memref<128xf32, #tpu.memory_space<vmem>>) target(%dma_start3A_595 : memref<1048576xf32, #tpu.memory_space<vmem_shared>>) offsets(%dma_start3A_593 : memref<128xi32, #tpu.memory_space<vmem>>) semaphore(%arg12 : memref<!tpu.dma_semaphore, #tpu.memory_space<semaphore_mem>>) {add = true}
    %dma_start3A_596 = arith.constant 47 : i32
    %dma_start3A_597 = arith.constant 47 : i32
    %dma_start3A_598 = arith.constant 0 : i32
    %dma_start3A_599 = tpu.memref_slice %arg7[%dma_start3A_596, %dma_start3A_598] : memref<64x128xf32, #tpu.memory_space<vmem>> -> memref<1x128xf32, #tpu.memory_space<vmem>>
    %dma_start3A_600 = tpu.memref_squeeze %dma_start3A_599 : memref<1x128xf32, #tpu.memory_space<vmem>> -> memref<128xf32, #tpu.memory_space<vmem>>
    %dma_start3A_601 = arith.constant 0 : i32
    %dma_start3A_602 = tpu.memref_slice %arg6[%dma_start3A_597, %dma_start3A_601] : memref<64x128xi32, #tpu.memory_space<vmem>> -> memref<1x128xi32, #tpu.memory_space<vmem>>
    %dma_start3A_603 = tpu.memref_squeeze %dma_start3A_602 : memref<1x128xi32, #tpu.memory_space<vmem>> -> memref<128xi32, #tpu.memory_space<vmem>>
    %dma_start3A_604 = arith.constant 0 : i32
    %dma_start3A_605 = tpu.memref_slice %arg9[%dma_start3A_604] : memref<1048576xf32, #tpu.memory_space<vmem_shared>> -> memref<1048576xf32, #tpu.memory_space<vmem_shared>>
    tpu.enqueue_indirect_dma source(%dma_start3A_600 : memref<128xf32, #tpu.memory_space<vmem>>) target(%dma_start3A_605 : memref<1048576xf32, #tpu.memory_space<vmem_shared>>) offsets(%dma_start3A_603 : memref<128xi32, #tpu.memory_space<vmem>>) semaphore(%arg12 : memref<!tpu.dma_semaphore, #tpu.memory_space<semaphore_mem>>) {add = true}
    %dma_start3A_606 = arith.constant 48 : i32
    %dma_start3A_607 = arith.constant 48 : i32
    %dma_start3A_608 = arith.constant 0 : i32
    %dma_start3A_609 = tpu.memref_slice %arg7[%dma_start3A_606, %dma_start3A_608] : memref<64x128xf32, #tpu.memory_space<vmem>> -> memref<1x128xf32, #tpu.memory_space<vmem>>
    %dma_start3A_610 = tpu.memref_squeeze %dma_start3A_609 : memref<1x128xf32, #tpu.memory_space<vmem>> -> memref<128xf32, #tpu.memory_space<vmem>>
    %dma_start3A_611 = arith.constant 0 : i32
    %dma_start3A_612 = tpu.memref_slice %arg6[%dma_start3A_607, %dma_start3A_611] : memref<64x128xi32, #tpu.memory_space<vmem>> -> memref<1x128xi32, #tpu.memory_space<vmem>>
    %dma_start3A_613 = tpu.memref_squeeze %dma_start3A_612 : memref<1x128xi32, #tpu.memory_space<vmem>> -> memref<128xi32, #tpu.memory_space<vmem>>
    %dma_start3A_614 = arith.constant 0 : i32
    %dma_start3A_615 = tpu.memref_slice %arg9[%dma_start3A_614] : memref<1048576xf32, #tpu.memory_space<vmem_shared>> -> memref<1048576xf32, #tpu.memory_space<vmem_shared>>
    tpu.enqueue_indirect_dma source(%dma_start3A_610 : memref<128xf32, #tpu.memory_space<vmem>>) target(%dma_start3A_615 : memref<1048576xf32, #tpu.memory_space<vmem_shared>>) offsets(%dma_start3A_613 : memref<128xi32, #tpu.memory_space<vmem>>) semaphore(%arg12 : memref<!tpu.dma_semaphore, #tpu.memory_space<semaphore_mem>>) {add = true}
    %dma_start3A_616 = arith.constant 49 : i32
    %dma_start3A_617 = arith.constant 49 : i32
    %dma_start3A_618 = arith.constant 0 : i32
    %dma_start3A_619 = tpu.memref_slice %arg7[%dma_start3A_616, %dma_start3A_618] : memref<64x128xf32, #tpu.memory_space<vmem>> -> memref<1x128xf32, #tpu.memory_space<vmem>>
    %dma_start3A_620 = tpu.memref_squeeze %dma_start3A_619 : memref<1x128xf32, #tpu.memory_space<vmem>> -> memref<128xf32, #tpu.memory_space<vmem>>
    %dma_start3A_621 = arith.constant 0 : i32
    %dma_start3A_622 = tpu.memref_slice %arg6[%dma_start3A_617, %dma_start3A_621] : memref<64x128xi32, #tpu.memory_space<vmem>> -> memref<1x128xi32, #tpu.memory_space<vmem>>
    %dma_start3A_623 = tpu.memref_squeeze %dma_start3A_622 : memref<1x128xi32, #tpu.memory_space<vmem>> -> memref<128xi32, #tpu.memory_space<vmem>>
    %dma_start3A_624 = arith.constant 0 : i32
    %dma_start3A_625 = tpu.memref_slice %arg9[%dma_start3A_624] : memref<1048576xf32, #tpu.memory_space<vmem_shared>> -> memref<1048576xf32, #tpu.memory_space<vmem_shared>>
    tpu.enqueue_indirect_dma source(%dma_start3A_620 : memref<128xf32, #tpu.memory_space<vmem>>) target(%dma_start3A_625 : memref<1048576xf32, #tpu.memory_space<vmem_shared>>) offsets(%dma_start3A_623 : memref<128xi32, #tpu.memory_space<vmem>>) semaphore(%arg12 : memref<!tpu.dma_semaphore, #tpu.memory_space<semaphore_mem>>) {add = true}
    %dma_start3A_626 = arith.constant 50 : i32
    %dma_start3A_627 = arith.constant 50 : i32
    %dma_start3A_628 = arith.constant 0 : i32
    %dma_start3A_629 = tpu.memref_slice %arg7[%dma_start3A_626, %dma_start3A_628] : memref<64x128xf32, #tpu.memory_space<vmem>> -> memref<1x128xf32, #tpu.memory_space<vmem>>
    %dma_start3A_630 = tpu.memref_squeeze %dma_start3A_629 : memref<1x128xf32, #tpu.memory_space<vmem>> -> memref<128xf32, #tpu.memory_space<vmem>>
    %dma_start3A_631 = arith.constant 0 : i32
    %dma_start3A_632 = tpu.memref_slice %arg6[%dma_start3A_627, %dma_start3A_631] : memref<64x128xi32, #tpu.memory_space<vmem>> -> memref<1x128xi32, #tpu.memory_space<vmem>>
    %dma_start3A_633 = tpu.memref_squeeze %dma_start3A_632 : memref<1x128xi32, #tpu.memory_space<vmem>> -> memref<128xi32, #tpu.memory_space<vmem>>
    %dma_start3A_634 = arith.constant 0 : i32
    %dma_start3A_635 = tpu.memref_slice %arg9[%dma_start3A_634] : memref<1048576xf32, #tpu.memory_space<vmem_shared>> -> memref<1048576xf32, #tpu.memory_space<vmem_shared>>
    tpu.enqueue_indirect_dma source(%dma_start3A_630 : memref<128xf32, #tpu.memory_space<vmem>>) target(%dma_start3A_635 : memref<1048576xf32, #tpu.memory_space<vmem_shared>>) offsets(%dma_start3A_633 : memref<128xi32, #tpu.memory_space<vmem>>) semaphore(%arg12 : memref<!tpu.dma_semaphore, #tpu.memory_space<semaphore_mem>>) {add = true}
    %dma_start3A_636 = arith.constant 51 : i32
    %dma_start3A_637 = arith.constant 51 : i32
    %dma_start3A_638 = arith.constant 0 : i32
    %dma_start3A_639 = tpu.memref_slice %arg7[%dma_start3A_636, %dma_start3A_638] : memref<64x128xf32, #tpu.memory_space<vmem>> -> memref<1x128xf32, #tpu.memory_space<vmem>>
    %dma_start3A_640 = tpu.memref_squeeze %dma_start3A_639 : memref<1x128xf32, #tpu.memory_space<vmem>> -> memref<128xf32, #tpu.memory_space<vmem>>
    %dma_start3A_641 = arith.constant 0 : i32
    %dma_start3A_642 = tpu.memref_slice %arg6[%dma_start3A_637, %dma_start3A_641] : memref<64x128xi32, #tpu.memory_space<vmem>> -> memref<1x128xi32, #tpu.memory_space<vmem>>
    %dma_start3A_643 = tpu.memref_squeeze %dma_start3A_642 : memref<1x128xi32, #tpu.memory_space<vmem>> -> memref<128xi32, #tpu.memory_space<vmem>>
    %dma_start3A_644 = arith.constant 0 : i32
    %dma_start3A_645 = tpu.memref_slice %arg9[%dma_start3A_644] : memref<1048576xf32, #tpu.memory_space<vmem_shared>> -> memref<1048576xf32, #tpu.memory_space<vmem_shared>>
    tpu.enqueue_indirect_dma source(%dma_start3A_640 : memref<128xf32, #tpu.memory_space<vmem>>) target(%dma_start3A_645 : memref<1048576xf32, #tpu.memory_space<vmem_shared>>) offsets(%dma_start3A_643 : memref<128xi32, #tpu.memory_space<vmem>>) semaphore(%arg12 : memref<!tpu.dma_semaphore, #tpu.memory_space<semaphore_mem>>) {add = true}
    %dma_start3A_646 = arith.constant 52 : i32
    %dma_start3A_647 = arith.constant 52 : i32
    %dma_start3A_648 = arith.constant 0 : i32
    %dma_start3A_649 = tpu.memref_slice %arg7[%dma_start3A_646, %dma_start3A_648] : memref<64x128xf32, #tpu.memory_space<vmem>> -> memref<1x128xf32, #tpu.memory_space<vmem>>
    %dma_start3A_650 = tpu.memref_squeeze %dma_start3A_649 : memref<1x128xf32, #tpu.memory_space<vmem>> -> memref<128xf32, #tpu.memory_space<vmem>>
    %dma_start3A_651 = arith.constant 0 : i32
    %dma_start3A_652 = tpu.memref_slice %arg6[%dma_start3A_647, %dma_start3A_651] : memref<64x128xi32, #tpu.memory_space<vmem>> -> memref<1x128xi32, #tpu.memory_space<vmem>>
    %dma_start3A_653 = tpu.memref_squeeze %dma_start3A_652 : memref<1x128xi32, #tpu.memory_space<vmem>> -> memref<128xi32, #tpu.memory_space<vmem>>
    %dma_start3A_654 = arith.constant 0 : i32
    %dma_start3A_655 = tpu.memref_slice %arg9[%dma_start3A_654] : memref<1048576xf32, #tpu.memory_space<vmem_shared>> -> memref<1048576xf32, #tpu.memory_space<vmem_shared>>
    tpu.enqueue_indirect_dma source(%dma_start3A_650 : memref<128xf32, #tpu.memory_space<vmem>>) target(%dma_start3A_655 : memref<1048576xf32, #tpu.memory_space<vmem_shared>>) offsets(%dma_start3A_653 : memref<128xi32, #tpu.memory_space<vmem>>) semaphore(%arg12 : memref<!tpu.dma_semaphore, #tpu.memory_space<semaphore_mem>>) {add = true}
    %dma_start3A_656 = arith.constant 53 : i32
    %dma_start3A_657 = arith.constant 53 : i32
    %dma_start3A_658 = arith.constant 0 : i32
    %dma_start3A_659 = tpu.memref_slice %arg7[%dma_start3A_656, %dma_start3A_658] : memref<64x128xf32, #tpu.memory_space<vmem>> -> memref<1x128xf32, #tpu.memory_space<vmem>>
    %dma_start3A_660 = tpu.memref_squeeze %dma_start3A_659 : memref<1x128xf32, #tpu.memory_space<vmem>> -> memref<128xf32, #tpu.memory_space<vmem>>
    %dma_start3A_661 = arith.constant 0 : i32
    %dma_start3A_662 = tpu.memref_slice %arg6[%dma_start3A_657, %dma_start3A_661] : memref<64x128xi32, #tpu.memory_space<vmem>> -> memref<1x128xi32, #tpu.memory_space<vmem>>
    %dma_start3A_663 = tpu.memref_squeeze %dma_start3A_662 : memref<1x128xi32, #tpu.memory_space<vmem>> -> memref<128xi32, #tpu.memory_space<vmem>>
    %dma_start3A_664 = arith.constant 0 : i32
    %dma_start3A_665 = tpu.memref_slice %arg9[%dma_start3A_664] : memref<1048576xf32, #tpu.memory_space<vmem_shared>> -> memref<1048576xf32, #tpu.memory_space<vmem_shared>>
    tpu.enqueue_indirect_dma source(%dma_start3A_660 : memref<128xf32, #tpu.memory_space<vmem>>) target(%dma_start3A_665 : memref<1048576xf32, #tpu.memory_space<vmem_shared>>) offsets(%dma_start3A_663 : memref<128xi32, #tpu.memory_space<vmem>>) semaphore(%arg12 : memref<!tpu.dma_semaphore, #tpu.memory_space<semaphore_mem>>) {add = true}
    %dma_start3A_666 = arith.constant 54 : i32
    %dma_start3A_667 = arith.constant 54 : i32
    %dma_start3A_668 = arith.constant 0 : i32
    %dma_start3A_669 = tpu.memref_slice %arg7[%dma_start3A_666, %dma_start3A_668] : memref<64x128xf32, #tpu.memory_space<vmem>> -> memref<1x128xf32, #tpu.memory_space<vmem>>
    %dma_start3A_670 = tpu.memref_squeeze %dma_start3A_669 : memref<1x128xf32, #tpu.memory_space<vmem>> -> memref<128xf32, #tpu.memory_space<vmem>>
    %dma_start3A_671 = arith.constant 0 : i32
    %dma_start3A_672 = tpu.memref_slice %arg6[%dma_start3A_667, %dma_start3A_671] : memref<64x128xi32, #tpu.memory_space<vmem>> -> memref<1x128xi32, #tpu.memory_space<vmem>>
    %dma_start3A_673 = tpu.memref_squeeze %dma_start3A_672 : memref<1x128xi32, #tpu.memory_space<vmem>> -> memref<128xi32, #tpu.memory_space<vmem>>
    %dma_start3A_674 = arith.constant 0 : i32
    %dma_start3A_675 = tpu.memref_slice %arg9[%dma_start3A_674] : memref<1048576xf32, #tpu.memory_space<vmem_shared>> -> memref<1048576xf32, #tpu.memory_space<vmem_shared>>
    tpu.enqueue_indirect_dma source(%dma_start3A_670 : memref<128xf32, #tpu.memory_space<vmem>>) target(%dma_start3A_675 : memref<1048576xf32, #tpu.memory_space<vmem_shared>>) offsets(%dma_start3A_673 : memref<128xi32, #tpu.memory_space<vmem>>) semaphore(%arg12 : memref<!tpu.dma_semaphore, #tpu.memory_space<semaphore_mem>>) {add = true}
    %dma_start3A_676 = arith.constant 55 : i32
    %dma_start3A_677 = arith.constant 55 : i32
    %dma_start3A_678 = arith.constant 0 : i32
    %dma_start3A_679 = tpu.memref_slice %arg7[%dma_start3A_676, %dma_start3A_678] : memref<64x128xf32, #tpu.memory_space<vmem>> -> memref<1x128xf32, #tpu.memory_space<vmem>>
    %dma_start3A_680 = tpu.memref_squeeze %dma_start3A_679 : memref<1x128xf32, #tpu.memory_space<vmem>> -> memref<128xf32, #tpu.memory_space<vmem>>
    %dma_start3A_681 = arith.constant 0 : i32
    %dma_start3A_682 = tpu.memref_slice %arg6[%dma_start3A_677, %dma_start3A_681] : memref<64x128xi32, #tpu.memory_space<vmem>> -> memref<1x128xi32, #tpu.memory_space<vmem>>
    %dma_start3A_683 = tpu.memref_squeeze %dma_start3A_682 : memref<1x128xi32, #tpu.memory_space<vmem>> -> memref<128xi32, #tpu.memory_space<vmem>>
    %dma_start3A_684 = arith.constant 0 : i32
    %dma_start3A_685 = tpu.memref_slice %arg9[%dma_start3A_684] : memref<1048576xf32, #tpu.memory_space<vmem_shared>> -> memref<1048576xf32, #tpu.memory_space<vmem_shared>>
    tpu.enqueue_indirect_dma source(%dma_start3A_680 : memref<128xf32, #tpu.memory_space<vmem>>) target(%dma_start3A_685 : memref<1048576xf32, #tpu.memory_space<vmem_shared>>) offsets(%dma_start3A_683 : memref<128xi32, #tpu.memory_space<vmem>>) semaphore(%arg12 : memref<!tpu.dma_semaphore, #tpu.memory_space<semaphore_mem>>) {add = true}
    %dma_start3A_686 = arith.constant 56 : i32
    %dma_start3A_687 = arith.constant 56 : i32
    %dma_start3A_688 = arith.constant 0 : i32
    %dma_start3A_689 = tpu.memref_slice %arg7[%dma_start3A_686, %dma_start3A_688] : memref<64x128xf32, #tpu.memory_space<vmem>> -> memref<1x128xf32, #tpu.memory_space<vmem>>
    %dma_start3A_690 = tpu.memref_squeeze %dma_start3A_689 : memref<1x128xf32, #tpu.memory_space<vmem>> -> memref<128xf32, #tpu.memory_space<vmem>>
    %dma_start3A_691 = arith.constant 0 : i32
    %dma_start3A_692 = tpu.memref_slice %arg6[%dma_start3A_687, %dma_start3A_691] : memref<64x128xi32, #tpu.memory_space<vmem>> -> memref<1x128xi32, #tpu.memory_space<vmem>>
    %dma_start3A_693 = tpu.memref_squeeze %dma_start3A_692 : memref<1x128xi32, #tpu.memory_space<vmem>> -> memref<128xi32, #tpu.memory_space<vmem>>
    %dma_start3A_694 = arith.constant 0 : i32
    %dma_start3A_695 = tpu.memref_slice %arg9[%dma_start3A_694] : memref<1048576xf32, #tpu.memory_space<vmem_shared>> -> memref<1048576xf32, #tpu.memory_space<vmem_shared>>
    tpu.enqueue_indirect_dma source(%dma_start3A_690 : memref<128xf32, #tpu.memory_space<vmem>>) target(%dma_start3A_695 : memref<1048576xf32, #tpu.memory_space<vmem_shared>>) offsets(%dma_start3A_693 : memref<128xi32, #tpu.memory_space<vmem>>) semaphore(%arg12 : memref<!tpu.dma_semaphore, #tpu.memory_space<semaphore_mem>>) {add = true}
    %dma_start3A_696 = arith.constant 57 : i32
    %dma_start3A_697 = arith.constant 57 : i32
    %dma_start3A_698 = arith.constant 0 : i32
    %dma_start3A_699 = tpu.memref_slice %arg7[%dma_start3A_696, %dma_start3A_698] : memref<64x128xf32, #tpu.memory_space<vmem>> -> memref<1x128xf32, #tpu.memory_space<vmem>>
    %dma_start3A_700 = tpu.memref_squeeze %dma_start3A_699 : memref<1x128xf32, #tpu.memory_space<vmem>> -> memref<128xf32, #tpu.memory_space<vmem>>
    %dma_start3A_701 = arith.constant 0 : i32
    %dma_start3A_702 = tpu.memref_slice %arg6[%dma_start3A_697, %dma_start3A_701] : memref<64x128xi32, #tpu.memory_space<vmem>> -> memref<1x128xi32, #tpu.memory_space<vmem>>
    %dma_start3A_703 = tpu.memref_squeeze %dma_start3A_702 : memref<1x128xi32, #tpu.memory_space<vmem>> -> memref<128xi32, #tpu.memory_space<vmem>>
    %dma_start3A_704 = arith.constant 0 : i32
    %dma_start3A_705 = tpu.memref_slice %arg9[%dma_start3A_704] : memref<1048576xf32, #tpu.memory_space<vmem_shared>> -> memref<1048576xf32, #tpu.memory_space<vmem_shared>>
    tpu.enqueue_indirect_dma source(%dma_start3A_700 : memref<128xf32, #tpu.memory_space<vmem>>) target(%dma_start3A_705 : memref<1048576xf32, #tpu.memory_space<vmem_shared>>) offsets(%dma_start3A_703 : memref<128xi32, #tpu.memory_space<vmem>>) semaphore(%arg12 : memref<!tpu.dma_semaphore, #tpu.memory_space<semaphore_mem>>) {add = true}
    %dma_start3A_706 = arith.constant 58 : i32
    %dma_start3A_707 = arith.constant 58 : i32
    %dma_start3A_708 = arith.constant 0 : i32
    %dma_start3A_709 = tpu.memref_slice %arg7[%dma_start3A_706, %dma_start3A_708] : memref<64x128xf32, #tpu.memory_space<vmem>> -> memref<1x128xf32, #tpu.memory_space<vmem>>
    %dma_start3A_710 = tpu.memref_squeeze %dma_start3A_709 : memref<1x128xf32, #tpu.memory_space<vmem>> -> memref<128xf32, #tpu.memory_space<vmem>>
    %dma_start3A_711 = arith.constant 0 : i32
    %dma_start3A_712 = tpu.memref_slice %arg6[%dma_start3A_707, %dma_start3A_711] : memref<64x128xi32, #tpu.memory_space<vmem>> -> memref<1x128xi32, #tpu.memory_space<vmem>>
    %dma_start3A_713 = tpu.memref_squeeze %dma_start3A_712 : memref<1x128xi32, #tpu.memory_space<vmem>> -> memref<128xi32, #tpu.memory_space<vmem>>
    %dma_start3A_714 = arith.constant 0 : i32
    %dma_start3A_715 = tpu.memref_slice %arg9[%dma_start3A_714] : memref<1048576xf32, #tpu.memory_space<vmem_shared>> -> memref<1048576xf32, #tpu.memory_space<vmem_shared>>
    tpu.enqueue_indirect_dma source(%dma_start3A_710 : memref<128xf32, #tpu.memory_space<vmem>>) target(%dma_start3A_715 : memref<1048576xf32, #tpu.memory_space<vmem_shared>>) offsets(%dma_start3A_713 : memref<128xi32, #tpu.memory_space<vmem>>) semaphore(%arg12 : memref<!tpu.dma_semaphore, #tpu.memory_space<semaphore_mem>>) {add = true}
    %dma_start3A_716 = arith.constant 59 : i32
    %dma_start3A_717 = arith.constant 59 : i32
    %dma_start3A_718 = arith.constant 0 : i32
    %dma_start3A_719 = tpu.memref_slice %arg7[%dma_start3A_716, %dma_start3A_718] : memref<64x128xf32, #tpu.memory_space<vmem>> -> memref<1x128xf32, #tpu.memory_space<vmem>>
    %dma_start3A_720 = tpu.memref_squeeze %dma_start3A_719 : memref<1x128xf32, #tpu.memory_space<vmem>> -> memref<128xf32, #tpu.memory_space<vmem>>
    %dma_start3A_721 = arith.constant 0 : i32
    %dma_start3A_722 = tpu.memref_slice %arg6[%dma_start3A_717, %dma_start3A_721] : memref<64x128xi32, #tpu.memory_space<vmem>> -> memref<1x128xi32, #tpu.memory_space<vmem>>
    %dma_start3A_723 = tpu.memref_squeeze %dma_start3A_722 : memref<1x128xi32, #tpu.memory_space<vmem>> -> memref<128xi32, #tpu.memory_space<vmem>>
    %dma_start3A_724 = arith.constant 0 : i32
    %dma_start3A_725 = tpu.memref_slice %arg9[%dma_start3A_724] : memref<1048576xf32, #tpu.memory_space<vmem_shared>> -> memref<1048576xf32, #tpu.memory_space<vmem_shared>>
    tpu.enqueue_indirect_dma source(%dma_start3A_720 : memref<128xf32, #tpu.memory_space<vmem>>) target(%dma_start3A_725 : memref<1048576xf32, #tpu.memory_space<vmem_shared>>) offsets(%dma_start3A_723 : memref<128xi32, #tpu.memory_space<vmem>>) semaphore(%arg12 : memref<!tpu.dma_semaphore, #tpu.memory_space<semaphore_mem>>) {add = true}
    %dma_start3A_726 = arith.constant 60 : i32
    %dma_start3A_727 = arith.constant 60 : i32
    %dma_start3A_728 = arith.constant 0 : i32
    %dma_start3A_729 = tpu.memref_slice %arg7[%dma_start3A_726, %dma_start3A_728] : memref<64x128xf32, #tpu.memory_space<vmem>> -> memref<1x128xf32, #tpu.memory_space<vmem>>
    %dma_start3A_730 = tpu.memref_squeeze %dma_start3A_729 : memref<1x128xf32, #tpu.memory_space<vmem>> -> memref<128xf32, #tpu.memory_space<vmem>>
    %dma_start3A_731 = arith.constant 0 : i32
    %dma_start3A_732 = tpu.memref_slice %arg6[%dma_start3A_727, %dma_start3A_731] : memref<64x128xi32, #tpu.memory_space<vmem>> -> memref<1x128xi32, #tpu.memory_space<vmem>>
    %dma_start3A_733 = tpu.memref_squeeze %dma_start3A_732 : memref<1x128xi32, #tpu.memory_space<vmem>> -> memref<128xi32, #tpu.memory_space<vmem>>
    %dma_start3A_734 = arith.constant 0 : i32
    %dma_start3A_735 = tpu.memref_slice %arg9[%dma_start3A_734] : memref<1048576xf32, #tpu.memory_space<vmem_shared>> -> memref<1048576xf32, #tpu.memory_space<vmem_shared>>
    tpu.enqueue_indirect_dma source(%dma_start3A_730 : memref<128xf32, #tpu.memory_space<vmem>>) target(%dma_start3A_735 : memref<1048576xf32, #tpu.memory_space<vmem_shared>>) offsets(%dma_start3A_733 : memref<128xi32, #tpu.memory_space<vmem>>) semaphore(%arg12 : memref<!tpu.dma_semaphore, #tpu.memory_space<semaphore_mem>>) {add = true}
    %dma_start3A_736 = arith.constant 61 : i32
    %dma_start3A_737 = arith.constant 61 : i32
    %dma_start3A_738 = arith.constant 0 : i32
    %dma_start3A_739 = tpu.memref_slice %arg7[%dma_start3A_736, %dma_start3A_738] : memref<64x128xf32, #tpu.memory_space<vmem>> -> memref<1x128xf32, #tpu.memory_space<vmem>>
    %dma_start3A_740 = tpu.memref_squeeze %dma_start3A_739 : memref<1x128xf32, #tpu.memory_space<vmem>> -> memref<128xf32, #tpu.memory_space<vmem>>
    %dma_start3A_741 = arith.constant 0 : i32
    %dma_start3A_742 = tpu.memref_slice %arg6[%dma_start3A_737, %dma_start3A_741] : memref<64x128xi32, #tpu.memory_space<vmem>> -> memref<1x128xi32, #tpu.memory_space<vmem>>
    %dma_start3A_743 = tpu.memref_squeeze %dma_start3A_742 : memref<1x128xi32, #tpu.memory_space<vmem>> -> memref<128xi32, #tpu.memory_space<vmem>>
    %dma_start3A_744 = arith.constant 0 : i32
    %dma_start3A_745 = tpu.memref_slice %arg9[%dma_start3A_744] : memref<1048576xf32, #tpu.memory_space<vmem_shared>> -> memref<1048576xf32, #tpu.memory_space<vmem_shared>>
    tpu.enqueue_indirect_dma source(%dma_start3A_740 : memref<128xf32, #tpu.memory_space<vmem>>) target(%dma_start3A_745 : memref<1048576xf32, #tpu.memory_space<vmem_shared>>) offsets(%dma_start3A_743 : memref<128xi32, #tpu.memory_space<vmem>>) semaphore(%arg12 : memref<!tpu.dma_semaphore, #tpu.memory_space<semaphore_mem>>) {add = true}
    %dma_start3A_746 = arith.constant 62 : i32
    %dma_start3A_747 = arith.constant 62 : i32
    %dma_start3A_748 = arith.constant 0 : i32
    %dma_start3A_749 = tpu.memref_slice %arg7[%dma_start3A_746, %dma_start3A_748] : memref<64x128xf32, #tpu.memory_space<vmem>> -> memref<1x128xf32, #tpu.memory_space<vmem>>
    %dma_start3A_750 = tpu.memref_squeeze %dma_start3A_749 : memref<1x128xf32, #tpu.memory_space<vmem>> -> memref<128xf32, #tpu.memory_space<vmem>>
    %dma_start3A_751 = arith.constant 0 : i32
    %dma_start3A_752 = tpu.memref_slice %arg6[%dma_start3A_747, %dma_start3A_751] : memref<64x128xi32, #tpu.memory_space<vmem>> -> memref<1x128xi32, #tpu.memory_space<vmem>>
    %dma_start3A_753 = tpu.memref_squeeze %dma_start3A_752 : memref<1x128xi32, #tpu.memory_space<vmem>> -> memref<128xi32, #tpu.memory_space<vmem>>
    %dma_start3A_754 = arith.constant 0 : i32
    %dma_start3A_755 = tpu.memref_slice %arg9[%dma_start3A_754] : memref<1048576xf32, #tpu.memory_space<vmem_shared>> -> memref<1048576xf32, #tpu.memory_space<vmem_shared>>
    tpu.enqueue_indirect_dma source(%dma_start3A_750 : memref<128xf32, #tpu.memory_space<vmem>>) target(%dma_start3A_755 : memref<1048576xf32, #tpu.memory_space<vmem_shared>>) offsets(%dma_start3A_753 : memref<128xi32, #tpu.memory_space<vmem>>) semaphore(%arg12 : memref<!tpu.dma_semaphore, #tpu.memory_space<semaphore_mem>>) {add = true}
    %dma_start3A_756 = arith.constant 63 : i32
    %dma_start3A_757 = arith.constant 63 : i32
    %dma_start3A_758 = arith.constant 0 : i32
    %dma_start3A_759 = tpu.memref_slice %arg7[%dma_start3A_756, %dma_start3A_758] : memref<64x128xf32, #tpu.memory_space<vmem>> -> memref<1x128xf32, #tpu.memory_space<vmem>>
    %dma_start3A_760 = tpu.memref_squeeze %dma_start3A_759 : memref<1x128xf32, #tpu.memory_space<vmem>> -> memref<128xf32, #tpu.memory_space<vmem>>
    %dma_start3A_761 = arith.constant 0 : i32
    %dma_start3A_762 = tpu.memref_slice %arg6[%dma_start3A_757, %dma_start3A_761] : memref<64x128xi32, #tpu.memory_space<vmem>> -> memref<1x128xi32, #tpu.memory_space<vmem>>
    %dma_start3A_763 = tpu.memref_squeeze %dma_start3A_762 : memref<1x128xi32, #tpu.memory_space<vmem>> -> memref<128xi32, #tpu.memory_space<vmem>>
    %dma_start3A_764 = arith.constant 0 : i32
    %dma_start3A_765 = tpu.memref_slice %arg9[%dma_start3A_764] : memref<1048576xf32, #tpu.memory_space<vmem_shared>> -> memref<1048576xf32, #tpu.memory_space<vmem_shared>>
    tpu.enqueue_indirect_dma source(%dma_start3A_760 : memref<128xf32, #tpu.memory_space<vmem>>) target(%dma_start3A_765 : memref<1048576xf32, #tpu.memory_space<vmem_shared>>) offsets(%dma_start3A_763 : memref<128xi32, #tpu.memory_space<vmem>>) semaphore(%arg12 : memref<!tpu.dma_semaphore, #tpu.memory_space<semaphore_mem>>) {add = true}
    %dma_wait3A_766 = arith.constant 0 : i32
    %dma_wait3A_767 = arith.constant 0 : i32
    %dma_wait3A_768 = arith.constant 0 : i32
    %dma_wait3A_769 = tpu.memref_slice %arg7[%dma_wait3A_766, %dma_wait3A_768] : memref<64x128xf32, #tpu.memory_space<vmem>> -> memref<1x128xf32, #tpu.memory_space<vmem>>
    %dma_wait3A_770 = tpu.memref_squeeze %dma_wait3A_769 : memref<1x128xf32, #tpu.memory_space<vmem>> -> memref<128xf32, #tpu.memory_space<vmem>>
    %dma_wait3A_771 = arith.constant 0 : i32
    %dma_wait3A_772 = tpu.memref_slice %arg6[%dma_wait3A_767, %dma_wait3A_771] : memref<64x128xi32, #tpu.memory_space<vmem>> -> memref<1x128xi32, #tpu.memory_space<vmem>>
    %dma_wait3A_773 = tpu.memref_squeeze %dma_wait3A_772 : memref<1x128xi32, #tpu.memory_space<vmem>> -> memref<128xi32, #tpu.memory_space<vmem>>
    %dma_wait3A_774 = arith.constant 0 : i32
    %dma_wait3A_775 = tpu.memref_slice %arg9[%dma_wait3A_774] : memref<1048576xf32, #tpu.memory_space<vmem_shared>> -> memref<1048576xf32, #tpu.memory_space<vmem_shared>>
    tpu.wait_indirect_dma semaphore(%arg12 : memref<!tpu.dma_semaphore, #tpu.memory_space<semaphore_mem>>) src(%dma_wait3A_770 : memref<128xf32, #tpu.memory_space<vmem>>) dst(%dma_wait3A_775 : memref<1048576xf32, #tpu.memory_space<vmem_shared>>)
    %dma_wait3A_776 = arith.constant 1 : i32
    %dma_wait3A_777 = arith.constant 1 : i32
    %dma_wait3A_778 = arith.constant 0 : i32
    %dma_wait3A_779 = tpu.memref_slice %arg7[%dma_wait3A_776, %dma_wait3A_778] : memref<64x128xf32, #tpu.memory_space<vmem>> -> memref<1x128xf32, #tpu.memory_space<vmem>>
    %dma_wait3A_780 = tpu.memref_squeeze %dma_wait3A_779 : memref<1x128xf32, #tpu.memory_space<vmem>> -> memref<128xf32, #tpu.memory_space<vmem>>
    %dma_wait3A_781 = arith.constant 0 : i32
    %dma_wait3A_782 = tpu.memref_slice %arg6[%dma_wait3A_777, %dma_wait3A_781] : memref<64x128xi32, #tpu.memory_space<vmem>> -> memref<1x128xi32, #tpu.memory_space<vmem>>
    %dma_wait3A_783 = tpu.memref_squeeze %dma_wait3A_782 : memref<1x128xi32, #tpu.memory_space<vmem>> -> memref<128xi32, #tpu.memory_space<vmem>>
    %dma_wait3A_784 = arith.constant 0 : i32
    %dma_wait3A_785 = tpu.memref_slice %arg9[%dma_wait3A_784] : memref<1048576xf32, #tpu.memory_space<vmem_shared>> -> memref<1048576xf32, #tpu.memory_space<vmem_shared>>
    tpu.wait_indirect_dma semaphore(%arg12 : memref<!tpu.dma_semaphore, #tpu.memory_space<semaphore_mem>>) src(%dma_wait3A_780 : memref<128xf32, #tpu.memory_space<vmem>>) dst(%dma_wait3A_785 : memref<1048576xf32, #tpu.memory_space<vmem_shared>>)
    %dma_wait3A_786 = arith.constant 2 : i32
    %dma_wait3A_787 = arith.constant 2 : i32
    %dma_wait3A_788 = arith.constant 0 : i32
    %dma_wait3A_789 = tpu.memref_slice %arg7[%dma_wait3A_786, %dma_wait3A_788] : memref<64x128xf32, #tpu.memory_space<vmem>> -> memref<1x128xf32, #tpu.memory_space<vmem>>
    %dma_wait3A_790 = tpu.memref_squeeze %dma_wait3A_789 : memref<1x128xf32, #tpu.memory_space<vmem>> -> memref<128xf32, #tpu.memory_space<vmem>>
    %dma_wait3A_791 = arith.constant 0 : i32
    %dma_wait3A_792 = tpu.memref_slice %arg6[%dma_wait3A_787, %dma_wait3A_791] : memref<64x128xi32, #tpu.memory_space<vmem>> -> memref<1x128xi32, #tpu.memory_space<vmem>>
    %dma_wait3A_793 = tpu.memref_squeeze %dma_wait3A_792 : memref<1x128xi32, #tpu.memory_space<vmem>> -> memref<128xi32, #tpu.memory_space<vmem>>
    %dma_wait3A_794 = arith.constant 0 : i32
    %dma_wait3A_795 = tpu.memref_slice %arg9[%dma_wait3A_794] : memref<1048576xf32, #tpu.memory_space<vmem_shared>> -> memref<1048576xf32, #tpu.memory_space<vmem_shared>>
    tpu.wait_indirect_dma semaphore(%arg12 : memref<!tpu.dma_semaphore, #tpu.memory_space<semaphore_mem>>) src(%dma_wait3A_790 : memref<128xf32, #tpu.memory_space<vmem>>) dst(%dma_wait3A_795 : memref<1048576xf32, #tpu.memory_space<vmem_shared>>)
    %dma_wait3A_796 = arith.constant 3 : i32
    %dma_wait3A_797 = arith.constant 3 : i32
    %dma_wait3A_798 = arith.constant 0 : i32
    %dma_wait3A_799 = tpu.memref_slice %arg7[%dma_wait3A_796, %dma_wait3A_798] : memref<64x128xf32, #tpu.memory_space<vmem>> -> memref<1x128xf32, #tpu.memory_space<vmem>>
    %dma_wait3A_800 = tpu.memref_squeeze %dma_wait3A_799 : memref<1x128xf32, #tpu.memory_space<vmem>> -> memref<128xf32, #tpu.memory_space<vmem>>
    %dma_wait3A_801 = arith.constant 0 : i32
    %dma_wait3A_802 = tpu.memref_slice %arg6[%dma_wait3A_797, %dma_wait3A_801] : memref<64x128xi32, #tpu.memory_space<vmem>> -> memref<1x128xi32, #tpu.memory_space<vmem>>
    %dma_wait3A_803 = tpu.memref_squeeze %dma_wait3A_802 : memref<1x128xi32, #tpu.memory_space<vmem>> -> memref<128xi32, #tpu.memory_space<vmem>>
    %dma_wait3A_804 = arith.constant 0 : i32
    %dma_wait3A_805 = tpu.memref_slice %arg9[%dma_wait3A_804] : memref<1048576xf32, #tpu.memory_space<vmem_shared>> -> memref<1048576xf32, #tpu.memory_space<vmem_shared>>
    tpu.wait_indirect_dma semaphore(%arg12 : memref<!tpu.dma_semaphore, #tpu.memory_space<semaphore_mem>>) src(%dma_wait3A_800 : memref<128xf32, #tpu.memory_space<vmem>>) dst(%dma_wait3A_805 : memref<1048576xf32, #tpu.memory_space<vmem_shared>>)
    %dma_wait3A_806 = arith.constant 4 : i32
    %dma_wait3A_807 = arith.constant 4 : i32
    %dma_wait3A_808 = arith.constant 0 : i32
    %dma_wait3A_809 = tpu.memref_slice %arg7[%dma_wait3A_806, %dma_wait3A_808] : memref<64x128xf32, #tpu.memory_space<vmem>> -> memref<1x128xf32, #tpu.memory_space<vmem>>
    %dma_wait3A_810 = tpu.memref_squeeze %dma_wait3A_809 : memref<1x128xf32, #tpu.memory_space<vmem>> -> memref<128xf32, #tpu.memory_space<vmem>>
    %dma_wait3A_811 = arith.constant 0 : i32
    %dma_wait3A_812 = tpu.memref_slice %arg6[%dma_wait3A_807, %dma_wait3A_811] : memref<64x128xi32, #tpu.memory_space<vmem>> -> memref<1x128xi32, #tpu.memory_space<vmem>>
    %dma_wait3A_813 = tpu.memref_squeeze %dma_wait3A_812 : memref<1x128xi32, #tpu.memory_space<vmem>> -> memref<128xi32, #tpu.memory_space<vmem>>
    %dma_wait3A_814 = arith.constant 0 : i32
    %dma_wait3A_815 = tpu.memref_slice %arg9[%dma_wait3A_814] : memref<1048576xf32, #tpu.memory_space<vmem_shared>> -> memref<1048576xf32, #tpu.memory_space<vmem_shared>>
    tpu.wait_indirect_dma semaphore(%arg12 : memref<!tpu.dma_semaphore, #tpu.memory_space<semaphore_mem>>) src(%dma_wait3A_810 : memref<128xf32, #tpu.memory_space<vmem>>) dst(%dma_wait3A_815 : memref<1048576xf32, #tpu.memory_space<vmem_shared>>)
    %dma_wait3A_816 = arith.constant 5 : i32
    %dma_wait3A_817 = arith.constant 5 : i32
    %dma_wait3A_818 = arith.constant 0 : i32
    %dma_wait3A_819 = tpu.memref_slice %arg7[%dma_wait3A_816, %dma_wait3A_818] : memref<64x128xf32, #tpu.memory_space<vmem>> -> memref<1x128xf32, #tpu.memory_space<vmem>>
    %dma_wait3A_820 = tpu.memref_squeeze %dma_wait3A_819 : memref<1x128xf32, #tpu.memory_space<vmem>> -> memref<128xf32, #tpu.memory_space<vmem>>
    %dma_wait3A_821 = arith.constant 0 : i32
    %dma_wait3A_822 = tpu.memref_slice %arg6[%dma_wait3A_817, %dma_wait3A_821] : memref<64x128xi32, #tpu.memory_space<vmem>> -> memref<1x128xi32, #tpu.memory_space<vmem>>
    %dma_wait3A_823 = tpu.memref_squeeze %dma_wait3A_822 : memref<1x128xi32, #tpu.memory_space<vmem>> -> memref<128xi32, #tpu.memory_space<vmem>>
    %dma_wait3A_824 = arith.constant 0 : i32
    %dma_wait3A_825 = tpu.memref_slice %arg9[%dma_wait3A_824] : memref<1048576xf32, #tpu.memory_space<vmem_shared>> -> memref<1048576xf32, #tpu.memory_space<vmem_shared>>
    tpu.wait_indirect_dma semaphore(%arg12 : memref<!tpu.dma_semaphore, #tpu.memory_space<semaphore_mem>>) src(%dma_wait3A_820 : memref<128xf32, #tpu.memory_space<vmem>>) dst(%dma_wait3A_825 : memref<1048576xf32, #tpu.memory_space<vmem_shared>>)
    %dma_wait3A_826 = arith.constant 6 : i32
    %dma_wait3A_827 = arith.constant 6 : i32
    %dma_wait3A_828 = arith.constant 0 : i32
    %dma_wait3A_829 = tpu.memref_slice %arg7[%dma_wait3A_826, %dma_wait3A_828] : memref<64x128xf32, #tpu.memory_space<vmem>> -> memref<1x128xf32, #tpu.memory_space<vmem>>
    %dma_wait3A_830 = tpu.memref_squeeze %dma_wait3A_829 : memref<1x128xf32, #tpu.memory_space<vmem>> -> memref<128xf32, #tpu.memory_space<vmem>>
    %dma_wait3A_831 = arith.constant 0 : i32
    %dma_wait3A_832 = tpu.memref_slice %arg6[%dma_wait3A_827, %dma_wait3A_831] : memref<64x128xi32, #tpu.memory_space<vmem>> -> memref<1x128xi32, #tpu.memory_space<vmem>>
    %dma_wait3A_833 = tpu.memref_squeeze %dma_wait3A_832 : memref<1x128xi32, #tpu.memory_space<vmem>> -> memref<128xi32, #tpu.memory_space<vmem>>
    %dma_wait3A_834 = arith.constant 0 : i32
    %dma_wait3A_835 = tpu.memref_slice %arg9[%dma_wait3A_834] : memref<1048576xf32, #tpu.memory_space<vmem_shared>> -> memref<1048576xf32, #tpu.memory_space<vmem_shared>>
    tpu.wait_indirect_dma semaphore(%arg12 : memref<!tpu.dma_semaphore, #tpu.memory_space<semaphore_mem>>) src(%dma_wait3A_830 : memref<128xf32, #tpu.memory_space<vmem>>) dst(%dma_wait3A_835 : memref<1048576xf32, #tpu.memory_space<vmem_shared>>)
    %dma_wait3A_836 = arith.constant 7 : i32
    %dma_wait3A_837 = arith.constant 7 : i32
    %dma_wait3A_838 = arith.constant 0 : i32
    %dma_wait3A_839 = tpu.memref_slice %arg7[%dma_wait3A_836, %dma_wait3A_838] : memref<64x128xf32, #tpu.memory_space<vmem>> -> memref<1x128xf32, #tpu.memory_space<vmem>>
    %dma_wait3A_840 = tpu.memref_squeeze %dma_wait3A_839 : memref<1x128xf32, #tpu.memory_space<vmem>> -> memref<128xf32, #tpu.memory_space<vmem>>
    %dma_wait3A_841 = arith.constant 0 : i32
    %dma_wait3A_842 = tpu.memref_slice %arg6[%dma_wait3A_837, %dma_wait3A_841] : memref<64x128xi32, #tpu.memory_space<vmem>> -> memref<1x128xi32, #tpu.memory_space<vmem>>
    %dma_wait3A_843 = tpu.memref_squeeze %dma_wait3A_842 : memref<1x128xi32, #tpu.memory_space<vmem>> -> memref<128xi32, #tpu.memory_space<vmem>>
    %dma_wait3A_844 = arith.constant 0 : i32
    %dma_wait3A_845 = tpu.memref_slice %arg9[%dma_wait3A_844] : memref<1048576xf32, #tpu.memory_space<vmem_shared>> -> memref<1048576xf32, #tpu.memory_space<vmem_shared>>
    tpu.wait_indirect_dma semaphore(%arg12 : memref<!tpu.dma_semaphore, #tpu.memory_space<semaphore_mem>>) src(%dma_wait3A_840 : memref<128xf32, #tpu.memory_space<vmem>>) dst(%dma_wait3A_845 : memref<1048576xf32, #tpu.memory_space<vmem_shared>>)
    %dma_wait3A_846 = arith.constant 8 : i32
    %dma_wait3A_847 = arith.constant 8 : i32
    %dma_wait3A_848 = arith.constant 0 : i32
    %dma_wait3A_849 = tpu.memref_slice %arg7[%dma_wait3A_846, %dma_wait3A_848] : memref<64x128xf32, #tpu.memory_space<vmem>> -> memref<1x128xf32, #tpu.memory_space<vmem>>
    %dma_wait3A_850 = tpu.memref_squeeze %dma_wait3A_849 : memref<1x128xf32, #tpu.memory_space<vmem>> -> memref<128xf32, #tpu.memory_space<vmem>>
    %dma_wait3A_851 = arith.constant 0 : i32
    %dma_wait3A_852 = tpu.memref_slice %arg6[%dma_wait3A_847, %dma_wait3A_851] : memref<64x128xi32, #tpu.memory_space<vmem>> -> memref<1x128xi32, #tpu.memory_space<vmem>>
    %dma_wait3A_853 = tpu.memref_squeeze %dma_wait3A_852 : memref<1x128xi32, #tpu.memory_space<vmem>> -> memref<128xi32, #tpu.memory_space<vmem>>
    %dma_wait3A_854 = arith.constant 0 : i32
    %dma_wait3A_855 = tpu.memref_slice %arg9[%dma_wait3A_854] : memref<1048576xf32, #tpu.memory_space<vmem_shared>> -> memref<1048576xf32, #tpu.memory_space<vmem_shared>>
    tpu.wait_indirect_dma semaphore(%arg12 : memref<!tpu.dma_semaphore, #tpu.memory_space<semaphore_mem>>) src(%dma_wait3A_850 : memref<128xf32, #tpu.memory_space<vmem>>) dst(%dma_wait3A_855 : memref<1048576xf32, #tpu.memory_space<vmem_shared>>)
    %dma_wait3A_856 = arith.constant 9 : i32
    %dma_wait3A_857 = arith.constant 9 : i32
    %dma_wait3A_858 = arith.constant 0 : i32
    %dma_wait3A_859 = tpu.memref_slice %arg7[%dma_wait3A_856, %dma_wait3A_858] : memref<64x128xf32, #tpu.memory_space<vmem>> -> memref<1x128xf32, #tpu.memory_space<vmem>>
    %dma_wait3A_860 = tpu.memref_squeeze %dma_wait3A_859 : memref<1x128xf32, #tpu.memory_space<vmem>> -> memref<128xf32, #tpu.memory_space<vmem>>
    %dma_wait3A_861 = arith.constant 0 : i32
    %dma_wait3A_862 = tpu.memref_slice %arg6[%dma_wait3A_857, %dma_wait3A_861] : memref<64x128xi32, #tpu.memory_space<vmem>> -> memref<1x128xi32, #tpu.memory_space<vmem>>
    %dma_wait3A_863 = tpu.memref_squeeze %dma_wait3A_862 : memref<1x128xi32, #tpu.memory_space<vmem>> -> memref<128xi32, #tpu.memory_space<vmem>>
    %dma_wait3A_864 = arith.constant 0 : i32
    %dma_wait3A_865 = tpu.memref_slice %arg9[%dma_wait3A_864] : memref<1048576xf32, #tpu.memory_space<vmem_shared>> -> memref<1048576xf32, #tpu.memory_space<vmem_shared>>
    tpu.wait_indirect_dma semaphore(%arg12 : memref<!tpu.dma_semaphore, #tpu.memory_space<semaphore_mem>>) src(%dma_wait3A_860 : memref<128xf32, #tpu.memory_space<vmem>>) dst(%dma_wait3A_865 : memref<1048576xf32, #tpu.memory_space<vmem_shared>>)
    %dma_wait3A_866 = arith.constant 10 : i32
    %dma_wait3A_867 = arith.constant 10 : i32
    %dma_wait3A_868 = arith.constant 0 : i32
    %dma_wait3A_869 = tpu.memref_slice %arg7[%dma_wait3A_866, %dma_wait3A_868] : memref<64x128xf32, #tpu.memory_space<vmem>> -> memref<1x128xf32, #tpu.memory_space<vmem>>
    %dma_wait3A_870 = tpu.memref_squeeze %dma_wait3A_869 : memref<1x128xf32, #tpu.memory_space<vmem>> -> memref<128xf32, #tpu.memory_space<vmem>>
    %dma_wait3A_871 = arith.constant 0 : i32
    %dma_wait3A_872 = tpu.memref_slice %arg6[%dma_wait3A_867, %dma_wait3A_871] : memref<64x128xi32, #tpu.memory_space<vmem>> -> memref<1x128xi32, #tpu.memory_space<vmem>>
    %dma_wait3A_873 = tpu.memref_squeeze %dma_wait3A_872 : memref<1x128xi32, #tpu.memory_space<vmem>> -> memref<128xi32, #tpu.memory_space<vmem>>
    %dma_wait3A_874 = arith.constant 0 : i32
    %dma_wait3A_875 = tpu.memref_slice %arg9[%dma_wait3A_874] : memref<1048576xf32, #tpu.memory_space<vmem_shared>> -> memref<1048576xf32, #tpu.memory_space<vmem_shared>>
    tpu.wait_indirect_dma semaphore(%arg12 : memref<!tpu.dma_semaphore, #tpu.memory_space<semaphore_mem>>) src(%dma_wait3A_870 : memref<128xf32, #tpu.memory_space<vmem>>) dst(%dma_wait3A_875 : memref<1048576xf32, #tpu.memory_space<vmem_shared>>)
    %dma_wait3A_876 = arith.constant 11 : i32
    %dma_wait3A_877 = arith.constant 11 : i32
    %dma_wait3A_878 = arith.constant 0 : i32
    %dma_wait3A_879 = tpu.memref_slice %arg7[%dma_wait3A_876, %dma_wait3A_878] : memref<64x128xf32, #tpu.memory_space<vmem>> -> memref<1x128xf32, #tpu.memory_space<vmem>>
    %dma_wait3A_880 = tpu.memref_squeeze %dma_wait3A_879 : memref<1x128xf32, #tpu.memory_space<vmem>> -> memref<128xf32, #tpu.memory_space<vmem>>
    %dma_wait3A_881 = arith.constant 0 : i32
    %dma_wait3A_882 = tpu.memref_slice %arg6[%dma_wait3A_877, %dma_wait3A_881] : memref<64x128xi32, #tpu.memory_space<vmem>> -> memref<1x128xi32, #tpu.memory_space<vmem>>
    %dma_wait3A_883 = tpu.memref_squeeze %dma_wait3A_882 : memref<1x128xi32, #tpu.memory_space<vmem>> -> memref<128xi32, #tpu.memory_space<vmem>>
    %dma_wait3A_884 = arith.constant 0 : i32
    %dma_wait3A_885 = tpu.memref_slice %arg9[%dma_wait3A_884] : memref<1048576xf32, #tpu.memory_space<vmem_shared>> -> memref<1048576xf32, #tpu.memory_space<vmem_shared>>
    tpu.wait_indirect_dma semaphore(%arg12 : memref<!tpu.dma_semaphore, #tpu.memory_space<semaphore_mem>>) src(%dma_wait3A_880 : memref<128xf32, #tpu.memory_space<vmem>>) dst(%dma_wait3A_885 : memref<1048576xf32, #tpu.memory_space<vmem_shared>>)
    %dma_wait3A_886 = arith.constant 12 : i32
    %dma_wait3A_887 = arith.constant 12 : i32
    %dma_wait3A_888 = arith.constant 0 : i32
    %dma_wait3A_889 = tpu.memref_slice %arg7[%dma_wait3A_886, %dma_wait3A_888] : memref<64x128xf32, #tpu.memory_space<vmem>> -> memref<1x128xf32, #tpu.memory_space<vmem>>
    %dma_wait3A_890 = tpu.memref_squeeze %dma_wait3A_889 : memref<1x128xf32, #tpu.memory_space<vmem>> -> memref<128xf32, #tpu.memory_space<vmem>>
    %dma_wait3A_891 = arith.constant 0 : i32
    %dma_wait3A_892 = tpu.memref_slice %arg6[%dma_wait3A_887, %dma_wait3A_891] : memref<64x128xi32, #tpu.memory_space<vmem>> -> memref<1x128xi32, #tpu.memory_space<vmem>>
    %dma_wait3A_893 = tpu.memref_squeeze %dma_wait3A_892 : memref<1x128xi32, #tpu.memory_space<vmem>> -> memref<128xi32, #tpu.memory_space<vmem>>
    %dma_wait3A_894 = arith.constant 0 : i32
    %dma_wait3A_895 = tpu.memref_slice %arg9[%dma_wait3A_894] : memref<1048576xf32, #tpu.memory_space<vmem_shared>> -> memref<1048576xf32, #tpu.memory_space<vmem_shared>>
    tpu.wait_indirect_dma semaphore(%arg12 : memref<!tpu.dma_semaphore, #tpu.memory_space<semaphore_mem>>) src(%dma_wait3A_890 : memref<128xf32, #tpu.memory_space<vmem>>) dst(%dma_wait3A_895 : memref<1048576xf32, #tpu.memory_space<vmem_shared>>)
    %dma_wait3A_896 = arith.constant 13 : i32
    %dma_wait3A_897 = arith.constant 13 : i32
    %dma_wait3A_898 = arith.constant 0 : i32
    %dma_wait3A_899 = tpu.memref_slice %arg7[%dma_wait3A_896, %dma_wait3A_898] : memref<64x128xf32, #tpu.memory_space<vmem>> -> memref<1x128xf32, #tpu.memory_space<vmem>>
    %dma_wait3A_900 = tpu.memref_squeeze %dma_wait3A_899 : memref<1x128xf32, #tpu.memory_space<vmem>> -> memref<128xf32, #tpu.memory_space<vmem>>
    %dma_wait3A_901 = arith.constant 0 : i32
    %dma_wait3A_902 = tpu.memref_slice %arg6[%dma_wait3A_897, %dma_wait3A_901] : memref<64x128xi32, #tpu.memory_space<vmem>> -> memref<1x128xi32, #tpu.memory_space<vmem>>
    %dma_wait3A_903 = tpu.memref_squeeze %dma_wait3A_902 : memref<1x128xi32, #tpu.memory_space<vmem>> -> memref<128xi32, #tpu.memory_space<vmem>>
    %dma_wait3A_904 = arith.constant 0 : i32
    %dma_wait3A_905 = tpu.memref_slice %arg9[%dma_wait3A_904] : memref<1048576xf32, #tpu.memory_space<vmem_shared>> -> memref<1048576xf32, #tpu.memory_space<vmem_shared>>
    tpu.wait_indirect_dma semaphore(%arg12 : memref<!tpu.dma_semaphore, #tpu.memory_space<semaphore_mem>>) src(%dma_wait3A_900 : memref<128xf32, #tpu.memory_space<vmem>>) dst(%dma_wait3A_905 : memref<1048576xf32, #tpu.memory_space<vmem_shared>>)
    %dma_wait3A_906 = arith.constant 14 : i32
    %dma_wait3A_907 = arith.constant 14 : i32
    %dma_wait3A_908 = arith.constant 0 : i32
    %dma_wait3A_909 = tpu.memref_slice %arg7[%dma_wait3A_906, %dma_wait3A_908] : memref<64x128xf32, #tpu.memory_space<vmem>> -> memref<1x128xf32, #tpu.memory_space<vmem>>
    %dma_wait3A_910 = tpu.memref_squeeze %dma_wait3A_909 : memref<1x128xf32, #tpu.memory_space<vmem>> -> memref<128xf32, #tpu.memory_space<vmem>>
    %dma_wait3A_911 = arith.constant 0 : i32
    %dma_wait3A_912 = tpu.memref_slice %arg6[%dma_wait3A_907, %dma_wait3A_911] : memref<64x128xi32, #tpu.memory_space<vmem>> -> memref<1x128xi32, #tpu.memory_space<vmem>>
    %dma_wait3A_913 = tpu.memref_squeeze %dma_wait3A_912 : memref<1x128xi32, #tpu.memory_space<vmem>> -> memref<128xi32, #tpu.memory_space<vmem>>
    %dma_wait3A_914 = arith.constant 0 : i32
    %dma_wait3A_915 = tpu.memref_slice %arg9[%dma_wait3A_914] : memref<1048576xf32, #tpu.memory_space<vmem_shared>> -> memref<1048576xf32, #tpu.memory_space<vmem_shared>>
    tpu.wait_indirect_dma semaphore(%arg12 : memref<!tpu.dma_semaphore, #tpu.memory_space<semaphore_mem>>) src(%dma_wait3A_910 : memref<128xf32, #tpu.memory_space<vmem>>) dst(%dma_wait3A_915 : memref<1048576xf32, #tpu.memory_space<vmem_shared>>)
    %dma_wait3A_916 = arith.constant 15 : i32
    %dma_wait3A_917 = arith.constant 15 : i32
    %dma_wait3A_918 = arith.constant 0 : i32
    %dma_wait3A_919 = tpu.memref_slice %arg7[%dma_wait3A_916, %dma_wait3A_918] : memref<64x128xf32, #tpu.memory_space<vmem>> -> memref<1x128xf32, #tpu.memory_space<vmem>>
    %dma_wait3A_920 = tpu.memref_squeeze %dma_wait3A_919 : memref<1x128xf32, #tpu.memory_space<vmem>> -> memref<128xf32, #tpu.memory_space<vmem>>
    %dma_wait3A_921 = arith.constant 0 : i32
    %dma_wait3A_922 = tpu.memref_slice %arg6[%dma_wait3A_917, %dma_wait3A_921] : memref<64x128xi32, #tpu.memory_space<vmem>> -> memref<1x128xi32, #tpu.memory_space<vmem>>
    %dma_wait3A_923 = tpu.memref_squeeze %dma_wait3A_922 : memref<1x128xi32, #tpu.memory_space<vmem>> -> memref<128xi32, #tpu.memory_space<vmem>>
    %dma_wait3A_924 = arith.constant 0 : i32
    %dma_wait3A_925 = tpu.memref_slice %arg9[%dma_wait3A_924] : memref<1048576xf32, #tpu.memory_space<vmem_shared>> -> memref<1048576xf32, #tpu.memory_space<vmem_shared>>
    tpu.wait_indirect_dma semaphore(%arg12 : memref<!tpu.dma_semaphore, #tpu.memory_space<semaphore_mem>>) src(%dma_wait3A_920 : memref<128xf32, #tpu.memory_space<vmem>>) dst(%dma_wait3A_925 : memref<1048576xf32, #tpu.memory_space<vmem_shared>>)
    %dma_wait3A_926 = arith.constant 16 : i32
    %dma_wait3A_927 = arith.constant 16 : i32
    %dma_wait3A_928 = arith.constant 0 : i32
    %dma_wait3A_929 = tpu.memref_slice %arg7[%dma_wait3A_926, %dma_wait3A_928] : memref<64x128xf32, #tpu.memory_space<vmem>> -> memref<1x128xf32, #tpu.memory_space<vmem>>
    %dma_wait3A_930 = tpu.memref_squeeze %dma_wait3A_929 : memref<1x128xf32, #tpu.memory_space<vmem>> -> memref<128xf32, #tpu.memory_space<vmem>>
    %dma_wait3A_931 = arith.constant 0 : i32
    %dma_wait3A_932 = tpu.memref_slice %arg6[%dma_wait3A_927, %dma_wait3A_931] : memref<64x128xi32, #tpu.memory_space<vmem>> -> memref<1x128xi32, #tpu.memory_space<vmem>>
    %dma_wait3A_933 = tpu.memref_squeeze %dma_wait3A_932 : memref<1x128xi32, #tpu.memory_space<vmem>> -> memref<128xi32, #tpu.memory_space<vmem>>
    %dma_wait3A_934 = arith.constant 0 : i32
    %dma_wait3A_935 = tpu.memref_slice %arg9[%dma_wait3A_934] : memref<1048576xf32, #tpu.memory_space<vmem_shared>> -> memref<1048576xf32, #tpu.memory_space<vmem_shared>>
    tpu.wait_indirect_dma semaphore(%arg12 : memref<!tpu.dma_semaphore, #tpu.memory_space<semaphore_mem>>) src(%dma_wait3A_930 : memref<128xf32, #tpu.memory_space<vmem>>) dst(%dma_wait3A_935 : memref<1048576xf32, #tpu.memory_space<vmem_shared>>)
    %dma_wait3A_936 = arith.constant 17 : i32
    %dma_wait3A_937 = arith.constant 17 : i32
    %dma_wait3A_938 = arith.constant 0 : i32
    %dma_wait3A_939 = tpu.memref_slice %arg7[%dma_wait3A_936, %dma_wait3A_938] : memref<64x128xf32, #tpu.memory_space<vmem>> -> memref<1x128xf32, #tpu.memory_space<vmem>>
    %dma_wait3A_940 = tpu.memref_squeeze %dma_wait3A_939 : memref<1x128xf32, #tpu.memory_space<vmem>> -> memref<128xf32, #tpu.memory_space<vmem>>
    %dma_wait3A_941 = arith.constant 0 : i32
    %dma_wait3A_942 = tpu.memref_slice %arg6[%dma_wait3A_937, %dma_wait3A_941] : memref<64x128xi32, #tpu.memory_space<vmem>> -> memref<1x128xi32, #tpu.memory_space<vmem>>
    %dma_wait3A_943 = tpu.memref_squeeze %dma_wait3A_942 : memref<1x128xi32, #tpu.memory_space<vmem>> -> memref<128xi32, #tpu.memory_space<vmem>>
    %dma_wait3A_944 = arith.constant 0 : i32
    %dma_wait3A_945 = tpu.memref_slice %arg9[%dma_wait3A_944] : memref<1048576xf32, #tpu.memory_space<vmem_shared>> -> memref<1048576xf32, #tpu.memory_space<vmem_shared>>
    tpu.wait_indirect_dma semaphore(%arg12 : memref<!tpu.dma_semaphore, #tpu.memory_space<semaphore_mem>>) src(%dma_wait3A_940 : memref<128xf32, #tpu.memory_space<vmem>>) dst(%dma_wait3A_945 : memref<1048576xf32, #tpu.memory_space<vmem_shared>>)
    %dma_wait3A_946 = arith.constant 18 : i32
    %dma_wait3A_947 = arith.constant 18 : i32
    %dma_wait3A_948 = arith.constant 0 : i32
    %dma_wait3A_949 = tpu.memref_slice %arg7[%dma_wait3A_946, %dma_wait3A_948] : memref<64x128xf32, #tpu.memory_space<vmem>> -> memref<1x128xf32, #tpu.memory_space<vmem>>
    %dma_wait3A_950 = tpu.memref_squeeze %dma_wait3A_949 : memref<1x128xf32, #tpu.memory_space<vmem>> -> memref<128xf32, #tpu.memory_space<vmem>>
    %dma_wait3A_951 = arith.constant 0 : i32
    %dma_wait3A_952 = tpu.memref_slice %arg6[%dma_wait3A_947, %dma_wait3A_951] : memref<64x128xi32, #tpu.memory_space<vmem>> -> memref<1x128xi32, #tpu.memory_space<vmem>>
    %dma_wait3A_953 = tpu.memref_squeeze %dma_wait3A_952 : memref<1x128xi32, #tpu.memory_space<vmem>> -> memref<128xi32, #tpu.memory_space<vmem>>
    %dma_wait3A_954 = arith.constant 0 : i32
    %dma_wait3A_955 = tpu.memref_slice %arg9[%dma_wait3A_954] : memref<1048576xf32, #tpu.memory_space<vmem_shared>> -> memref<1048576xf32, #tpu.memory_space<vmem_shared>>
    tpu.wait_indirect_dma semaphore(%arg12 : memref<!tpu.dma_semaphore, #tpu.memory_space<semaphore_mem>>) src(%dma_wait3A_950 : memref<128xf32, #tpu.memory_space<vmem>>) dst(%dma_wait3A_955 : memref<1048576xf32, #tpu.memory_space<vmem_shared>>)
    %dma_wait3A_956 = arith.constant 19 : i32
    %dma_wait3A_957 = arith.constant 19 : i32
    %dma_wait3A_958 = arith.constant 0 : i32
    %dma_wait3A_959 = tpu.memref_slice %arg7[%dma_wait3A_956, %dma_wait3A_958] : memref<64x128xf32, #tpu.memory_space<vmem>> -> memref<1x128xf32, #tpu.memory_space<vmem>>
    %dma_wait3A_960 = tpu.memref_squeeze %dma_wait3A_959 : memref<1x128xf32, #tpu.memory_space<vmem>> -> memref<128xf32, #tpu.memory_space<vmem>>
    %dma_wait3A_961 = arith.constant 0 : i32
    %dma_wait3A_962 = tpu.memref_slice %arg6[%dma_wait3A_957, %dma_wait3A_961] : memref<64x128xi32, #tpu.memory_space<vmem>> -> memref<1x128xi32, #tpu.memory_space<vmem>>
    %dma_wait3A_963 = tpu.memref_squeeze %dma_wait3A_962 : memref<1x128xi32, #tpu.memory_space<vmem>> -> memref<128xi32, #tpu.memory_space<vmem>>
    %dma_wait3A_964 = arith.constant 0 : i32
    %dma_wait3A_965 = tpu.memref_slice %arg9[%dma_wait3A_964] : memref<1048576xf32, #tpu.memory_space<vmem_shared>> -> memref<1048576xf32, #tpu.memory_space<vmem_shared>>
    tpu.wait_indirect_dma semaphore(%arg12 : memref<!tpu.dma_semaphore, #tpu.memory_space<semaphore_mem>>) src(%dma_wait3A_960 : memref<128xf32, #tpu.memory_space<vmem>>) dst(%dma_wait3A_965 : memref<1048576xf32, #tpu.memory_space<vmem_shared>>)
    %dma_wait3A_966 = arith.constant 20 : i32
    %dma_wait3A_967 = arith.constant 20 : i32
    %dma_wait3A_968 = arith.constant 0 : i32
    %dma_wait3A_969 = tpu.memref_slice %arg7[%dma_wait3A_966, %dma_wait3A_968] : memref<64x128xf32, #tpu.memory_space<vmem>> -> memref<1x128xf32, #tpu.memory_space<vmem>>
    %dma_wait3A_970 = tpu.memref_squeeze %dma_wait3A_969 : memref<1x128xf32, #tpu.memory_space<vmem>> -> memref<128xf32, #tpu.memory_space<vmem>>
    %dma_wait3A_971 = arith.constant 0 : i32
    %dma_wait3A_972 = tpu.memref_slice %arg6[%dma_wait3A_967, %dma_wait3A_971] : memref<64x128xi32, #tpu.memory_space<vmem>> -> memref<1x128xi32, #tpu.memory_space<vmem>>
    %dma_wait3A_973 = tpu.memref_squeeze %dma_wait3A_972 : memref<1x128xi32, #tpu.memory_space<vmem>> -> memref<128xi32, #tpu.memory_space<vmem>>
    %dma_wait3A_974 = arith.constant 0 : i32
    %dma_wait3A_975 = tpu.memref_slice %arg9[%dma_wait3A_974] : memref<1048576xf32, #tpu.memory_space<vmem_shared>> -> memref<1048576xf32, #tpu.memory_space<vmem_shared>>
    tpu.wait_indirect_dma semaphore(%arg12 : memref<!tpu.dma_semaphore, #tpu.memory_space<semaphore_mem>>) src(%dma_wait3A_970 : memref<128xf32, #tpu.memory_space<vmem>>) dst(%dma_wait3A_975 : memref<1048576xf32, #tpu.memory_space<vmem_shared>>)
    %dma_wait3A_976 = arith.constant 21 : i32
    %dma_wait3A_977 = arith.constant 21 : i32
    %dma_wait3A_978 = arith.constant 0 : i32
    %dma_wait3A_979 = tpu.memref_slice %arg7[%dma_wait3A_976, %dma_wait3A_978] : memref<64x128xf32, #tpu.memory_space<vmem>> -> memref<1x128xf32, #tpu.memory_space<vmem>>
    %dma_wait3A_980 = tpu.memref_squeeze %dma_wait3A_979 : memref<1x128xf32, #tpu.memory_space<vmem>> -> memref<128xf32, #tpu.memory_space<vmem>>
    %dma_wait3A_981 = arith.constant 0 : i32
    %dma_wait3A_982 = tpu.memref_slice %arg6[%dma_wait3A_977, %dma_wait3A_981] : memref<64x128xi32, #tpu.memory_space<vmem>> -> memref<1x128xi32, #tpu.memory_space<vmem>>
    %dma_wait3A_983 = tpu.memref_squeeze %dma_wait3A_982 : memref<1x128xi32, #tpu.memory_space<vmem>> -> memref<128xi32, #tpu.memory_space<vmem>>
    %dma_wait3A_984 = arith.constant 0 : i32
    %dma_wait3A_985 = tpu.memref_slice %arg9[%dma_wait3A_984] : memref<1048576xf32, #tpu.memory_space<vmem_shared>> -> memref<1048576xf32, #tpu.memory_space<vmem_shared>>
    tpu.wait_indirect_dma semaphore(%arg12 : memref<!tpu.dma_semaphore, #tpu.memory_space<semaphore_mem>>) src(%dma_wait3A_980 : memref<128xf32, #tpu.memory_space<vmem>>) dst(%dma_wait3A_985 : memref<1048576xf32, #tpu.memory_space<vmem_shared>>)
    %dma_wait3A_986 = arith.constant 22 : i32
    %dma_wait3A_987 = arith.constant 22 : i32
    %dma_wait3A_988 = arith.constant 0 : i32
    %dma_wait3A_989 = tpu.memref_slice %arg7[%dma_wait3A_986, %dma_wait3A_988] : memref<64x128xf32, #tpu.memory_space<vmem>> -> memref<1x128xf32, #tpu.memory_space<vmem>>
    %dma_wait3A_990 = tpu.memref_squeeze %dma_wait3A_989 : memref<1x128xf32, #tpu.memory_space<vmem>> -> memref<128xf32, #tpu.memory_space<vmem>>
    %dma_wait3A_991 = arith.constant 0 : i32
    %dma_wait3A_992 = tpu.memref_slice %arg6[%dma_wait3A_987, %dma_wait3A_991] : memref<64x128xi32, #tpu.memory_space<vmem>> -> memref<1x128xi32, #tpu.memory_space<vmem>>
    %dma_wait3A_993 = tpu.memref_squeeze %dma_wait3A_992 : memref<1x128xi32, #tpu.memory_space<vmem>> -> memref<128xi32, #tpu.memory_space<vmem>>
    %dma_wait3A_994 = arith.constant 0 : i32
    %dma_wait3A_995 = tpu.memref_slice %arg9[%dma_wait3A_994] : memref<1048576xf32, #tpu.memory_space<vmem_shared>> -> memref<1048576xf32, #tpu.memory_space<vmem_shared>>
    tpu.wait_indirect_dma semaphore(%arg12 : memref<!tpu.dma_semaphore, #tpu.memory_space<semaphore_mem>>) src(%dma_wait3A_990 : memref<128xf32, #tpu.memory_space<vmem>>) dst(%dma_wait3A_995 : memref<1048576xf32, #tpu.memory_space<vmem_shared>>)
    %dma_wait3A_996 = arith.constant 23 : i32
    %dma_wait3A_997 = arith.constant 23 : i32
    %dma_wait3A_998 = arith.constant 0 : i32
    %dma_wait3A_999 = tpu.memref_slice %arg7[%dma_wait3A_996, %dma_wait3A_998] : memref<64x128xf32, #tpu.memory_space<vmem>> -> memref<1x128xf32, #tpu.memory_space<vmem>>
    %dma_wait3A_1000 = tpu.memref_squeeze %dma_wait3A_999 : memref<1x128xf32, #tpu.memory_space<vmem>> -> memref<128xf32, #tpu.memory_space<vmem>>
    %dma_wait3A_1001 = arith.constant 0 : i32
    %dma_wait3A_1002 = tpu.memref_slice %arg6[%dma_wait3A_997, %dma_wait3A_1001] : memref<64x128xi32, #tpu.memory_space<vmem>> -> memref<1x128xi32, #tpu.memory_space<vmem>>
    %dma_wait3A_1003 = tpu.memref_squeeze %dma_wait3A_1002 : memref<1x128xi32, #tpu.memory_space<vmem>> -> memref<128xi32, #tpu.memory_space<vmem>>
    %dma_wait3A_1004 = arith.constant 0 : i32
    %dma_wait3A_1005 = tpu.memref_slice %arg9[%dma_wait3A_1004] : memref<1048576xf32, #tpu.memory_space<vmem_shared>> -> memref<1048576xf32, #tpu.memory_space<vmem_shared>>
    tpu.wait_indirect_dma semaphore(%arg12 : memref<!tpu.dma_semaphore, #tpu.memory_space<semaphore_mem>>) src(%dma_wait3A_1000 : memref<128xf32, #tpu.memory_space<vmem>>) dst(%dma_wait3A_1005 : memref<1048576xf32, #tpu.memory_space<vmem_shared>>)
    %dma_wait3A_1006 = arith.constant 24 : i32
    %dma_wait3A_1007 = arith.constant 24 : i32
    %dma_wait3A_1008 = arith.constant 0 : i32
    %dma_wait3A_1009 = tpu.memref_slice %arg7[%dma_wait3A_1006, %dma_wait3A_1008] : memref<64x128xf32, #tpu.memory_space<vmem>> -> memref<1x128xf32, #tpu.memory_space<vmem>>
    %dma_wait3A_1010 = tpu.memref_squeeze %dma_wait3A_1009 : memref<1x128xf32, #tpu.memory_space<vmem>> -> memref<128xf32, #tpu.memory_space<vmem>>
    %dma_wait3A_1011 = arith.constant 0 : i32
    %dma_wait3A_1012 = tpu.memref_slice %arg6[%dma_wait3A_1007, %dma_wait3A_1011] : memref<64x128xi32, #tpu.memory_space<vmem>> -> memref<1x128xi32, #tpu.memory_space<vmem>>
    %dma_wait3A_1013 = tpu.memref_squeeze %dma_wait3A_1012 : memref<1x128xi32, #tpu.memory_space<vmem>> -> memref<128xi32, #tpu.memory_space<vmem>>
    %dma_wait3A_1014 = arith.constant 0 : i32
    %dma_wait3A_1015 = tpu.memref_slice %arg9[%dma_wait3A_1014] : memref<1048576xf32, #tpu.memory_space<vmem_shared>> -> memref<1048576xf32, #tpu.memory_space<vmem_shared>>
    tpu.wait_indirect_dma semaphore(%arg12 : memref<!tpu.dma_semaphore, #tpu.memory_space<semaphore_mem>>) src(%dma_wait3A_1010 : memref<128xf32, #tpu.memory_space<vmem>>) dst(%dma_wait3A_1015 : memref<1048576xf32, #tpu.memory_space<vmem_shared>>)
    %dma_wait3A_1016 = arith.constant 25 : i32
    %dma_wait3A_1017 = arith.constant 25 : i32
    %dma_wait3A_1018 = arith.constant 0 : i32
    %dma_wait3A_1019 = tpu.memref_slice %arg7[%dma_wait3A_1016, %dma_wait3A_1018] : memref<64x128xf32, #tpu.memory_space<vmem>> -> memref<1x128xf32, #tpu.memory_space<vmem>>
    %dma_wait3A_1020 = tpu.memref_squeeze %dma_wait3A_1019 : memref<1x128xf32, #tpu.memory_space<vmem>> -> memref<128xf32, #tpu.memory_space<vmem>>
    %dma_wait3A_1021 = arith.constant 0 : i32
    %dma_wait3A_1022 = tpu.memref_slice %arg6[%dma_wait3A_1017, %dma_wait3A_1021] : memref<64x128xi32, #tpu.memory_space<vmem>> -> memref<1x128xi32, #tpu.memory_space<vmem>>
    %dma_wait3A_1023 = tpu.memref_squeeze %dma_wait3A_1022 : memref<1x128xi32, #tpu.memory_space<vmem>> -> memref<128xi32, #tpu.memory_space<vmem>>
    %dma_wait3A_1024 = arith.constant 0 : i32
    %dma_wait3A_1025 = tpu.memref_slice %arg9[%dma_wait3A_1024] : memref<1048576xf32, #tpu.memory_space<vmem_shared>> -> memref<1048576xf32, #tpu.memory_space<vmem_shared>>
    tpu.wait_indirect_dma semaphore(%arg12 : memref<!tpu.dma_semaphore, #tpu.memory_space<semaphore_mem>>) src(%dma_wait3A_1020 : memref<128xf32, #tpu.memory_space<vmem>>) dst(%dma_wait3A_1025 : memref<1048576xf32, #tpu.memory_space<vmem_shared>>)
    %dma_wait3A_1026 = arith.constant 26 : i32
    %dma_wait3A_1027 = arith.constant 26 : i32
    %dma_wait3A_1028 = arith.constant 0 : i32
    %dma_wait3A_1029 = tpu.memref_slice %arg7[%dma_wait3A_1026, %dma_wait3A_1028] : memref<64x128xf32, #tpu.memory_space<vmem>> -> memref<1x128xf32, #tpu.memory_space<vmem>>
    %dma_wait3A_1030 = tpu.memref_squeeze %dma_wait3A_1029 : memref<1x128xf32, #tpu.memory_space<vmem>> -> memref<128xf32, #tpu.memory_space<vmem>>
    %dma_wait3A_1031 = arith.constant 0 : i32
    %dma_wait3A_1032 = tpu.memref_slice %arg6[%dma_wait3A_1027, %dma_wait3A_1031] : memref<64x128xi32, #tpu.memory_space<vmem>> -> memref<1x128xi32, #tpu.memory_space<vmem>>
    %dma_wait3A_1033 = tpu.memref_squeeze %dma_wait3A_1032 : memref<1x128xi32, #tpu.memory_space<vmem>> -> memref<128xi32, #tpu.memory_space<vmem>>
    %dma_wait3A_1034 = arith.constant 0 : i32
    %dma_wait3A_1035 = tpu.memref_slice %arg9[%dma_wait3A_1034] : memref<1048576xf32, #tpu.memory_space<vmem_shared>> -> memref<1048576xf32, #tpu.memory_space<vmem_shared>>
    tpu.wait_indirect_dma semaphore(%arg12 : memref<!tpu.dma_semaphore, #tpu.memory_space<semaphore_mem>>) src(%dma_wait3A_1030 : memref<128xf32, #tpu.memory_space<vmem>>) dst(%dma_wait3A_1035 : memref<1048576xf32, #tpu.memory_space<vmem_shared>>)
    %dma_wait3A_1036 = arith.constant 27 : i32
    %dma_wait3A_1037 = arith.constant 27 : i32
    %dma_wait3A_1038 = arith.constant 0 : i32
    %dma_wait3A_1039 = tpu.memref_slice %arg7[%dma_wait3A_1036, %dma_wait3A_1038] : memref<64x128xf32, #tpu.memory_space<vmem>> -> memref<1x128xf32, #tpu.memory_space<vmem>>
    %dma_wait3A_1040 = tpu.memref_squeeze %dma_wait3A_1039 : memref<1x128xf32, #tpu.memory_space<vmem>> -> memref<128xf32, #tpu.memory_space<vmem>>
    %dma_wait3A_1041 = arith.constant 0 : i32
    %dma_wait3A_1042 = tpu.memref_slice %arg6[%dma_wait3A_1037, %dma_wait3A_1041] : memref<64x128xi32, #tpu.memory_space<vmem>> -> memref<1x128xi32, #tpu.memory_space<vmem>>
    %dma_wait3A_1043 = tpu.memref_squeeze %dma_wait3A_1042 : memref<1x128xi32, #tpu.memory_space<vmem>> -> memref<128xi32, #tpu.memory_space<vmem>>
    %dma_wait3A_1044 = arith.constant 0 : i32
    %dma_wait3A_1045 = tpu.memref_slice %arg9[%dma_wait3A_1044] : memref<1048576xf32, #tpu.memory_space<vmem_shared>> -> memref<1048576xf32, #tpu.memory_space<vmem_shared>>
    tpu.wait_indirect_dma semaphore(%arg12 : memref<!tpu.dma_semaphore, #tpu.memory_space<semaphore_mem>>) src(%dma_wait3A_1040 : memref<128xf32, #tpu.memory_space<vmem>>) dst(%dma_wait3A_1045 : memref<1048576xf32, #tpu.memory_space<vmem_shared>>)
    %dma_wait3A_1046 = arith.constant 28 : i32
    %dma_wait3A_1047 = arith.constant 28 : i32
    %dma_wait3A_1048 = arith.constant 0 : i32
    %dma_wait3A_1049 = tpu.memref_slice %arg7[%dma_wait3A_1046, %dma_wait3A_1048] : memref<64x128xf32, #tpu.memory_space<vmem>> -> memref<1x128xf32, #tpu.memory_space<vmem>>
    %dma_wait3A_1050 = tpu.memref_squeeze %dma_wait3A_1049 : memref<1x128xf32, #tpu.memory_space<vmem>> -> memref<128xf32, #tpu.memory_space<vmem>>
    %dma_wait3A_1051 = arith.constant 0 : i32
    %dma_wait3A_1052 = tpu.memref_slice %arg6[%dma_wait3A_1047, %dma_wait3A_1051] : memref<64x128xi32, #tpu.memory_space<vmem>> -> memref<1x128xi32, #tpu.memory_space<vmem>>
    %dma_wait3A_1053 = tpu.memref_squeeze %dma_wait3A_1052 : memref<1x128xi32, #tpu.memory_space<vmem>> -> memref<128xi32, #tpu.memory_space<vmem>>
    %dma_wait3A_1054 = arith.constant 0 : i32
    %dma_wait3A_1055 = tpu.memref_slice %arg9[%dma_wait3A_1054] : memref<1048576xf32, #tpu.memory_space<vmem_shared>> -> memref<1048576xf32, #tpu.memory_space<vmem_shared>>
    tpu.wait_indirect_dma semaphore(%arg12 : memref<!tpu.dma_semaphore, #tpu.memory_space<semaphore_mem>>) src(%dma_wait3A_1050 : memref<128xf32, #tpu.memory_space<vmem>>) dst(%dma_wait3A_1055 : memref<1048576xf32, #tpu.memory_space<vmem_shared>>)
    %dma_wait3A_1056 = arith.constant 29 : i32
    %dma_wait3A_1057 = arith.constant 29 : i32
    %dma_wait3A_1058 = arith.constant 0 : i32
    %dma_wait3A_1059 = tpu.memref_slice %arg7[%dma_wait3A_1056, %dma_wait3A_1058] : memref<64x128xf32, #tpu.memory_space<vmem>> -> memref<1x128xf32, #tpu.memory_space<vmem>>
    %dma_wait3A_1060 = tpu.memref_squeeze %dma_wait3A_1059 : memref<1x128xf32, #tpu.memory_space<vmem>> -> memref<128xf32, #tpu.memory_space<vmem>>
    %dma_wait3A_1061 = arith.constant 0 : i32
    %dma_wait3A_1062 = tpu.memref_slice %arg6[%dma_wait3A_1057, %dma_wait3A_1061] : memref<64x128xi32, #tpu.memory_space<vmem>> -> memref<1x128xi32, #tpu.memory_space<vmem>>
    %dma_wait3A_1063 = tpu.memref_squeeze %dma_wait3A_1062 : memref<1x128xi32, #tpu.memory_space<vmem>> -> memref<128xi32, #tpu.memory_space<vmem>>
    %dma_wait3A_1064 = arith.constant 0 : i32
    %dma_wait3A_1065 = tpu.memref_slice %arg9[%dma_wait3A_1064] : memref<1048576xf32, #tpu.memory_space<vmem_shared>> -> memref<1048576xf32, #tpu.memory_space<vmem_shared>>
    tpu.wait_indirect_dma semaphore(%arg12 : memref<!tpu.dma_semaphore, #tpu.memory_space<semaphore_mem>>) src(%dma_wait3A_1060 : memref<128xf32, #tpu.memory_space<vmem>>) dst(%dma_wait3A_1065 : memref<1048576xf32, #tpu.memory_space<vmem_shared>>)
    %dma_wait3A_1066 = arith.constant 30 : i32
    %dma_wait3A_1067 = arith.constant 30 : i32
    %dma_wait3A_1068 = arith.constant 0 : i32
    %dma_wait3A_1069 = tpu.memref_slice %arg7[%dma_wait3A_1066, %dma_wait3A_1068] : memref<64x128xf32, #tpu.memory_space<vmem>> -> memref<1x128xf32, #tpu.memory_space<vmem>>
    %dma_wait3A_1070 = tpu.memref_squeeze %dma_wait3A_1069 : memref<1x128xf32, #tpu.memory_space<vmem>> -> memref<128xf32, #tpu.memory_space<vmem>>
    %dma_wait3A_1071 = arith.constant 0 : i32
    %dma_wait3A_1072 = tpu.memref_slice %arg6[%dma_wait3A_1067, %dma_wait3A_1071] : memref<64x128xi32, #tpu.memory_space<vmem>> -> memref<1x128xi32, #tpu.memory_space<vmem>>
    %dma_wait3A_1073 = tpu.memref_squeeze %dma_wait3A_1072 : memref<1x128xi32, #tpu.memory_space<vmem>> -> memref<128xi32, #tpu.memory_space<vmem>>
    %dma_wait3A_1074 = arith.constant 0 : i32
    %dma_wait3A_1075 = tpu.memref_slice %arg9[%dma_wait3A_1074] : memref<1048576xf32, #tpu.memory_space<vmem_shared>> -> memref<1048576xf32, #tpu.memory_space<vmem_shared>>
    tpu.wait_indirect_dma semaphore(%arg12 : memref<!tpu.dma_semaphore, #tpu.memory_space<semaphore_mem>>) src(%dma_wait3A_1070 : memref<128xf32, #tpu.memory_space<vmem>>) dst(%dma_wait3A_1075 : memref<1048576xf32, #tpu.memory_space<vmem_shared>>)
    %dma_wait3A_1076 = arith.constant 31 : i32
    %dma_wait3A_1077 = arith.constant 31 : i32
    %dma_wait3A_1078 = arith.constant 0 : i32
    %dma_wait3A_1079 = tpu.memref_slice %arg7[%dma_wait3A_1076, %dma_wait3A_1078] : memref<64x128xf32, #tpu.memory_space<vmem>> -> memref<1x128xf32, #tpu.memory_space<vmem>>
    %dma_wait3A_1080 = tpu.memref_squeeze %dma_wait3A_1079 : memref<1x128xf32, #tpu.memory_space<vmem>> -> memref<128xf32, #tpu.memory_space<vmem>>
    %dma_wait3A_1081 = arith.constant 0 : i32
    %dma_wait3A_1082 = tpu.memref_slice %arg6[%dma_wait3A_1077, %dma_wait3A_1081] : memref<64x128xi32, #tpu.memory_space<vmem>> -> memref<1x128xi32, #tpu.memory_space<vmem>>
    %dma_wait3A_1083 = tpu.memref_squeeze %dma_wait3A_1082 : memref<1x128xi32, #tpu.memory_space<vmem>> -> memref<128xi32, #tpu.memory_space<vmem>>
    %dma_wait3A_1084 = arith.constant 0 : i32
    %dma_wait3A_1085 = tpu.memref_slice %arg9[%dma_wait3A_1084] : memref<1048576xf32, #tpu.memory_space<vmem_shared>> -> memref<1048576xf32, #tpu.memory_space<vmem_shared>>
    tpu.wait_indirect_dma semaphore(%arg12 : memref<!tpu.dma_semaphore, #tpu.memory_space<semaphore_mem>>) src(%dma_wait3A_1080 : memref<128xf32, #tpu.memory_space<vmem>>) dst(%dma_wait3A_1085 : memref<1048576xf32, #tpu.memory_space<vmem_shared>>)
    %dma_wait3A_1086 = arith.constant 32 : i32
    %dma_wait3A_1087 = arith.constant 32 : i32
    %dma_wait3A_1088 = arith.constant 0 : i32
    %dma_wait3A_1089 = tpu.memref_slice %arg7[%dma_wait3A_1086, %dma_wait3A_1088] : memref<64x128xf32, #tpu.memory_space<vmem>> -> memref<1x128xf32, #tpu.memory_space<vmem>>
    %dma_wait3A_1090 = tpu.memref_squeeze %dma_wait3A_1089 : memref<1x128xf32, #tpu.memory_space<vmem>> -> memref<128xf32, #tpu.memory_space<vmem>>
    %dma_wait3A_1091 = arith.constant 0 : i32
    %dma_wait3A_1092 = tpu.memref_slice %arg6[%dma_wait3A_1087, %dma_wait3A_1091] : memref<64x128xi32, #tpu.memory_space<vmem>> -> memref<1x128xi32, #tpu.memory_space<vmem>>
    %dma_wait3A_1093 = tpu.memref_squeeze %dma_wait3A_1092 : memref<1x128xi32, #tpu.memory_space<vmem>> -> memref<128xi32, #tpu.memory_space<vmem>>
    %dma_wait3A_1094 = arith.constant 0 : i32
    %dma_wait3A_1095 = tpu.memref_slice %arg9[%dma_wait3A_1094] : memref<1048576xf32, #tpu.memory_space<vmem_shared>> -> memref<1048576xf32, #tpu.memory_space<vmem_shared>>
    tpu.wait_indirect_dma semaphore(%arg12 : memref<!tpu.dma_semaphore, #tpu.memory_space<semaphore_mem>>) src(%dma_wait3A_1090 : memref<128xf32, #tpu.memory_space<vmem>>) dst(%dma_wait3A_1095 : memref<1048576xf32, #tpu.memory_space<vmem_shared>>)
    %dma_wait3A_1096 = arith.constant 33 : i32
    %dma_wait3A_1097 = arith.constant 33 : i32
    %dma_wait3A_1098 = arith.constant 0 : i32
    %dma_wait3A_1099 = tpu.memref_slice %arg7[%dma_wait3A_1096, %dma_wait3A_1098] : memref<64x128xf32, #tpu.memory_space<vmem>> -> memref<1x128xf32, #tpu.memory_space<vmem>>
    %dma_wait3A_1100 = tpu.memref_squeeze %dma_wait3A_1099 : memref<1x128xf32, #tpu.memory_space<vmem>> -> memref<128xf32, #tpu.memory_space<vmem>>
    %dma_wait3A_1101 = arith.constant 0 : i32
    %dma_wait3A_1102 = tpu.memref_slice %arg6[%dma_wait3A_1097, %dma_wait3A_1101] : memref<64x128xi32, #tpu.memory_space<vmem>> -> memref<1x128xi32, #tpu.memory_space<vmem>>
    %dma_wait3A_1103 = tpu.memref_squeeze %dma_wait3A_1102 : memref<1x128xi32, #tpu.memory_space<vmem>> -> memref<128xi32, #tpu.memory_space<vmem>>
    %dma_wait3A_1104 = arith.constant 0 : i32
    %dma_wait3A_1105 = tpu.memref_slice %arg9[%dma_wait3A_1104] : memref<1048576xf32, #tpu.memory_space<vmem_shared>> -> memref<1048576xf32, #tpu.memory_space<vmem_shared>>
    tpu.wait_indirect_dma semaphore(%arg12 : memref<!tpu.dma_semaphore, #tpu.memory_space<semaphore_mem>>) src(%dma_wait3A_1100 : memref<128xf32, #tpu.memory_space<vmem>>) dst(%dma_wait3A_1105 : memref<1048576xf32, #tpu.memory_space<vmem_shared>>)
    %dma_wait3A_1106 = arith.constant 34 : i32
    %dma_wait3A_1107 = arith.constant 34 : i32
    %dma_wait3A_1108 = arith.constant 0 : i32
    %dma_wait3A_1109 = tpu.memref_slice %arg7[%dma_wait3A_1106, %dma_wait3A_1108] : memref<64x128xf32, #tpu.memory_space<vmem>> -> memref<1x128xf32, #tpu.memory_space<vmem>>
    %dma_wait3A_1110 = tpu.memref_squeeze %dma_wait3A_1109 : memref<1x128xf32, #tpu.memory_space<vmem>> -> memref<128xf32, #tpu.memory_space<vmem>>
    %dma_wait3A_1111 = arith.constant 0 : i32
    %dma_wait3A_1112 = tpu.memref_slice %arg6[%dma_wait3A_1107, %dma_wait3A_1111] : memref<64x128xi32, #tpu.memory_space<vmem>> -> memref<1x128xi32, #tpu.memory_space<vmem>>
    %dma_wait3A_1113 = tpu.memref_squeeze %dma_wait3A_1112 : memref<1x128xi32, #tpu.memory_space<vmem>> -> memref<128xi32, #tpu.memory_space<vmem>>
    %dma_wait3A_1114 = arith.constant 0 : i32
    %dma_wait3A_1115 = tpu.memref_slice %arg9[%dma_wait3A_1114] : memref<1048576xf32, #tpu.memory_space<vmem_shared>> -> memref<1048576xf32, #tpu.memory_space<vmem_shared>>
    tpu.wait_indirect_dma semaphore(%arg12 : memref<!tpu.dma_semaphore, #tpu.memory_space<semaphore_mem>>) src(%dma_wait3A_1110 : memref<128xf32, #tpu.memory_space<vmem>>) dst(%dma_wait3A_1115 : memref<1048576xf32, #tpu.memory_space<vmem_shared>>)
    %dma_wait3A_1116 = arith.constant 35 : i32
    %dma_wait3A_1117 = arith.constant 35 : i32
    %dma_wait3A_1118 = arith.constant 0 : i32
    %dma_wait3A_1119 = tpu.memref_slice %arg7[%dma_wait3A_1116, %dma_wait3A_1118] : memref<64x128xf32, #tpu.memory_space<vmem>> -> memref<1x128xf32, #tpu.memory_space<vmem>>
    %dma_wait3A_1120 = tpu.memref_squeeze %dma_wait3A_1119 : memref<1x128xf32, #tpu.memory_space<vmem>> -> memref<128xf32, #tpu.memory_space<vmem>>
    %dma_wait3A_1121 = arith.constant 0 : i32
    %dma_wait3A_1122 = tpu.memref_slice %arg6[%dma_wait3A_1117, %dma_wait3A_1121] : memref<64x128xi32, #tpu.memory_space<vmem>> -> memref<1x128xi32, #tpu.memory_space<vmem>>
    %dma_wait3A_1123 = tpu.memref_squeeze %dma_wait3A_1122 : memref<1x128xi32, #tpu.memory_space<vmem>> -> memref<128xi32, #tpu.memory_space<vmem>>
    %dma_wait3A_1124 = arith.constant 0 : i32
    %dma_wait3A_1125 = tpu.memref_slice %arg9[%dma_wait3A_1124] : memref<1048576xf32, #tpu.memory_space<vmem_shared>> -> memref<1048576xf32, #tpu.memory_space<vmem_shared>>
    tpu.wait_indirect_dma semaphore(%arg12 : memref<!tpu.dma_semaphore, #tpu.memory_space<semaphore_mem>>) src(%dma_wait3A_1120 : memref<128xf32, #tpu.memory_space<vmem>>) dst(%dma_wait3A_1125 : memref<1048576xf32, #tpu.memory_space<vmem_shared>>)
    %dma_wait3A_1126 = arith.constant 36 : i32
    %dma_wait3A_1127 = arith.constant 36 : i32
    %dma_wait3A_1128 = arith.constant 0 : i32
    %dma_wait3A_1129 = tpu.memref_slice %arg7[%dma_wait3A_1126, %dma_wait3A_1128] : memref<64x128xf32, #tpu.memory_space<vmem>> -> memref<1x128xf32, #tpu.memory_space<vmem>>
    %dma_wait3A_1130 = tpu.memref_squeeze %dma_wait3A_1129 : memref<1x128xf32, #tpu.memory_space<vmem>> -> memref<128xf32, #tpu.memory_space<vmem>>
    %dma_wait3A_1131 = arith.constant 0 : i32
    %dma_wait3A_1132 = tpu.memref_slice %arg6[%dma_wait3A_1127, %dma_wait3A_1131] : memref<64x128xi32, #tpu.memory_space<vmem>> -> memref<1x128xi32, #tpu.memory_space<vmem>>
    %dma_wait3A_1133 = tpu.memref_squeeze %dma_wait3A_1132 : memref<1x128xi32, #tpu.memory_space<vmem>> -> memref<128xi32, #tpu.memory_space<vmem>>
    %dma_wait3A_1134 = arith.constant 0 : i32
    %dma_wait3A_1135 = tpu.memref_slice %arg9[%dma_wait3A_1134] : memref<1048576xf32, #tpu.memory_space<vmem_shared>> -> memref<1048576xf32, #tpu.memory_space<vmem_shared>>
    tpu.wait_indirect_dma semaphore(%arg12 : memref<!tpu.dma_semaphore, #tpu.memory_space<semaphore_mem>>) src(%dma_wait3A_1130 : memref<128xf32, #tpu.memory_space<vmem>>) dst(%dma_wait3A_1135 : memref<1048576xf32, #tpu.memory_space<vmem_shared>>)
    %dma_wait3A_1136 = arith.constant 37 : i32
    %dma_wait3A_1137 = arith.constant 37 : i32
    %dma_wait3A_1138 = arith.constant 0 : i32
    %dma_wait3A_1139 = tpu.memref_slice %arg7[%dma_wait3A_1136, %dma_wait3A_1138] : memref<64x128xf32, #tpu.memory_space<vmem>> -> memref<1x128xf32, #tpu.memory_space<vmem>>
    %dma_wait3A_1140 = tpu.memref_squeeze %dma_wait3A_1139 : memref<1x128xf32, #tpu.memory_space<vmem>> -> memref<128xf32, #tpu.memory_space<vmem>>
    %dma_wait3A_1141 = arith.constant 0 : i32
    %dma_wait3A_1142 = tpu.memref_slice %arg6[%dma_wait3A_1137, %dma_wait3A_1141] : memref<64x128xi32, #tpu.memory_space<vmem>> -> memref<1x128xi32, #tpu.memory_space<vmem>>
    %dma_wait3A_1143 = tpu.memref_squeeze %dma_wait3A_1142 : memref<1x128xi32, #tpu.memory_space<vmem>> -> memref<128xi32, #tpu.memory_space<vmem>>
    %dma_wait3A_1144 = arith.constant 0 : i32
    %dma_wait3A_1145 = tpu.memref_slice %arg9[%dma_wait3A_1144] : memref<1048576xf32, #tpu.memory_space<vmem_shared>> -> memref<1048576xf32, #tpu.memory_space<vmem_shared>>
    tpu.wait_indirect_dma semaphore(%arg12 : memref<!tpu.dma_semaphore, #tpu.memory_space<semaphore_mem>>) src(%dma_wait3A_1140 : memref<128xf32, #tpu.memory_space<vmem>>) dst(%dma_wait3A_1145 : memref<1048576xf32, #tpu.memory_space<vmem_shared>>)
    %dma_wait3A_1146 = arith.constant 38 : i32
    %dma_wait3A_1147 = arith.constant 38 : i32
    %dma_wait3A_1148 = arith.constant 0 : i32
    %dma_wait3A_1149 = tpu.memref_slice %arg7[%dma_wait3A_1146, %dma_wait3A_1148] : memref<64x128xf32, #tpu.memory_space<vmem>> -> memref<1x128xf32, #tpu.memory_space<vmem>>
    %dma_wait3A_1150 = tpu.memref_squeeze %dma_wait3A_1149 : memref<1x128xf32, #tpu.memory_space<vmem>> -> memref<128xf32, #tpu.memory_space<vmem>>
    %dma_wait3A_1151 = arith.constant 0 : i32
    %dma_wait3A_1152 = tpu.memref_slice %arg6[%dma_wait3A_1147, %dma_wait3A_1151] : memref<64x128xi32, #tpu.memory_space<vmem>> -> memref<1x128xi32, #tpu.memory_space<vmem>>
    %dma_wait3A_1153 = tpu.memref_squeeze %dma_wait3A_1152 : memref<1x128xi32, #tpu.memory_space<vmem>> -> memref<128xi32, #tpu.memory_space<vmem>>
    %dma_wait3A_1154 = arith.constant 0 : i32
    %dma_wait3A_1155 = tpu.memref_slice %arg9[%dma_wait3A_1154] : memref<1048576xf32, #tpu.memory_space<vmem_shared>> -> memref<1048576xf32, #tpu.memory_space<vmem_shared>>
    tpu.wait_indirect_dma semaphore(%arg12 : memref<!tpu.dma_semaphore, #tpu.memory_space<semaphore_mem>>) src(%dma_wait3A_1150 : memref<128xf32, #tpu.memory_space<vmem>>) dst(%dma_wait3A_1155 : memref<1048576xf32, #tpu.memory_space<vmem_shared>>)
    %dma_wait3A_1156 = arith.constant 39 : i32
    %dma_wait3A_1157 = arith.constant 39 : i32
    %dma_wait3A_1158 = arith.constant 0 : i32
    %dma_wait3A_1159 = tpu.memref_slice %arg7[%dma_wait3A_1156, %dma_wait3A_1158] : memref<64x128xf32, #tpu.memory_space<vmem>> -> memref<1x128xf32, #tpu.memory_space<vmem>>
    %dma_wait3A_1160 = tpu.memref_squeeze %dma_wait3A_1159 : memref<1x128xf32, #tpu.memory_space<vmem>> -> memref<128xf32, #tpu.memory_space<vmem>>
    %dma_wait3A_1161 = arith.constant 0 : i32
    %dma_wait3A_1162 = tpu.memref_slice %arg6[%dma_wait3A_1157, %dma_wait3A_1161] : memref<64x128xi32, #tpu.memory_space<vmem>> -> memref<1x128xi32, #tpu.memory_space<vmem>>
    %dma_wait3A_1163 = tpu.memref_squeeze %dma_wait3A_1162 : memref<1x128xi32, #tpu.memory_space<vmem>> -> memref<128xi32, #tpu.memory_space<vmem>>
    %dma_wait3A_1164 = arith.constant 0 : i32
    %dma_wait3A_1165 = tpu.memref_slice %arg9[%dma_wait3A_1164] : memref<1048576xf32, #tpu.memory_space<vmem_shared>> -> memref<1048576xf32, #tpu.memory_space<vmem_shared>>
    tpu.wait_indirect_dma semaphore(%arg12 : memref<!tpu.dma_semaphore, #tpu.memory_space<semaphore_mem>>) src(%dma_wait3A_1160 : memref<128xf32, #tpu.memory_space<vmem>>) dst(%dma_wait3A_1165 : memref<1048576xf32, #tpu.memory_space<vmem_shared>>)
    %dma_wait3A_1166 = arith.constant 40 : i32
    %dma_wait3A_1167 = arith.constant 40 : i32
    %dma_wait3A_1168 = arith.constant 0 : i32
    %dma_wait3A_1169 = tpu.memref_slice %arg7[%dma_wait3A_1166, %dma_wait3A_1168] : memref<64x128xf32, #tpu.memory_space<vmem>> -> memref<1x128xf32, #tpu.memory_space<vmem>>
    %dma_wait3A_1170 = tpu.memref_squeeze %dma_wait3A_1169 : memref<1x128xf32, #tpu.memory_space<vmem>> -> memref<128xf32, #tpu.memory_space<vmem>>
    %dma_wait3A_1171 = arith.constant 0 : i32
    %dma_wait3A_1172 = tpu.memref_slice %arg6[%dma_wait3A_1167, %dma_wait3A_1171] : memref<64x128xi32, #tpu.memory_space<vmem>> -> memref<1x128xi32, #tpu.memory_space<vmem>>
    %dma_wait3A_1173 = tpu.memref_squeeze %dma_wait3A_1172 : memref<1x128xi32, #tpu.memory_space<vmem>> -> memref<128xi32, #tpu.memory_space<vmem>>
    %dma_wait3A_1174 = arith.constant 0 : i32
    %dma_wait3A_1175 = tpu.memref_slice %arg9[%dma_wait3A_1174] : memref<1048576xf32, #tpu.memory_space<vmem_shared>> -> memref<1048576xf32, #tpu.memory_space<vmem_shared>>
    tpu.wait_indirect_dma semaphore(%arg12 : memref<!tpu.dma_semaphore, #tpu.memory_space<semaphore_mem>>) src(%dma_wait3A_1170 : memref<128xf32, #tpu.memory_space<vmem>>) dst(%dma_wait3A_1175 : memref<1048576xf32, #tpu.memory_space<vmem_shared>>)
    %dma_wait3A_1176 = arith.constant 41 : i32
    %dma_wait3A_1177 = arith.constant 41 : i32
    %dma_wait3A_1178 = arith.constant 0 : i32
    %dma_wait3A_1179 = tpu.memref_slice %arg7[%dma_wait3A_1176, %dma_wait3A_1178] : memref<64x128xf32, #tpu.memory_space<vmem>> -> memref<1x128xf32, #tpu.memory_space<vmem>>
    %dma_wait3A_1180 = tpu.memref_squeeze %dma_wait3A_1179 : memref<1x128xf32, #tpu.memory_space<vmem>> -> memref<128xf32, #tpu.memory_space<vmem>>
    %dma_wait3A_1181 = arith.constant 0 : i32
    %dma_wait3A_1182 = tpu.memref_slice %arg6[%dma_wait3A_1177, %dma_wait3A_1181] : memref<64x128xi32, #tpu.memory_space<vmem>> -> memref<1x128xi32, #tpu.memory_space<vmem>>
    %dma_wait3A_1183 = tpu.memref_squeeze %dma_wait3A_1182 : memref<1x128xi32, #tpu.memory_space<vmem>> -> memref<128xi32, #tpu.memory_space<vmem>>
    %dma_wait3A_1184 = arith.constant 0 : i32
    %dma_wait3A_1185 = tpu.memref_slice %arg9[%dma_wait3A_1184] : memref<1048576xf32, #tpu.memory_space<vmem_shared>> -> memref<1048576xf32, #tpu.memory_space<vmem_shared>>
    tpu.wait_indirect_dma semaphore(%arg12 : memref<!tpu.dma_semaphore, #tpu.memory_space<semaphore_mem>>) src(%dma_wait3A_1180 : memref<128xf32, #tpu.memory_space<vmem>>) dst(%dma_wait3A_1185 : memref<1048576xf32, #tpu.memory_space<vmem_shared>>)
    %dma_wait3A_1186 = arith.constant 42 : i32
    %dma_wait3A_1187 = arith.constant 42 : i32
    %dma_wait3A_1188 = arith.constant 0 : i32
    %dma_wait3A_1189 = tpu.memref_slice %arg7[%dma_wait3A_1186, %dma_wait3A_1188] : memref<64x128xf32, #tpu.memory_space<vmem>> -> memref<1x128xf32, #tpu.memory_space<vmem>>
    %dma_wait3A_1190 = tpu.memref_squeeze %dma_wait3A_1189 : memref<1x128xf32, #tpu.memory_space<vmem>> -> memref<128xf32, #tpu.memory_space<vmem>>
    %dma_wait3A_1191 = arith.constant 0 : i32
    %dma_wait3A_1192 = tpu.memref_slice %arg6[%dma_wait3A_1187, %dma_wait3A_1191] : memref<64x128xi32, #tpu.memory_space<vmem>> -> memref<1x128xi32, #tpu.memory_space<vmem>>
    %dma_wait3A_1193 = tpu.memref_squeeze %dma_wait3A_1192 : memref<1x128xi32, #tpu.memory_space<vmem>> -> memref<128xi32, #tpu.memory_space<vmem>>
    %dma_wait3A_1194 = arith.constant 0 : i32
    %dma_wait3A_1195 = tpu.memref_slice %arg9[%dma_wait3A_1194] : memref<1048576xf32, #tpu.memory_space<vmem_shared>> -> memref<1048576xf32, #tpu.memory_space<vmem_shared>>
    tpu.wait_indirect_dma semaphore(%arg12 : memref<!tpu.dma_semaphore, #tpu.memory_space<semaphore_mem>>) src(%dma_wait3A_1190 : memref<128xf32, #tpu.memory_space<vmem>>) dst(%dma_wait3A_1195 : memref<1048576xf32, #tpu.memory_space<vmem_shared>>)
    %dma_wait3A_1196 = arith.constant 43 : i32
    %dma_wait3A_1197 = arith.constant 43 : i32
    %dma_wait3A_1198 = arith.constant 0 : i32
    %dma_wait3A_1199 = tpu.memref_slice %arg7[%dma_wait3A_1196, %dma_wait3A_1198] : memref<64x128xf32, #tpu.memory_space<vmem>> -> memref<1x128xf32, #tpu.memory_space<vmem>>
    %dma_wait3A_1200 = tpu.memref_squeeze %dma_wait3A_1199 : memref<1x128xf32, #tpu.memory_space<vmem>> -> memref<128xf32, #tpu.memory_space<vmem>>
    %dma_wait3A_1201 = arith.constant 0 : i32
    %dma_wait3A_1202 = tpu.memref_slice %arg6[%dma_wait3A_1197, %dma_wait3A_1201] : memref<64x128xi32, #tpu.memory_space<vmem>> -> memref<1x128xi32, #tpu.memory_space<vmem>>
    %dma_wait3A_1203 = tpu.memref_squeeze %dma_wait3A_1202 : memref<1x128xi32, #tpu.memory_space<vmem>> -> memref<128xi32, #tpu.memory_space<vmem>>
    %dma_wait3A_1204 = arith.constant 0 : i32
    %dma_wait3A_1205 = tpu.memref_slice %arg9[%dma_wait3A_1204] : memref<1048576xf32, #tpu.memory_space<vmem_shared>> -> memref<1048576xf32, #tpu.memory_space<vmem_shared>>
    tpu.wait_indirect_dma semaphore(%arg12 : memref<!tpu.dma_semaphore, #tpu.memory_space<semaphore_mem>>) src(%dma_wait3A_1200 : memref<128xf32, #tpu.memory_space<vmem>>) dst(%dma_wait3A_1205 : memref<1048576xf32, #tpu.memory_space<vmem_shared>>)
    %dma_wait3A_1206 = arith.constant 44 : i32
    %dma_wait3A_1207 = arith.constant 44 : i32
    %dma_wait3A_1208 = arith.constant 0 : i32
    %dma_wait3A_1209 = tpu.memref_slice %arg7[%dma_wait3A_1206, %dma_wait3A_1208] : memref<64x128xf32, #tpu.memory_space<vmem>> -> memref<1x128xf32, #tpu.memory_space<vmem>>
    %dma_wait3A_1210 = tpu.memref_squeeze %dma_wait3A_1209 : memref<1x128xf32, #tpu.memory_space<vmem>> -> memref<128xf32, #tpu.memory_space<vmem>>
    %dma_wait3A_1211 = arith.constant 0 : i32
    %dma_wait3A_1212 = tpu.memref_slice %arg6[%dma_wait3A_1207, %dma_wait3A_1211] : memref<64x128xi32, #tpu.memory_space<vmem>> -> memref<1x128xi32, #tpu.memory_space<vmem>>
    %dma_wait3A_1213 = tpu.memref_squeeze %dma_wait3A_1212 : memref<1x128xi32, #tpu.memory_space<vmem>> -> memref<128xi32, #tpu.memory_space<vmem>>
    %dma_wait3A_1214 = arith.constant 0 : i32
    %dma_wait3A_1215 = tpu.memref_slice %arg9[%dma_wait3A_1214] : memref<1048576xf32, #tpu.memory_space<vmem_shared>> -> memref<1048576xf32, #tpu.memory_space<vmem_shared>>
    tpu.wait_indirect_dma semaphore(%arg12 : memref<!tpu.dma_semaphore, #tpu.memory_space<semaphore_mem>>) src(%dma_wait3A_1210 : memref<128xf32, #tpu.memory_space<vmem>>) dst(%dma_wait3A_1215 : memref<1048576xf32, #tpu.memory_space<vmem_shared>>)
    %dma_wait3A_1216 = arith.constant 45 : i32
    %dma_wait3A_1217 = arith.constant 45 : i32
    %dma_wait3A_1218 = arith.constant 0 : i32
    %dma_wait3A_1219 = tpu.memref_slice %arg7[%dma_wait3A_1216, %dma_wait3A_1218] : memref<64x128xf32, #tpu.memory_space<vmem>> -> memref<1x128xf32, #tpu.memory_space<vmem>>
    %dma_wait3A_1220 = tpu.memref_squeeze %dma_wait3A_1219 : memref<1x128xf32, #tpu.memory_space<vmem>> -> memref<128xf32, #tpu.memory_space<vmem>>
    %dma_wait3A_1221 = arith.constant 0 : i32
    %dma_wait3A_1222 = tpu.memref_slice %arg6[%dma_wait3A_1217, %dma_wait3A_1221] : memref<64x128xi32, #tpu.memory_space<vmem>> -> memref<1x128xi32, #tpu.memory_space<vmem>>
    %dma_wait3A_1223 = tpu.memref_squeeze %dma_wait3A_1222 : memref<1x128xi32, #tpu.memory_space<vmem>> -> memref<128xi32, #tpu.memory_space<vmem>>
    %dma_wait3A_1224 = arith.constant 0 : i32
    %dma_wait3A_1225 = tpu.memref_slice %arg9[%dma_wait3A_1224] : memref<1048576xf32, #tpu.memory_space<vmem_shared>> -> memref<1048576xf32, #tpu.memory_space<vmem_shared>>
    tpu.wait_indirect_dma semaphore(%arg12 : memref<!tpu.dma_semaphore, #tpu.memory_space<semaphore_mem>>) src(%dma_wait3A_1220 : memref<128xf32, #tpu.memory_space<vmem>>) dst(%dma_wait3A_1225 : memref<1048576xf32, #tpu.memory_space<vmem_shared>>)
    %dma_wait3A_1226 = arith.constant 46 : i32
    %dma_wait3A_1227 = arith.constant 46 : i32
    %dma_wait3A_1228 = arith.constant 0 : i32
    %dma_wait3A_1229 = tpu.memref_slice %arg7[%dma_wait3A_1226, %dma_wait3A_1228] : memref<64x128xf32, #tpu.memory_space<vmem>> -> memref<1x128xf32, #tpu.memory_space<vmem>>
    %dma_wait3A_1230 = tpu.memref_squeeze %dma_wait3A_1229 : memref<1x128xf32, #tpu.memory_space<vmem>> -> memref<128xf32, #tpu.memory_space<vmem>>
    %dma_wait3A_1231 = arith.constant 0 : i32
    %dma_wait3A_1232 = tpu.memref_slice %arg6[%dma_wait3A_1227, %dma_wait3A_1231] : memref<64x128xi32, #tpu.memory_space<vmem>> -> memref<1x128xi32, #tpu.memory_space<vmem>>
    %dma_wait3A_1233 = tpu.memref_squeeze %dma_wait3A_1232 : memref<1x128xi32, #tpu.memory_space<vmem>> -> memref<128xi32, #tpu.memory_space<vmem>>
    %dma_wait3A_1234 = arith.constant 0 : i32
    %dma_wait3A_1235 = tpu.memref_slice %arg9[%dma_wait3A_1234] : memref<1048576xf32, #tpu.memory_space<vmem_shared>> -> memref<1048576xf32, #tpu.memory_space<vmem_shared>>
    tpu.wait_indirect_dma semaphore(%arg12 : memref<!tpu.dma_semaphore, #tpu.memory_space<semaphore_mem>>) src(%dma_wait3A_1230 : memref<128xf32, #tpu.memory_space<vmem>>) dst(%dma_wait3A_1235 : memref<1048576xf32, #tpu.memory_space<vmem_shared>>)
    %dma_wait3A_1236 = arith.constant 47 : i32
    %dma_wait3A_1237 = arith.constant 47 : i32
    %dma_wait3A_1238 = arith.constant 0 : i32
    %dma_wait3A_1239 = tpu.memref_slice %arg7[%dma_wait3A_1236, %dma_wait3A_1238] : memref<64x128xf32, #tpu.memory_space<vmem>> -> memref<1x128xf32, #tpu.memory_space<vmem>>
    %dma_wait3A_1240 = tpu.memref_squeeze %dma_wait3A_1239 : memref<1x128xf32, #tpu.memory_space<vmem>> -> memref<128xf32, #tpu.memory_space<vmem>>
    %dma_wait3A_1241 = arith.constant 0 : i32
    %dma_wait3A_1242 = tpu.memref_slice %arg6[%dma_wait3A_1237, %dma_wait3A_1241] : memref<64x128xi32, #tpu.memory_space<vmem>> -> memref<1x128xi32, #tpu.memory_space<vmem>>
    %dma_wait3A_1243 = tpu.memref_squeeze %dma_wait3A_1242 : memref<1x128xi32, #tpu.memory_space<vmem>> -> memref<128xi32, #tpu.memory_space<vmem>>
    %dma_wait3A_1244 = arith.constant 0 : i32
    %dma_wait3A_1245 = tpu.memref_slice %arg9[%dma_wait3A_1244] : memref<1048576xf32, #tpu.memory_space<vmem_shared>> -> memref<1048576xf32, #tpu.memory_space<vmem_shared>>
    tpu.wait_indirect_dma semaphore(%arg12 : memref<!tpu.dma_semaphore, #tpu.memory_space<semaphore_mem>>) src(%dma_wait3A_1240 : memref<128xf32, #tpu.memory_space<vmem>>) dst(%dma_wait3A_1245 : memref<1048576xf32, #tpu.memory_space<vmem_shared>>)
    %dma_wait3A_1246 = arith.constant 48 : i32
    %dma_wait3A_1247 = arith.constant 48 : i32
    %dma_wait3A_1248 = arith.constant 0 : i32
    %dma_wait3A_1249 = tpu.memref_slice %arg7[%dma_wait3A_1246, %dma_wait3A_1248] : memref<64x128xf32, #tpu.memory_space<vmem>> -> memref<1x128xf32, #tpu.memory_space<vmem>>
    %dma_wait3A_1250 = tpu.memref_squeeze %dma_wait3A_1249 : memref<1x128xf32, #tpu.memory_space<vmem>> -> memref<128xf32, #tpu.memory_space<vmem>>
    %dma_wait3A_1251 = arith.constant 0 : i32
    %dma_wait3A_1252 = tpu.memref_slice %arg6[%dma_wait3A_1247, %dma_wait3A_1251] : memref<64x128xi32, #tpu.memory_space<vmem>> -> memref<1x128xi32, #tpu.memory_space<vmem>>
    %dma_wait3A_1253 = tpu.memref_squeeze %dma_wait3A_1252 : memref<1x128xi32, #tpu.memory_space<vmem>> -> memref<128xi32, #tpu.memory_space<vmem>>
    %dma_wait3A_1254 = arith.constant 0 : i32
    %dma_wait3A_1255 = tpu.memref_slice %arg9[%dma_wait3A_1254] : memref<1048576xf32, #tpu.memory_space<vmem_shared>> -> memref<1048576xf32, #tpu.memory_space<vmem_shared>>
    tpu.wait_indirect_dma semaphore(%arg12 : memref<!tpu.dma_semaphore, #tpu.memory_space<semaphore_mem>>) src(%dma_wait3A_1250 : memref<128xf32, #tpu.memory_space<vmem>>) dst(%dma_wait3A_1255 : memref<1048576xf32, #tpu.memory_space<vmem_shared>>)
    %dma_wait3A_1256 = arith.constant 49 : i32
    %dma_wait3A_1257 = arith.constant 49 : i32
    %dma_wait3A_1258 = arith.constant 0 : i32
    %dma_wait3A_1259 = tpu.memref_slice %arg7[%dma_wait3A_1256, %dma_wait3A_1258] : memref<64x128xf32, #tpu.memory_space<vmem>> -> memref<1x128xf32, #tpu.memory_space<vmem>>
    %dma_wait3A_1260 = tpu.memref_squeeze %dma_wait3A_1259 : memref<1x128xf32, #tpu.memory_space<vmem>> -> memref<128xf32, #tpu.memory_space<vmem>>
    %dma_wait3A_1261 = arith.constant 0 : i32
    %dma_wait3A_1262 = tpu.memref_slice %arg6[%dma_wait3A_1257, %dma_wait3A_1261] : memref<64x128xi32, #tpu.memory_space<vmem>> -> memref<1x128xi32, #tpu.memory_space<vmem>>
    %dma_wait3A_1263 = tpu.memref_squeeze %dma_wait3A_1262 : memref<1x128xi32, #tpu.memory_space<vmem>> -> memref<128xi32, #tpu.memory_space<vmem>>
    %dma_wait3A_1264 = arith.constant 0 : i32
    %dma_wait3A_1265 = tpu.memref_slice %arg9[%dma_wait3A_1264] : memref<1048576xf32, #tpu.memory_space<vmem_shared>> -> memref<1048576xf32, #tpu.memory_space<vmem_shared>>
    tpu.wait_indirect_dma semaphore(%arg12 : memref<!tpu.dma_semaphore, #tpu.memory_space<semaphore_mem>>) src(%dma_wait3A_1260 : memref<128xf32, #tpu.memory_space<vmem>>) dst(%dma_wait3A_1265 : memref<1048576xf32, #tpu.memory_space<vmem_shared>>)
    %dma_wait3A_1266 = arith.constant 50 : i32
    %dma_wait3A_1267 = arith.constant 50 : i32
    %dma_wait3A_1268 = arith.constant 0 : i32
    %dma_wait3A_1269 = tpu.memref_slice %arg7[%dma_wait3A_1266, %dma_wait3A_1268] : memref<64x128xf32, #tpu.memory_space<vmem>> -> memref<1x128xf32, #tpu.memory_space<vmem>>
    %dma_wait3A_1270 = tpu.memref_squeeze %dma_wait3A_1269 : memref<1x128xf32, #tpu.memory_space<vmem>> -> memref<128xf32, #tpu.memory_space<vmem>>
    %dma_wait3A_1271 = arith.constant 0 : i32
    %dma_wait3A_1272 = tpu.memref_slice %arg6[%dma_wait3A_1267, %dma_wait3A_1271] : memref<64x128xi32, #tpu.memory_space<vmem>> -> memref<1x128xi32, #tpu.memory_space<vmem>>
    %dma_wait3A_1273 = tpu.memref_squeeze %dma_wait3A_1272 : memref<1x128xi32, #tpu.memory_space<vmem>> -> memref<128xi32, #tpu.memory_space<vmem>>
    %dma_wait3A_1274 = arith.constant 0 : i32
    %dma_wait3A_1275 = tpu.memref_slice %arg9[%dma_wait3A_1274] : memref<1048576xf32, #tpu.memory_space<vmem_shared>> -> memref<1048576xf32, #tpu.memory_space<vmem_shared>>
    tpu.wait_indirect_dma semaphore(%arg12 : memref<!tpu.dma_semaphore, #tpu.memory_space<semaphore_mem>>) src(%dma_wait3A_1270 : memref<128xf32, #tpu.memory_space<vmem>>) dst(%dma_wait3A_1275 : memref<1048576xf32, #tpu.memory_space<vmem_shared>>)
    %dma_wait3A_1276 = arith.constant 51 : i32
    %dma_wait3A_1277 = arith.constant 51 : i32
    %dma_wait3A_1278 = arith.constant 0 : i32
    %dma_wait3A_1279 = tpu.memref_slice %arg7[%dma_wait3A_1276, %dma_wait3A_1278] : memref<64x128xf32, #tpu.memory_space<vmem>> -> memref<1x128xf32, #tpu.memory_space<vmem>>
    %dma_wait3A_1280 = tpu.memref_squeeze %dma_wait3A_1279 : memref<1x128xf32, #tpu.memory_space<vmem>> -> memref<128xf32, #tpu.memory_space<vmem>>
    %dma_wait3A_1281 = arith.constant 0 : i32
    %dma_wait3A_1282 = tpu.memref_slice %arg6[%dma_wait3A_1277, %dma_wait3A_1281] : memref<64x128xi32, #tpu.memory_space<vmem>> -> memref<1x128xi32, #tpu.memory_space<vmem>>
    %dma_wait3A_1283 = tpu.memref_squeeze %dma_wait3A_1282 : memref<1x128xi32, #tpu.memory_space<vmem>> -> memref<128xi32, #tpu.memory_space<vmem>>
    %dma_wait3A_1284 = arith.constant 0 : i32
    %dma_wait3A_1285 = tpu.memref_slice %arg9[%dma_wait3A_1284] : memref<1048576xf32, #tpu.memory_space<vmem_shared>> -> memref<1048576xf32, #tpu.memory_space<vmem_shared>>
    tpu.wait_indirect_dma semaphore(%arg12 : memref<!tpu.dma_semaphore, #tpu.memory_space<semaphore_mem>>) src(%dma_wait3A_1280 : memref<128xf32, #tpu.memory_space<vmem>>) dst(%dma_wait3A_1285 : memref<1048576xf32, #tpu.memory_space<vmem_shared>>)
    %dma_wait3A_1286 = arith.constant 52 : i32
    %dma_wait3A_1287 = arith.constant 52 : i32
    %dma_wait3A_1288 = arith.constant 0 : i32
    %dma_wait3A_1289 = tpu.memref_slice %arg7[%dma_wait3A_1286, %dma_wait3A_1288] : memref<64x128xf32, #tpu.memory_space<vmem>> -> memref<1x128xf32, #tpu.memory_space<vmem>>
    %dma_wait3A_1290 = tpu.memref_squeeze %dma_wait3A_1289 : memref<1x128xf32, #tpu.memory_space<vmem>> -> memref<128xf32, #tpu.memory_space<vmem>>
    %dma_wait3A_1291 = arith.constant 0 : i32
    %dma_wait3A_1292 = tpu.memref_slice %arg6[%dma_wait3A_1287, %dma_wait3A_1291] : memref<64x128xi32, #tpu.memory_space<vmem>> -> memref<1x128xi32, #tpu.memory_space<vmem>>
    %dma_wait3A_1293 = tpu.memref_squeeze %dma_wait3A_1292 : memref<1x128xi32, #tpu.memory_space<vmem>> -> memref<128xi32, #tpu.memory_space<vmem>>
    %dma_wait3A_1294 = arith.constant 0 : i32
    %dma_wait3A_1295 = tpu.memref_slice %arg9[%dma_wait3A_1294] : memref<1048576xf32, #tpu.memory_space<vmem_shared>> -> memref<1048576xf32, #tpu.memory_space<vmem_shared>>
    tpu.wait_indirect_dma semaphore(%arg12 : memref<!tpu.dma_semaphore, #tpu.memory_space<semaphore_mem>>) src(%dma_wait3A_1290 : memref<128xf32, #tpu.memory_space<vmem>>) dst(%dma_wait3A_1295 : memref<1048576xf32, #tpu.memory_space<vmem_shared>>)
    %dma_wait3A_1296 = arith.constant 53 : i32
    %dma_wait3A_1297 = arith.constant 53 : i32
    %dma_wait3A_1298 = arith.constant 0 : i32
    %dma_wait3A_1299 = tpu.memref_slice %arg7[%dma_wait3A_1296, %dma_wait3A_1298] : memref<64x128xf32, #tpu.memory_space<vmem>> -> memref<1x128xf32, #tpu.memory_space<vmem>>
    %dma_wait3A_1300 = tpu.memref_squeeze %dma_wait3A_1299 : memref<1x128xf32, #tpu.memory_space<vmem>> -> memref<128xf32, #tpu.memory_space<vmem>>
    %dma_wait3A_1301 = arith.constant 0 : i32
    %dma_wait3A_1302 = tpu.memref_slice %arg6[%dma_wait3A_1297, %dma_wait3A_1301] : memref<64x128xi32, #tpu.memory_space<vmem>> -> memref<1x128xi32, #tpu.memory_space<vmem>>
    %dma_wait3A_1303 = tpu.memref_squeeze %dma_wait3A_1302 : memref<1x128xi32, #tpu.memory_space<vmem>> -> memref<128xi32, #tpu.memory_space<vmem>>
    %dma_wait3A_1304 = arith.constant 0 : i32
    %dma_wait3A_1305 = tpu.memref_slice %arg9[%dma_wait3A_1304] : memref<1048576xf32, #tpu.memory_space<vmem_shared>> -> memref<1048576xf32, #tpu.memory_space<vmem_shared>>
    tpu.wait_indirect_dma semaphore(%arg12 : memref<!tpu.dma_semaphore, #tpu.memory_space<semaphore_mem>>) src(%dma_wait3A_1300 : memref<128xf32, #tpu.memory_space<vmem>>) dst(%dma_wait3A_1305 : memref<1048576xf32, #tpu.memory_space<vmem_shared>>)
    %dma_wait3A_1306 = arith.constant 54 : i32
    %dma_wait3A_1307 = arith.constant 54 : i32
    %dma_wait3A_1308 = arith.constant 0 : i32
    %dma_wait3A_1309 = tpu.memref_slice %arg7[%dma_wait3A_1306, %dma_wait3A_1308] : memref<64x128xf32, #tpu.memory_space<vmem>> -> memref<1x128xf32, #tpu.memory_space<vmem>>
    %dma_wait3A_1310 = tpu.memref_squeeze %dma_wait3A_1309 : memref<1x128xf32, #tpu.memory_space<vmem>> -> memref<128xf32, #tpu.memory_space<vmem>>
    %dma_wait3A_1311 = arith.constant 0 : i32
    %dma_wait3A_1312 = tpu.memref_slice %arg6[%dma_wait3A_1307, %dma_wait3A_1311] : memref<64x128xi32, #tpu.memory_space<vmem>> -> memref<1x128xi32, #tpu.memory_space<vmem>>
    %dma_wait3A_1313 = tpu.memref_squeeze %dma_wait3A_1312 : memref<1x128xi32, #tpu.memory_space<vmem>> -> memref<128xi32, #tpu.memory_space<vmem>>
    %dma_wait3A_1314 = arith.constant 0 : i32
    %dma_wait3A_1315 = tpu.memref_slice %arg9[%dma_wait3A_1314] : memref<1048576xf32, #tpu.memory_space<vmem_shared>> -> memref<1048576xf32, #tpu.memory_space<vmem_shared>>
    tpu.wait_indirect_dma semaphore(%arg12 : memref<!tpu.dma_semaphore, #tpu.memory_space<semaphore_mem>>) src(%dma_wait3A_1310 : memref<128xf32, #tpu.memory_space<vmem>>) dst(%dma_wait3A_1315 : memref<1048576xf32, #tpu.memory_space<vmem_shared>>)
    %dma_wait3A_1316 = arith.constant 55 : i32
    %dma_wait3A_1317 = arith.constant 55 : i32
    %dma_wait3A_1318 = arith.constant 0 : i32
    %dma_wait3A_1319 = tpu.memref_slice %arg7[%dma_wait3A_1316, %dma_wait3A_1318] : memref<64x128xf32, #tpu.memory_space<vmem>> -> memref<1x128xf32, #tpu.memory_space<vmem>>
    %dma_wait3A_1320 = tpu.memref_squeeze %dma_wait3A_1319 : memref<1x128xf32, #tpu.memory_space<vmem>> -> memref<128xf32, #tpu.memory_space<vmem>>
    %dma_wait3A_1321 = arith.constant 0 : i32
    %dma_wait3A_1322 = tpu.memref_slice %arg6[%dma_wait3A_1317, %dma_wait3A_1321] : memref<64x128xi32, #tpu.memory_space<vmem>> -> memref<1x128xi32, #tpu.memory_space<vmem>>
    %dma_wait3A_1323 = tpu.memref_squeeze %dma_wait3A_1322 : memref<1x128xi32, #tpu.memory_space<vmem>> -> memref<128xi32, #tpu.memory_space<vmem>>
    %dma_wait3A_1324 = arith.constant 0 : i32
    %dma_wait3A_1325 = tpu.memref_slice %arg9[%dma_wait3A_1324] : memref<1048576xf32, #tpu.memory_space<vmem_shared>> -> memref<1048576xf32, #tpu.memory_space<vmem_shared>>
    tpu.wait_indirect_dma semaphore(%arg12 : memref<!tpu.dma_semaphore, #tpu.memory_space<semaphore_mem>>) src(%dma_wait3A_1320 : memref<128xf32, #tpu.memory_space<vmem>>) dst(%dma_wait3A_1325 : memref<1048576xf32, #tpu.memory_space<vmem_shared>>)
    %dma_wait3A_1326 = arith.constant 56 : i32
    %dma_wait3A_1327 = arith.constant 56 : i32
    %dma_wait3A_1328 = arith.constant 0 : i32
    %dma_wait3A_1329 = tpu.memref_slice %arg7[%dma_wait3A_1326, %dma_wait3A_1328] : memref<64x128xf32, #tpu.memory_space<vmem>> -> memref<1x128xf32, #tpu.memory_space<vmem>>
    %dma_wait3A_1330 = tpu.memref_squeeze %dma_wait3A_1329 : memref<1x128xf32, #tpu.memory_space<vmem>> -> memref<128xf32, #tpu.memory_space<vmem>>
    %dma_wait3A_1331 = arith.constant 0 : i32
    %dma_wait3A_1332 = tpu.memref_slice %arg6[%dma_wait3A_1327, %dma_wait3A_1331] : memref<64x128xi32, #tpu.memory_space<vmem>> -> memref<1x128xi32, #tpu.memory_space<vmem>>
    %dma_wait3A_1333 = tpu.memref_squeeze %dma_wait3A_1332 : memref<1x128xi32, #tpu.memory_space<vmem>> -> memref<128xi32, #tpu.memory_space<vmem>>
    %dma_wait3A_1334 = arith.constant 0 : i32
    %dma_wait3A_1335 = tpu.memref_slice %arg9[%dma_wait3A_1334] : memref<1048576xf32, #tpu.memory_space<vmem_shared>> -> memref<1048576xf32, #tpu.memory_space<vmem_shared>>
    tpu.wait_indirect_dma semaphore(%arg12 : memref<!tpu.dma_semaphore, #tpu.memory_space<semaphore_mem>>) src(%dma_wait3A_1330 : memref<128xf32, #tpu.memory_space<vmem>>) dst(%dma_wait3A_1335 : memref<1048576xf32, #tpu.memory_space<vmem_shared>>)
    %dma_wait3A_1336 = arith.constant 57 : i32
    %dma_wait3A_1337 = arith.constant 57 : i32
    %dma_wait3A_1338 = arith.constant 0 : i32
    %dma_wait3A_1339 = tpu.memref_slice %arg7[%dma_wait3A_1336, %dma_wait3A_1338] : memref<64x128xf32, #tpu.memory_space<vmem>> -> memref<1x128xf32, #tpu.memory_space<vmem>>
    %dma_wait3A_1340 = tpu.memref_squeeze %dma_wait3A_1339 : memref<1x128xf32, #tpu.memory_space<vmem>> -> memref<128xf32, #tpu.memory_space<vmem>>
    %dma_wait3A_1341 = arith.constant 0 : i32
    %dma_wait3A_1342 = tpu.memref_slice %arg6[%dma_wait3A_1337, %dma_wait3A_1341] : memref<64x128xi32, #tpu.memory_space<vmem>> -> memref<1x128xi32, #tpu.memory_space<vmem>>
    %dma_wait3A_1343 = tpu.memref_squeeze %dma_wait3A_1342 : memref<1x128xi32, #tpu.memory_space<vmem>> -> memref<128xi32, #tpu.memory_space<vmem>>
    %dma_wait3A_1344 = arith.constant 0 : i32
    %dma_wait3A_1345 = tpu.memref_slice %arg9[%dma_wait3A_1344] : memref<1048576xf32, #tpu.memory_space<vmem_shared>> -> memref<1048576xf32, #tpu.memory_space<vmem_shared>>
    tpu.wait_indirect_dma semaphore(%arg12 : memref<!tpu.dma_semaphore, #tpu.memory_space<semaphore_mem>>) src(%dma_wait3A_1340 : memref<128xf32, #tpu.memory_space<vmem>>) dst(%dma_wait3A_1345 : memref<1048576xf32, #tpu.memory_space<vmem_shared>>)
    %dma_wait3A_1346 = arith.constant 58 : i32
    %dma_wait3A_1347 = arith.constant 58 : i32
    %dma_wait3A_1348 = arith.constant 0 : i32
    %dma_wait3A_1349 = tpu.memref_slice %arg7[%dma_wait3A_1346, %dma_wait3A_1348] : memref<64x128xf32, #tpu.memory_space<vmem>> -> memref<1x128xf32, #tpu.memory_space<vmem>>
    %dma_wait3A_1350 = tpu.memref_squeeze %dma_wait3A_1349 : memref<1x128xf32, #tpu.memory_space<vmem>> -> memref<128xf32, #tpu.memory_space<vmem>>
    %dma_wait3A_1351 = arith.constant 0 : i32
    %dma_wait3A_1352 = tpu.memref_slice %arg6[%dma_wait3A_1347, %dma_wait3A_1351] : memref<64x128xi32, #tpu.memory_space<vmem>> -> memref<1x128xi32, #tpu.memory_space<vmem>>
    %dma_wait3A_1353 = tpu.memref_squeeze %dma_wait3A_1352 : memref<1x128xi32, #tpu.memory_space<vmem>> -> memref<128xi32, #tpu.memory_space<vmem>>
    %dma_wait3A_1354 = arith.constant 0 : i32
    %dma_wait3A_1355 = tpu.memref_slice %arg9[%dma_wait3A_1354] : memref<1048576xf32, #tpu.memory_space<vmem_shared>> -> memref<1048576xf32, #tpu.memory_space<vmem_shared>>
    tpu.wait_indirect_dma semaphore(%arg12 : memref<!tpu.dma_semaphore, #tpu.memory_space<semaphore_mem>>) src(%dma_wait3A_1350 : memref<128xf32, #tpu.memory_space<vmem>>) dst(%dma_wait3A_1355 : memref<1048576xf32, #tpu.memory_space<vmem_shared>>)
    %dma_wait3A_1356 = arith.constant 59 : i32
    %dma_wait3A_1357 = arith.constant 59 : i32
    %dma_wait3A_1358 = arith.constant 0 : i32
    %dma_wait3A_1359 = tpu.memref_slice %arg7[%dma_wait3A_1356, %dma_wait3A_1358] : memref<64x128xf32, #tpu.memory_space<vmem>> -> memref<1x128xf32, #tpu.memory_space<vmem>>
    %dma_wait3A_1360 = tpu.memref_squeeze %dma_wait3A_1359 : memref<1x128xf32, #tpu.memory_space<vmem>> -> memref<128xf32, #tpu.memory_space<vmem>>
    %dma_wait3A_1361 = arith.constant 0 : i32
    %dma_wait3A_1362 = tpu.memref_slice %arg6[%dma_wait3A_1357, %dma_wait3A_1361] : memref<64x128xi32, #tpu.memory_space<vmem>> -> memref<1x128xi32, #tpu.memory_space<vmem>>
    %dma_wait3A_1363 = tpu.memref_squeeze %dma_wait3A_1362 : memref<1x128xi32, #tpu.memory_space<vmem>> -> memref<128xi32, #tpu.memory_space<vmem>>
    %dma_wait3A_1364 = arith.constant 0 : i32
    %dma_wait3A_1365 = tpu.memref_slice %arg9[%dma_wait3A_1364] : memref<1048576xf32, #tpu.memory_space<vmem_shared>> -> memref<1048576xf32, #tpu.memory_space<vmem_shared>>
    tpu.wait_indirect_dma semaphore(%arg12 : memref<!tpu.dma_semaphore, #tpu.memory_space<semaphore_mem>>) src(%dma_wait3A_1360 : memref<128xf32, #tpu.memory_space<vmem>>) dst(%dma_wait3A_1365 : memref<1048576xf32, #tpu.memory_space<vmem_shared>>)
    %dma_wait3A_1366 = arith.constant 60 : i32
    %dma_wait3A_1367 = arith.constant 60 : i32
    %dma_wait3A_1368 = arith.constant 0 : i32
    %dma_wait3A_1369 = tpu.memref_slice %arg7[%dma_wait3A_1366, %dma_wait3A_1368] : memref<64x128xf32, #tpu.memory_space<vmem>> -> memref<1x128xf32, #tpu.memory_space<vmem>>
    %dma_wait3A_1370 = tpu.memref_squeeze %dma_wait3A_1369 : memref<1x128xf32, #tpu.memory_space<vmem>> -> memref<128xf32, #tpu.memory_space<vmem>>
    %dma_wait3A_1371 = arith.constant 0 : i32
    %dma_wait3A_1372 = tpu.memref_slice %arg6[%dma_wait3A_1367, %dma_wait3A_1371] : memref<64x128xi32, #tpu.memory_space<vmem>> -> memref<1x128xi32, #tpu.memory_space<vmem>>
    %dma_wait3A_1373 = tpu.memref_squeeze %dma_wait3A_1372 : memref<1x128xi32, #tpu.memory_space<vmem>> -> memref<128xi32, #tpu.memory_space<vmem>>
    %dma_wait3A_1374 = arith.constant 0 : i32
    %dma_wait3A_1375 = tpu.memref_slice %arg9[%dma_wait3A_1374] : memref<1048576xf32, #tpu.memory_space<vmem_shared>> -> memref<1048576xf32, #tpu.memory_space<vmem_shared>>
    tpu.wait_indirect_dma semaphore(%arg12 : memref<!tpu.dma_semaphore, #tpu.memory_space<semaphore_mem>>) src(%dma_wait3A_1370 : memref<128xf32, #tpu.memory_space<vmem>>) dst(%dma_wait3A_1375 : memref<1048576xf32, #tpu.memory_space<vmem_shared>>)
    %dma_wait3A_1376 = arith.constant 61 : i32
    %dma_wait3A_1377 = arith.constant 61 : i32
    %dma_wait3A_1378 = arith.constant 0 : i32
    %dma_wait3A_1379 = tpu.memref_slice %arg7[%dma_wait3A_1376, %dma_wait3A_1378] : memref<64x128xf32, #tpu.memory_space<vmem>> -> memref<1x128xf32, #tpu.memory_space<vmem>>
    %dma_wait3A_1380 = tpu.memref_squeeze %dma_wait3A_1379 : memref<1x128xf32, #tpu.memory_space<vmem>> -> memref<128xf32, #tpu.memory_space<vmem>>
    %dma_wait3A_1381 = arith.constant 0 : i32
    %dma_wait3A_1382 = tpu.memref_slice %arg6[%dma_wait3A_1377, %dma_wait3A_1381] : memref<64x128xi32, #tpu.memory_space<vmem>> -> memref<1x128xi32, #tpu.memory_space<vmem>>
    %dma_wait3A_1383 = tpu.memref_squeeze %dma_wait3A_1382 : memref<1x128xi32, #tpu.memory_space<vmem>> -> memref<128xi32, #tpu.memory_space<vmem>>
    %dma_wait3A_1384 = arith.constant 0 : i32
    %dma_wait3A_1385 = tpu.memref_slice %arg9[%dma_wait3A_1384] : memref<1048576xf32, #tpu.memory_space<vmem_shared>> -> memref<1048576xf32, #tpu.memory_space<vmem_shared>>
    tpu.wait_indirect_dma semaphore(%arg12 : memref<!tpu.dma_semaphore, #tpu.memory_space<semaphore_mem>>) src(%dma_wait3A_1380 : memref<128xf32, #tpu.memory_space<vmem>>) dst(%dma_wait3A_1385 : memref<1048576xf32, #tpu.memory_space<vmem_shared>>)
    %dma_wait3A_1386 = arith.constant 62 : i32
    %dma_wait3A_1387 = arith.constant 62 : i32
    %dma_wait3A_1388 = arith.constant 0 : i32
    %dma_wait3A_1389 = tpu.memref_slice %arg7[%dma_wait3A_1386, %dma_wait3A_1388] : memref<64x128xf32, #tpu.memory_space<vmem>> -> memref<1x128xf32, #tpu.memory_space<vmem>>
    %dma_wait3A_1390 = tpu.memref_squeeze %dma_wait3A_1389 : memref<1x128xf32, #tpu.memory_space<vmem>> -> memref<128xf32, #tpu.memory_space<vmem>>
    %dma_wait3A_1391 = arith.constant 0 : i32
    %dma_wait3A_1392 = tpu.memref_slice %arg6[%dma_wait3A_1387, %dma_wait3A_1391] : memref<64x128xi32, #tpu.memory_space<vmem>> -> memref<1x128xi32, #tpu.memory_space<vmem>>
    %dma_wait3A_1393 = tpu.memref_squeeze %dma_wait3A_1392 : memref<1x128xi32, #tpu.memory_space<vmem>> -> memref<128xi32, #tpu.memory_space<vmem>>
    %dma_wait3A_1394 = arith.constant 0 : i32
    %dma_wait3A_1395 = tpu.memref_slice %arg9[%dma_wait3A_1394] : memref<1048576xf32, #tpu.memory_space<vmem_shared>> -> memref<1048576xf32, #tpu.memory_space<vmem_shared>>
    tpu.wait_indirect_dma semaphore(%arg12 : memref<!tpu.dma_semaphore, #tpu.memory_space<semaphore_mem>>) src(%dma_wait3A_1390 : memref<128xf32, #tpu.memory_space<vmem>>) dst(%dma_wait3A_1395 : memref<1048576xf32, #tpu.memory_space<vmem_shared>>)
    %dma_wait3A_1396 = arith.constant 63 : i32
    %dma_wait3A_1397 = arith.constant 63 : i32
    %dma_wait3A_1398 = arith.constant 0 : i32
    %dma_wait3A_1399 = tpu.memref_slice %arg7[%dma_wait3A_1396, %dma_wait3A_1398] : memref<64x128xf32, #tpu.memory_space<vmem>> -> memref<1x128xf32, #tpu.memory_space<vmem>>
    %dma_wait3A_1400 = tpu.memref_squeeze %dma_wait3A_1399 : memref<1x128xf32, #tpu.memory_space<vmem>> -> memref<128xf32, #tpu.memory_space<vmem>>
    %dma_wait3A_1401 = arith.constant 0 : i32
    %dma_wait3A_1402 = tpu.memref_slice %arg6[%dma_wait3A_1397, %dma_wait3A_1401] : memref<64x128xi32, #tpu.memory_space<vmem>> -> memref<1x128xi32, #tpu.memory_space<vmem>>
    %dma_wait3A_1403 = tpu.memref_squeeze %dma_wait3A_1402 : memref<1x128xi32, #tpu.memory_space<vmem>> -> memref<128xi32, #tpu.memory_space<vmem>>
    %dma_wait3A_1404 = arith.constant 0 : i32
    %dma_wait3A_1405 = tpu.memref_slice %arg9[%dma_wait3A_1404] : memref<1048576xf32, #tpu.memory_space<vmem_shared>> -> memref<1048576xf32, #tpu.memory_space<vmem_shared>>
    tpu.wait_indirect_dma semaphore(%arg12 : memref<!tpu.dma_semaphore, #tpu.memory_space<semaphore_mem>>) src(%dma_wait3A_1400 : memref<128xf32, #tpu.memory_space<vmem>>) dst(%dma_wait3A_1405 : memref<1048576xf32, #tpu.memory_space<vmem_shared>>)
    %barrier3A_1406 = arith.constant 0 : index
    tpu.barrier barrier_id(%barrier3A_1406)
    %mul3A_1407 = arith.constant 4 : i32
    %mul3A_1408 = arith.muli %arg0, %mul3A_1407 : i32
    %mul3A_1409 = arith.constant 262144 : i32
    %mul3A_1410 = arith.muli %mul3A_1408, %mul3A_1409 : i32
    %add3A_1411 = arith.addi %mul3A_1410, %mul3A_37 : i32
    %dma_start3A_1412 = tpu.memref_slice %arg3[%add3A_1411] : memref<2097152xf32, #tpu.memory_space<hbm>> -> memref<65536xf32, #tpu.memory_space<hbm>>
    %dma_start3A_1413 = tpu.memref_slice %arg9[%mul3A_37] : memref<1048576xf32, #tpu.memory_space<vmem_shared>> -> memref<65536xf32, #tpu.memory_space<vmem_shared>>
    tpu.enqueue_dma source(%dma_start3A_1413 : memref<65536xf32, #tpu.memory_space<vmem_shared>>) target(%dma_start3A_1412 : memref<65536xf32, #tpu.memory_space<hbm>>) target_semaphore(%arg10 : memref<!tpu.dma_semaphore, #tpu.memory_space<semaphore_mem>>)
    %dma_wait3A_1414 = tpu.memref_slice %arg3[%add3A_1411] : memref<2097152xf32, #tpu.memory_space<hbm>> -> memref<65536xf32, #tpu.memory_space<hbm>>
    %dma_wait3A_1415 = tpu.memref_slice %arg9[%mul3A_37] : memref<1048576xf32, #tpu.memory_space<vmem_shared>> -> memref<65536xf32, #tpu.memory_space<vmem_shared>>
    tpu.wait_dma2 semaphore(%arg10 : memref<!tpu.dma_semaphore, #tpu.memory_space<semaphore_mem>>) src(%dma_wait3A_1415 : memref<65536xf32, #tpu.memory_space<vmem_shared>>) dst(%dma_wait3A_1414 : memref<65536xf32, #tpu.memory_space<hbm>>)
    return
  }
}

module attributes {stable_mosaic.version = 14 : i64} {
  func.func @_fused_body(%arg0: i32, %arg1: memref<262144xf32, #tpu.memory_space<vmem>>, %arg2: memref<1x512x50xf32, #tpu.memory_space<vmem>>, %arg3: memref<50x128xf32, #tpu.memory_space<vmem>>, %arg4: memref<128xf32, #tpu.memory_space<vmem>>, %arg5: memref<128x128xf32, #tpu.memory_space<vmem>>, %arg6: memref<128xf32, #tpu.memory_space<vmem>>, %arg7: memref<128x128xf32, #tpu.memory_space<vmem>>, %arg8: memref<128xf32, #tpu.memory_space<vmem>>, %arg9: memref<128x128xf32, #tpu.memory_space<vmem>>, %arg10: memref<128xf32, #tpu.memory_space<vmem>>, %arg11: memref<128x50xf32, #tpu.memory_space<vmem>>, %arg12: memref<50xf32, #tpu.memory_space<vmem>>, %arg13: memref<50x128xf32, #tpu.memory_space<vmem>>, %arg14: memref<128xf32, #tpu.memory_space<vmem>>, %arg15: memref<128x128xf32, #tpu.memory_space<vmem>>, %arg16: memref<128xf32, #tpu.memory_space<vmem>>, %arg17: memref<128x128xf32, #tpu.memory_space<vmem>>, %arg18: memref<128xf32, #tpu.memory_space<vmem>>, %arg19: memref<128x128xf32, #tpu.memory_space<vmem>>, %arg20: memref<128xf32, #tpu.memory_space<vmem>>, %arg21: memref<128x50xf32, #tpu.memory_space<vmem>>, %arg22: memref<50xf32, #tpu.memory_space<vmem>>, %arg23: memref<50x50xf32, #tpu.memory_space<vmem>>, %arg24: memref<50xf32, #tpu.memory_space<vmem>>, %arg25: memref<50x50xf32, #tpu.memory_space<vmem>>, %arg26: memref<50xf32, #tpu.memory_space<vmem>>, %arg27: memref<1x1xf32, #tpu.memory_space<vmem>>, %arg28: memref<50x128xf32, #tpu.memory_space<vmem>>, %arg29: memref<128xf32, #tpu.memory_space<vmem>>, %arg30: memref<128x128xf32, #tpu.memory_space<vmem>>, %arg31: memref<128xf32, #tpu.memory_space<vmem>>, %arg32: memref<128x128xf32, #tpu.memory_space<vmem>>, %arg33: memref<128xf32, #tpu.memory_space<vmem>>, %arg34: memref<128x128xf32, #tpu.memory_space<vmem>>, %arg35: memref<128xf32, #tpu.memory_space<vmem>>, %arg36: memref<128x50xf32, #tpu.memory_space<vmem>>, %arg37: memref<50xf32, #tpu.memory_space<vmem>>, %arg38: memref<4096x50xbf16, #tpu.memory_space<vmem>>, %arg39: memref<4096x50xbf16, #tpu.memory_space<vmem>>, %arg40: memref<1xf32, #tpu.memory_space<smem>>) attributes {dimension_semantics = [#tpu.dimension_semantics<arbitrary>], iteration_bounds = array<i64: 16>, scalar_prefetch = 0 : i64, scratch_operands = 13 : i64, tpu.core_type = #tpu.core_type<tc>, window_params = [{transform_indices = @transform_0, window_bounds = array<i64: 262144>}, {transform_indices = @transform_1, window_bounds = array<i64: 1, 512, 50>}, {pipeline_mode = #tpu.pipeline_mode<synchronous>, transform_indices = @transform_2, window_bounds = array<i64: 50, 128>}, {pipeline_mode = #tpu.pipeline_mode<synchronous>, transform_indices = @transform_3, window_bounds = array<i64: 128>}, {pipeline_mode = #tpu.pipeline_mode<synchronous>, transform_indices = @transform_4, window_bounds = array<i64: 128, 128>}, {pipeline_mode = #tpu.pipeline_mode<synchronous>, transform_indices = @transform_5, window_bounds = array<i64: 128>}, {pipeline_mode = #tpu.pipeline_mode<synchronous>, transform_indices = @transform_6, window_bounds = array<i64: 128, 128>}, {pipeline_mode = #tpu.pipeline_mode<synchronous>, transform_indices = @transform_7, window_bounds = array<i64: 128>}, {pipeline_mode = #tpu.pipeline_mode<synchronous>, transform_indices = @transform_8, window_bounds = array<i64: 128, 128>}, {pipeline_mode = #tpu.pipeline_mode<synchronous>, transform_indices = @transform_9, window_bounds = array<i64: 128>}, {pipeline_mode = #tpu.pipeline_mode<synchronous>, transform_indices = @transform_10, window_bounds = array<i64: 128, 50>}, {pipeline_mode = #tpu.pipeline_mode<synchronous>, transform_indices = @transform_11, window_bounds = array<i64: 50>}, {pipeline_mode = #tpu.pipeline_mode<synchronous>, transform_indices = @transform_12, window_bounds = array<i64: 50, 128>}, {pipeline_mode = #tpu.pipeline_mode<synchronous>, transform_indices = @transform_13, window_bounds = array<i64: 128>}, {pipeline_mode = #tpu.pipeline_mode<synchronous>, transform_indices = @transform_14, window_bounds = array<i64: 128, 128>}, {pipeline_mode = #tpu.pipeline_mode<synchronous>, transform_indices = @transform_15, window_bounds = array<i64: 128>}, {pipeline_mode = #tpu.pipeline_mode<synchronous>, transform_indices = @transform_16, window_bounds = array<i64: 128, 128>}, {pipeline_mode = #tpu.pipeline_mode<synchronous>, transform_indices = @transform_17, window_bounds = array<i64: 128>}, {pipeline_mode = #tpu.pipeline_mode<synchronous>, transform_indices = @transform_18, window_bounds = array<i64: 128, 128>}, {pipeline_mode = #tpu.pipeline_mode<synchronous>, transform_indices = @transform_19, window_bounds = array<i64: 128>}, {pipeline_mode = #tpu.pipeline_mode<synchronous>, transform_indices = @transform_20, window_bounds = array<i64: 128, 50>}, {pipeline_mode = #tpu.pipeline_mode<synchronous>, transform_indices = @transform_21, window_bounds = array<i64: 50>}, {pipeline_mode = #tpu.pipeline_mode<synchronous>, transform_indices = @transform_22, window_bounds = array<i64: 50, 50>}, {pipeline_mode = #tpu.pipeline_mode<synchronous>, transform_indices = @transform_23, window_bounds = array<i64: 50>}, {pipeline_mode = #tpu.pipeline_mode<synchronous>, transform_indices = @transform_24, window_bounds = array<i64: 50, 50>}, {pipeline_mode = #tpu.pipeline_mode<synchronous>, transform_indices = @transform_25, window_bounds = array<i64: 50>}, {pipeline_mode = #tpu.pipeline_mode<synchronous>, transform_indices = @transform_26, window_bounds = array<i64: 1, 1>}]} {
    %eq3A = arith.constant 0 : i32
    %eq3A_0 = arith.cmpi eq, %arg0, %eq3A : i32
    %convert_element_type3A = arith.extui %eq3A_0 : i1 to i32
    %cond3A = arith.constant 0 : i32
    %cond3A_1 = arith.cmpi ne, %convert_element_type3A, %cond3A : i32
    scf.if %cond3A_1 {
      %get3A = arith.constant 0 : index
      %get3A_10 = arith.constant 0 : index
      %get3A_11 = vector.load %arg3[%get3A, %get3A_10] : memref<50x128xf32, #tpu.memory_space<vmem>>, vector<50x128xf32>
      %get3A_12 = arith.constant 0 : index
      %get3A_13 = arith.constant 0 : index
      %get3A_14 = vector.load %arg13[%get3A_12, %get3A_13] : memref<50x128xf32, #tpu.memory_space<vmem>>, vector<50x128xf32>
      %reduce_sum3A = vector.shape_cast %get3A_11 : vector<50x128xf32> to vector<1x50x128xf32>
      %reduce_sum3A_15 = arith.constant dense<0.000000e+00> : vector<1xf32>
      %reduce_sum3A_16 = vector.multi_reduction <add>, %reduce_sum3A, %reduce_sum3A_15 [1, 2] : vector<1x50x128xf32> to vector<1xf32>
      %reduce_sum3A_17 = vector.shape_cast %reduce_sum3A_16 : vector<1xf32> to vector<1x1x1xf32>
      %reduce_sum3A_18 = vector.extract %reduce_sum3A_17[0, 0, 0] : f32 from vector<1x1x1xf32>
      %div3A = arith.constant 6.400000e+03 : f32
      %div3A_19 = arith.divf %reduce_sum3A_18, %div3A : f32
      %sub3A = vector.broadcast %div3A_19 : f32 to vector<50x128xf32>
      %sub3A_20 = arith.subf %get3A_11, %sub3A : vector<50x128xf32>
      %sub3A_21 = vector.broadcast %div3A_19 : f32 to vector<50x128xf32>
      %sub3A_22 = arith.subf %get3A_11, %sub3A_21 : vector<50x128xf32>
      %mul3A = arith.mulf %sub3A_20, %sub3A_22 : vector<50x128xf32>
      %reduce_sum3A_23 = vector.shape_cast %mul3A : vector<50x128xf32> to vector<1x50x128xf32>
      %reduce_sum3A_24 = arith.constant dense<0.000000e+00> : vector<1xf32>
      %reduce_sum3A_25 = vector.multi_reduction <add>, %reduce_sum3A_23, %reduce_sum3A_24 [1, 2] : vector<1x50x128xf32> to vector<1xf32>
      %reduce_sum3A_26 = vector.shape_cast %reduce_sum3A_25 : vector<1xf32> to vector<1x1x1xf32>
      %reduce_sum3A_27 = vector.extract %reduce_sum3A_26[0, 0, 0] : f32 from vector<1x1x1xf32>
      %div3A_28 = arith.constant 6.400000e+03 : f32
      %div3A_29 = arith.divf %reduce_sum3A_27, %div3A_28 : f32
      %sqrt3A = math.sqrt %div3A_29 : f32
      %max3A = arith.constant 9.99999997E-7 : f32
      %max3A_30 = arith.maximumf %sqrt3A, %max3A : f32
      %mul3A_31 = vector.broadcast %max3A_30 : f32 to vector<50x128xf32>
      %mul3A_32 = arith.mulf %get3A_14, %mul3A_31 : vector<50x128xf32>
      %add3A = arith.addf %get3A_11, %mul3A_32 : vector<50x128xf32>
      %swap3A = arith.constant 0 : index
      %swap3A_33 = arith.constant 0 : index
      %swap3A_34 = vector.load %arg28[%swap3A, %swap3A_33] : memref<50x128xf32, #tpu.memory_space<vmem>>, vector<50x128xf32>
      tpu.vector_store %arg28[%swap3A, %swap3A_33], %add3A {strides = array<i32>} : memref<50x128xf32, #tpu.memory_space<vmem>>, vector<50x128xf32>,
      %get3A_35 = arith.constant 0 : index
      %get3A_36 = vector.load %arg4[%get3A_35] : memref<128xf32, #tpu.memory_space<vmem>>, vector<128xf32>
      %get3A_37 = arith.constant 0 : index
      %get3A_38 = vector.load %arg14[%get3A_37] : memref<128xf32, #tpu.memory_space<vmem>>, vector<128xf32>
      %reduce_sum3A_39 = vector.shape_cast %get3A_36 : vector<128xf32> to vector<1x128xf32>
      %reduce_sum3A_40 = arith.constant dense<0.000000e+00> : vector<1xf32>
      %reduce_sum3A_41 = vector.multi_reduction <add>, %reduce_sum3A_39, %reduce_sum3A_40 [1] : vector<1x128xf32> to vector<1xf32>
      %reduce_sum3A_42 = vector.shape_cast %reduce_sum3A_41 : vector<1xf32> to vector<1x1xf32>
      %reduce_sum3A_43 = vector.extract %reduce_sum3A_42[0, 0] : f32 from vector<1x1xf32>
      %div3A_44 = arith.constant 1.280000e+02 : f32
      %div3A_45 = arith.divf %reduce_sum3A_43, %div3A_44 : f32
      %sub3A_46 = vector.broadcast %div3A_45 : f32 to vector<128xf32>
      %sub3A_47 = arith.subf %get3A_36, %sub3A_46 : vector<128xf32>
      %sub3A_48 = vector.broadcast %div3A_45 : f32 to vector<128xf32>
      %sub3A_49 = arith.subf %get3A_36, %sub3A_48 : vector<128xf32>
      %mul3A_50 = arith.mulf %sub3A_47, %sub3A_49 : vector<128xf32>
      %reduce_sum3A_51 = vector.shape_cast %mul3A_50 : vector<128xf32> to vector<1x128xf32>
      %reduce_sum3A_52 = arith.constant dense<0.000000e+00> : vector<1xf32>
      %reduce_sum3A_53 = vector.multi_reduction <add>, %reduce_sum3A_51, %reduce_sum3A_52 [1] : vector<1x128xf32> to vector<1xf32>
      %reduce_sum3A_54 = vector.shape_cast %reduce_sum3A_53 : vector<1xf32> to vector<1x1xf32>
      %reduce_sum3A_55 = vector.extract %reduce_sum3A_54[0, 0] : f32 from vector<1x1xf32>
      %div3A_56 = arith.constant 1.280000e+02 : f32
      %div3A_57 = arith.divf %reduce_sum3A_55, %div3A_56 : f32
      %sqrt3A_58 = math.sqrt %div3A_57 : f32
      %max3A_59 = arith.constant 9.99999997E-7 : f32
      %max3A_60 = arith.maximumf %sqrt3A_58, %max3A_59 : f32
      %mul3A_61 = vector.broadcast %max3A_60 : f32 to vector<128xf32>
      %mul3A_62 = arith.mulf %get3A_38, %mul3A_61 : vector<128xf32>
      %add3A_63 = arith.addf %get3A_36, %mul3A_62 : vector<128xf32>
      %swap3A_64 = arith.constant 0 : index
      %swap3A_65 = vector.load %arg29[%swap3A_64] : memref<128xf32, #tpu.memory_space<vmem>>, vector<128xf32>
      tpu.vector_store %arg29[%swap3A_64], %add3A_63 {strides = array<i32>} : memref<128xf32, #tpu.memory_space<vmem>>, vector<128xf32>,
      %get3A_66 = arith.constant 0 : index
      %get3A_67 = arith.constant 0 : index
      %get3A_68 = vector.load %arg5[%get3A_66, %get3A_67] : memref<128x128xf32, #tpu.memory_space<vmem>>, vector<128x128xf32>
      %get3A_69 = arith.constant 0 : index
      %get3A_70 = arith.constant 0 : index
      %get3A_71 = vector.load %arg15[%get3A_69, %get3A_70] : memref<128x128xf32, #tpu.memory_space<vmem>>, vector<128x128xf32>
      %reduce_sum3A_72 = vector.shape_cast %get3A_68 : vector<128x128xf32> to vector<1x128x128xf32>
      %reduce_sum3A_73 = arith.constant dense<0.000000e+00> : vector<1xf32>
      %reduce_sum3A_74 = vector.multi_reduction <add>, %reduce_sum3A_72, %reduce_sum3A_73 [1, 2] : vector<1x128x128xf32> to vector<1xf32>
      %reduce_sum3A_75 = vector.shape_cast %reduce_sum3A_74 : vector<1xf32> to vector<1x1x1xf32>
      %reduce_sum3A_76 = vector.extract %reduce_sum3A_75[0, 0, 0] : f32 from vector<1x1x1xf32>
      %div3A_77 = arith.constant 1.638400e+04 : f32
      %div3A_78 = arith.divf %reduce_sum3A_76, %div3A_77 : f32
      %sub3A_79 = vector.broadcast %div3A_78 : f32 to vector<128x128xf32>
      %sub3A_80 = arith.subf %get3A_68, %sub3A_79 : vector<128x128xf32>
      %sub3A_81 = vector.broadcast %div3A_78 : f32 to vector<128x128xf32>
      %sub3A_82 = arith.subf %get3A_68, %sub3A_81 : vector<128x128xf32>
      %mul3A_83 = arith.mulf %sub3A_80, %sub3A_82 : vector<128x128xf32>
      %reduce_sum3A_84 = vector.shape_cast %mul3A_83 : vector<128x128xf32> to vector<1x128x128xf32>
      %reduce_sum3A_85 = arith.constant dense<0.000000e+00> : vector<1xf32>
      %reduce_sum3A_86 = vector.multi_reduction <add>, %reduce_sum3A_84, %reduce_sum3A_85 [1, 2] : vector<1x128x128xf32> to vector<1xf32>
      %reduce_sum3A_87 = vector.shape_cast %reduce_sum3A_86 : vector<1xf32> to vector<1x1x1xf32>
      %reduce_sum3A_88 = vector.extract %reduce_sum3A_87[0, 0, 0] : f32 from vector<1x1x1xf32>
      %div3A_89 = arith.constant 1.638400e+04 : f32
      %div3A_90 = arith.divf %reduce_sum3A_88, %div3A_89 : f32
      %sqrt3A_91 = math.sqrt %div3A_90 : f32
      %max3A_92 = arith.constant 9.99999997E-7 : f32
      %max3A_93 = arith.maximumf %sqrt3A_91, %max3A_92 : f32
      %mul3A_94 = vector.broadcast %max3A_93 : f32 to vector<128x128xf32>
      %mul3A_95 = arith.mulf %get3A_71, %mul3A_94 : vector<128x128xf32>
      %add3A_96 = arith.addf %get3A_68, %mul3A_95 : vector<128x128xf32>
      %swap3A_97 = arith.constant 0 : index
      %swap3A_98 = arith.constant 0 : index
      %swap3A_99 = vector.load %arg30[%swap3A_97, %swap3A_98] : memref<128x128xf32, #tpu.memory_space<vmem>>, vector<128x128xf32>
      tpu.vector_store %arg30[%swap3A_97, %swap3A_98], %add3A_96 {strides = array<i32>} : memref<128x128xf32, #tpu.memory_space<vmem>>, vector<128x128xf32>,
      %get3A_100 = arith.constant 0 : index
      %get3A_101 = vector.load %arg6[%get3A_100] : memref<128xf32, #tpu.memory_space<vmem>>, vector<128xf32>
      %get3A_102 = arith.constant 0 : index
      %get3A_103 = vector.load %arg16[%get3A_102] : memref<128xf32, #tpu.memory_space<vmem>>, vector<128xf32>
      %reduce_sum3A_104 = vector.shape_cast %get3A_101 : vector<128xf32> to vector<1x128xf32>
      %reduce_sum3A_105 = arith.constant dense<0.000000e+00> : vector<1xf32>
      %reduce_sum3A_106 = vector.multi_reduction <add>, %reduce_sum3A_104, %reduce_sum3A_105 [1] : vector<1x128xf32> to vector<1xf32>
      %reduce_sum3A_107 = vector.shape_cast %reduce_sum3A_106 : vector<1xf32> to vector<1x1xf32>
      %reduce_sum3A_108 = vector.extract %reduce_sum3A_107[0, 0] : f32 from vector<1x1xf32>
      %div3A_109 = arith.constant 1.280000e+02 : f32
      %div3A_110 = arith.divf %reduce_sum3A_108, %div3A_109 : f32
      %sub3A_111 = vector.broadcast %div3A_110 : f32 to vector<128xf32>
      %sub3A_112 = arith.subf %get3A_101, %sub3A_111 : vector<128xf32>
      %sub3A_113 = vector.broadcast %div3A_110 : f32 to vector<128xf32>
      %sub3A_114 = arith.subf %get3A_101, %sub3A_113 : vector<128xf32>
      %mul3A_115 = arith.mulf %sub3A_112, %sub3A_114 : vector<128xf32>
      %reduce_sum3A_116 = vector.shape_cast %mul3A_115 : vector<128xf32> to vector<1x128xf32>
      %reduce_sum3A_117 = arith.constant dense<0.000000e+00> : vector<1xf32>
      %reduce_sum3A_118 = vector.multi_reduction <add>, %reduce_sum3A_116, %reduce_sum3A_117 [1] : vector<1x128xf32> to vector<1xf32>
      %reduce_sum3A_119 = vector.shape_cast %reduce_sum3A_118 : vector<1xf32> to vector<1x1xf32>
      %reduce_sum3A_120 = vector.extract %reduce_sum3A_119[0, 0] : f32 from vector<1x1xf32>
      %div3A_121 = arith.constant 1.280000e+02 : f32
      %div3A_122 = arith.divf %reduce_sum3A_120, %div3A_121 : f32
      %sqrt3A_123 = math.sqrt %div3A_122 : f32
      %max3A_124 = arith.constant 9.99999997E-7 : f32
      %max3A_125 = arith.maximumf %sqrt3A_123, %max3A_124 : f32
      %mul3A_126 = vector.broadcast %max3A_125 : f32 to vector<128xf32>
      %mul3A_127 = arith.mulf %get3A_103, %mul3A_126 : vector<128xf32>
      %add3A_128 = arith.addf %get3A_101, %mul3A_127 : vector<128xf32>
      %swap3A_129 = arith.constant 0 : index
      %swap3A_130 = vector.load %arg31[%swap3A_129] : memref<128xf32, #tpu.memory_space<vmem>>, vector<128xf32>
      tpu.vector_store %arg31[%swap3A_129], %add3A_128 {strides = array<i32>} : memref<128xf32, #tpu.memory_space<vmem>>, vector<128xf32>,
      %get3A_131 = arith.constant 0 : index
      %get3A_132 = arith.constant 0 : index
      %get3A_133 = vector.load %arg7[%get3A_131, %get3A_132] : memref<128x128xf32, #tpu.memory_space<vmem>>, vector<128x128xf32>
      %get3A_134 = arith.constant 0 : index
      %get3A_135 = arith.constant 0 : index
      %get3A_136 = vector.load %arg17[%get3A_134, %get3A_135] : memref<128x128xf32, #tpu.memory_space<vmem>>, vector<128x128xf32>
      %reduce_sum3A_137 = vector.shape_cast %get3A_133 : vector<128x128xf32> to vector<1x128x128xf32>
      %reduce_sum3A_138 = arith.constant dense<0.000000e+00> : vector<1xf32>
      %reduce_sum3A_139 = vector.multi_reduction <add>, %reduce_sum3A_137, %reduce_sum3A_138 [1, 2] : vector<1x128x128xf32> to vector<1xf32>
      %reduce_sum3A_140 = vector.shape_cast %reduce_sum3A_139 : vector<1xf32> to vector<1x1x1xf32>
      %reduce_sum3A_141 = vector.extract %reduce_sum3A_140[0, 0, 0] : f32 from vector<1x1x1xf32>
      %div3A_142 = arith.constant 1.638400e+04 : f32
      %div3A_143 = arith.divf %reduce_sum3A_141, %div3A_142 : f32
      %sub3A_144 = vector.broadcast %div3A_143 : f32 to vector<128x128xf32>
      %sub3A_145 = arith.subf %get3A_133, %sub3A_144 : vector<128x128xf32>
      %sub3A_146 = vector.broadcast %div3A_143 : f32 to vector<128x128xf32>
      %sub3A_147 = arith.subf %get3A_133, %sub3A_146 : vector<128x128xf32>
      %mul3A_148 = arith.mulf %sub3A_145, %sub3A_147 : vector<128x128xf32>
      %reduce_sum3A_149 = vector.shape_cast %mul3A_148 : vector<128x128xf32> to vector<1x128x128xf32>
      %reduce_sum3A_150 = arith.constant dense<0.000000e+00> : vector<1xf32>
      %reduce_sum3A_151 = vector.multi_reduction <add>, %reduce_sum3A_149, %reduce_sum3A_150 [1, 2] : vector<1x128x128xf32> to vector<1xf32>
      %reduce_sum3A_152 = vector.shape_cast %reduce_sum3A_151 : vector<1xf32> to vector<1x1x1xf32>
      %reduce_sum3A_153 = vector.extract %reduce_sum3A_152[0, 0, 0] : f32 from vector<1x1x1xf32>
      %div3A_154 = arith.constant 1.638400e+04 : f32
      %div3A_155 = arith.divf %reduce_sum3A_153, %div3A_154 : f32
      %sqrt3A_156 = math.sqrt %div3A_155 : f32
      %max3A_157 = arith.constant 9.99999997E-7 : f32
      %max3A_158 = arith.maximumf %sqrt3A_156, %max3A_157 : f32
      %mul3A_159 = vector.broadcast %max3A_158 : f32 to vector<128x128xf32>
      %mul3A_160 = arith.mulf %get3A_136, %mul3A_159 : vector<128x128xf32>
      %add3A_161 = arith.addf %get3A_133, %mul3A_160 : vector<128x128xf32>
      %swap3A_162 = arith.constant 0 : index
      %swap3A_163 = arith.constant 0 : index
      %swap3A_164 = vector.load %arg32[%swap3A_162, %swap3A_163] : memref<128x128xf32, #tpu.memory_space<vmem>>, vector<128x128xf32>
      tpu.vector_store %arg32[%swap3A_162, %swap3A_163], %add3A_161 {strides = array<i32>} : memref<128x128xf32, #tpu.memory_space<vmem>>, vector<128x128xf32>,
      %get3A_165 = arith.constant 0 : index
      %get3A_166 = vector.load %arg8[%get3A_165] : memref<128xf32, #tpu.memory_space<vmem>>, vector<128xf32>
      %get3A_167 = arith.constant 0 : index
      %get3A_168 = vector.load %arg18[%get3A_167] : memref<128xf32, #tpu.memory_space<vmem>>, vector<128xf32>
      %reduce_sum3A_169 = vector.shape_cast %get3A_166 : vector<128xf32> to vector<1x128xf32>
      %reduce_sum3A_170 = arith.constant dense<0.000000e+00> : vector<1xf32>
      %reduce_sum3A_171 = vector.multi_reduction <add>, %reduce_sum3A_169, %reduce_sum3A_170 [1] : vector<1x128xf32> to vector<1xf32>
      %reduce_sum3A_172 = vector.shape_cast %reduce_sum3A_171 : vector<1xf32> to vector<1x1xf32>
      %reduce_sum3A_173 = vector.extract %reduce_sum3A_172[0, 0] : f32 from vector<1x1xf32>
      %div3A_174 = arith.constant 1.280000e+02 : f32
      %div3A_175 = arith.divf %reduce_sum3A_173, %div3A_174 : f32
      %sub3A_176 = vector.broadcast %div3A_175 : f32 to vector<128xf32>
      %sub3A_177 = arith.subf %get3A_166, %sub3A_176 : vector<128xf32>
      %sub3A_178 = vector.broadcast %div3A_175 : f32 to vector<128xf32>
      %sub3A_179 = arith.subf %get3A_166, %sub3A_178 : vector<128xf32>
      %mul3A_180 = arith.mulf %sub3A_177, %sub3A_179 : vector<128xf32>
      %reduce_sum3A_181 = vector.shape_cast %mul3A_180 : vector<128xf32> to vector<1x128xf32>
      %reduce_sum3A_182 = arith.constant dense<0.000000e+00> : vector<1xf32>
      %reduce_sum3A_183 = vector.multi_reduction <add>, %reduce_sum3A_181, %reduce_sum3A_182 [1] : vector<1x128xf32> to vector<1xf32>
      %reduce_sum3A_184 = vector.shape_cast %reduce_sum3A_183 : vector<1xf32> to vector<1x1xf32>
      %reduce_sum3A_185 = vector.extract %reduce_sum3A_184[0, 0] : f32 from vector<1x1xf32>
      %div3A_186 = arith.constant 1.280000e+02 : f32
      %div3A_187 = arith.divf %reduce_sum3A_185, %div3A_186 : f32
      %sqrt3A_188 = math.sqrt %div3A_187 : f32
      %max3A_189 = arith.constant 9.99999997E-7 : f32
      %max3A_190 = arith.maximumf %sqrt3A_188, %max3A_189 : f32
      %mul3A_191 = vector.broadcast %max3A_190 : f32 to vector<128xf32>
      %mul3A_192 = arith.mulf %get3A_168, %mul3A_191 : vector<128xf32>
      %add3A_193 = arith.addf %get3A_166, %mul3A_192 : vector<128xf32>
      %swap3A_194 = arith.constant 0 : index
      %swap3A_195 = vector.load %arg33[%swap3A_194] : memref<128xf32, #tpu.memory_space<vmem>>, vector<128xf32>
      tpu.vector_store %arg33[%swap3A_194], %add3A_193 {strides = array<i32>} : memref<128xf32, #tpu.memory_space<vmem>>, vector<128xf32>,
      %get3A_196 = arith.constant 0 : index
      %get3A_197 = arith.constant 0 : index
      %get3A_198 = vector.load %arg9[%get3A_196, %get3A_197] : memref<128x128xf32, #tpu.memory_space<vmem>>, vector<128x128xf32>
      %get3A_199 = arith.constant 0 : index
      %get3A_200 = arith.constant 0 : index
      %get3A_201 = vector.load %arg19[%get3A_199, %get3A_200] : memref<128x128xf32, #tpu.memory_space<vmem>>, vector<128x128xf32>
      %reduce_sum3A_202 = vector.shape_cast %get3A_198 : vector<128x128xf32> to vector<1x128x128xf32>
      %reduce_sum3A_203 = arith.constant dense<0.000000e+00> : vector<1xf32>
      %reduce_sum3A_204 = vector.multi_reduction <add>, %reduce_sum3A_202, %reduce_sum3A_203 [1, 2] : vector<1x128x128xf32> to vector<1xf32>
      %reduce_sum3A_205 = vector.shape_cast %reduce_sum3A_204 : vector<1xf32> to vector<1x1x1xf32>
      %reduce_sum3A_206 = vector.extract %reduce_sum3A_205[0, 0, 0] : f32 from vector<1x1x1xf32>
      %div3A_207 = arith.constant 1.638400e+04 : f32
      %div3A_208 = arith.divf %reduce_sum3A_206, %div3A_207 : f32
      %sub3A_209 = vector.broadcast %div3A_208 : f32 to vector<128x128xf32>
      %sub3A_210 = arith.subf %get3A_198, %sub3A_209 : vector<128x128xf32>
      %sub3A_211 = vector.broadcast %div3A_208 : f32 to vector<128x128xf32>
      %sub3A_212 = arith.subf %get3A_198, %sub3A_211 : vector<128x128xf32>
      %mul3A_213 = arith.mulf %sub3A_210, %sub3A_212 : vector<128x128xf32>
      %reduce_sum3A_214 = vector.shape_cast %mul3A_213 : vector<128x128xf32> to vector<1x128x128xf32>
      %reduce_sum3A_215 = arith.constant dense<0.000000e+00> : vector<1xf32>
      %reduce_sum3A_216 = vector.multi_reduction <add>, %reduce_sum3A_214, %reduce_sum3A_215 [1, 2] : vector<1x128x128xf32> to vector<1xf32>
      %reduce_sum3A_217 = vector.shape_cast %reduce_sum3A_216 : vector<1xf32> to vector<1x1x1xf32>
      %reduce_sum3A_218 = vector.extract %reduce_sum3A_217[0, 0, 0] : f32 from vector<1x1x1xf32>
      %div3A_219 = arith.constant 1.638400e+04 : f32
      %div3A_220 = arith.divf %reduce_sum3A_218, %div3A_219 : f32
      %sqrt3A_221 = math.sqrt %div3A_220 : f32
      %max3A_222 = arith.constant 9.99999997E-7 : f32
      %max3A_223 = arith.maximumf %sqrt3A_221, %max3A_222 : f32
      %mul3A_224 = vector.broadcast %max3A_223 : f32 to vector<128x128xf32>
      %mul3A_225 = arith.mulf %get3A_201, %mul3A_224 : vector<128x128xf32>
      %add3A_226 = arith.addf %get3A_198, %mul3A_225 : vector<128x128xf32>
      %swap3A_227 = arith.constant 0 : index
      %swap3A_228 = arith.constant 0 : index
      %swap3A_229 = vector.load %arg34[%swap3A_227, %swap3A_228] : memref<128x128xf32, #tpu.memory_space<vmem>>, vector<128x128xf32>
      tpu.vector_store %arg34[%swap3A_227, %swap3A_228], %add3A_226 {strides = array<i32>} : memref<128x128xf32, #tpu.memory_space<vmem>>, vector<128x128xf32>,
      %get3A_230 = arith.constant 0 : index
      %get3A_231 = vector.load %arg10[%get3A_230] : memref<128xf32, #tpu.memory_space<vmem>>, vector<128xf32>
      %get3A_232 = arith.constant 0 : index
      %get3A_233 = vector.load %arg20[%get3A_232] : memref<128xf32, #tpu.memory_space<vmem>>, vector<128xf32>
      %reduce_sum3A_234 = vector.shape_cast %get3A_231 : vector<128xf32> to vector<1x128xf32>
      %reduce_sum3A_235 = arith.constant dense<0.000000e+00> : vector<1xf32>
      %reduce_sum3A_236 = vector.multi_reduction <add>, %reduce_sum3A_234, %reduce_sum3A_235 [1] : vector<1x128xf32> to vector<1xf32>
      %reduce_sum3A_237 = vector.shape_cast %reduce_sum3A_236 : vector<1xf32> to vector<1x1xf32>
      %reduce_sum3A_238 = vector.extract %reduce_sum3A_237[0, 0] : f32 from vector<1x1xf32>
      %div3A_239 = arith.constant 1.280000e+02 : f32
      %div3A_240 = arith.divf %reduce_sum3A_238, %div3A_239 : f32
      %sub3A_241 = vector.broadcast %div3A_240 : f32 to vector<128xf32>
      %sub3A_242 = arith.subf %get3A_231, %sub3A_241 : vector<128xf32>
      %sub3A_243 = vector.broadcast %div3A_240 : f32 to vector<128xf32>
      %sub3A_244 = arith.subf %get3A_231, %sub3A_243 : vector<128xf32>
      %mul3A_245 = arith.mulf %sub3A_242, %sub3A_244 : vector<128xf32>
      %reduce_sum3A_246 = vector.shape_cast %mul3A_245 : vector<128xf32> to vector<1x128xf32>
      %reduce_sum3A_247 = arith.constant dense<0.000000e+00> : vector<1xf32>
      %reduce_sum3A_248 = vector.multi_reduction <add>, %reduce_sum3A_246, %reduce_sum3A_247 [1] : vector<1x128xf32> to vector<1xf32>
      %reduce_sum3A_249 = vector.shape_cast %reduce_sum3A_248 : vector<1xf32> to vector<1x1xf32>
      %reduce_sum3A_250 = vector.extract %reduce_sum3A_249[0, 0] : f32 from vector<1x1xf32>
      %div3A_251 = arith.constant 1.280000e+02 : f32
      %div3A_252 = arith.divf %reduce_sum3A_250, %div3A_251 : f32
      %sqrt3A_253 = math.sqrt %div3A_252 : f32
      %max3A_254 = arith.constant 9.99999997E-7 : f32
      %max3A_255 = arith.maximumf %sqrt3A_253, %max3A_254 : f32
      %mul3A_256 = vector.broadcast %max3A_255 : f32 to vector<128xf32>
      %mul3A_257 = arith.mulf %get3A_233, %mul3A_256 : vector<128xf32>
      %add3A_258 = arith.addf %get3A_231, %mul3A_257 : vector<128xf32>
      %swap3A_259 = arith.constant 0 : index
      %swap3A_260 = vector.load %arg35[%swap3A_259] : memref<128xf32, #tpu.memory_space<vmem>>, vector<128xf32>
      tpu.vector_store %arg35[%swap3A_259], %add3A_258 {strides = array<i32>} : memref<128xf32, #tpu.memory_space<vmem>>, vector<128xf32>,
      %get3A_261 = arith.constant 0 : index
      %get3A_262 = arith.constant 0 : index
      %get3A_263 = vector.load %arg11[%get3A_261, %get3A_262] : memref<128x50xf32, #tpu.memory_space<vmem>>, vector<128x50xf32>
      %get3A_264 = arith.constant 0 : index
      %get3A_265 = arith.constant 0 : index
      %get3A_266 = vector.load %arg21[%get3A_264, %get3A_265] : memref<128x50xf32, #tpu.memory_space<vmem>>, vector<128x50xf32>
      %reduce_sum3A_267 = vector.shape_cast %get3A_263 : vector<128x50xf32> to vector<1x128x50xf32>
      %reduce_sum3A_268 = arith.constant dense<0.000000e+00> : vector<1xf32>
      %reduce_sum3A_269 = vector.multi_reduction <add>, %reduce_sum3A_267, %reduce_sum3A_268 [1, 2] : vector<1x128x50xf32> to vector<1xf32>
      %reduce_sum3A_270 = vector.shape_cast %reduce_sum3A_269 : vector<1xf32> to vector<1x1x1xf32>
      %reduce_sum3A_271 = vector.extract %reduce_sum3A_270[0, 0, 0] : f32 from vector<1x1x1xf32>
      %div3A_272 = arith.constant 6.400000e+03 : f32
      %div3A_273 = arith.divf %reduce_sum3A_271, %div3A_272 : f32
      %sub3A_274 = vector.broadcast %div3A_273 : f32 to vector<128x50xf32>
      %sub3A_275 = arith.subf %get3A_263, %sub3A_274 : vector<128x50xf32>
      %sub3A_276 = vector.broadcast %div3A_273 : f32 to vector<128x50xf32>
      %sub3A_277 = arith.subf %get3A_263, %sub3A_276 : vector<128x50xf32>
      %mul3A_278 = arith.mulf %sub3A_275, %sub3A_277 : vector<128x50xf32>
      %reduce_sum3A_279 = vector.shape_cast %mul3A_278 : vector<128x50xf32> to vector<1x128x50xf32>
      %reduce_sum3A_280 = arith.constant dense<0.000000e+00> : vector<1xf32>
      %reduce_sum3A_281 = vector.multi_reduction <add>, %reduce_sum3A_279, %reduce_sum3A_280 [1, 2] : vector<1x128x50xf32> to vector<1xf32>
      %reduce_sum3A_282 = vector.shape_cast %reduce_sum3A_281 : vector<1xf32> to vector<1x1x1xf32>
      %reduce_sum3A_283 = vector.extract %reduce_sum3A_282[0, 0, 0] : f32 from vector<1x1x1xf32>
      %div3A_284 = arith.constant 6.400000e+03 : f32
      %div3A_285 = arith.divf %reduce_sum3A_283, %div3A_284 : f32
      %sqrt3A_286 = math.sqrt %div3A_285 : f32
      %max3A_287 = arith.constant 9.99999997E-7 : f32
      %max3A_288 = arith.maximumf %sqrt3A_286, %max3A_287 : f32
      %mul3A_289 = vector.broadcast %max3A_288 : f32 to vector<128x50xf32>
      %mul3A_290 = arith.mulf %get3A_266, %mul3A_289 : vector<128x50xf32>
      %add3A_291 = arith.addf %get3A_263, %mul3A_290 : vector<128x50xf32>
      %swap3A_292 = arith.constant 0 : index
      %swap3A_293 = arith.constant 0 : index
      %swap3A_294 = vector.load %arg36[%swap3A_292, %swap3A_293] : memref<128x50xf32, #tpu.memory_space<vmem>>, vector<128x50xf32>
      tpu.vector_store %arg36[%swap3A_292, %swap3A_293], %add3A_291 {strides = array<i32>} : memref<128x50xf32, #tpu.memory_space<vmem>>, vector<128x50xf32>,
      %get3A_295 = arith.constant 0 : index
      %get3A_296 = vector.load %arg12[%get3A_295] : memref<50xf32, #tpu.memory_space<vmem>>, vector<50xf32>
      %get3A_297 = arith.constant 0 : index
      %get3A_298 = vector.load %arg22[%get3A_297] : memref<50xf32, #tpu.memory_space<vmem>>, vector<50xf32>
      %reduce_sum3A_299 = vector.shape_cast %get3A_296 : vector<50xf32> to vector<1x50xf32>
      %reduce_sum3A_300 = arith.constant dense<0.000000e+00> : vector<1xf32>
      %reduce_sum3A_301 = vector.multi_reduction <add>, %reduce_sum3A_299, %reduce_sum3A_300 [1] : vector<1x50xf32> to vector<1xf32>
      %reduce_sum3A_302 = vector.shape_cast %reduce_sum3A_301 : vector<1xf32> to vector<1x1xf32>
      %reduce_sum3A_303 = vector.extract %reduce_sum3A_302[0, 0] : f32 from vector<1x1xf32>
      %div3A_304 = arith.constant 5.000000e+01 : f32
      %div3A_305 = arith.divf %reduce_sum3A_303, %div3A_304 : f32
      %sub3A_306 = vector.broadcast %div3A_305 : f32 to vector<50xf32>
      %sub3A_307 = arith.subf %get3A_296, %sub3A_306 : vector<50xf32>
      %sub3A_308 = vector.broadcast %div3A_305 : f32 to vector<50xf32>
      %sub3A_309 = arith.subf %get3A_296, %sub3A_308 : vector<50xf32>
      %mul3A_310 = arith.mulf %sub3A_307, %sub3A_309 : vector<50xf32>
      %reduce_sum3A_311 = vector.shape_cast %mul3A_310 : vector<50xf32> to vector<1x50xf32>
      %reduce_sum3A_312 = arith.constant dense<0.000000e+00> : vector<1xf32>
      %reduce_sum3A_313 = vector.multi_reduction <add>, %reduce_sum3A_311, %reduce_sum3A_312 [1] : vector<1x50xf32> to vector<1xf32>
      %reduce_sum3A_314 = vector.shape_cast %reduce_sum3A_313 : vector<1xf32> to vector<1x1xf32>
      %reduce_sum3A_315 = vector.extract %reduce_sum3A_314[0, 0] : f32 from vector<1x1xf32>
      %div3A_316 = arith.constant 5.000000e+01 : f32
      %div3A_317 = arith.divf %reduce_sum3A_315, %div3A_316 : f32
      %sqrt3A_318 = math.sqrt %div3A_317 : f32
      %max3A_319 = arith.constant 9.99999997E-7 : f32
      %max3A_320 = arith.maximumf %sqrt3A_318, %max3A_319 : f32
      %mul3A_321 = vector.broadcast %max3A_320 : f32 to vector<50xf32>
      %mul3A_322 = arith.mulf %get3A_298, %mul3A_321 : vector<50xf32>
      %add3A_323 = arith.addf %get3A_296, %mul3A_322 : vector<50xf32>
      %swap3A_324 = arith.constant 0 : index
      %swap3A_325 = vector.load %arg37[%swap3A_324] : memref<50xf32, #tpu.memory_space<vmem>>, vector<50xf32>
      tpu.vector_store %arg37[%swap3A_324], %add3A_323 {strides = array<i32>} : memref<50xf32, #tpu.memory_space<vmem>>, vector<50xf32>,
    } else {
    }
    %lt3A = arith.constant 8 : i32
    %lt3A_2 = arith.cmpi slt, %arg0, %lt3A : i32
    %convert_element_type3A_3 = arith.extui %lt3A_2 : i1 to i32
    %cond3A_4 = arith.constant 0 : i32
    %cond3A_5 = arith.cmpi ne, %convert_element_type3A_3, %cond3A_4 : i32
    scf.if %cond3A_5 {
      %get3A = arith.constant 0 : index
      %get3A_10 = vector.load %arg1[%get3A] : memref<262144xf32, #tpu.memory_space<vmem>>, vector<262144xf32>
      %convert_element_type3A_11 = arith.truncf %get3A_10 : vector<262144xf32> to vector<262144xbf16>
      %reshape3A = vector.shape_cast %convert_element_type3A_11 : vector<262144xbf16> to vector<512x512xbf16>
      %get3A_12 = arith.constant 0 : index
      %get3A_13 = arith.constant 0 : index
      %get3A_14 = arith.constant 0 : index
      %get3A_15 = vector.load %arg2[%get3A_12, %get3A_13, %get3A_14] : memref<1x512x50xf32, #tpu.memory_space<vmem>>, vector<1x512x50xf32>
      %get3A_16 = vector.shape_cast %get3A_15 : vector<1x512x50xf32> to vector<512x50xf32>
      %get3A_17 = arith.constant 0 : index
      %get3A_18 = arith.constant 0 : index
      %get3A_19 = vector.load %arg3[%get3A_17, %get3A_18] : memref<50x128xf32, #tpu.memory_space<vmem>>, vector<50x128xf32>
      %get3A_20 = arith.constant 0 : index
      %get3A_21 = vector.load %arg4[%get3A_20] : memref<128xf32, #tpu.memory_space<vmem>>, vector<128xf32>
      %get3A_22 = arith.constant 0 : index
      %get3A_23 = arith.constant 0 : index
      %get3A_24 = vector.load %arg5[%get3A_22, %get3A_23] : memref<128x128xf32, #tpu.memory_space<vmem>>, vector<128x128xf32>
      %get3A_25 = arith.constant 0 : index
      %get3A_26 = vector.load %arg6[%get3A_25] : memref<128xf32, #tpu.memory_space<vmem>>, vector<128xf32>
      %get3A_27 = arith.constant 0 : index
      %get3A_28 = arith.constant 0 : index
      %get3A_29 = vector.load %arg7[%get3A_27, %get3A_28] : memref<128x128xf32, #tpu.memory_space<vmem>>, vector<128x128xf32>
      %get3A_30 = arith.constant 0 : index
      %get3A_31 = vector.load %arg8[%get3A_30] : memref<128xf32, #tpu.memory_space<vmem>>, vector<128xf32>
      %get3A_32 = arith.constant 0 : index
      %get3A_33 = arith.constant 0 : index
      %get3A_34 = vector.load %arg9[%get3A_32, %get3A_33] : memref<128x128xf32, #tpu.memory_space<vmem>>, vector<128x128xf32>
      %get3A_35 = arith.constant 0 : index
      %get3A_36 = vector.load %arg10[%get3A_35] : memref<128xf32, #tpu.memory_space<vmem>>, vector<128xf32>
      %get3A_37 = arith.constant 0 : index
      %get3A_38 = arith.constant 0 : index
      %get3A_39 = vector.load %arg11[%get3A_37, %get3A_38] : memref<128x50xf32, #tpu.memory_space<vmem>>, vector<128x50xf32>
      %get3A_40 = arith.constant 0 : index
      %get3A_41 = vector.load %arg12[%get3A_40] : memref<50xf32, #tpu.memory_space<vmem>>, vector<50xf32>
      %convert_element_type3A_42 = arith.truncf %get3A_16 : vector<512x50xf32> to vector<512x50xbf16>
      %dot_general3A = arith.constant dense<0.000000e+00> : vector<512x50xf32>
      %dot_general3A_43 = tpu.matmul %reshape3A, %convert_element_type3A_42, %dot_general3A {dimension_numbers = #tpu.dot_dimension_numbers<[1], [0], [0], [1], [0, 0, 1, 1], [], []>, transpose_lhs_hint = false} : vector<512x512xbf16>, vector<512x50xbf16>, vector<512x50xf32> -> vector<512x50xf32>
      %add3A = arith.addf %get3A_16, %dot_general3A_43 : vector<512x50xf32>
      %convert_element_type3A_44 = arith.truncf %add3A : vector<512x50xf32> to vector<512x50xbf16>
      %convert_element_type3A_45 = arith.truncf %get3A_19 : vector<50x128xf32> to vector<50x128xbf16>
      %dot_general3A_46 = arith.constant dense<0.000000e+00> : vector<512x128xf32>
      %dot_general3A_47 = tpu.matmul %convert_element_type3A_44, %convert_element_type3A_45, %dot_general3A_46 {dimension_numbers = #tpu.dot_dimension_numbers<[1], [0], [0], [1], [0, 0, 1, 1], [], []>, transpose_lhs_hint = false} : vector<512x50xbf16>, vector<50x128xbf16>, vector<512x128xf32> -> vector<512x128xf32>
      %broadcast_in_dim3A = vector.shape_cast %get3A_21 : vector<128xf32> to vector<1x128xf32>
      %add3A_48 = vector.broadcast %broadcast_in_dim3A : vector<1x128xf32> to vector<512x128xf32>
      %add3A_49 = arith.addf %dot_general3A_47, %add3A_48 : vector<512x128xf32>
      %max3A = arith.constant 0.000000e+00 : f32
      %max3A_50 = vector.broadcast %max3A : f32 to vector<512x128xf32>
      %max3A_51 = arith.maximumf %add3A_49, %max3A_50 : vector<512x128xf32>
      %convert_element_type3A_52 = arith.truncf %max3A_51 : vector<512x128xf32> to vector<512x128xbf16>
      %convert_element_type3A_53 = arith.truncf %get3A_24 : vector<128x128xf32> to vector<128x128xbf16>
      %dot_general3A_54 = arith.constant dense<0.000000e+00> : vector<512x128xf32>
      %dot_general3A_55 = tpu.matmul %convert_element_type3A_52, %convert_element_type3A_53, %dot_general3A_54 {dimension_numbers = #tpu.dot_dimension_numbers<[1], [0], [0], [1], [0, 0, 1, 1], [], []>, transpose_lhs_hint = false} : vector<512x128xbf16>, vector<128x128xbf16>, vector<512x128xf32> -> vector<512x128xf32>
      %broadcast_in_dim3A_56 = vector.shape_cast %get3A_26 : vector<128xf32> to vector<1x128xf32>
      %add3A_57 = vector.broadcast %broadcast_in_dim3A_56 : vector<1x128xf32> to vector<512x128xf32>
      %add3A_58 = arith.addf %dot_general3A_55, %add3A_57 : vector<512x128xf32>
      %max3A_59 = arith.constant 0.000000e+00 : f32
      %max3A_60 = vector.broadcast %max3A_59 : f32 to vector<512x128xf32>
      %max3A_61 = arith.maximumf %add3A_58, %max3A_60 : vector<512x128xf32>
      %convert_element_type3A_62 = arith.truncf %max3A_61 : vector<512x128xf32> to vector<512x128xbf16>
      %dot_general3A_63 = arith.constant dense<0.000000e+00> : vector<512x128xf32>
      %dot_general3A_64 = tpu.matmul %reshape3A, %convert_element_type3A_62, %dot_general3A_63 {dimension_numbers = #tpu.dot_dimension_numbers<[1], [0], [0], [1], [0, 0, 1, 1], [], []>, transpose_lhs_hint = false} : vector<512x512xbf16>, vector<512x128xbf16>, vector<512x128xf32> -> vector<512x128xf32>
      %add3A_65 = arith.addf %max3A_61, %dot_general3A_64 : vector<512x128xf32>
      %convert_element_type3A_66 = arith.truncf %add3A_65 : vector<512x128xf32> to vector<512x128xbf16>
      %convert_element_type3A_67 = arith.truncf %get3A_29 : vector<128x128xf32> to vector<128x128xbf16>
      %dot_general3A_68 = arith.constant dense<0.000000e+00> : vector<512x128xf32>
      %dot_general3A_69 = tpu.matmul %convert_element_type3A_66, %convert_element_type3A_67, %dot_general3A_68 {dimension_numbers = #tpu.dot_dimension_numbers<[1], [0], [0], [1], [0, 0, 1, 1], [], []>, transpose_lhs_hint = false} : vector<512x128xbf16>, vector<128x128xbf16>, vector<512x128xf32> -> vector<512x128xf32>
      %broadcast_in_dim3A_70 = vector.shape_cast %get3A_31 : vector<128xf32> to vector<1x128xf32>
      %add3A_71 = vector.broadcast %broadcast_in_dim3A_70 : vector<1x128xf32> to vector<512x128xf32>
      %add3A_72 = arith.addf %dot_general3A_69, %add3A_71 : vector<512x128xf32>
      %max3A_73 = arith.constant 0.000000e+00 : f32
      %max3A_74 = vector.broadcast %max3A_73 : f32 to vector<512x128xf32>
      %max3A_75 = arith.maximumf %add3A_72, %max3A_74 : vector<512x128xf32>
      %convert_element_type3A_76 = arith.truncf %max3A_75 : vector<512x128xf32> to vector<512x128xbf16>
      %convert_element_type3A_77 = arith.truncf %get3A_34 : vector<128x128xf32> to vector<128x128xbf16>
      %dot_general3A_78 = arith.constant dense<0.000000e+00> : vector<512x128xf32>
      %dot_general3A_79 = tpu.matmul %convert_element_type3A_76, %convert_element_type3A_77, %dot_general3A_78 {dimension_numbers = #tpu.dot_dimension_numbers<[1], [0], [0], [1], [0, 0, 1, 1], [], []>, transpose_lhs_hint = false} : vector<512x128xbf16>, vector<128x128xbf16>, vector<512x128xf32> -> vector<512x128xf32>
      %broadcast_in_dim3A_80 = vector.shape_cast %get3A_36 : vector<128xf32> to vector<1x128xf32>
      %add3A_81 = vector.broadcast %broadcast_in_dim3A_80 : vector<1x128xf32> to vector<512x128xf32>
      %add3A_82 = arith.addf %dot_general3A_79, %add3A_81 : vector<512x128xf32>
      %max3A_83 = arith.constant 0.000000e+00 : f32
      %max3A_84 = vector.broadcast %max3A_83 : f32 to vector<512x128xf32>
      %max3A_85 = arith.maximumf %add3A_82, %max3A_84 : vector<512x128xf32>
      %convert_element_type3A_86 = arith.truncf %max3A_85 : vector<512x128xf32> to vector<512x128xbf16>
      %convert_element_type3A_87 = arith.truncf %get3A_39 : vector<128x50xf32> to vector<128x50xbf16>
      %dot_general3A_88 = arith.constant dense<0.000000e+00> : vector<512x50xf32>
      %dot_general3A_89 = tpu.matmul %convert_element_type3A_86, %convert_element_type3A_87, %dot_general3A_88 {dimension_numbers = #tpu.dot_dimension_numbers<[1], [0], [0], [1], [0, 0, 1, 1], [], []>, transpose_lhs_hint = false} : vector<512x128xbf16>, vector<128x50xbf16>, vector<512x50xf32> -> vector<512x50xf32>
      %broadcast_in_dim3A_90 = vector.shape_cast %get3A_41 : vector<50xf32> to vector<1x50xf32>
      %add3A_91 = vector.broadcast %broadcast_in_dim3A_90 : vector<1x50xf32> to vector<512x50xf32>
      %add3A_92 = arith.addf %dot_general3A_89, %add3A_91 : vector<512x50xf32>
      %get3A_93 = arith.constant 0 : index
      %get3A_94 = arith.constant 0 : index
      %get3A_95 = vector.load %arg23[%get3A_93, %get3A_94] : memref<50x50xf32, #tpu.memory_space<vmem>>, vector<50x50xf32>
      %convert_element_type3A_96 = arith.truncf %add3A_92 : vector<512x50xf32> to vector<512x50xbf16>
      %convert_element_type3A_97 = arith.truncf %get3A_95 : vector<50x50xf32> to vector<50x50xbf16>
      %dot_general3A_98 = arith.constant dense<0.000000e+00> : vector<512x50xf32>
      %dot_general3A_99 = tpu.matmul %convert_element_type3A_96, %convert_element_type3A_97, %dot_general3A_98 {dimension_numbers = #tpu.dot_dimension_numbers<[1], [0], [0], [1], [0, 0, 1, 1], [], []>, transpose_lhs_hint = false} : vector<512x50xbf16>, vector<50x50xbf16>, vector<512x50xf32> -> vector<512x50xf32>
      %get3A_100 = arith.constant 0 : index
      %get3A_101 = vector.load %arg24[%get3A_100] : memref<50xf32, #tpu.memory_space<vmem>>, vector<50xf32>
      %broadcast_in_dim3A_102 = vector.shape_cast %get3A_101 : vector<50xf32> to vector<1x50xf32>
      %add3A_103 = vector.broadcast %broadcast_in_dim3A_102 : vector<1x50xf32> to vector<512x50xf32>
      %add3A_104 = arith.addf %dot_general3A_99, %add3A_103 : vector<512x50xf32>
      %max3A_105 = arith.constant 0.000000e+00 : f32
      %max3A_106 = vector.broadcast %max3A_105 : f32 to vector<512x50xf32>
      %max3A_107 = arith.maximumf %add3A_104, %max3A_106 : vector<512x50xf32>
      %get3A_108 = arith.constant 0 : index
      %get3A_109 = arith.constant 0 : index
      %get3A_110 = vector.load %arg25[%get3A_108, %get3A_109] : memref<50x50xf32, #tpu.memory_space<vmem>>, vector<50x50xf32>
      %convert_element_type3A_111 = arith.truncf %max3A_107 : vector<512x50xf32> to vector<512x50xbf16>
      %convert_element_type3A_112 = arith.truncf %get3A_110 : vector<50x50xf32> to vector<50x50xbf16>
      %dot_general3A_113 = arith.constant dense<0.000000e+00> : vector<512x50xf32>
      %dot_general3A_114 = tpu.matmul %convert_element_type3A_111, %convert_element_type3A_112, %dot_general3A_113 {dimension_numbers = #tpu.dot_dimension_numbers<[1], [0], [0], [1], [0, 0, 1, 1], [], []>, transpose_lhs_hint = false} : vector<512x50xbf16>, vector<50x50xbf16>, vector<512x50xf32> -> vector<512x50xf32>
      %get3A_115 = arith.constant 0 : index
      %get3A_116 = vector.load %arg26[%get3A_115] : memref<50xf32, #tpu.memory_space<vmem>>, vector<50xf32>
      %broadcast_in_dim3A_117 = vector.shape_cast %get3A_116 : vector<50xf32> to vector<1x50xf32>
      %add3A_118 = vector.broadcast %broadcast_in_dim3A_117 : vector<1x50xf32> to vector<512x50xf32>
      %add3A_119 = arith.addf %dot_general3A_114, %add3A_118 : vector<512x50xf32>
      %get3A_120 = arith.constant 0 : index
      %get3A_121 = arith.constant 0 : index
      %get3A_122 = vector.load %arg28[%get3A_120, %get3A_121] : memref<50x128xf32, #tpu.memory_space<vmem>>, vector<50x128xf32>
      %get3A_123 = arith.constant 0 : index
      %get3A_124 = vector.load %arg29[%get3A_123] : memref<128xf32, #tpu.memory_space<vmem>>, vector<128xf32>
      %get3A_125 = arith.constant 0 : index
      %get3A_126 = arith.constant 0 : index
      %get3A_127 = vector.load %arg30[%get3A_125, %get3A_126] : memref<128x128xf32, #tpu.memory_space<vmem>>, vector<128x128xf32>
      %get3A_128 = arith.constant 0 : index
      %get3A_129 = vector.load %arg31[%get3A_128] : memref<128xf32, #tpu.memory_space<vmem>>, vector<128xf32>
      %get3A_130 = arith.constant 0 : index
      %get3A_131 = arith.constant 0 : index
      %get3A_132 = vector.load %arg32[%get3A_130, %get3A_131] : memref<128x128xf32, #tpu.memory_space<vmem>>, vector<128x128xf32>
      %get3A_133 = arith.constant 0 : index
      %get3A_134 = vector.load %arg33[%get3A_133] : memref<128xf32, #tpu.memory_space<vmem>>, vector<128xf32>
      %get3A_135 = arith.constant 0 : index
      %get3A_136 = arith.constant 0 : index
      %get3A_137 = vector.load %arg34[%get3A_135, %get3A_136] : memref<128x128xf32, #tpu.memory_space<vmem>>, vector<128x128xf32>
      %get3A_138 = arith.constant 0 : index
      %get3A_139 = vector.load %arg35[%get3A_138] : memref<128xf32, #tpu.memory_space<vmem>>, vector<128xf32>
      %get3A_140 = arith.constant 0 : index
      %get3A_141 = arith.constant 0 : index
      %get3A_142 = vector.load %arg36[%get3A_140, %get3A_141] : memref<128x50xf32, #tpu.memory_space<vmem>>, vector<128x50xf32>
      %get3A_143 = arith.constant 0 : index
      %get3A_144 = vector.load %arg37[%get3A_143] : memref<50xf32, #tpu.memory_space<vmem>>, vector<50xf32>
      %convert_element_type3A_145 = arith.truncf %get3A_16 : vector<512x50xf32> to vector<512x50xbf16>
      %dot_general3A_146 = arith.constant dense<0.000000e+00> : vector<512x50xf32>
      %dot_general3A_147 = tpu.matmul %reshape3A, %convert_element_type3A_145, %dot_general3A_146 {dimension_numbers = #tpu.dot_dimension_numbers<[1], [0], [0], [1], [0, 0, 1, 1], [], []>, transpose_lhs_hint = false} : vector<512x512xbf16>, vector<512x50xbf16>, vector<512x50xf32> -> vector<512x50xf32>
      %add3A_148 = arith.addf %get3A_16, %dot_general3A_147 : vector<512x50xf32>
      %convert_element_type3A_149 = arith.truncf %add3A_148 : vector<512x50xf32> to vector<512x50xbf16>
      %convert_element_type3A_150 = arith.truncf %get3A_122 : vector<50x128xf32> to vector<50x128xbf16>
      %dot_general3A_151 = arith.constant dense<0.000000e+00> : vector<512x128xf32>
      %dot_general3A_152 = tpu.matmul %convert_element_type3A_149, %convert_element_type3A_150, %dot_general3A_151 {dimension_numbers = #tpu.dot_dimension_numbers<[1], [0], [0], [1], [0, 0, 1, 1], [], []>, transpose_lhs_hint = false} : vector<512x50xbf16>, vector<50x128xbf16>, vector<512x128xf32> -> vector<512x128xf32>
      %broadcast_in_dim3A_153 = vector.shape_cast %get3A_124 : vector<128xf32> to vector<1x128xf32>
      %add3A_154 = vector.broadcast %broadcast_in_dim3A_153 : vector<1x128xf32> to vector<512x128xf32>
      %add3A_155 = arith.addf %dot_general3A_152, %add3A_154 : vector<512x128xf32>
      %max3A_156 = arith.constant 0.000000e+00 : f32
      %max3A_157 = vector.broadcast %max3A_156 : f32 to vector<512x128xf32>
      %max3A_158 = arith.maximumf %add3A_155, %max3A_157 : vector<512x128xf32>
      %convert_element_type3A_159 = arith.truncf %max3A_158 : vector<512x128xf32> to vector<512x128xbf16>
      %convert_element_type3A_160 = arith.truncf %get3A_127 : vector<128x128xf32> to vector<128x128xbf16>
      %dot_general3A_161 = arith.constant dense<0.000000e+00> : vector<512x128xf32>
      %dot_general3A_162 = tpu.matmul %convert_element_type3A_159, %convert_element_type3A_160, %dot_general3A_161 {dimension_numbers = #tpu.dot_dimension_numbers<[1], [0], [0], [1], [0, 0, 1, 1], [], []>, transpose_lhs_hint = false} : vector<512x128xbf16>, vector<128x128xbf16>, vector<512x128xf32> -> vector<512x128xf32>
      %broadcast_in_dim3A_163 = vector.shape_cast %get3A_129 : vector<128xf32> to vector<1x128xf32>
      %add3A_164 = vector.broadcast %broadcast_in_dim3A_163 : vector<1x128xf32> to vector<512x128xf32>
      %add3A_165 = arith.addf %dot_general3A_162, %add3A_164 : vector<512x128xf32>
      %max3A_166 = arith.constant 0.000000e+00 : f32
      %max3A_167 = vector.broadcast %max3A_166 : f32 to vector<512x128xf32>
      %max3A_168 = arith.maximumf %add3A_165, %max3A_167 : vector<512x128xf32>
      %convert_element_type3A_169 = arith.truncf %max3A_168 : vector<512x128xf32> to vector<512x128xbf16>
      %dot_general3A_170 = arith.constant dense<0.000000e+00> : vector<512x128xf32>
      %dot_general3A_171 = tpu.matmul %reshape3A, %convert_element_type3A_169, %dot_general3A_170 {dimension_numbers = #tpu.dot_dimension_numbers<[1], [0], [0], [1], [0, 0, 1, 1], [], []>, transpose_lhs_hint = false} : vector<512x512xbf16>, vector<512x128xbf16>, vector<512x128xf32> -> vector<512x128xf32>
      %add3A_172 = arith.addf %max3A_168, %dot_general3A_171 : vector<512x128xf32>
      %convert_element_type3A_173 = arith.truncf %add3A_172 : vector<512x128xf32> to vector<512x128xbf16>
      %convert_element_type3A_174 = arith.truncf %get3A_132 : vector<128x128xf32> to vector<128x128xbf16>
      %dot_general3A_175 = arith.constant dense<0.000000e+00> : vector<512x128xf32>
      %dot_general3A_176 = tpu.matmul %convert_element_type3A_173, %convert_element_type3A_174, %dot_general3A_175 {dimension_numbers = #tpu.dot_dimension_numbers<[1], [0], [0], [1], [0, 0, 1, 1], [], []>, transpose_lhs_hint = false} : vector<512x128xbf16>, vector<128x128xbf16>, vector<512x128xf32> -> vector<512x128xf32>
      %broadcast_in_dim3A_177 = vector.shape_cast %get3A_134 : vector<128xf32> to vector<1x128xf32>
      %add3A_178 = vector.broadcast %broadcast_in_dim3A_177 : vector<1x128xf32> to vector<512x128xf32>
      %add3A_179 = arith.addf %dot_general3A_176, %add3A_178 : vector<512x128xf32>
      %max3A_180 = arith.constant 0.000000e+00 : f32
      %max3A_181 = vector.broadcast %max3A_180 : f32 to vector<512x128xf32>
      %max3A_182 = arith.maximumf %add3A_179, %max3A_181 : vector<512x128xf32>
      %convert_element_type3A_183 = arith.truncf %max3A_182 : vector<512x128xf32> to vector<512x128xbf16>
      %convert_element_type3A_184 = arith.truncf %get3A_137 : vector<128x128xf32> to vector<128x128xbf16>
      %dot_general3A_185 = arith.constant dense<0.000000e+00> : vector<512x128xf32>
      %dot_general3A_186 = tpu.matmul %convert_element_type3A_183, %convert_element_type3A_184, %dot_general3A_185 {dimension_numbers = #tpu.dot_dimension_numbers<[1], [0], [0], [1], [0, 0, 1, 1], [], []>, transpose_lhs_hint = false} : vector<512x128xbf16>, vector<128x128xbf16>, vector<512x128xf32> -> vector<512x128xf32>
      %broadcast_in_dim3A_187 = vector.shape_cast %get3A_139 : vector<128xf32> to vector<1x128xf32>
      %add3A_188 = vector.broadcast %broadcast_in_dim3A_187 : vector<1x128xf32> to vector<512x128xf32>
      %add3A_189 = arith.addf %dot_general3A_186, %add3A_188 : vector<512x128xf32>
      %max3A_190 = arith.constant 0.000000e+00 : f32
      %max3A_191 = vector.broadcast %max3A_190 : f32 to vector<512x128xf32>
      %max3A_192 = arith.maximumf %add3A_189, %max3A_191 : vector<512x128xf32>
      %convert_element_type3A_193 = arith.truncf %max3A_192 : vector<512x128xf32> to vector<512x128xbf16>
      %convert_element_type3A_194 = arith.truncf %get3A_142 : vector<128x50xf32> to vector<128x50xbf16>
      %dot_general3A_195 = arith.constant dense<0.000000e+00> : vector<512x50xf32>
      %dot_general3A_196 = tpu.matmul %convert_element_type3A_193, %convert_element_type3A_194, %dot_general3A_195 {dimension_numbers = #tpu.dot_dimension_numbers<[1], [0], [0], [1], [0, 0, 1, 1], [], []>, transpose_lhs_hint = false} : vector<512x128xbf16>, vector<128x50xbf16>, vector<512x50xf32> -> vector<512x50xf32>
      %broadcast_in_dim3A_197 = vector.shape_cast %get3A_144 : vector<50xf32> to vector<1x50xf32>
      %add3A_198 = vector.broadcast %broadcast_in_dim3A_197 : vector<1x50xf32> to vector<512x50xf32>
      %add3A_199 = arith.addf %dot_general3A_196, %add3A_198 : vector<512x50xf32>
      %get3A_200 = arith.constant 0 : index
      %get3A_201 = arith.constant 0 : index
      %get3A_202 = vector.load %arg23[%get3A_200, %get3A_201] : memref<50x50xf32, #tpu.memory_space<vmem>>, vector<50x50xf32>
      %convert_element_type3A_203 = arith.truncf %add3A_199 : vector<512x50xf32> to vector<512x50xbf16>
      %convert_element_type3A_204 = arith.truncf %get3A_202 : vector<50x50xf32> to vector<50x50xbf16>
      %dot_general3A_205 = arith.constant dense<0.000000e+00> : vector<512x50xf32>
      %dot_general3A_206 = tpu.matmul %convert_element_type3A_203, %convert_element_type3A_204, %dot_general3A_205 {dimension_numbers = #tpu.dot_dimension_numbers<[1], [0], [0], [1], [0, 0, 1, 1], [], []>, transpose_lhs_hint = false} : vector<512x50xbf16>, vector<50x50xbf16>, vector<512x50xf32> -> vector<512x50xf32>
      %get3A_207 = arith.constant 0 : index
      %get3A_208 = vector.load %arg24[%get3A_207] : memref<50xf32, #tpu.memory_space<vmem>>, vector<50xf32>
      %broadcast_in_dim3A_209 = vector.shape_cast %get3A_208 : vector<50xf32> to vector<1x50xf32>
      %add3A_210 = vector.broadcast %broadcast_in_dim3A_209 : vector<1x50xf32> to vector<512x50xf32>
      %add3A_211 = arith.addf %dot_general3A_206, %add3A_210 : vector<512x50xf32>
      %max3A_212 = arith.constant 0.000000e+00 : f32
      %max3A_213 = vector.broadcast %max3A_212 : f32 to vector<512x50xf32>
      %max3A_214 = arith.maximumf %add3A_211, %max3A_213 : vector<512x50xf32>
      %get3A_215 = arith.constant 0 : index
      %get3A_216 = arith.constant 0 : index
      %get3A_217 = vector.load %arg25[%get3A_215, %get3A_216] : memref<50x50xf32, #tpu.memory_space<vmem>>, vector<50x50xf32>
      %convert_element_type3A_218 = arith.truncf %max3A_214 : vector<512x50xf32> to vector<512x50xbf16>
      %convert_element_type3A_219 = arith.truncf %get3A_217 : vector<50x50xf32> to vector<50x50xbf16>
      %dot_general3A_220 = arith.constant dense<0.000000e+00> : vector<512x50xf32>
      %dot_general3A_221 = tpu.matmul %convert_element_type3A_218, %convert_element_type3A_219, %dot_general3A_220 {dimension_numbers = #tpu.dot_dimension_numbers<[1], [0], [0], [1], [0, 0, 1, 1], [], []>, transpose_lhs_hint = false} : vector<512x50xbf16>, vector<50x50xbf16>, vector<512x50xf32> -> vector<512x50xf32>
      %get3A_222 = arith.constant 0 : index
      %get3A_223 = vector.load %arg26[%get3A_222] : memref<50xf32, #tpu.memory_space<vmem>>, vector<50xf32>
      %broadcast_in_dim3A_224 = vector.shape_cast %get3A_223 : vector<50xf32> to vector<1x50xf32>
      %add3A_225 = vector.broadcast %broadcast_in_dim3A_224 : vector<1x50xf32> to vector<512x50xf32>
      %add3A_226 = arith.addf %dot_general3A_221, %add3A_225 : vector<512x50xf32>
      %mul3A = arith.mulf %add3A_119, %add3A_119 : vector<512x50xf32>
      %reduce_sum3A = arith.constant dense<0.000000e+00> : vector<512xf32>
      %reduce_sum3A_227 = vector.multi_reduction <add>, %mul3A, %reduce_sum3A [1] : vector<512x50xf32> to vector<512xf32>
      %broadcast_in_dim3A_228 = vector.shape_cast %reduce_sum3A_227 : vector<512xf32> to vector<512x1xf32>
      %sqrt3A = math.sqrt %broadcast_in_dim3A_228 : vector<512x1xf32>
      %max3A_229 = arith.constant 9.99999993E-9 : f32
      %max3A_230 = vector.broadcast %max3A_229 : f32 to vector<512x1xf32>
      %max3A_231 = arith.maximumf %sqrt3A, %max3A_230 : vector<512x1xf32>
      %div3A = arith.constant 5.000000e+00 : f32
      %div3A_232 = vector.broadcast %div3A : f32 to vector<512x1xf32>
      %div3A_233 = arith.divf %div3A_232, %max3A_231 : vector<512x1xf32>
      %mul3A_234 = arith.mulf %add3A_226, %add3A_226 : vector<512x50xf32>
      %reduce_sum3A_235 = arith.constant dense<0.000000e+00> : vector<512xf32>
      %reduce_sum3A_236 = vector.multi_reduction <add>, %mul3A_234, %reduce_sum3A_235 [1] : vector<512x50xf32> to vector<512xf32>
      %broadcast_in_dim3A_237 = vector.shape_cast %reduce_sum3A_236 : vector<512xf32> to vector<512x1xf32>
      %sqrt3A_238 = math.sqrt %broadcast_in_dim3A_237 : vector<512x1xf32>
      %max3A_239 = arith.constant 9.99999993E-9 : f32
      %max3A_240 = vector.broadcast %max3A_239 : f32 to vector<512x1xf32>
      %max3A_241 = arith.maximumf %sqrt3A_238, %max3A_240 : vector<512x1xf32>
      %div3A_242 = arith.constant 1.000000e+00 : f32
      %div3A_243 = vector.broadcast %div3A_242 : f32 to vector<512x1xf32>
      %div3A_244 = arith.divf %div3A_243, %max3A_241 : vector<512x1xf32>
      %mul3A_245 = vector.broadcast %div3A_233 : vector<512x1xf32> to vector<512x50xf32>
      %mul3A_246 = arith.mulf %add3A_119, %mul3A_245 : vector<512x50xf32>
      %convert_element_type3A_247 = arith.truncf %mul3A_246 : vector<512x50xf32> to vector<512x50xbf16>
      %mul3A_248 = arith.constant 512 : i32
      %mul3A_249 = arith.muli %arg0, %mul3A_248 : i32
      %swap3A = arith.index_cast %mul3A_249 : i32 to index
      %swap3A_250 = arith.constant 0 : index
      %swap3A_251 = vector.load %arg38[%swap3A, %swap3A_250] : memref<4096x50xbf16, #tpu.memory_space<vmem>>, vector<512x50xbf16>
      tpu.vector_store %arg38[%swap3A, %swap3A_250], %convert_element_type3A_247 {strides = array<i32>} : memref<4096x50xbf16, #tpu.memory_space<vmem>>, vector<512x50xbf16>,
      %mul3A_252 = vector.broadcast %div3A_244 : vector<512x1xf32> to vector<512x50xf32>
      %mul3A_253 = arith.mulf %add3A_226, %mul3A_252 : vector<512x50xf32>
      %convert_element_type3A_254 = arith.truncf %mul3A_253 : vector<512x50xf32> to vector<512x50xbf16>
      %mul3A_255 = arith.constant 512 : i32
      %mul3A_256 = arith.muli %arg0, %mul3A_255 : i32
      %swap3A_257 = arith.index_cast %mul3A_256 : i32 to index
      %swap3A_258 = arith.constant 0 : index
      %swap3A_259 = vector.load %arg39[%swap3A_257, %swap3A_258] : memref<4096x50xbf16, #tpu.memory_space<vmem>>, vector<512x50xbf16>
      tpu.vector_store %arg39[%swap3A_257, %swap3A_258], %convert_element_type3A_254 {strides = array<i32>} : memref<4096x50xbf16, #tpu.memory_space<vmem>>, vector<512x50xbf16>,
    } else {
    }
    %ge3A = arith.constant 8 : i32
    %ge3A_6 = arith.cmpi sge, %arg0, %ge3A : i32
    %convert_element_type3A_7 = arith.extui %ge3A_6 : i1 to i32
    %cond3A_8 = arith.constant 0 : i32
    %cond3A_9 = arith.cmpi ne, %convert_element_type3A_7, %cond3A_8 : i32
    scf.if %cond3A_9 {
      %sub3A = arith.constant 8 : i32
      %sub3A_10 = arith.subi %arg0, %sub3A : i32
      %mul3A = arith.constant 512 : i32
      %mul3A_11 = arith.muli %sub3A_10, %mul3A : i32
      %get3A = arith.index_cast %mul3A_11 : i32 to index
      %get3A_12 = arith.constant 0 : index
      %get3A_13 = vector.load %arg38[%get3A, %get3A_12] : memref<4096x50xbf16, #tpu.memory_space<vmem>>, vector<512x50xbf16>
      %get3A_14 = arith.constant 0 : index
      %get3A_15 = arith.constant 0 : index
      %get3A_16 = vector.load %arg39[%get3A_14, %get3A_15] : memref<4096x50xbf16, #tpu.memory_space<vmem>>, vector<4096x50xbf16>
      %mul3A_17 = arith.constant 512 : i32
      %mul3A_18 = arith.muli %sub3A_10, %mul3A_17 : i32
      %get3A_19 = arith.index_cast %mul3A_18 : i32 to index
      %get3A_20 = arith.constant 0 : index
      %get3A_21 = vector.load %arg39[%get3A_19, %get3A_20] : memref<4096x50xbf16, #tpu.memory_space<vmem>>, vector<512x50xbf16>
      %dot_general3A = arith.constant dense<0.000000e+00> : vector<512x4096xf32>
      %dot_general3A_22 = tpu.matmul %get3A_13, %get3A_16, %dot_general3A {dimension_numbers = #tpu.dot_dimension_numbers<[1], [1], [0], [0], [0, 0, 1, 0], [], []>, transpose_lhs_hint = false} : vector<512x50xbf16>, vector<4096x50xbf16>, vector<512x4096xf32> -> vector<512x4096xf32>
      %exp3A = math.exp %dot_general3A_22 : vector<512x4096xf32>
      %reduce_sum3A = arith.constant dense<0.000000e+00> : vector<512xf32>
      %reduce_sum3A_23 = vector.multi_reduction <add>, %exp3A, %reduce_sum3A [1] : vector<512x4096xf32> to vector<512xf32>
      %convert_element_type3A_24 = arith.extf %get3A_13 : vector<512x50xbf16> to vector<512x50xf32>
      %convert_element_type3A_25 = arith.extf %get3A_21 : vector<512x50xbf16> to vector<512x50xf32>
      %mul3A_26 = arith.mulf %convert_element_type3A_24, %convert_element_type3A_25 : vector<512x50xf32>
      %reduce_sum3A_27 = arith.constant dense<0.000000e+00> : vector<512xf32>
      %reduce_sum3A_28 = vector.multi_reduction <add>, %mul3A_26, %reduce_sum3A_27 [1] : vector<512x50xf32> to vector<512xf32>
      %exp3A_29 = math.exp %reduce_sum3A_28 : vector<512xf32>
      %sub3A_30 = arith.subf %reduce_sum3A_23, %exp3A_29 : vector<512xf32>
      %log3A = math.log %sub3A_30 : vector<512xf32>
      %sub3A_31 = arith.subf %reduce_sum3A_28, %log3A : vector<512xf32>
      %reduce_sum3A_32 = vector.shape_cast %sub3A_31 : vector<512xf32> to vector<1x512xf32>
      %reduce_sum3A_33 = arith.constant dense<0.000000e+00> : vector<1xf32>
      %reduce_sum3A_34 = vector.multi_reduction <add>, %reduce_sum3A_32, %reduce_sum3A_33 [1] : vector<1x512xf32> to vector<1xf32>
      %reduce_sum3A_35 = vector.shape_cast %reduce_sum3A_34 : vector<1xf32> to vector<1x1xf32>
      %reduce_sum3A_36 = vector.extract %reduce_sum3A_35[0, 0] : f32 from vector<1x1xf32>
      %eq3A_37 = arith.constant 0 : i32
      %eq3A_38 = arith.cmpi eq, %sub3A_10, %eq3A_37 : i32
      %get3A_39 = arith.constant 0 : index
      %get3A_40 = memref.load %arg40[%get3A_39] : memref<1xf32, #tpu.memory_space<smem>>
      %jit3A = arith.constant 0.000000e+00 : f32
      %select_n3A = arith.select %eq3A_38, %jit3A, %get3A_40 : f32
      %add3A = arith.addf %select_n3A, %reduce_sum3A_36 : f32
      %swap3A = arith.constant 0 : index
      %swap3A_41 = memref.load %arg40[%swap3A] : memref<1xf32, #tpu.memory_space<smem>>
      memref.store %add3A, %arg40[%swap3A] : memref<1xf32, #tpu.memory_space<smem>>
      %eq3A_42 = arith.constant 15 : i32
      %eq3A_43 = arith.cmpi eq, %arg0, %eq3A_42 : i32
      %convert_element_type3A_44 = arith.extui %eq3A_43 : i1 to i32
      %cond3A_45 = arith.constant 0 : i32
      %cond3A_46 = arith.cmpi ne, %convert_element_type3A_44, %cond3A_45 : i32
      scf.if %cond3A_46 {
        %get3A_47 = arith.constant 0 : index
        %get3A_48 = memref.load %arg40[%get3A_47] : memref<1xf32, #tpu.memory_space<smem>>
        %neg3A = arith.constant 0.000000e+00 : f32
        %neg3A_49 = arith.subf %neg3A, %get3A_48 : f32
        %div3A = arith.constant 4.096000e+03 : f32
        %div3A_50 = arith.divf %neg3A_49, %div3A : f32
        %broadcast_in_dim3A = vector.broadcast %div3A_50 : f32 to vector<1x1xf32>
        %swap3A_51 = arith.constant 0 : index
        %swap3A_52 = arith.constant 0 : index
        %swap3A_53 = vector.load %arg27[%swap3A_51, %swap3A_52] : memref<1x1xf32, #tpu.memory_space<vmem>>, vector<1x1xf32>
        tpu.vector_store %arg27[%swap3A_51, %swap3A_52], %broadcast_in_dim3A {strides = array<i32>} : memref<1x1xf32, #tpu.memory_space<vmem>>, vector<1x1xf32>,
      } else {
      }
    } else {
    }
    return
  }
  func.func @transform_0(%arg0: i32) -> i32 {
    %lt3A = arith.constant 8 : i32
    %lt3A_0 = arith.cmpi slt, %arg0, %lt3A : i32
    %jit3A = arith.constant 7 : i32
    %select_n3A = arith.select %lt3A_0, %arg0, %jit3A : i32
    %c0_i32 = arith.constant 0 : i32
    return %select_n3A : i32
  }
  func.func @transform_1(%arg0: i32) -> (i32, i32, i32) {
    %lt3A = arith.constant 8 : i32
    %lt3A_0 = arith.cmpi slt, %arg0, %lt3A : i32
    %jit3A = arith.constant 7 : i32
    %select_n3A = arith.select %lt3A_0, %arg0, %jit3A : i32
    %c0_i32 = arith.constant 0 : i32
    %c0_i32_1 = arith.constant 0 : i32
    %c0_i32_2 = arith.constant 0 : i32
    return %select_n3A, %c0_i32, %c0_i32_1 : i32, i32, i32
  }
  func.func @transform_2(%arg0: i32) -> (i32, i32) {
    %c0_i32 = arith.constant 0 : i32
    %c0_i32_0 = arith.constant 0 : i32
    %c0_i32_1 = arith.constant 0 : i32
    return %c0_i32, %c0_i32_0 : i32, i32
  }
  func.func @transform_3(%arg0: i32) -> i32 {
    %c0_i32 = arith.constant 0 : i32
    %c0_i32_0 = arith.constant 0 : i32
    return %c0_i32 : i32
  }
  func.func @transform_4(%arg0: i32) -> (i32, i32) {
    %c0_i32 = arith.constant 0 : i32
    %c0_i32_0 = arith.constant 0 : i32
    %c0_i32_1 = arith.constant 0 : i32
    return %c0_i32, %c0_i32_0 : i32, i32
  }
  func.func @transform_5(%arg0: i32) -> i32 {
    %c0_i32 = arith.constant 0 : i32
    %c0_i32_0 = arith.constant 0 : i32
    return %c0_i32 : i32
  }
  func.func @transform_6(%arg0: i32) -> (i32, i32) {
    %c0_i32 = arith.constant 0 : i32
    %c0_i32_0 = arith.constant 0 : i32
    %c0_i32_1 = arith.constant 0 : i32
    return %c0_i32, %c0_i32_0 : i32, i32
  }
  func.func @transform_7(%arg0: i32) -> i32 {
    %c0_i32 = arith.constant 0 : i32
    %c0_i32_0 = arith.constant 0 : i32
    return %c0_i32 : i32
  }
  func.func @transform_8(%arg0: i32) -> (i32, i32) {
    %c0_i32 = arith.constant 0 : i32
    %c0_i32_0 = arith.constant 0 : i32
    %c0_i32_1 = arith.constant 0 : i32
    return %c0_i32, %c0_i32_0 : i32, i32
  }
  func.func @transform_9(%arg0: i32) -> i32 {
    %c0_i32 = arith.constant 0 : i32
    %c0_i32_0 = arith.constant 0 : i32
    return %c0_i32 : i32
  }
  func.func @transform_10(%arg0: i32) -> (i32, i32) {
    %c0_i32 = arith.constant 0 : i32
    %c0_i32_0 = arith.constant 0 : i32
    %c0_i32_1 = arith.constant 0 : i32
    return %c0_i32, %c0_i32_0 : i32, i32
  }
  func.func @transform_11(%arg0: i32) -> i32 {
    %c0_i32 = arith.constant 0 : i32
    %c0_i32_0 = arith.constant 0 : i32
    return %c0_i32 : i32
  }
  func.func @transform_12(%arg0: i32) -> (i32, i32) {
    %c0_i32 = arith.constant 0 : i32
    %c0_i32_0 = arith.constant 0 : i32
    %c0_i32_1 = arith.constant 0 : i32
    return %c0_i32, %c0_i32_0 : i32, i32
  }
  func.func @transform_13(%arg0: i32) -> i32 {
    %c0_i32 = arith.constant 0 : i32
    %c0_i32_0 = arith.constant 0 : i32
    return %c0_i32 : i32
  }
  func.func @transform_14(%arg0: i32) -> (i32, i32) {
    %c0_i32 = arith.constant 0 : i32
    %c0_i32_0 = arith.constant 0 : i32
    %c0_i32_1 = arith.constant 0 : i32
    return %c0_i32, %c0_i32_0 : i32, i32
  }
  func.func @transform_15(%arg0: i32) -> i32 {
    %c0_i32 = arith.constant 0 : i32
    %c0_i32_0 = arith.constant 0 : i32
    return %c0_i32 : i32
  }
  func.func @transform_16(%arg0: i32) -> (i32, i32) {
    %c0_i32 = arith.constant 0 : i32
    %c0_i32_0 = arith.constant 0 : i32
    %c0_i32_1 = arith.constant 0 : i32
    return %c0_i32, %c0_i32_0 : i32, i32
  }
  func.func @transform_17(%arg0: i32) -> i32 {
    %c0_i32 = arith.constant 0 : i32
    %c0_i32_0 = arith.constant 0 : i32
    return %c0_i32 : i32
  }
  func.func @transform_18(%arg0: i32) -> (i32, i32) {
    %c0_i32 = arith.constant 0 : i32
    %c0_i32_0 = arith.constant 0 : i32
    %c0_i32_1 = arith.constant 0 : i32
    return %c0_i32, %c0_i32_0 : i32, i32
  }
  func.func @transform_19(%arg0: i32) -> i32 {
    %c0_i32 = arith.constant 0 : i32
    %c0_i32_0 = arith.constant 0 : i32
    return %c0_i32 : i32
  }
  func.func @transform_20(%arg0: i32) -> (i32, i32) {
    %c0_i32 = arith.constant 0 : i32
    %c0_i32_0 = arith.constant 0 : i32
    %c0_i32_1 = arith.constant 0 : i32
    return %c0_i32, %c0_i32_0 : i32, i32
  }
  func.func @transform_21(%arg0: i32) -> i32 {
    %c0_i32 = arith.constant 0 : i32
    %c0_i32_0 = arith.constant 0 : i32
    return %c0_i32 : i32
  }
  func.func @transform_22(%arg0: i32) -> (i32, i32) {
    %c0_i32 = arith.constant 0 : i32
    %c0_i32_0 = arith.constant 0 : i32
    %c0_i32_1 = arith.constant 0 : i32
    return %c0_i32, %c0_i32_0 : i32, i32
  }
  func.func @transform_23(%arg0: i32) -> i32 {
    %c0_i32 = arith.constant 0 : i32
    %c0_i32_0 = arith.constant 0 : i32
    return %c0_i32 : i32
  }
  func.func @transform_24(%arg0: i32) -> (i32, i32) {
    %c0_i32 = arith.constant 0 : i32
    %c0_i32_0 = arith.constant 0 : i32
    %c0_i32_1 = arith.constant 0 : i32
    return %c0_i32, %c0_i32_0 : i32, i32
  }
  func.func @transform_25(%arg0: i32) -> i32 {
    %c0_i32 = arith.constant 0 : i32
    %c0_i32_0 = arith.constant 0 : i32
    return %c0_i32 : i32
  }
  func.func @transform_26(%arg0: i32) -> (i32, i32) {
    %c0_i32 = arith.constant 0 : i32
    %c0_i32_0 = arith.constant 0 : i32
    %c0_i32_1 = arith.constant 0 : i32
    return %c0_i32, %c0_i32_0 : i32, i32
  }
}

</mosaic_0001>

<sc_bundles>
// kernel: kernel.4.cloned.1.call-start
scs
__scs_entry_jumppad:
0x0: {  	(pc) =	sbr.rel $0x88, $3  }
0x1: {  	(tag) =	ssettag $0x0;
	lr =	simm.s32 $0x1  }
0x2: {  	[smem:$0x3F91] =	sst lr;
	_ =	strace $0xD0000000  }
0x3: {  	_ = 	snop  }
0x4: {  	_ = 	snop  }
0x5: {  	_ = 	snop  }
0x6: {  	_ = 	snop  }
0x7: {  	_ = 	snop  }
__scs_overlays_trampoline_lowered:
0x8: {  	[smem:$0x3FA0] =	sst s0  }
0x9: {  	[smem:$0x3FA1] =	sst s1  }
0xa: {  	[smem:$0x3FA2] =	sst s2  }
0xb: {  	[smem:$0x3FA3] =	sst s3  }
0xc: {  	[smem:$0x3FA4] =	sst s4  }
0xd: {  	[smem:$0x3FA5] =	sst s5  }
0xe: {  	[smem:$0x3FA6] =	sst s6  }
0xf: {  	[smem:$0x3FA7] =	sst s7  }
0x10: {  	[smem:$0x3FA8] =	sst s8  }
0x11: {  	[smem:$0x3FA9] =	sst s9;
	s0 =	simm.s32 @!p0 $0x0  }
0x12: {  	s1 =	sld [smem:$0x3F8F];
	s0 =	simm.s32 @p0 $0x1  }
0x13: {  	[smem:$0x3FAA] =	sst s0;
	s0 =	simm.s32 @!p1 $0x0  }
0x14: {  	s2 =	sld [smem:$0x3F8E];
	s0 =	simm.s32 @p1 $0x1  }
0x15: {  	[smem:$0x3FAB] =	sst s0;
	s0 =	simm.s32 @!p2 $0x0  }
0x16: {  	s3 =	sld [smem:$0x3FDB];
	s0 =	simm.s32 @p2 $0x1  }
0x17: {  	s4 =	simm.s32 $0x1BF5;
	[smem:$0x3FAD] =	sst s0  }
0x18: {  	s0 =	sld [smem:$0x3F90];
	_ =	swait.ge [sflag:s4], $0x0  }
0x19: {  	s7 =	sld [smem:$0x3F91]  }
0x1a: {  	s8 =	sadd.s32 $0xFFFFE003, lr  }
0x1b: {  	s9 =	sadd.s32 $0xFFFFFEF7, lr;
	s5 =	simm.s32 $0xFFFFFFFF;
	p2 =	slt.u32 s8, $0xFFFFF086  }
0x1c: {  	p1 =	slt.u32 s9, $0xF7A;
	s5 =	simm.s32 @!p2 $0x0  }
0x1d: {  	s5 =	simm.s32 @p1 $0x1;
	p0 =	seq.s32 s7, s2  }
0x1e: {  	s7 =	smul.u32 @!p0 $0xF7A, s2;
	p2 =	seq.s32 @!p0 s5, $0x0  }
0x1f: {  	s9 =	smul.u32 $0xF7A, s1;
	s8 =	simm.s32 @!p0 $0x1BF5;
	p2 =	por !p2, p0  }
0x20: {  	[sflag:s8] =	ssyncset.s32 @!p0 $0xFFFFF086;
	s6 =	sadd.s32 @!p0 s3, s7;
	s7 =	simm.s32 @!p0 $0x108  }
0x21: {  	s3 =	sadd.s32 s3, s9;
	s6 =	sadd.s32 @!p0 $0x88, s6;
	s7 =	simm.s32 @p2 $0x1082  }
0x22: {  	[simem:s7], [sflag:s8] =	dma.local @!p0 [hbm:s6], $0xF7A  }
0x23: {  	s9 =	sor.u32 $0xD0000000, s2;
	s6 =	simm.s32 $0x108;
	_ =	swait.ge @!p0 [sflag:s8], $0x0  }
0x24: {  	s3 =	sadd.s32 $0x88, s3;
	s6 =	simm.s32 @!p1 $0x1082;
	[sflag:s4] =	ssyncset.s32 $0xFFFFF086  }
0x25: {  	[simem:s6], [sflag:s4] =	dma.local [hbm:s3], $0xF7A  }
0x26: {  	[smem:$0x3F91] =	sst s1;
	(tag) =	ssettag s2;
	_ =	strace s9  }
0x27: {  	s1 =	sld [smem:$0x3FA1]  }
0x28: {  	s2 =	sld [smem:$0x3FA2]  }
0x29: {  	s4 =	sld [smem:$0x3FA4]  }
0x2a: {  	p0 =	seq.s32 s5, $0x0;
	s5 =	sld [smem:$0x3FA5]  }
0x2b: {  	s6 =	sld [smem:$0x3FA6]  }
0x2c: {  	s7 =	sld [smem:$0x3FA7]  }
0x2d: {  	s3 =	simm.s32 $0x108;
	s8 =	sld [smem:$0x3FA8]  }
0x2e: {  	s3 =	simm.s32 @!p0 $0x1082;
	s9 =	sld [smem:$0x3FA9]  }
0x2f: {  	lr =	sadd.s32 s0, s3;
	s0 =	sld [smem:$0x3FA0]  }
0x30: {  	s3 =	sld [smem:$0x3FA3]  }
0x31: {  	[smem:$0x3FAC] =	sst s10  }
0x32: {  	s10 =	sld [smem:$0x3FAA];
	_ =	sdelay $0x3  }
0x33: {  	p0 =	seq.s32 s10, $0x1;
	s10 =	sld [smem:$0x3FAC];
	_ =	sdelay $0x3  }
0x34: {  	[smem:$0x3FAC] =	sst s10  }
0x35: {  	s10 =	sld [smem:$0x3FAB];
	_ =	sdelay $0x3  }
0x36: {  	p1 =	seq.s32 s10, $0x1;
	s10 =	sld [smem:$0x3FAC];
	_ =	sdelay $0x3  }
0x37: {  	[smem:$0x3FAC] =	sst s10  }
0x38: {  	s10 =	sld [smem:$0x3FAD]  }
0x39: {  	_ = 	snop;
	(pc) =	sbr.ind lr, $3  }
0x3a: {  	_ = 	snop  }
0x3b: {  	_ = 	snop  }
0x3c: {  	p2 =	seq.s32 s10, $0x1;
	s10 =	sld [smem:$0x3FAC]  }
0x3d: {  	_ =	shalt  }
0x3e: {  	_ =	shalt  }
0x3f: {  	_ =	shalt  }
0x40: {  	_ =	shalt  }
0x41: {  	_ =	shalt  }
0x42: {  	_ =	shalt  }
0x43: {  	_ =	shalt  }
0x44: {  	_ =	shalt  }
0x45: {  	_ =	shalt  }
0x46: {  	_ =	shalt  }
0x47: {  	_ =	shalt  }
0x48: {  	_ =	shalt  }
0x49: {  	_ =	shalt  }
0x4a: {  	_ =	shalt  }
0x4b: {  	_ =	shalt  }
0x4c: {  	_ =	shalt  }
0x4d: {  	_ =	shalt  }
0x4e: {  	_ =	shalt  }
0x4f: {  	_ =	shalt  }
0x50: {  	_ =	shalt  }
0x51: {  	_ =	shalt  }
0x52: {  	_ =	shalt  }
0x53: {  	_ =	shalt  }
0x54: {  	_ =	shalt  }
0x55: {  	_ =	shalt  }
0x56: {  	_ =	shalt  }
0x57: {  	_ =	shalt  }
0x58: {  	_ =	shalt  }
0x59: {  	_ =	shalt  }
0x5a: {  	_ =	shalt  }
0x5b: {  	_ =	shalt  }
0x5c: {  	_ =	shalt  }
0x5d: {  	_ =	shalt  }
0x5e: {  	_ =	shalt  }
0x5f: {  	_ =	shalt  }
0x60: {  	_ =	shalt  }
0x61: {  	_ =	shalt  }
0x62: {  	_ =	shalt  }
0x63: {  	_ =	shalt  }
0x64: {  	_ =	shalt  }
0x65: {  	_ =	shalt  }
0x66: {  	_ =	shalt  }
0x67: {  	_ =	shalt  }
0x68: {  	_ =	shalt  }
0x69: {  	_ =	shalt  }
0x6a: {  	_ =	shalt  }
0x6b: {  	_ =	shalt  }
0x6c: {  	_ =	shalt  }
0x6d: {  	_ =	shalt  }
0x6e: {  	_ =	shalt  }
0x6f: {  	_ =	shalt  }
0x70: {  	_ =	shalt  }
0x71: {  	_ =	shalt  }
0x72: {  	_ =	shalt  }
0x73: {  	_ =	shalt  }
0x74: {  	_ =	shalt  }
0x75: {  	_ =	shalt  }
0x76: {  	_ =	shalt  }
0x77: {  	_ =	shalt  }
0x78: {  	_ =	shalt  }
0x79: {  	_ =	shalt  }
0x7a: {  	_ =	shalt  }
0x7b: {  	_ =	shalt  }
0x7c: {  	_ =	shalt  }
0x7d: {  	_ =	shalt  }
0x7e: {  	_ =	shalt  }
0x7f: {  	_ =	shalt  }
0x80: {  	_ =	shalt  }
0x81: {  	_ =	shalt  }
0x82: {  	_ =	shalt  }
0x83: {  	_ =	shalt  }
0x84: {  	_ =	shalt  }
0x85: {  	_ =	shalt  }
0x86: {  	_ =	shalt  }
0x87: {  	_ =	shalt  }
.Lfunc_end0:
.L_simem_size_0:
called_computation_lowered:
.L_overlay_start_0:
0x88: {  	s2 =	sld [smem:$0x3FD9]  }
0x89: {  	s3 =	sld [smem:$0x3FFE];
	_ =	sdelay $0x1  }
0x8a: {  	s1 =	srdreg.scid  }
0x8b: {  	s0 =	sand.u32 $0x1, s1  }
0x8c: {  	s17 =	sshll.u32 s0, $0xA;
	s2 =	sadd.s32 s3, s2  }
0x8d: {  	s2 =	sadd.s32 s2, s17  }
0x8e: {  	[smem:$0x3FB8] =	sst s2  }
0x8f: {  	_ = 	snop  }
0x90: {  	s2 =	sld [smem:$0x3FC8];
	(tm) =	ssettm $0x1  }
0x91: {  	s18 =	sld [smem:$0x3FFB];
	_ =	sdelay $0x3  }
0x92: {  	_ =	strace s18  }
0x93: {  	s3 =	sld [smem:$0x3FFC];
	_ =	sdelay $0x3  }
0x94: {  	_ =	strace s3  }
0x95: {  	s3 =	sld [smem:$0x3FFD];
	_ =	sdelay $0x3  }
0x96: {  	_ =	strace s3  }
0x97: {  	_ =	strace $0x8FFFFFFF  }
0x98: {  	s19 =	sld [smem:$0x3FDB];
	_ =	sdelay $0x1  }
0x99: {  	s4 =	simm.s32 $_scs_section_size  }
0x9a: {  	s5 =	simm.s32 $_size__tile_overlayer_lowered;
	s6 =	simm.s32 $_tile_overlayer_lowered  }
0x9b: {  	s22 =	simm.s32 $0x1BFF;
	s21 =	sshll.u32 s6, $0x1;
	s3 =	sadd.s32 s4, s19  }
0x9c: {  	s7 =	simm.s32 $0x0;
	s20 =	sshll.u32 s5, $0x1;
	s5 =	sadd.s32 s21, s3  }
0x9d: {  	[timem:s7], [sflag:s22] =	dma.local [hbm:s5], s20  }
0x9e: {  	_ =	swait.ge [sflag:s22], s20  }
0x9f: {  	s4 =	ssub.s32 $0x0, s20;
	[sflag:s22] =	ssyncset.done $0x0  }
0xa0: {  	[sflag:s22] =	ssyncadd.s32 s4;
	_ =	sdelay $0x1  }
0xa1: {  	s23 =	simm.s32 $0x1B8B  }
0xa2: {  	_ =	swait.ge [sflag:s23], $0x1  }
0xa3: {  	[sflag:s23] =	ssyncset.done $0x0  }
0xa4: {  	s25 =	simm.s32 $0x1B8E;
	s24 =	sld [smem:$0x3FFE];
	[sflag:s23] =	ssyncadd.s32 $0xFFFFFFFF  }
0xa5: {  	s26 =	simm.s32 $execute0_lowered;
	[smem:$0x3FD2] =	sst s25  }
0xa6: {  	s5 =	sshll.u32 s26, $0x1;
	_ =	strace $0x80000046;
	[dreg:$0x1] =	wrdreg $0xFFFFFFFF  }
0xa7: {  	s28 =	simm.s32 $_size_execute0_lowered;
	s3 =	sadd.s32 s3, s5;
	[dreg:$0x0] =	wrdreg $0x0  }
0xa8: {  	s5 =	sshll.u32 s28, $0x1;
	[dreg:$0x2] =	wrdreg s3  }
0xa9: {  	[dreg:$0x3] =	wrdreg s5  }
0xaa: {  	[dreg:$0x4] =	wrdreg $0xC0  }
0xab: {  	_ =	task [dreg:s7], $0x5FFFF  }
0xac: {  	[dreg:$0x1] =	wrdreg $0xFFFFFFFF  }
0xad: {  	[dreg:$0x0] =	wrdreg $0x60  }
0xae: {  	[dreg:$0x2] =	wrdreg s2  }
0xaf: {  	[dreg:$0x3] =	wrdreg s24  }
0xb0: {  	[dreg:$0x4] =	wrdreg $0xA0000  }
0xb1: {  	[dreg:$0x5] =	wrdreg $0x9  }
0xb2: {  	_ =	task.clear_ibuf [dreg:s7], $0x6FFFF;
	_ =	strace $0x90000046  }
0xb3: {  	s29 =	simm.s32 $0x9;
	_ =	strace $0x80000048  }
0xb4: {  	_ =	swait.ge [sflag:s29], $0x1  }
0xb5: {  	[sflag:s29] =	ssyncadd.s32 $0xFFFFFFFF  }
0xb6: {  	_ =	strace $0x90000048  }
0xb7: {  	_ =	sfence  }
0xb8: {  	s30 =	sld [smem:$0x0];
	_ =	sdelay $0x2  }
0xb9: {  	s31 =	sshll.u32 s1, $0xD;
	s1 =	sshrl.u32 s1, $0x2  }
0xba: {  	s3 =	sand.u32 $0x4000, s31;
	s1 =	sadd.s32 s1, s30  }
0xbb: {  	s0 =	sor.u32 s3, s0;
	s1 =	sshll.u32 s1, $0x11  }
0xbc: {  	s0 =	sor.u32 s1, s0  }
0xbd: {  	s0 =	sadd.s32 $0x8F2B, s0  }
0xbe: {  	[sflag:s0] =	ssyncadd.remote.s32 $0x1  }
0xbf: {  	_ =	sfence.sel $0xFFFF  }
0xc0: {  	[dreg:$0x0] =	wrdreg $0xFFFFFFFF;
	(pc) =	sbr.abs _section_cstart, $3  }
0xc1: {  	[dreg:$0x1] =	wrdreg $0xFFFFFFFF  }
0xc2: {  	_ =	task.clear_ibuf [dreg:s7], $0x2FFFF;
	_ =	strace $0x9FFFFFFF  }
0xc3: {  	(tm) =	ssettm $0x7FFFFFFF  }
tec
execute0_lowered:
.L_overlay_start_1:
0x0: {  	(tag) =	ssettag $0x1  }
0x1: {  	s0 =	rddreg [dreg:$0x0]  }
0x2: {  	s1 =	rddreg [dreg:$0x1]  }
0x3: {  	s2 =	rddreg [dreg:$0x2];
	s3 =	srdreg.scid  }
0x4: {  	s8 =	stileid.u32;
	s6 =	simm.s32 $0x0;
	s16 =	simm.s32 $0x80  }
0x5: {  	s17 =	simm.s32 $0x100;
	s19 =	simm.s32 $0x8000;
	s20 =	simm.s32 $0x1  }
0x6: {  	s21 =	simm.s32 $0x2;
	s29 =	simm.s32 $0x5E00;
	s30 =	simm.s32 $0x7E00  }
0x7: {  	s31 =	simm.s32 $0x5E80;
	s18 =	simm.s32 $0x7F00;
	s22 =	simm.s32 $0x5F80  }
0x8: {  	s24 =	simm.s32 $0x3;
	s3 =	sand.u32 $0x1, s3;
	s5 =	sshll.u32 s8, $0x10  }
0x9: {  	[smem:$0x7FF] =	sst s6;
	s14 =	sshrl.u32 s8, $0x2;
	s8 =	sshll.u32 s8, $0xB  }
0xa: {  	s4 =	sshll.u32 s3, $0x14;
	_ =	strace $0x80000047;
	s25 =	sshll.u32 s3, $0xF  }
0xb: {  	s7 =	sshll.u32 s14, $0xD;
	s3 =	ssub.s32 $0x2, s3;
	s26 =	sand.u32 $0x1800, s8  }
0xc: {  	s23 =	sshll.u32 s14, $0x12;
	s4 =	sor.u32 s5, s4;
	s6 =	sor.u32 s25, s7  }
0xd: {  	s28 =	sshrl.u32 s3, $0x1;
	s5 =	sadd.s32 s5, s2;
	v0 =	vmov s23;
	s23 =	simm.s32 $0x7F80  }
0xe: {  	s25 =	simm.s32 $0x0;
	s4 =	sshrl.u32 s4, $0x3;
	s6 =	sor.u32 s26, s6  }
0xf: {  	s3 =	ssub.s32 s3, s28;
	s7 =	sadd.s32 $0x2000, s5;
	s8 =	sadd.s32 $0x4000, s5  }
0x10: {  	s9 =	sadd.s32 $0x6000, s5;
	s10 =	sadd.s32 $0x8000, s5;
	s11 =	sadd.s32 $0xA000, s5  }
0x11: {  	s12 =	sadd.s32 $0xC000, s5;
	s13 =	sadd.s32 $0xE000, s5;
	s1 =	sadd.s32 s4, s1  }
0x12: {  	s4 =	sadd.s32 s0, s6;
	s15 =	smax.u32 s3, $0x1;
	s0 =	simm.s32 $0x7E80  }
0x13: {  	v1 =	vimm.f32 $1.000000000e+00;
	v2 =	vimm.f32 $0.0e+00;
	s3 =	simm.s32 $0x5F00;
	s6 =	sadd.s32 $0x10, s4;
	s14 =	sadd.s32 $0x3800, s1  }
.LBB2_1:
0x14: {  	s1 =	simm.s32 $0x0  }
0x15: {  	[tilespmem:s1], [sflag:$0x1] =	stream.strided.gather [hbm4b:s6+s16], $0x2000, s17, s16, $0x38;
	[tilespmem:$0x1A000] =	vst v63  }
0x16: {  	s28 =	simm.s32 $0x2000;
	s26 =	simm.s32 $0x200;
	s1 =	simm.s32 $0x0  }
0x17: {  	[tilespmem:s28], [sflag:$0x1] =	stream.strided.gather [hbm4b:s4+s16], $0x2000, s17, s16, $0x38;
	[tilespmem:$0x1A000] =	vst v63  }
.LBB2_2:
0x18: {  	p0 =	sne.s32 s26, $0x7E00;
	[tilespmem:s1+$0x6070] =	vst v1  }
0x19: {  	[tilespmem:s1+$0x6000] =	vst v1  }
0x1a: {  	[tilespmem:s1+$0x6010] =	vst v1  }
.Ltmp0:
0x1b: {  	[tilespmem:s1+$0x6020] =	vst v1;
	(pc) =	sbr.rel @p0 .LBB2_2-.Ltmp0, $4  }
0x1c: {  	[tilespmem:s1+$0x6030] =	vst v1  }
0x1d: {  	[tilespmem:s1+$0x6040] =	vst v1  }
0x1e: {  	[tilespmem:s1+$0x6050] =	vst v1  }
0x1f: {  	[tilespmem:s1+$0x6060] =	vst v1;
	s1 =	sshra.s32 s26, $0x2;
	s26 =	sadd.s32 $0x200, s26  }
0x20: {  	[tilespmem:s1+$0x6070] =	vst v1  }
0x21: {  	[tilespmem:s1+$0x6000] =	vst v1  }
0x22: {  	[tilespmem:s1+$0x6010] =	vst v1  }
0x23: {  	[tilespmem:s1+$0x6020] =	vst v1  }
0x24: {  	[tilespmem:s1+$0x6030] =	vst v1  }
0x25: {  	[tilespmem:s1+$0x6040] =	vst v1  }
0x26: {  	[tilespmem:s1+$0x6050] =	vst v1  }
0x27: {  	[tilespmem:s1+$0x6060] =	vst v1;
	s1 =	simm.s32 $0x40;
	s26 =	simm.s32 $0x0  }
.LBB2_4:
0x28: {  	p0 =	sne.s32 s1, $0x7FC0;
	[tilespmem:s26+$0x8000] =	vst v2;
	s26 =	smov.u32 s1;
	s1 =	sadd.s32 $0x40, s1  }
.Ltmp1:
0x29: {  	(pc) =	sbr.rel @p0 .LBB2_4-.Ltmp1, $2  }
0x2a: {  	_ =	sdelay $0x2  }
0x2b: {  	s26 =	sshra.s32 s26, $0x2  }
0x2c: {  	[tilespmem:s26+$0x8000] =	vst v2  }
0x2d: {  	[spmem:s5] =	stream.linear.scatter [tilespmem:s19], [sflag:$0x2], $0x2000, $0x38;
	[tilespmem:$0x1A000] =	vst v63  }
0x2e: {  	_ = 	snop  }
0x2f: {  	[spmem:s7] =	stream.linear.scatter [tilespmem:s19], [sflag:$0x2], $0x2000, $0x38;
	[tilespmem:$0x1A000] =	vst v63  }
0x30: {  	_ = 	snop  }
0x31: {  	[spmem:s8] =	stream.linear.scatter [tilespmem:s19], [sflag:$0x2], $0x2000, $0x38;
	[tilespmem:$0x1A000] =	vst v63  }
0x32: {  	_ = 	snop  }
0x33: {  	[spmem:s9] =	stream.linear.scatter [tilespmem:s19], [sflag:$0x2], $0x2000, $0x38;
	[tilespmem:$0x1A000] =	vst v63  }
0x34: {  	_ = 	snop  }
0x35: {  	[spmem:s10] =	stream.linear.scatter [tilespmem:s19], [sflag:$0x2], $0x2000, $0x38;
	[tilespmem:$0x1A000] =	vst v63  }
0x36: {  	_ = 	snop  }
0x37: {  	[spmem:s11] =	stream.linear.scatter [tilespmem:s19], [sflag:$0x2], $0x2000, $0x38;
	[tilespmem:$0x1A000] =	vst v63  }
0x38: {  	_ = 	snop  }
0x39: {  	[spmem:s12] =	stream.linear.scatter [tilespmem:s19], [sflag:$0x2], $0x2000, $0x38;
	[tilespmem:$0x1A000] =	vst v63  }
0x3a: {  	_ = 	snop  }
0x3b: {  	[spmem:s13] =	stream.linear.scatter [tilespmem:s19], [sflag:$0x2], $0x2000, $0x38;
	[tilespmem:$0x1A000] =	vst v63  }
0x3c: {  	_ =	swait.ge [sflag:s20], $0x2000  }
0x3d: {  	[sflag:s20] =	ssyncset.done $0x0  }
0x3e: {  	[sflag:s20] =	ssyncadd.s32 $0xFFFFE000  }
0x3f: {  	_ =	swait.ge [sflag:s20], $0x2000  }
0x40: {  	[sflag:s20] =	ssyncset.done $0x0  }
0x41: {  	s26 =	simm.s32 $0x0;
	[sflag:s20] =	ssyncadd.s32 $0xFFFFE000  }
0x42: {  	v3 =	vld [tilespmem:s26+$0x70]  }
0x43: {  	v4 =	vld [tilespmem:s26+$0x2070]  }
0x44: {  	v5 =	vld [tilespmem:s26+$0x0]  }
0x45: {  	v6 =	vld [tilespmem:s26+$0x10]  }
0x46: {  	v7 =	vld [tilespmem:s26+$0x20]  }
0x47: {  	v8 =	vld [tilespmem:s26+$0x30]  }
0x48: {  	v10 =	vld [tilespmem:s26+$0x40];
	v3 =	vshll.u32 v3, $0x9  }
0x49: {  	v11 =	vld [tilespmem:s26+$0x50];
	v4 =	vand.u32 $0x1FF, v4;
	v3 =	vand.u32 $0x3FE00, v3  }
0x4a: {  	v14 =	vld [tilespmem:s26+$0x60];
	v3 =	vor.u32 v3, v4  }
0x4b: {  	v15 =	vld [tilespmem:s26+$0x2000];
	v3 =	vor.u32 v0, v3  }
0x4c: {  	v16 =	vld [tilespmem:s26+$0x2010];
	v4 =	vshll.u32 v6, $0x9;
	[tilespmem:s26+$0x4070] =	vst v3;
	v3 =	vshll.u32 v5, $0x9  }
0x4d: {  	v13 =	vld [tilespmem:s26+$0x2020];
	v9 =	vand.u32 $0x3FE00, v4;
	v17 =	vand.u32 $0x3FE00, v3;
	v3 =	vshll.u32 v7, $0x9  }
0x4e: {  	v12 =	vld [tilespmem:s26+$0x2030];
	v4 =	vshll.u32 v10, $0x9;
	v7 =	vand.u32 $0x3FE00, v3;
	v3 =	vshll.u32 v8, $0x9  }
0x4f: {  	v10 =	vld [tilespmem:s26+$0x2040];
	v5 =	vand.u32 $0x3FE00, v4;
	v6 =	vand.u32 $0x3FE00, v3;
	v3 =	vshll.u32 v11, $0x9  }
0x50: {  	v8 =	vld [tilespmem:s26+$0x2050];
	v11 =	vand.u32 $0x1FF, v15;
	v4 =	vand.u32 $0x3FE00, v3;
	v3 =	vshll.u32 v14, $0x9  }
0x51: {  	s28 =	simm.s32 $0x80;
	s1 =	simm.s32 $0x400;
	v15 =	vor.u32 v17, v11;
	v14 =	vand.u32 $0x1FF, v16;
	v11 =	vld [tilespmem:s26+$0x2060];
	v3 =	vand.u32 $0x3FE00, v3  }
.LBB2_6:
0x52: {  	p0 =	sne.s32 s1, $0x7E00;
	v16 =	vld [tilespmem:s28+$0x70];
	v15 =	vor.u32 v0, v15;
	v9 =	vor.u32 v9, v14;
	v13 =	vand.u32 $0x1FF, v13  }
0x53: {  	v14 =	vld [tilespmem:s28+$0x2070];
	[tilespmem:s26+$0x4000] =	vst v15;
	v9 =	vor.u32 v0, v9;
	v7 =	vor.u32 v7, v13;
	v12 =	vand.u32 $0x1FF, v12  }
0x54: {  	v13 =	vld [tilespmem:s28+$0x0];
	[tilespmem:s26+$0x4010] =	vst v9;
	v7 =	vor.u32 v0, v7;
	v6 =	vor.u32 v6, v12;
	v9 =	vand.u32 $0x1FF, v10  }
0x55: {  	v10 =	vld [tilespmem:s28+$0x10];
	[tilespmem:s26+$0x4020] =	vst v7;
	v6 =	vor.u32 v0, v6;
	v5 =	vor.u32 v5, v9;
	v7 =	vand.u32 $0x1FF, v8  }
0x56: {  	v8 =	vld [tilespmem:s28+$0x20];
	[tilespmem:s26+$0x4030] =	vst v6;
	v5 =	vor.u32 v0, v5;
	v4 =	vor.u32 v4, v7;
	v6 =	vand.u32 $0x1FF, v11  }
0x57: {  	v11 =	vld [tilespmem:s28+$0x30];
	v7 =	vshll.u32 v16, $0x9;
	[tilespmem:s26+$0x4040] =	vst v5;
	v4 =	vor.u32 v0, v4;
	v3 =	vor.u32 v3, v6  }
0x58: {  	v5 =	vld [tilespmem:s28+$0x40];
	v6 =	vand.u32 $0x1FF, v14;
	v7 =	vand.u32 $0x3FE00, v7;
	[tilespmem:s26+$0x4050] =	vst v4;
	v3 =	vor.u32 v0, v3  }
0x59: {  	v4 =	vshll.u32 v13, $0x9;
	v14 =	vld [tilespmem:s28+$0x50];
	v6 =	vor.u32 v7, v6;
	[tilespmem:s26+$0x4060] =	vst v3;
	s26 =	smov.u32 s28  }
0x5a: {  	v15 =	vand.u32 $0x3FE00, v4;
	v3 =	vshll.u32 v10, $0x9;
	v16 =	vld [tilespmem:s26+$0x60];
	v4 =	vor.u32 v0, v6  }
0x5b: {  	v17 =	vld [tilespmem:s26+$0x2000];
	v9 =	vand.u32 $0x3FE00, v3;
	v3 =	vshll.u32 v8, $0x9;
	[tilespmem:s26+$0x4070] =	vst v4  }
0x5c: {  	v18 =	vld [tilespmem:s26+$0x2010];
	v7 =	vand.u32 $0x3FE00, v3;
	v3 =	vshll.u32 v11, $0x9  }
.Ltmp2:
0x5d: {  	v13 =	vld [tilespmem:s26+$0x2020];
	v6 =	vand.u32 $0x3FE00, v3;
	v3 =	vshll.u32 v5, $0x9;
	(pc) =	sbr.rel @p0 .LBB2_6-.Ltmp2, $4  }
0x5e: {  	v12 =	vld [tilespmem:s26+$0x2030];
	v5 =	vand.u32 $0x3FE00, v3;
	v3 =	vshll.u32 v14, $0x9  }
0x5f: {  	v10 =	vld [tilespmem:s26+$0x2040];
	v4 =	vand.u32 $0x3FE00, v3;
	v3 =	vshll.u32 v16, $0x9  }
0x60: {  	v11 =	vand.u32 $0x1FF, v17;
	v8 =	vld [tilespmem:s26+$0x2050];
	v3 =	vand.u32 $0x3FE00, v3  }
0x61: {  	s28 =	sshra.s32 s1, $0x2;
	s1 =	sadd.s32 $0x200, s1;
	v15 =	vor.u32 v15, v11;
	v14 =	vand.u32 $0x1FF, v18;
	v11 =	vld [tilespmem:s26+$0x2060]  }
0x62: {  	v16 =	vld [tilespmem:s28+$0x70];
	v15 =	vor.u32 v0, v15;
	v9 =	vor.u32 v9, v14;
	v13 =	vand.u32 $0x1FF, v13  }
0x63: {  	v17 =	vld [tilespmem:s28+$0x2070];
	[tilespmem:s26+$0x4000] =	vst v15;
	v9 =	vor.u32 v0, v9;
	v7 =	vor.u32 v7, v13;
	v38 =	vand.u32 $0x1FF, v12  }
0x64: {  	v37 =	vld [tilespmem:s28+$0x0];
	[tilespmem:s26+$0x4010] =	vst v9;
	v7 =	vor.u32 v0, v7;
	v6 =	vor.u32 v6, v38;
	v40 =	vand.u32 $0x1FF, v10  }
0x65: {  	v39 =	vld [tilespmem:s28+$0x10];
	[tilespmem:s26+$0x4020] =	vst v7;
	v6 =	vor.u32 v0, v6;
	v5 =	vor.u32 v5, v40;
	v42 =	vand.u32 $0x1FF, v8  }
0x66: {  	v41 =	vld [tilespmem:s28+$0x20];
	[tilespmem:s26+$0x4030] =	vst v6;
	v5 =	vor.u32 v0, v5;
	v4 =	vor.u32 v4, v42;
	v44 =	vand.u32 $0x1FF, v11  }
0x67: {  	v43 =	vld [tilespmem:s28+$0x30];
	[tilespmem:s26+$0x4040] =	vst v5;
	v4 =	vor.u32 v0, v4;
	v3 =	vor.u32 v3, v44  }
0x68: {  	v45 =	vld [tilespmem:s28+$0x40];
	[tilespmem:s26+$0x4050] =	vst v4;
	v3 =	vor.u32 v0, v3  }
0x69: {  	v46 =	vshll.u32 v16, $0x9;
	v47 =	vld [tilespmem:s28+$0x50];
	[tilespmem:s26+$0x4060] =	vst v3  }
0x6a: {  	v48 =	vand.u32 $0x1FF, v17;
	v4 =	vand.u32 $0x3FE00, v46;
	v49 =	vld [tilespmem:s28+$0x60]  }
0x6b: {  	v3 =	vor.u32 v4, v48;
	v50 =	vld [tilespmem:s28+$0x2000]  }
0x6c: {  	v3 =	vor.u32 v0, v3;
	v52 =	vld [tilespmem:s28+$0x2010]  }
0x6d: {  	v51 =	vshll.u32 v39, $0x9;
	v53 =	vld [tilespmem:s28+$0x2020];
	[tilespmem:s28+$0x4070] =	vst v3;
	v3 =	vshll.u32 v37, $0x9  }
0x6e: {  	v54 =	vld [tilespmem:s28+$0x2030];
	v10 =	vand.u32 $0x3FE00, v51;
	v9 =	vshll.u32 v41, $0x9;
	v3 =	vand.u32 $0x3FE00, v3  }
0x6f: {  	v55 =	vld [tilespmem:s28+$0x2040];
	v9 =	vand.u32 $0x3FE00, v9;
	v7 =	vshll.u32 v43, $0x9;
	v6 =	vshll.u32 v45, $0x9  }
0x70: {  	v15 =	vld [tilespmem:s28+$0x2050];
	v7 =	vand.u32 $0x3FE00, v7;
	v6 =	vand.u32 $0x3FE00, v6;
	v5 =	vshll.u32 v47, $0x9  }
0x71: {  	v57 =	vld [tilespmem:s28+$0x2060];
	v5 =	vand.u32 $0x3FE00, v5;
	v4 =	vshll.u32 v49, $0x9;
	v8 =	vand.u32 $0x1FF, v50  }
0x72: {  	v56 =	vand.u32 $0x1FF, v52;
	v58 =	vand.u32 $0x1FF, v53;
	v3 =	vor.u32 v3, v8  }
0x73: {  	v60 =	vand.u32 $0x1FF, v54;
	v8 =	vor.u32 v10, v56;
	v3 =	vor.u32 v0, v3  }
0x74: {  	v61 =	vand.u32 $0x1FF, v55;
	v59 =	vor.u32 v9, v58;
	[tilespmem:s28+$0x4000] =	vst v3;
	v3 =	vor.u32 v0, v8  }
0x75: {  	v62 =	vand.u32 $0x1FF, v15;
	v7 =	vor.u32 v7, v60;
	[tilespmem:s28+$0x4010] =	vst v3;
	v3 =	vor.u32 v0, v59  }
0x76: {  	v63 =	vand.u32 $0x1FF, v57;
	v6 =	vor.u32 v6, v61;
	[tilespmem:s28+$0x4020] =	vst v3;
	v3 =	vor.u32 v0, v7  }
0x77: {  	v4 =	vand.u32 $0x3FE00, v4;
	v5 =	vor.u32 v5, v62;
	[tilespmem:s28+$0x4030] =	vst v3;
	v3 =	vor.u32 v0, v6  }
0x78: {  	v4 =	vor.u32 v4, v63;
	[tilespmem:s28+$0x4040] =	vst v3;
	v3 =	vor.u32 v0, v5  }
0x79: {  	[tilespmem:s28+$0x4050] =	vst v3;
	v3 =	vor.u32 v0, v4  }
0x7a: {  	[tilespmem:s28+$0x4060] =	vst v3  }
0x7b: {  	_ =	swait.ge [sflag:s21], $0x2000  }
0x7c: {  	[sflag:s21] =	ssyncset.done $0x0  }
0x7d: {  	[sflag:s21] =	ssyncadd.s32 $0xFFFFE000  }
0x7e: {  	_ =	swait.ge [sflag:s21], $0x2000  }
0x7f: {  	[sflag:s21] =	ssyncset.done $0x0  }
0x80: {  	[sflag:s21] =	ssyncadd.s32 $0xFFFFE000  }
0x81: {  	_ =	swait.ge [sflag:s21], $0x2000  }
0x82: {  	[sflag:s21] =	ssyncset.done $0x0  }
0x83: {  	[sflag:s21] =	ssyncadd.s32 $0xFFFFE000  }
0x84: {  	_ =	swait.ge [sflag:s21], $0x2000  }
0x85: {  	[sflag:s21] =	ssyncset.done $0x0  }
0x86: {  	[sflag:s21] =	ssyncadd.s32 $0xFFFFE000  }
0x87: {  	_ =	swait.ge [sflag:s21], $0x2000  }
0x88: {  	[sflag:s21] =	ssyncset.done $0x0  }
0x89: {  	[sflag:s21] =	ssyncadd.s32 $0xFFFFE000  }
0x8a: {  	_ =	swait.ge [sflag:s21], $0x2000  }
0x8b: {  	[sflag:s21] =	ssyncset.done $0x0  }
0x8c: {  	[sflag:s21] =	ssyncadd.s32 $0xFFFFE000  }
0x8d: {  	_ =	swait.ge [sflag:s21], $0x2000  }
0x8e: {  	[sflag:s21] =	ssyncset.done $0x0  }
0x8f: {  	[sflag:s21] =	ssyncadd.s32 $0xFFFFE000  }
0x90: {  	_ =	swait.ge [sflag:s21], $0x2000  }
0x91: {  	[sflag:s21] =	ssyncset.done $0x0  }
0x92: {  	[sflag:s21] =	ssyncadd.s32 $0xFFFFE000  }
0x93: {  	s1 =	simm.s32 $0x4000;
	s28 =	simm.s32 $0x6000;
	[bflag:$0x0] =	sbarrier.arrive $0xFFFF  }
0x94: {  	[spmem:s2] =	stream.indirect.scatter.add.f32 [tilespmem:s28], [sflag:$0x3], $0x1, s1, s16, $0xb8;
	[tilespmem:$0x1A000] =	vst v63  }
0x95: {  	s26 =	simm.s32 $0x4080;
	s28 =	simm.s32 $0x6080  }
0x96: {  	[spmem:s2] =	stream.indirect.scatter.add.f32 [tilespmem:s28], [sflag:$0x3], $0x1, s26, s16, $0xb8;
	[tilespmem:$0x1A000] =	vst v63  }
0x97: {  	s26 =	simm.s32 $0x4100;
	s28 =	simm.s32 $0x6100  }
0x98: {  	[spmem:s2] =	stream.indirect.scatter.add.f32 [tilespmem:s28], [sflag:$0x3], $0x1, s26, s16, $0xb8;
	[tilespmem:$0x1A000] =	vst v63  }
0x99: {  	s26 =	simm.s32 $0x4180;
	s28 =	simm.s32 $0x6180  }
0x9a: {  	[spmem:s2] =	stream.indirect.scatter.add.f32 [tilespmem:s28], [sflag:$0x3], $0x1, s26, s16, $0xb8;
	[tilespmem:$0x1A000] =	vst v63  }
0x9b: {  	s26 =	simm.s32 $0x4200;
	s28 =	simm.s32 $0x6200  }
0x9c: {  	[spmem:s2] =	stream.indirect.scatter.add.f32 [tilespmem:s28], [sflag:$0x3], $0x1, s26, s16, $0xb8;
	[tilespmem:$0x1A000] =	vst v63  }
0x9d: {  	s26 =	simm.s32 $0x4280;
	s28 =	simm.s32 $0x6280  }
0x9e: {  	[spmem:s2] =	stream.indirect.scatter.add.f32 [tilespmem:s28], [sflag:$0x3], $0x1, s26, s16, $0xb8;
	[tilespmem:$0x1A000] =	vst v63  }
0x9f: {  	s26 =	simm.s32 $0x4300;
	s28 =	simm.s32 $0x6300  }
0xa0: {  	[spmem:s2] =	stream.indirect.scatter.add.f32 [tilespmem:s28], [sflag:$0x3], $0x1, s26, s16, $0xb8;
	[tilespmem:$0x1A000] =	vst v63  }
0xa1: {  	s26 =	simm.s32 $0x4380;
	s28 =	simm.s32 $0x6380  }
0xa2: {  	[spmem:s2] =	stream.indirect.scatter.add.f32 [tilespmem:s28], [sflag:$0x3], $0x1, s26, s16, $0xb8;
	[tilespmem:$0x1A000] =	vst v63  }
0xa3: {  	s26 =	simm.s32 $0x4400;
	s28 =	simm.s32 $0x6400  }
0xa4: {  	[spmem:s2] =	stream.indirect.scatter.add.f32 [tilespmem:s28], [sflag:$0x3], $0x1, s26, s16, $0xb8;
	[tilespmem:$0x1A000] =	vst v63  }
0xa5: {  	s26 =	simm.s32 $0x4480;
	s28 =	simm.s32 $0x6480  }
0xa6: {  	[spmem:s2] =	stream.indirect.scatter.add.f32 [tilespmem:s28], [sflag:$0x3], $0x1, s26, s16, $0xb8;
	[tilespmem:$0x1A000] =	vst v63  }
0xa7: {  	s26 =	simm.s32 $0x4500;
	s28 =	simm.s32 $0x6500  }
0xa8: {  	[spmem:s2] =	stream.indirect.scatter.add.f32 [tilespmem:s28], [sflag:$0x3], $0x1, s26, s16, $0xb8;
	[tilespmem:$0x1A000] =	vst v63  }
0xa9: {  	s26 =	simm.s32 $0x4580;
	s28 =	simm.s32 $0x6580  }
0xaa: {  	[spmem:s2] =	stream.indirect.scatter.add.f32 [tilespmem:s28], [sflag:$0x3], $0x1, s26, s16, $0xb8;
	[tilespmem:$0x1A000] =	vst v63  }
0xab: {  	s26 =	simm.s32 $0x4600;
	s28 =	simm.s32 $0x6600  }
0xac: {  	[spmem:s2] =	stream.indirect.scatter.add.f32 [tilespmem:s28], [sflag:$0x3], $0x1, s26, s16, $0xb8;
	[tilespmem:$0x1A000] =	vst v63  }
0xad: {  	s26 =	simm.s32 $0x4680;
	s28 =	simm.s32 $0x6680  }
0xae: {  	[spmem:s2] =	stream.indirect.scatter.add.f32 [tilespmem:s28], [sflag:$0x3], $0x1, s26, s16, $0xb8;
	[tilespmem:$0x1A000] =	vst v63  }
0xaf: {  	s26 =	simm.s32 $0x4700;
	s28 =	simm.s32 $0x6700  }
0xb0: {  	[spmem:s2] =	stream.indirect.scatter.add.f32 [tilespmem:s28], [sflag:$0x3], $0x1, s26, s16, $0xb8;
	[tilespmem:$0x1A000] =	vst v63  }
0xb1: {  	s26 =	simm.s32 $0x4780;
	s28 =	simm.s32 $0x6780  }
0xb2: {  	[spmem:s2] =	stream.indirect.scatter.add.f32 [tilespmem:s28], [sflag:$0x3], $0x1, s26, s16, $0xb8;
	[tilespmem:$0x1A000] =	vst v63  }
0xb3: {  	s26 =	simm.s32 $0x4800;
	s28 =	simm.s32 $0x6800  }
0xb4: {  	[spmem:s2] =	stream.indirect.scatter.add.f32 [tilespmem:s28], [sflag:$0x3], $0x1, s26, s16, $0xb8;
	[tilespmem:$0x1A000] =	vst v63  }
0xb5: {  	s26 =	simm.s32 $0x4880;
	s28 =	simm.s32 $0x6880  }
0xb6: {  	[spmem:s2] =	stream.indirect.scatter.add.f32 [tilespmem:s28], [sflag:$0x3], $0x1, s26, s16, $0xb8;
	[tilespmem:$0x1A000] =	vst v63  }
0xb7: {  	s26 =	simm.s32 $0x4900;
	s28 =	simm.s32 $0x6900  }
0xb8: {  	[spmem:s2] =	stream.indirect.scatter.add.f32 [tilespmem:s28], [sflag:$0x3], $0x1, s26, s16, $0xb8;
	[tilespmem:$0x1A000] =	vst v63  }
0xb9: {  	s26 =	simm.s32 $0x4980;
	s28 =	simm.s32 $0x6980  }
0xba: {  	[spmem:s2] =	stream.indirect.scatter.add.f32 [tilespmem:s28], [sflag:$0x3], $0x1, s26, s16, $0xb8;
	[tilespmem:$0x1A000] =	vst v63  }
0xbb: {  	s26 =	simm.s32 $0x4A00;
	s28 =	simm.s32 $0x6A00  }
0xbc: {  	[spmem:s2] =	stream.indirect.scatter.add.f32 [tilespmem:s28], [sflag:$0x3], $0x1, s26, s16, $0xb8;
	[tilespmem:$0x1A000] =	vst v63  }
0xbd: {  	s26 =	simm.s32 $0x4A80;
	s28 =	simm.s32 $0x6A80  }
0xbe: {  	[spmem:s2] =	stream.indirect.scatter.add.f32 [tilespmem:s28], [sflag:$0x3], $0x1, s26, s16, $0xb8;
	[tilespmem:$0x1A000] =	vst v63  }
0xbf: {  	s26 =	simm.s32 $0x4B00;
	s28 =	simm.s32 $0x6B00  }
0xc0: {  	[spmem:s2] =	stream.indirect.scatter.add.f32 [tilespmem:s28], [sflag:$0x3], $0x1, s26, s16, $0xb8;
	[tilespmem:$0x1A000] =	vst v63  }
0xc1: {  	s26 =	simm.s32 $0x4B80;
	s28 =	simm.s32 $0x6B80  }
0xc2: {  	[spmem:s2] =	stream.indirect.scatter.add.f32 [tilespmem:s28], [sflag:$0x3], $0x1, s26, s16, $0xb8;
	[tilespmem:$0x1A000] =	vst v63  }
0xc3: {  	s26 =	simm.s32 $0x4C00;
	s28 =	simm.s32 $0x6C00  }
0xc4: {  	[spmem:s2] =	stream.indirect.scatter.add.f32 [tilespmem:s28], [sflag:$0x3], $0x1, s26, s16, $0xb8;
	[tilespmem:$0x1A000] =	vst v63  }
0xc5: {  	s26 =	simm.s32 $0x4C80;
	s28 =	simm.s32 $0x6C80  }
0xc6: {  	[spmem:s2] =	stream.indirect.scatter.add.f32 [tilespmem:s28], [sflag:$0x3], $0x1, s26, s16, $0xb8;
	[tilespmem:$0x1A000] =	vst v63  }
0xc7: {  	s26 =	simm.s32 $0x4D00;
	s28 =	simm.s32 $0x6D00  }
0xc8: {  	[spmem:s2] =	stream.indirect.scatter.add.f32 [tilespmem:s28], [sflag:$0x3], $0x1, s26, s16, $0xb8;
	[tilespmem:$0x1A000] =	vst v63  }
0xc9: {  	s26 =	simm.s32 $0x4D80;
	s28 =	simm.s32 $0x6D80  }
0xca: {  	[spmem:s2] =	stream.indirect.scatter.add.f32 [tilespmem:s28], [sflag:$0x3], $0x1, s26, s16, $0xb8;
	[tilespmem:$0x1A000] =	vst v63  }
0xcb: {  	s26 =	simm.s32 $0x4E00;
	s28 =	simm.s32 $0x6E00  }
0xcc: {  	[spmem:s2] =	stream.indirect.scatter.add.f32 [tilespmem:s28], [sflag:$0x3], $0x1, s26, s16, $0xb8;
	[tilespmem:$0x1A000] =	vst v63  }
0xcd: {  	s26 =	simm.s32 $0x4E80;
	s28 =	simm.s32 $0x6E80  }
0xce: {  	[spmem:s2] =	stream.indirect.scatter.add.f32 [tilespmem:s28], [sflag:$0x3], $0x1, s26, s16, $0xb8;
	[tilespmem:$0x1A000] =	vst v63  }
0xcf: {  	s26 =	simm.s32 $0x4F00;
	s28 =	simm.s32 $0x6F00  }
0xd0: {  	[spmem:s2] =	stream.indirect.scatter.add.f32 [tilespmem:s28], [sflag:$0x3], $0x1, s26, s16, $0xb8;
	[tilespmem:$0x1A000] =	vst v63  }
0xd1: {  	s26 =	simm.s32 $0x4F80;
	s28 =	simm.s32 $0x6F80  }
0xd2: {  	[spmem:s2] =	stream.indirect.scatter.add.f32 [tilespmem:s28], [sflag:$0x3], $0x1, s26, s16, $0xb8;
	[tilespmem:$0x1A000] =	vst v63  }
0xd3: {  	s26 =	simm.s32 $0x5000;
	s28 =	simm.s32 $0x7000  }
0xd4: {  	[spmem:s2] =	stream.indirect.scatter.add.f32 [tilespmem:s28], [sflag:$0x3], $0x1, s26, s16, $0xb8;
	[tilespmem:$0x1A000] =	vst v63  }
0xd5: {  	s26 =	simm.s32 $0x5080;
	s28 =	simm.s32 $0x7080  }
0xd6: {  	[spmem:s2] =	stream.indirect.scatter.add.f32 [tilespmem:s28], [sflag:$0x3], $0x1, s26, s16, $0xb8;
	[tilespmem:$0x1A000] =	vst v63  }
0xd7: {  	s26 =	simm.s32 $0x5100;
	s28 =	simm.s32 $0x7100  }
0xd8: {  	[spmem:s2] =	stream.indirect.scatter.add.f32 [tilespmem:s28], [sflag:$0x3], $0x1, s26, s16, $0xb8;
	[tilespmem:$0x1A000] =	vst v63  }
0xd9: {  	s26 =	simm.s32 $0x5180;
	s28 =	simm.s32 $0x7180  }
0xda: {  	[spmem:s2] =	stream.indirect.scatter.add.f32 [tilespmem:s28], [sflag:$0x3], $0x1, s26, s16, $0xb8;
	[tilespmem:$0x1A000] =	vst v63  }
0xdb: {  	s26 =	simm.s32 $0x5200;
	s28 =	simm.s32 $0x7200  }
0xdc: {  	[spmem:s2] =	stream.indirect.scatter.add.f32 [tilespmem:s28], [sflag:$0x3], $0x1, s26, s16, $0xb8;
	[tilespmem:$0x1A000] =	vst v63  }
0xdd: {  	s26 =	simm.s32 $0x5280;
	s28 =	simm.s32 $0x7280  }
0xde: {  	[spmem:s2] =	stream.indirect.scatter.add.f32 [tilespmem:s28], [sflag:$0x3], $0x1, s26, s16, $0xb8;
	[tilespmem:$0x1A000] =	vst v63  }
0xdf: {  	s26 =	simm.s32 $0x5300;
	s28 =	simm.s32 $0x7300  }
0xe0: {  	[spmem:s2] =	stream.indirect.scatter.add.f32 [tilespmem:s28], [sflag:$0x3], $0x1, s26, s16, $0xb8;
	[tilespmem:$0x1A000] =	vst v63  }
0xe1: {  	s26 =	simm.s32 $0x5380;
	s28 =	simm.s32 $0x7380  }
0xe2: {  	[spmem:s2] =	stream.indirect.scatter.add.f32 [tilespmem:s28], [sflag:$0x3], $0x1, s26, s16, $0xb8;
	[tilespmem:$0x1A000] =	vst v63  }
0xe3: {  	s26 =	simm.s32 $0x5400;
	s28 =	simm.s32 $0x7400  }
0xe4: {  	[spmem:s2] =	stream.indirect.scatter.add.f32 [tilespmem:s28], [sflag:$0x3], $0x1, s26, s16, $0xb8;
	[tilespmem:$0x1A000] =	vst v63  }
0xe5: {  	s26 =	simm.s32 $0x5480;
	s28 =	simm.s32 $0x7480  }
0xe6: {  	[spmem:s2] =	stream.indirect.scatter.add.f32 [tilespmem:s28], [sflag:$0x3], $0x1, s26, s16, $0xb8;
	[tilespmem:$0x1A000] =	vst v63  }
0xe7: {  	s26 =	simm.s32 $0x5500;
	s28 =	simm.s32 $0x7500  }
0xe8: {  	[spmem:s2] =	stream.indirect.scatter.add.f32 [tilespmem:s28], [sflag:$0x3], $0x1, s26, s16, $0xb8;
	[tilespmem:$0x1A000] =	vst v63  }
0xe9: {  	s26 =	simm.s32 $0x5580;
	s28 =	simm.s32 $0x7580  }
0xea: {  	[spmem:s2] =	stream.indirect.scatter.add.f32 [tilespmem:s28], [sflag:$0x3], $0x1, s26, s16, $0xb8;
	[tilespmem:$0x1A000] =	vst v63  }
0xeb: {  	s26 =	simm.s32 $0x5600;
	s28 =	simm.s32 $0x7600  }
0xec: {  	[spmem:s2] =	stream.indirect.scatter.add.f32 [tilespmem:s28], [sflag:$0x3], $0x1, s26, s16, $0xb8;
	[tilespmem:$0x1A000] =	vst v63  }
0xed: {  	s26 =	simm.s32 $0x5680;
	s28 =	simm.s32 $0x7680  }
0xee: {  	[spmem:s2] =	stream.indirect.scatter.add.f32 [tilespmem:s28], [sflag:$0x3], $0x1, s26, s16, $0xb8;
	[tilespmem:$0x1A000] =	vst v63  }
0xef: {  	s26 =	simm.s32 $0x5700;
	s28 =	simm.s32 $0x7700  }
0xf0: {  	[spmem:s2] =	stream.indirect.scatter.add.f32 [tilespmem:s28], [sflag:$0x3], $0x1, s26, s16, $0xb8;
	[tilespmem:$0x1A000] =	vst v63  }
0xf1: {  	s26 =	simm.s32 $0x5780;
	s28 =	simm.s32 $0x7780  }
0xf2: {  	[spmem:s2] =	stream.indirect.scatter.add.f32 [tilespmem:s28], [sflag:$0x3], $0x1, s26, s16, $0xb8;
	[tilespmem:$0x1A000] =	vst v63  }
0xf3: {  	s26 =	simm.s32 $0x5800;
	s28 =	simm.s32 $0x7800  }
0xf4: {  	[spmem:s2] =	stream.indirect.scatter.add.f32 [tilespmem:s28], [sflag:$0x3], $0x1, s26, s16, $0xb8;
	[tilespmem:$0x1A000] =	vst v63  }
0xf5: {  	s26 =	simm.s32 $0x5880;
	s28 =	simm.s32 $0x7880  }
0xf6: {  	[spmem:s2] =	stream.indirect.scatter.add.f32 [tilespmem:s28], [sflag:$0x3], $0x1, s26, s16, $0xb8;
	[tilespmem:$0x1A000] =	vst v63  }
0xf7: {  	s26 =	simm.s32 $0x5900;
	s28 =	simm.s32 $0x7900  }
0xf8: {  	[spmem:s2] =	stream.indirect.scatter.add.f32 [tilespmem:s28], [sflag:$0x3], $0x1, s26, s16, $0xb8;
	[tilespmem:$0x1A000] =	vst v63  }
0xf9: {  	s26 =	simm.s32 $0x5980;
	s28 =	simm.s32 $0x7980  }
0xfa: {  	[spmem:s2] =	stream.indirect.scatter.add.f32 [tilespmem:s28], [sflag:$0x3], $0x1, s26, s16, $0xb8;
	[tilespmem:$0x1A000] =	vst v63  }
0xfb: {  	s26 =	simm.s32 $0x5A00;
	s28 =	simm.s32 $0x7A00  }
0xfc: {  	[spmem:s2] =	stream.indirect.scatter.add.f32 [tilespmem:s28], [sflag:$0x3], $0x1, s26, s16, $0xb8;
	[tilespmem:$0x1A000] =	vst v63  }
0xfd: {  	s26 =	simm.s32 $0x5A80;
	s28 =	simm.s32 $0x7A80  }
0xfe: {  	[spmem:s2] =	stream.indirect.scatter.add.f32 [tilespmem:s28], [sflag:$0x3], $0x1, s26, s16, $0xb8;
	[tilespmem:$0x1A000] =	vst v63  }
0xff: {  	s26 =	simm.s32 $0x5B00;
	s28 =	simm.s32 $0x7B00  }
0x100: {  	[spmem:s2] =	stream.indirect.scatter.add.f32 [tilespmem:s28], [sflag:$0x3], $0x1, s26, s16, $0xb8;
	[tilespmem:$0x1A000] =	vst v63  }
0x101: {  	s26 =	simm.s32 $0x5B80;
	s28 =	simm.s32 $0x7B80  }
0x102: {  	[spmem:s2] =	stream.indirect.scatter.add.f32 [tilespmem:s28], [sflag:$0x3], $0x1, s26, s16, $0xb8;
	[tilespmem:$0x1A000] =	vst v63  }
0x103: {  	s26 =	simm.s32 $0x5C00;
	s28 =	simm.s32 $0x7C00  }
0x104: {  	[spmem:s2] =	stream.indirect.scatter.add.f32 [tilespmem:s28], [sflag:$0x3], $0x1, s26, s16, $0xb8;
	[tilespmem:$0x1A000] =	vst v63  }
0x105: {  	s26 =	simm.s32 $0x5C80;
	s28 =	simm.s32 $0x7C80  }
0x106: {  	[spmem:s2] =	stream.indirect.scatter.add.f32 [tilespmem:s28], [sflag:$0x3], $0x1, s26, s16, $0xb8;
	[tilespmem:$0x1A000] =	vst v63  }
0x107: {  	s26 =	simm.s32 $0x5D00;
	s28 =	simm.s32 $0x7D00  }
0x108: {  	[spmem:s2] =	stream.indirect.scatter.add.f32 [tilespmem:s28], [sflag:$0x3], $0x1, s26, s16, $0xb8;
	[tilespmem:$0x1A000] =	vst v63  }
0x109: {  	s26 =	simm.s32 $0x5D80;
	s28 =	simm.s32 $0x7D80  }
0x10a: {  	[spmem:s2] =	stream.indirect.scatter.add.f32 [tilespmem:s28], [sflag:$0x3], $0x1, s26, s16, $0xb8;
	[tilespmem:$0x1A000] =	vst v63  }
0x10b: {  	_ = 	snop  }
0x10c: {  	[spmem:s2] =	stream.indirect.scatter.add.f32 [tilespmem:s30], [sflag:$0x3], $0x1, s29, s16, $0xb8;
	[tilespmem:$0x1A000] =	vst v63  }
0x10d: {  	_ = 	snop  }
0x10e: {  	[spmem:s2] =	stream.indirect.scatter.add.f32 [tilespmem:s0], [sflag:$0x3], $0x1, s31, s16, $0xb8;
	[tilespmem:$0x1A000] =	vst v63  }
0x10f: {  	_ = 	snop  }
0x110: {  	[spmem:s2] =	stream.indirect.scatter.add.f32 [tilespmem:s18], [sflag:$0x3], $0x1, s3, s16, $0xb8;
	[tilespmem:$0x1A000] =	vst v63  }
0x111: {  	_ = 	snop  }
0x112: {  	[spmem:s2] =	stream.indirect.scatter.add.f32 [tilespmem:s23], [sflag:$0x3], $0x1, s22, s16, $0xb8;
	[tilespmem:$0x1A000] =	vst v63  }
0x113: {  	_ =	swait.ge [sflag:s24], $0x80  }
0x114: {  	[sflag:s24] =	ssyncset.done $0x0  }
0x115: {  	[sflag:s24] =	ssyncadd.s32 $0xFFFFFF80  }
0x116: {  	_ =	swait.ge [sflag:s24], $0x80  }
0x117: {  	[sflag:s24] =	ssyncset.done $0x0  }
0x118: {  	[sflag:s24] =	ssyncadd.s32 $0xFFFFFF80  }
0x119: {  	_ =	swait.ge [sflag:s24], $0x80  }
0x11a: {  	[sflag:s24] =	ssyncset.done $0x0  }
0x11b: {  	[sflag:s24] =	ssyncadd.s32 $0xFFFFFF80  }
0x11c: {  	_ =	swait.ge [sflag:s24], $0x80  }
0x11d: {  	[sflag:s24] =	ssyncset.done $0x0  }
0x11e: {  	[sflag:s24] =	ssyncadd.s32 $0xFFFFFF80  }
0x11f: {  	_ =	swait.ge [sflag:s24], $0x80  }
0x120: {  	[sflag:s24] =	ssyncset.done $0x0  }
0x121: {  	[sflag:s24] =	ssyncadd.s32 $0xFFFFFF80  }
0x122: {  	_ =	swait.ge [sflag:s24], $0x80  }
0x123: {  	[sflag:s24] =	ssyncset.done $0x0  }
0x124: {  	[sflag:s24] =	ssyncadd.s32 $0xFFFFFF80  }
0x125: {  	_ =	swait.ge [sflag:s24], $0x80  }
0x126: {  	[sflag:s24] =	ssyncset.done $0x0  }
0x127: {  	[sflag:s24] =	ssyncadd.s32 $0xFFFFFF80  }
0x128: {  	_ =	swait.ge [sflag:s24], $0x80  }
0x129: {  	[sflag:s24] =	ssyncset.done $0x0  }
0x12a: {  	[sflag:s24] =	ssyncadd.s32 $0xFFFFFF80  }
0x12b: {  	_ =	swait.ge [sflag:s24], $0x80  }
0x12c: {  	[sflag:s24] =	ssyncset.done $0x0  }
0x12d: {  	[sflag:s24] =	ssyncadd.s32 $0xFFFFFF80  }
0x12e: {  	_ =	swait.ge [sflag:s24], $0x80  }
0x12f: {  	[sflag:s24] =	ssyncset.done $0x0  }
0x130: {  	[sflag:s24] =	ssyncadd.s32 $0xFFFFFF80  }
0x131: {  	_ =	swait.ge [sflag:s24], $0x80  }
0x132: {  	[sflag:s24] =	ssyncset.done $0x0  }
0x133: {  	[sflag:s24] =	ssyncadd.s32 $0xFFFFFF80  }
0x134: {  	_ =	swait.ge [sflag:s24], $0x80  }
0x135: {  	[sflag:s24] =	ssyncset.done $0x0  }
0x136: {  	[sflag:s24] =	ssyncadd.s32 $0xFFFFFF80  }
0x137: {  	_ =	swait.ge [sflag:s24], $0x80  }
0x138: {  	[sflag:s24] =	ssyncset.done $0x0  }
0x139: {  	[sflag:s24] =	ssyncadd.s32 $0xFFFFFF80  }
0x13a: {  	_ =	swait.ge [sflag:s24], $0x80  }
0x13b: {  	[sflag:s24] =	ssyncset.done $0x0  }
0x13c: {  	[sflag:s24] =	ssyncadd.s32 $0xFFFFFF80  }
0x13d: {  	_ =	swait.ge [sflag:s24], $0x80  }
0x13e: {  	[sflag:s24] =	ssyncset.done $0x0  }
0x13f: {  	[sflag:s24] =	ssyncadd.s32 $0xFFFFFF80  }
0x140: {  	_ =	swait.ge [sflag:s24], $0x80  }
0x141: {  	[sflag:s24] =	ssyncset.done $0x0  }
0x142: {  	[sflag:s24] =	ssyncadd.s32 $0xFFFFFF80  }
0x143: {  	_ =	swait.ge [sflag:s24], $0x80  }
0x144: {  	[sflag:s24] =	ssyncset.done $0x0  }
0x145: {  	[sflag:s24] =	ssyncadd.s32 $0xFFFFFF80  }
0x146: {  	_ =	swait.ge [sflag:s24], $0x80  }
0x147: {  	[sflag:s24] =	ssyncset.done $0x0  }
0x148: {  	[sflag:s24] =	ssyncadd.s32 $0xFFFFFF80  }
0x149: {  	_ =	swait.ge [sflag:s24], $0x80  }
0x14a: {  	[sflag:s24] =	ssyncset.done $0x0  }
0x14b: {  	[sflag:s24] =	ssyncadd.s32 $0xFFFFFF80  }
0x14c: {  	_ =	swait.ge [sflag:s24], $0x80  }
0x14d: {  	[sflag:s24] =	ssyncset.done $0x0  }
0x14e: {  	[sflag:s24] =	ssyncadd.s32 $0xFFFFFF80  }
0x14f: {  	_ =	swait.ge [sflag:s24], $0x80  }
0x150: {  	[sflag:s24] =	ssyncset.done $0x0  }
0x151: {  	[sflag:s24] =	ssyncadd.s32 $0xFFFFFF80  }
0x152: {  	_ =	swait.ge [sflag:s24], $0x80  }
0x153: {  	[sflag:s24] =	ssyncset.done $0x0  }
0x154: {  	[sflag:s24] =	ssyncadd.s32 $0xFFFFFF80  }
0x155: {  	_ =	swait.ge [sflag:s24], $0x80  }
0x156: {  	[sflag:s24] =	ssyncset.done $0x0  }
0x157: {  	[sflag:s24] =	ssyncadd.s32 $0xFFFFFF80  }
0x158: {  	_ =	swait.ge [sflag:s24], $0x80  }
0x159: {  	[sflag:s24] =	ssyncset.done $0x0  }
0x15a: {  	[sflag:s24] =	ssyncadd.s32 $0xFFFFFF80  }
0x15b: {  	_ =	swait.ge [sflag:s24], $0x80  }
0x15c: {  	[sflag:s24] =	ssyncset.done $0x0  }
0x15d: {  	[sflag:s24] =	ssyncadd.s32 $0xFFFFFF80  }
0x15e: {  	_ =	swait.ge [sflag:s24], $0x80  }
0x15f: {  	[sflag:s24] =	ssyncset.done $0x0  }
0x160: {  	[sflag:s24] =	ssyncadd.s32 $0xFFFFFF80  }
0x161: {  	_ =	swait.ge [sflag:s24], $0x80  }
0x162: {  	[sflag:s24] =	ssyncset.done $0x0  }
0x163: {  	[sflag:s24] =	ssyncadd.s32 $0xFFFFFF80  }
0x164: {  	_ =	swait.ge [sflag:s24], $0x80  }
0x165: {  	[sflag:s24] =	ssyncset.done $0x0  }
0x166: {  	[sflag:s24] =	ssyncadd.s32 $0xFFFFFF80  }
0x167: {  	_ =	swait.ge [sflag:s24], $0x80  }
0x168: {  	[sflag:s24] =	ssyncset.done $0x0  }
0x169: {  	[sflag:s24] =	ssyncadd.s32 $0xFFFFFF80  }
0x16a: {  	_ =	swait.ge [sflag:s24], $0x80  }
0x16b: {  	[sflag:s24] =	ssyncset.done $0x0  }
0x16c: {  	[sflag:s24] =	ssyncadd.s32 $0xFFFFFF80  }
0x16d: {  	_ =	swait.ge [sflag:s24], $0x80  }
0x16e: {  	[sflag:s24] =	ssyncset.done $0x0  }
0x16f: {  	[sflag:s24] =	ssyncadd.s32 $0xFFFFFF80  }
0x170: {  	_ =	swait.ge [sflag:s24], $0x80  }
0x171: {  	[sflag:s24] =	ssyncset.done $0x0  }
0x172: {  	[sflag:s24] =	ssyncadd.s32 $0xFFFFFF80  }
0x173: {  	_ =	swait.ge [sflag:s24], $0x80  }
0x174: {  	[sflag:s24] =	ssyncset.done $0x0  }
0x175: {  	[sflag:s24] =	ssyncadd.s32 $0xFFFFFF80  }
0x176: {  	_ =	swait.ge [sflag:s24], $0x80  }
0x177: {  	[sflag:s24] =	ssyncset.done $0x0  }
0x178: {  	[sflag:s24] =	ssyncadd.s32 $0xFFFFFF80  }
0x179: {  	_ =	swait.ge [sflag:s24], $0x80  }
0x17a: {  	[sflag:s24] =	ssyncset.done $0x0  }
0x17b: {  	[sflag:s24] =	ssyncadd.s32 $0xFFFFFF80  }
0x17c: {  	_ =	swait.ge [sflag:s24], $0x80  }
0x17d: {  	[sflag:s24] =	ssyncset.done $0x0  }
0x17e: {  	[sflag:s24] =	ssyncadd.s32 $0xFFFFFF80  }
0x17f: {  	_ =	swait.ge [sflag:s24], $0x80  }
0x180: {  	[sflag:s24] =	ssyncset.done $0x0  }
0x181: {  	[sflag:s24] =	ssyncadd.s32 $0xFFFFFF80  }
0x182: {  	_ =	swait.ge [sflag:s24], $0x80  }
0x183: {  	[sflag:s24] =	ssyncset.done $0x0  }
0x184: {  	[sflag:s24] =	ssyncadd.s32 $0xFFFFFF80  }
0x185: {  	_ =	swait.ge [sflag:s24], $0x80  }
0x186: {  	[sflag:s24] =	ssyncset.done $0x0  }
0x187: {  	[sflag:s24] =	ssyncadd.s32 $0xFFFFFF80  }
0x188: {  	_ =	swait.ge [sflag:s24], $0x80  }
0x189: {  	[sflag:s24] =	ssyncset.done $0x0  }
0x18a: {  	[sflag:s24] =	ssyncadd.s32 $0xFFFFFF80  }
0x18b: {  	_ =	swait.ge [sflag:s24], $0x80  }
0x18c: {  	[sflag:s24] =	ssyncset.done $0x0  }
0x18d: {  	[sflag:s24] =	ssyncadd.s32 $0xFFFFFF80  }
0x18e: {  	_ =	swait.ge [sflag:s24], $0x80  }
0x18f: {  	[sflag:s24] =	ssyncset.done $0x0  }
0x190: {  	[sflag:s24] =	ssyncadd.s32 $0xFFFFFF80  }
0x191: {  	_ =	swait.ge [sflag:s24], $0x80  }
0x192: {  	[sflag:s24] =	ssyncset.done $0x0  }
0x193: {  	[sflag:s24] =	ssyncadd.s32 $0xFFFFFF80  }
0x194: {  	_ =	swait.ge [sflag:s24], $0x80  }
0x195: {  	[sflag:s24] =	ssyncset.done $0x0  }
0x196: {  	[sflag:s24] =	ssyncadd.s32 $0xFFFFFF80  }
0x197: {  	_ =	swait.ge [sflag:s24], $0x80  }
0x198: {  	[sflag:s24] =	ssyncset.done $0x0  }
0x199: {  	[sflag:s24] =	ssyncadd.s32 $0xFFFFFF80  }
0x19a: {  	_ =	swait.ge [sflag:s24], $0x80  }
0x19b: {  	[sflag:s24] =	ssyncset.done $0x0  }
0x19c: {  	[sflag:s24] =	ssyncadd.s32 $0xFFFFFF80  }
0x19d: {  	_ =	swait.ge [sflag:s24], $0x80  }
0x19e: {  	[sflag:s24] =	ssyncset.done $0x0  }
0x19f: {  	[sflag:s24] =	ssyncadd.s32 $0xFFFFFF80  }
0x1a0: {  	_ =	swait.ge [sflag:s24], $0x80  }
0x1a1: {  	[sflag:s24] =	ssyncset.done $0x0  }
0x1a2: {  	[sflag:s24] =	ssyncadd.s32 $0xFFFFFF80  }
0x1a3: {  	_ =	swait.ge [sflag:s24], $0x80  }
0x1a4: {  	[sflag:s24] =	ssyncset.done $0x0  }
0x1a5: {  	[sflag:s24] =	ssyncadd.s32 $0xFFFFFF80  }
0x1a6: {  	_ =	swait.ge [sflag:s24], $0x80  }
0x1a7: {  	[sflag:s24] =	ssyncset.done $0x0  }
0x1a8: {  	[sflag:s24] =	ssyncadd.s32 $0xFFFFFF80  }
0x1a9: {  	_ =	swait.ge [sflag:s24], $0x80  }
0x1aa: {  	[sflag:s24] =	ssyncset.done $0x0  }
0x1ab: {  	[sflag:s24] =	ssyncadd.s32 $0xFFFFFF80  }
0x1ac: {  	_ =	swait.ge [sflag:s24], $0x80  }
0x1ad: {  	[sflag:s24] =	ssyncset.done $0x0  }
0x1ae: {  	[sflag:s24] =	ssyncadd.s32 $0xFFFFFF80  }
0x1af: {  	_ =	swait.ge [sflag:s24], $0x80  }
0x1b0: {  	[sflag:s24] =	ssyncset.done $0x0  }
0x1b1: {  	[sflag:s24] =	ssyncadd.s32 $0xFFFFFF80  }
0x1b2: {  	_ =	swait.ge [sflag:s24], $0x80  }
0x1b3: {  	[sflag:s24] =	ssyncset.done $0x0  }
0x1b4: {  	[sflag:s24] =	ssyncadd.s32 $0xFFFFFF80  }
0x1b5: {  	_ =	swait.ge [sflag:s24], $0x80  }
0x1b6: {  	[sflag:s24] =	ssyncset.done $0x0  }
0x1b7: {  	[sflag:s24] =	ssyncadd.s32 $0xFFFFFF80  }
0x1b8: {  	_ =	swait.ge [sflag:s24], $0x80  }
0x1b9: {  	[sflag:s24] =	ssyncset.done $0x0  }
0x1ba: {  	[sflag:s24] =	ssyncadd.s32 $0xFFFFFF80  }
0x1bb: {  	_ =	swait.ge [sflag:s24], $0x80  }
0x1bc: {  	[sflag:s24] =	ssyncset.done $0x0  }
0x1bd: {  	[sflag:s24] =	ssyncadd.s32 $0xFFFFFF80  }
0x1be: {  	_ =	swait.ge [sflag:s24], $0x80  }
0x1bf: {  	[sflag:s24] =	ssyncset.done $0x0  }
0x1c0: {  	[sflag:s24] =	ssyncadd.s32 $0xFFFFFF80  }
0x1c1: {  	_ =	swait.ge [sflag:s24], $0x80  }
0x1c2: {  	[sflag:s24] =	ssyncset.done $0x0  }
0x1c3: {  	[sflag:s24] =	ssyncadd.s32 $0xFFFFFF80  }
0x1c4: {  	_ =	swait.ge [sflag:s24], $0x80  }
0x1c5: {  	[sflag:s24] =	ssyncset.done $0x0  }
0x1c6: {  	[sflag:s24] =	ssyncadd.s32 $0xFFFFFF80  }
0x1c7: {  	_ =	swait.ge [sflag:s24], $0x80  }
0x1c8: {  	[sflag:s24] =	ssyncset.done $0x0  }
0x1c9: {  	[sflag:s24] =	ssyncadd.s32 $0xFFFFFF80  }
0x1ca: {  	_ =	swait.ge [sflag:s24], $0x80  }
0x1cb: {  	[sflag:s24] =	ssyncset.done $0x0  }
0x1cc: {  	[sflag:s24] =	ssyncadd.s32 $0xFFFFFF80  }
0x1cd: {  	_ =	swait.ge [sflag:s24], $0x80  }
0x1ce: {  	[sflag:s24] =	ssyncset.done $0x0  }
0x1cf: {  	[sflag:s24] =	ssyncadd.s32 $0xFFFFFF80  }
0x1d0: {  	s25 =	sadd.s32 $0x1, s25;
	_ =	swait.ge [sflag:s24], $0x80  }
0x1d1: {  	p0 =	sne.s32 s25, s15;
	s26 =	stileid.u32;
	[sflag:s24] =	ssyncset.done $0x0  }
0x1d2: {  	s28 =	sshrl.u32 s5, $0x3;
	s1 =	sshll.u32 s26, $0x6;
	[sflag:s24] =	ssyncadd.s32 $0xFFFFFF80  }
.Ltmp3:
0x1d3: {  	s1 =	sor.u32 $0x1C01, s1;
	[bflag:$0x0] =	sbarrier.arrive $0xFFFF;
	(pc) =	sbr.rel @p0 .LBB2_1-.Ltmp3, $4  }
0x1d4: {  	[hbm:s14], [sflag:s1] =	dma.local [spmem:s28], $0x2000  }
0x1d5: {  	_ =	swait.ge [sflag:s20], $0x2000  }
0x1d6: {  	[sflag:s20] =	ssyncset.done $0x0  }
0x1d7: {  	[sflag:s20] =	ssyncadd.s32 $0xFFFFE000  }
0x1d8: {  	_ =	sfence.sel $0x180000  }
0x1d9: {  	[bflag:$0x0] =	sbarrier.arrive $0xFFFF  }
0x1da: {  	_ =	strace $0x90000047  }
0x1db: {  	s0 =	stileid.u32;
	[bflag:$0x2] =	sbarrier.arrive $0xFFFF  }
0x1dc: {  	p0 =	sne.s32 s0, $0x0;
	s0 =	rddreg [dreg:$0x3]  }
0x1dd: {  	s0 =	sadd.s32 @!p0 $0x100000, s0  }
0x1de: {  	[sflag:s0] =	ssyncadd.tile.s32 @!p0 $0x1;
	_ =	shalt  }
.Lfunc_end2:
_tile_overlayer_lowered:
.L_overlay_start_2:
0x1df: {  	(tag) =	ssettag $0x2  }
0x1e0: {  	s0 =	rddreg [dreg:$0x0];
	s2 =	stileid.u32  }
0x1e1: {  	s1 =	rddreg [dreg:$0x1];
	p0 =	sne.s32 s2, $0x0  }
0x1e2: {  	s3 =	rddreg [dreg:$0x2];
	[bflag:$0x3] =	sbarrier.arrive $0xFFFF;
	s2 =	simm.s32 @!p0 $0x1C04  }
0x1e3: {  	[timem:s3], [sflag:s2] =	dma.local @!p0 [hbm:s0], s1  }
0x1e4: {  	s0 =	simm.s32 @!p0 $0x4  }
0x1e5: {  	_ =	swait.ge @!p0 [sflag:s0], s1  }
0x1e6: {  	s1 =	ssub.s32 @!p0 $0x0, s1;
	[sflag:s0] =	ssyncset.done @!p0 $0x0  }
0x1e7: {  	[sflag:s0] =	ssyncadd.s32 @!p0 s1  }
0x1e8: {  	[bflag:$0x3] =	sbarrier.arrive $0xFFFF  }
0x1e9: {  	_ =	shalt  }

</sc_bundles>
